<compile_context>
chip_gen: v7x
topology: tpu7x:2x2x1
jax: 0.10.2.dev20260603
libtpu: 0.0.44.dev20260713+nightly
codegen_flags: <defaults>
</compile_context>

<pallas_src>
import functools

import jax
import jax.numpy as jnp
from jax import lax
from jax.experimental import pallas as pl
from jax.experimental.pallas import tpu as pltpu
from jax.experimental.pallas import tpu_sc as plsc

N = 10000
NPAD = 10240
E = 320000
G = 100
GPAD = 128
K = 64
D_IN = 128
D_HID = 64
D2 = 16
SENT = N
NC, NS = 2, 16
NW = NC * NS
EPW = E // NW
CH = 128
NFULL = EPW // CH
REM = EPW - NFULL * CH
RPS = NPAD // NS
RCH = RPS // CH

_mesh = plsc.VectorSubcoreMesh(core_axis_name="c", subcore_axis_name="s",
                               num_cores=NC, num_subcores=NS)
_sc_params = pltpu.CompilerParams(use_tc_tiling_on_sc=False,
                                  needs_layout_passes=False)


def _fill_rows(ref, rows, vec):
  cols = ref.shape[1] // 16

  @pl.loop(0, rows)
  def _(i):
    for c in range(cols):
      ref[i, pl.ds(c * 16, 16)] = vec


def _zero_slice_loop(sid, buf_v, sh_ref):
  @pl.loop(0, RCH)
  def _(j):
    pltpu.sync_copy(buf_v, sh_ref.at[pl.ds(sid * RPS + j * CH, CH)])


def _copy_out_loop(cid, sid, buf_v, sh_ref, out0, out1):
  @pl.loop(0, RCH)
  def _(j):
    off = sid * RPS + j * CH
    pltpu.sync_copy(sh_ref.at[pl.ds(off, CH)], buf_v)

    @pl.when(cid == 0)
    def _():
      pltpu.sync_copy(buf_v, out0.at[pl.ds(off, CH)])

    @pl.when(cid == 1)
    def _():
      pltpu.sync_copy(buf_v, out1.at[pl.ds(off, CH)])


RING = 6
assert NFULL % RING == 0
NROUND = NFULL // RING


def _repack_idx(idx1_v, idx2_v):
  @pl.loop(0, (NFULL * CH) // 16)
  def _(t):
    idx2_v[t // (CH // 16), pl.ds((t % (CH // 16)) * 16, 16)] = (
        idx1_v[pl.ds(t * 16, 16)])


def _sc_deg_body(ei_hbm, deg0, deg1, didx1_v, didx2_v, idxr_v, ones_v,
                 buf_v, deg_sh, ssem):
  cid = lax.axis_index("c")
  sid = lax.axis_index("s")
  wid = cid * NS + sid
  base = wid * EPW
  stage = pltpu.async_copy(ei_hbm.at[1, pl.ds(base, EPW)], didx1_v, ssem)
  _fill_rows(ones_v, CH, jnp.full((16,), 1.0, jnp.float32))
  _fill_rows(buf_v, CH, jnp.zeros((16,), jnp.float32))
  _zero_slice_loop(sid, buf_v, deg_sh)
  stage.wait()
  _repack_idx(didx1_v, didx2_v)
  if REM:
    idxr_v[...] = didx1_v[pl.ds(NFULL * CH, REM)]
  plsc.subcore_barrier()

  @pl.loop(0, NROUND)
  def _(o):
    ibase = o * RING
    for r in range(RING):
      pltpu.async_copy(ones_v, deg_sh.at[didx2_v.at[ibase + r]], ssem,
                       add=True)
    for r in range(RING):
      pltpu.make_async_copy(ones_v, deg_sh.at[didx2_v.at[ibase + r]],
                            ssem).wait()

  if REM:
    pltpu.sync_copy(ones_v.at[pl.ds(0, REM)], deg_sh.at[idxr_v], add=True)

  plsc.subcore_barrier()
  _copy_out_loop(cid, sid, buf_v, deg_sh, deg0, deg1)


_sc_deg = pl.kernel(
    _sc_deg_body,
    out_type=(jax.ShapeDtypeStruct((NPAD, 16), jnp.float32),
              jax.ShapeDtypeStruct((NPAD, 16), jnp.float32)),
    mesh=_mesh,
    compiler_params=_sc_params,
    scratch_types=[
        pltpu.VMEM((EPW,), jnp.int32),
        pltpu.VMEM((NFULL, CH), jnp.int32),
        pltpu.VMEM((REM,), jnp.int32),
        pltpu.VMEM((CH, 16), jnp.float32),
        pltpu.VMEM((CH, 16), jnp.float32),
        pltpu.VMEM_SHARED((NPAD, 16), jnp.float32),
        pltpu.SemaphoreType.DMA,
    ],
)


def _sc_agg_body(ei_hbm, h_hbm, out0, out1,
                 sidx_v, didx1_v, didx2_v, didxr_v, rows_v, buf_v, agg_sh,
                 gs0, gs1, gs2, gs3, gs4, gs5, ssem):
  cid = lax.axis_index("c")
  sid = lax.axis_index("s")
  wid = cid * NS + sid
  gsems = (gs0, gs1, gs2, gs3, gs4, gs5)
  base = wid * EPW
  st1 = pltpu.async_copy(ei_hbm.at[0, pl.ds(base, EPW)], sidx_v, gs0)
  st2 = pltpu.async_copy(ei_hbm.at[1, pl.ds(base, EPW)], didx1_v, gs1)
  _fill_rows(buf_v, CH, jnp.zeros((16,), jnp.float32))
  _zero_slice_loop(sid, buf_v, agg_sh)
  st1.wait()
  st2.wait()
  _repack_idx(didx1_v, didx2_v)
  if REM:
    didxr_v[...] = didx1_v[pl.ds(NFULL * CH, REM)]
  plsc.subcore_barrier()

  def g_start(i, r):
    pltpu.async_copy(h_hbm.at[sidx_v.at[pl.ds(i * CH, CH)]], rows_v.at[r],
                     gsems[r])

  def g_wait(i, r):
    pltpu.make_async_copy(h_hbm.at[sidx_v.at[pl.ds(i * CH, CH)]],
                          rows_v.at[r], gsems[r]).wait()

  for r in range(RING):
    g_start(r, r)

  @pl.loop(0, NROUND)
  def _(o):
    ibase = o * RING
    for r in range(RING):
      g_wait(ibase + r, r)
      pltpu.async_copy(rows_v.at[r], agg_sh.at[didx2_v.at[ibase + r]], ssem,
                       add=True)
    for r in range(RING):
      pltpu.make_async_copy(rows_v.at[r], agg_sh.at[didx2_v.at[ibase + r]],
                            ssem).wait()
    for r in range(RING):
      nxt = ibase + RING + r

      @pl.when(nxt < NFULL)
      def _():
        g_start(nxt, r)

  if REM:
    off = NFULL * CH
    pltpu.sync_copy(h_hbm.at[sidx_v.at[pl.ds(off, REM)]],
                    rows_v.at[0, pl.ds(0, REM)])
    pltpu.sync_copy(rows_v.at[0, pl.ds(0, REM)], agg_sh.at[didxr_v],
                    add=True)

  plsc.subcore_barrier()
  _copy_out_loop(cid, sid, buf_v, agg_sh, out0, out1)


def _make_sc_agg(width):
  return pl.kernel(
      _sc_agg_body,
      out_type=(jax.ShapeDtypeStruct((NPAD, width), jnp.float32),
                jax.ShapeDtypeStruct((NPAD, width), jnp.float32)),
      mesh=_mesh,
      compiler_params=_sc_params,
      scratch_types=[
          pltpu.VMEM((EPW,), jnp.int32),
          pltpu.VMEM((EPW,), jnp.int32),
          pltpu.VMEM((NFULL, CH), jnp.int32),
          pltpu.VMEM((REM,), jnp.int32),
          pltpu.VMEM((RING, CH, width), jnp.float32),
          pltpu.VMEM((CH, width), jnp.float32),
          pltpu.VMEM_SHARED((NPAD, width), jnp.float32),
      ] + [pltpu.SemaphoreType.DMA] * 7,
  )


_sc_agg64 = _make_sc_agg(D_HID)
_sc_agg16 = _make_sc_agg(D2)


def _sc_pool_body(h2c_hbm, starts_hbm, counts_hbm, pooled,
                  h2_v, keys_v, starts_v, counts_v, sel_v, row_v):
  cid = lax.axis_index("c")
  sid = lax.axis_index("s")
  wid = cid * NS + sid
  pltpu.sync_copy(h2c_hbm, h2_v)
  pltpu.sync_copy(starts_hbm, starts_v)
  pltpu.sync_copy(counts_hbm, counts_v)
  iota16 = lax.iota(jnp.int32, 16)

  ones16 = jnp.full((16,), 1, jnp.int32)
  @pl.loop(0, NPAD // 16)
  def _(t):
    nodes = t * 16 + iota16
    keys_v[pl.ds(t * 16, 16)] = plsc.load_gather(h2_v, [nodes, ones16])

  for j in range((G + NW - 1) // NW):
    g = wid + NW * j

    @pl.when(g < G)
    def _():
      gsplat = jnp.full((16,), g, jnp.int32)
      start = jnp.max(plsc.load_gather(starts_v, [gsplat]))
      cnt = jnp.max(plsc.load_gather(counts_v, [gsplat]))
      for t in range(K // 16):
        sel_v[pl.ds(t * 16, 16)] = jnp.full((16,), SENT, jnp.int32)

      @pl.when(cnt > 0)
      def _():
        nq = (cnt + 15) // 16
        lastb = start + (nq - 1) * 16
        tailk = keys_v[pl.ds(lastb, 16)]
        tailpos = (nq - 1) * 16 + iota16
        keys_v[pl.ds(lastb, 16)] = jnp.where(tailpos < cnt, tailk, -jnp.inf)

        def pbody(p, _):
          node = start + p
          keyi = plsc.load_gather(keys_v, [jnp.full((16,), node, jnp.int32)])

          def qbody(q, rv):
            kv = keys_v[pl.ds(start + q * 16, 16)]
            posv = q * 16 + iota16
            beats = jnp.logical_or(kv > keyi,
                                   jnp.logical_and(kv == keyi, posv < p))
            return rv + plsc.all_reduce_population_count(beats)

          rv = lax.fori_loop(0, nq, qbody, jnp.zeros((16,), jnp.int32))
          rank = jnp.max(rv)
          ranksplat = jnp.full((16,), rank, jnp.int32)
          msk = jnp.logical_and(iota16 == 0, ranksplat < K)
          plsc.store_scatter(sel_v, [ranksplat],
                             jnp.full((16,), node, jnp.int32), mask=msk)
          return 0

        lax.fori_loop(0, cnt, pbody, 0)

      for t in range(K // 16):
        selv = sel_v[pl.ds(t * 16, 16)]
        for c in range(2):
          vals = plsc.load_gather(h2_v, [selv, jnp.full((16,), c, jnp.int32)])
          plsc.store_scatter(row_v, [(t * 16 + iota16) * 2 + c], vals)
      pltpu.sync_copy(row_v, pooled.at[g])


_sc_pool = pl.kernel(
    _sc_pool_body,
    out_type=jax.ShapeDtypeStruct((G, K * 2), jnp.float32),
    mesh=_mesh,
    compiler_params=_sc_params,
    scratch_types=[
        pltpu.VMEM((NPAD, 2), jnp.float32),
        pltpu.VMEM((NPAD,), jnp.float32),
        pltpu.VMEM((GPAD,), jnp.int32),
        pltpu.VMEM((GPAD,), jnp.int32),
        pltpu.VMEM((K,), jnp.int32),
        pltpu.VMEM((K * 2,), jnp.float32),
    ],
)


def _tc_a_body(x_ref, w1_ref, deg0_ref, deg1_ref, batch_ref,
               hp1_ref, starts_ref, counts_ref):
  deg = deg0_ref[:, 0:1] + deg1_ref[:, 0:1] + 1.0
  dinv = lax.rsqrt(deg)
  h = jnp.dot(x_ref[...], w1_ref[...], preferred_element_type=jnp.float32)
  hp1_ref[0:N, :] = h * dinv[0:N]
  hp1_ref[N:NPAD, :] = jnp.zeros((NPAD - N, D_HID), jnp.float32)
  b = batch_ref[...]
  gid = lax.broadcasted_iota(jnp.int32, (GPAD, N), 0)
  bmat = jnp.broadcast_to(b, (GPAD, N))
  starts_ref[...] = jnp.sum((bmat < gid).astype(jnp.int32), axis=1,
                            keepdims=True)
  counts_ref[...] = jnp.sum((bmat == gid).astype(jnp.int32), axis=1,
                            keepdims=True)


def _tc_b_body(a0_ref, a1_ref, hp1_ref, deg0_ref, deg1_ref, b1_ref, w2_ref,
               hp2_ref):
  deg = deg0_ref[:, 0:1] + deg1_ref[:, 0:1] + 1.0
  dinv = lax.rsqrt(deg)
  h = jnp.tanh((a0_ref[...] + a1_ref[...] + hp1_ref[...]) * dinv + b1_ref[...])
  hp2_ref[...] = jnp.dot(h, w2_ref[...],
                         preferred_element_type=jnp.float32) * dinv


def _tc_c_body(a0_ref, a1_ref, hp2_ref, deg0_ref, deg1_ref, b2_ref,
               h2c_ref):
  deg = deg0_ref[:, 0:1] + deg1_ref[:, 0:1] + 1.0
  dinv = lax.rsqrt(deg)
  h2 = jnp.tanh((a0_ref[...] + a1_ref[...] + hp2_ref[...]) * dinv + b2_ref[...])
  rows = lax.broadcasted_iota(jnp.int32, (NPAD, 1), 0)
  h2 = jnp.where(rows < N, h2, 0.0)
  h2c_ref[...] = h2[:, 0:2]


def _tc_d_body(flat_ref, wl_ref, bl_ref, out_ref):
  out_ref[...] = jnp.dot(flat_ref[...], wl_ref[...],
                         preferred_element_type=jnp.float32) + bl_ref[...]


def _tc_call(body, out_shapes):
  return pl.pallas_call(body, out_shape=out_shapes)


def kernel(x, edge_index, batch, W1, b1, W2, b2, W_lin, b_lin):
  assert x.shape == (N, D_IN) and edge_index.shape == (2, E)

  deg0, deg1 = _sc_deg(edge_index)

  hp1, starts, counts = _tc_call(
      _tc_a_body,
      (jax.ShapeDtypeStruct((NPAD, D_HID), jnp.float32),
       jax.ShapeDtypeStruct((GPAD, 1), jnp.int32),
       jax.ShapeDtypeStruct((GPAD, 1), jnp.int32)))(
           x, W1, deg0, deg1, batch.reshape(1, N))

  a0, a1 = _sc_agg64(edge_index, hp1)

  w2p = jnp.pad(W2, ((0, 0), (0, D2 - W2.shape[1])))
  b2p = jnp.pad(b2, (0, D2 - b2.shape[0]))
  hp2 = _tc_call(_tc_b_body,
                 jax.ShapeDtypeStruct((NPAD, D2), jnp.float32))(
                     a0, a1, hp1, deg0, deg1, b1.reshape(1, D_HID), w2p)

  c0, c1 = _sc_agg16(edge_index, hp2)

  h2c = _tc_call(
      _tc_c_body,
      jax.ShapeDtypeStruct((NPAD, 2), jnp.float32))(
          c0, c1, hp2, deg0, deg1, b2p.reshape(1, D2))

  pooled = _sc_pool(h2c, starts.reshape(GPAD), counts.reshape(GPAD))
  out = _tc_call(_tc_d_body, jax.ShapeDtypeStruct((G, 1), jnp.float32))(
      pooled, W_lin, b_lin.reshape(1, 1))
  return out

# --- scband reference (transcript-rebuilt; emitter-appended) ---
"""Pipeline reference for scband-model-59090160058943 (READ-ONLY COPY).

The authoritative reference and input builder live on the scoring server;
editing this copy changes nothing except your own understanding.
"""

import jax, jax.numpy as jnp
import numpy as np

N = 10000
E = 320000
D_IN = 128
D_HID = 64
D_OUT = 2
K_POOL = 64
G = 100


def setup_inputs(seed: int = 0):
    key = jax.random.key(seed)
    ks = jax.random.split(key, 6)
    x = jax.random.normal(ks[0], (N, D_IN), dtype=jnp.float32)
    edge_index = jax.random.randint(ks[1], (2, E), 0, N, dtype=jnp.int32)
    batch = jnp.sort(jax.random.randint(ks[2], (N,), 0, G, dtype=jnp.int32))
    batch = batch.at[0].set(0).at[-1].set(G - 1)
    W1 = jax.random.normal(ks[3], (D_IN, D_HID), dtype=jnp.float32) / np.sqrt(D_IN)
    b1 = jnp.zeros((D_HID,), jnp.float32)
    W2 = jax.random.normal(ks[4], (D_HID, D_OUT), dtype=jnp.float32) / np.sqrt(D_HID)
    b2 = jnp.zeros((D_OUT,), jnp.float32)
    W_lin = jax.random.normal(ks[5], (K_POOL * D_OUT, 1), dtype=jnp.float32) / np.sqrt(K_POOL * D_OUT)
    b_lin = jnp.zeros((1,), jnp.float32)
    return {"x": x, "edge_index": edge_index, "batch": batch, "W1": W1, "b1": b1,
            "W2": W2, "b2": b2, "W_lin": W_lin, "b_lin": b_lin}


def _gcn_conv(x, src, dst, norm, W, b, n):
    h = x @ W
    msg = h[src] * norm[:, None]
    out = jnp.zeros((n, h.shape[1]), h.dtype).at[dst].add(msg)
    return out + b


def reference(x, edge_index, batch, W1, b1, W2, b2, W_lin, b_lin):
    n = x.shape[0]
    loop = jnp.arange(n, dtype=edge_index.dtype)
    src = jnp.concatenate([edge_index[0], loop])
    dst = jnp.concatenate([edge_index[1], loop])
    deg = jnp.zeros((n,), jnp.float32).at[dst].add(1.0)
    dinv = jax.lax.rsqrt(deg)
    norm = dinv[src] * dinv[dst]
    h = jnp.tanh(_gcn_conv(x, src, dst, norm, W1, b1, n))
    h = jnp.tanh(_gcn_conv(h, src, dst, norm, W2, b2, n))
    # global_sort_pool(h, batch, k=K_POOL)
    g = G
    counts = jnp.bincount(batch, length=g)
    starts = jnp.concatenate([jnp.zeros((1,), counts.dtype), jnp.cumsum(counts)[:-1]])
    pos = jnp.arange(n) - starts[batch]
    max_n = n
    d = h.shape[1]
    dense = jnp.zeros((g, max_n, d), h.dtype).at[batch, pos].set(h)
    keymat = jnp.full((g, max_n), -jnp.inf, h.dtype).at[batch, pos].set(h[:, -1])
    maskmat = jnp.zeros((g, max_n), bool).at[batch, pos].set(True)
    order = jnp.argsort(-keymat, axis=1)
    dense = jnp.take_along_axis(dense, order[:, :, None], axis=1)
    maskmat = jnp.take_along_axis(maskmat, order, axis=1)
    if max_n >= K_POOL:
        dense = dense[:, :K_POOL]
        maskmat = maskmat[:, :K_POOL]
    else:
        pad = K_POOL - max_n
        dense = jnp.pad(dense, ((0, 0), (0, pad), (0, 0)))
        maskmat = jnp.pad(maskmat, ((0, 0), (0, pad)))
    dense = dense * maskmat[:, :, None]
    flat = dense.reshape(g, K_POOL * d)
    return flat @ W_lin + b_lin

if __name__ == "__main__":
    import jax
    _d = setup_inputs()
    print(jax.jit(kernel)(*tuple(_d.values())))

</pallas_src>

<mosaic_0001>
#map = affine_map<(d0, d1) -> (0, 0)>
module attributes {stable_mosaic.version = 14 : i64} {
  func.func @_sc_agg_body(%arg0: i32, %arg1: i32, %arg2: memref<2x320000xi32, #tpu.memory_space<hbm>>, %arg3: memref<10240x16xf32, #tpu.memory_space<hbm>>, %arg4: memref<10240x16xf32, #tpu.memory_space<hbm>>, %arg5: memref<10240x16xf32, #tpu.memory_space<hbm>>, %arg6: memref<10000xi32, #tpu.memory_space<vmem>>, %arg7: memref<10000xi32, #tpu.memory_space<vmem>>, %arg8: memref<78x128xi32, #tpu.memory_space<vmem>>, %arg9: memref<16xi32, #tpu.memory_space<vmem>>, %arg10: memref<6x128x16xf32, #tpu.memory_space<vmem>>, %arg11: memref<128x16xf32, #tpu.memory_space<vmem>>, %arg12: memref<10240x16xf32, #tpu.memory_space<vmem_shared>>, %arg13: memref<!tpu.dma_semaphore, #tpu.memory_space<semaphore_mem>>, %arg14: memref<!tpu.dma_semaphore, #tpu.memory_space<semaphore_mem>>, %arg15: memref<!tpu.dma_semaphore, #tpu.memory_space<semaphore_mem>>, %arg16: memref<!tpu.dma_semaphore, #tpu.memory_space<semaphore_mem>>, %arg17: memref<!tpu.dma_semaphore, #tpu.memory_space<semaphore_mem>>, %arg18: memref<!tpu.dma_semaphore, #tpu.memory_space<semaphore_mem>>, %arg19: memref<!tpu.dma_semaphore, #tpu.memory_space<semaphore_mem>>) attributes {dimension_semantics = [#tpu.dimension_semantics<core_parallel>, #tpu.dimension_semantics<subcore_parallel>], iteration_bounds = array<i64: 2, 16>, scalar_prefetch = 0 : i64, scratch_operands = 14 : i64, tpu.core_type = #tpu.core_type<sc_vector_subcore>, window_params = [{transform_indices = #map}, {transform_indices = #map}, {transform_indices = #map}, {transform_indices = #map}]} {
    %mul3A = arith.constant 16 : i32
    %mul3A_0 = arith.muli %arg0, %mul3A : i32
    %add3A = arith.addi %mul3A_0, %arg1 : i32
    %mul3A_1 = arith.constant 10000 : i32
    %mul3A_2 = arith.muli %add3A, %mul3A_1 : i32
    %dma_start3A = arith.constant 0 : i32
    %dma_start3A_3 = tpu.memref_slice %arg2[%dma_start3A, %mul3A_2] : memref<2x320000xi32, #tpu.memory_space<hbm>> -> memref<1x10000xi32, #tpu.memory_space<hbm>>
    %dma_start3A_4 = tpu.memref_squeeze %dma_start3A_3 : memref<1x10000xi32, #tpu.memory_space<hbm>> -> memref<10000xi32, #tpu.memory_space<hbm>>
    %dma_start3A_5 = tpu.memref_slice %arg2[%dma_start3A, %mul3A_2] : memref<2x320000xi32, #tpu.memory_space<hbm>> -> memref<1x10000xi32, #tpu.memory_space<hbm>>
    %dma_start3A_6 = tpu.memref_squeeze %dma_start3A_5 : memref<1x10000xi32, #tpu.memory_space<hbm>> -> memref<10000xi32, #tpu.memory_space<hbm>>
    tpu.enqueue_dma source(%dma_start3A_6 : memref<10000xi32, #tpu.memory_space<hbm>>) target(%arg6 : memref<10000xi32, #tpu.memory_space<vmem>>) target_semaphore(%arg13 : memref<!tpu.dma_semaphore, #tpu.memory_space<semaphore_mem>>)
    %dma_start3A_7 = arith.constant 1 : i32
    %dma_start3A_8 = tpu.memref_slice %arg2[%dma_start3A_7, %mul3A_2] : memref<2x320000xi32, #tpu.memory_space<hbm>> -> memref<1x10000xi32, #tpu.memory_space<hbm>>
    %dma_start3A_9 = tpu.memref_squeeze %dma_start3A_8 : memref<1x10000xi32, #tpu.memory_space<hbm>> -> memref<10000xi32, #tpu.memory_space<hbm>>
    %dma_start3A_10 = tpu.memref_slice %arg2[%dma_start3A_7, %mul3A_2] : memref<2x320000xi32, #tpu.memory_space<hbm>> -> memref<1x10000xi32, #tpu.memory_space<hbm>>
    %dma_start3A_11 = tpu.memref_squeeze %dma_start3A_10 : memref<1x10000xi32, #tpu.memory_space<hbm>> -> memref<10000xi32, #tpu.memory_space<hbm>>
    tpu.enqueue_dma source(%dma_start3A_11 : memref<10000xi32, #tpu.memory_space<hbm>>) target(%arg7 : memref<10000xi32, #tpu.memory_space<vmem>>) target_semaphore(%arg14 : memref<!tpu.dma_semaphore, #tpu.memory_space<semaphore_mem>>)
    %broadcast_in_dim3A = arith.constant 0.000000e+00 : f32
    %broadcast_in_dim3A_12 = vector.broadcast %broadcast_in_dim3A : f32 to vector<16xf32>
    %scan3A = arith.constant 0 : i32
    %scan3A_13 = arith.constant 128 : i32
    %scan3A_14 = arith.addi %scan3A, %scan3A_13 : i32
    %scan3A_15 = arith.constant 1 : i32
    scf.for %scan3A_110 = %scan3A to %scan3A_14 step %scan3A_15  : i32 {
      %mul3A_111 = arith.constant 1 : i32
      %mul3A_112 = arith.muli %scan3A_110, %mul3A_111 : i32
      %add3A_113 = arith.constant 0 : i32
      %add3A_114 = arith.addi %add3A_113, %mul3A_112 : i32
      %swap3A_115 = arith.index_cast %add3A_114 : i32 to index
      %swap3A_116 = arith.constant 0 : index
      %swap3A_117 = tpu.vector_load %arg11[%swap3A_115, %swap3A_116] {strides = array<i32>} : memref<128x16xf32, #tpu.memory_space<vmem>>, vector<16xf32>,
      tpu.vector_store %arg11[%swap3A_115, %swap3A_116], %broadcast_in_dim3A_12 {strides = array<i32>} : memref<128x16xf32, #tpu.memory_space<vmem>>, vector<16xf32>,
    }
    %scan3A_16 = arith.constant 128 : i32
    %scan3A_17 = arith.constant 0 : i32
    %scan3A_18 = arith.constant 5 : i32
    %scan3A_19 = arith.addi %scan3A_17, %scan3A_18 : i32
    %scan3A_20 = arith.constant 1 : i32
    scf.for %scan3A_110 = %scan3A_17 to %scan3A_19 step %scan3A_20  : i32 {
      %mul3A_111 = arith.constant 1 : i32
      %mul3A_112 = arith.muli %scan3A_110, %mul3A_111 : i32
      %add3A_113 = arith.constant 0 : i32
      %add3A_114 = arith.addi %add3A_113, %mul3A_112 : i32
      %mul3A_115 = arith.constant 640 : i32
      %mul3A_116 = arith.muli %arg1, %mul3A_115 : i32
      %mul3A_117 = arith.constant 128 : i32
      %mul3A_118 = arith.muli %add3A_114, %mul3A_117 : i32
      %add3A_119 = arith.addi %mul3A_116, %mul3A_118 : i32
      "tpu.region"() ({
        %run_scoped3A_120 = tpu.sem_alloc : memref<!tpu.dma_semaphore, #tpu.memory_space<semaphore_mem>>
        %dma_start3A_121 = arith.constant 0 : i32
        %dma_start3A_122 = tpu.memref_slice %arg12[%add3A_119, %dma_start3A_121] : memref<10240x16xf32, #tpu.memory_space<vmem_shared>> -> memref<128x16xf32, #tpu.memory_space<vmem_shared>>
        %dma_start3A_123 = arith.constant 0 : i32
        %dma_start3A_124 = tpu.memref_slice %arg12[%add3A_119, %dma_start3A_123] : memref<10240x16xf32, #tpu.memory_space<vmem_shared>> -> memref<128x16xf32, #tpu.memory_space<vmem_shared>>
        tpu.enqueue_dma source(%arg11 : memref<128x16xf32, #tpu.memory_space<vmem>>) target(%dma_start3A_124 : memref<128x16xf32, #tpu.memory_space<vmem_shared>>) target_semaphore(%run_scoped3A_120 : memref<!tpu.dma_semaphore, #tpu.memory_space<semaphore_mem>>)
        %dma_wait3A_125 = arith.constant 0 : i32
        %dma_wait3A_126 = tpu.memref_slice %arg12[%add3A_119, %dma_wait3A_125] : memref<10240x16xf32, #tpu.memory_space<vmem_shared>> -> memref<128x16xf32, #tpu.memory_space<vmem_shared>>
        %dma_wait3A_127 = arith.constant 0 : i32
        %dma_wait3A_128 = tpu.memref_slice %arg12[%add3A_119, %dma_wait3A_127] : memref<10240x16xf32, #tpu.memory_space<vmem_shared>> -> memref<128x16xf32, #tpu.memory_space<vmem_shared>>
        tpu.wait_dma2 semaphore(%run_scoped3A_120 : memref<!tpu.dma_semaphore, #tpu.memory_space<semaphore_mem>>) src(%arg11 : memref<128x16xf32, #tpu.memory_space<vmem>>) dst(%dma_wait3A_128 : memref<128x16xf32, #tpu.memory_space<vmem_shared>>)
        tpu.yield
      }) : () -> ()
    }
    %scan3A_21 = arith.constant 5 : i32
    %dma_wait3A = arith.constant 0 : i32
    %dma_wait3A_22 = tpu.memref_slice %arg2[%dma_wait3A, %mul3A_2] : memref<2x320000xi32, #tpu.memory_space<hbm>> -> memref<1x10000xi32, #tpu.memory_space<hbm>>
    %dma_wait3A_23 = tpu.memref_squeeze %dma_wait3A_22 : memref<1x10000xi32, #tpu.memory_space<hbm>> -> memref<10000xi32, #tpu.memory_space<hbm>>
    %dma_wait3A_24 = tpu.memref_slice %arg2[%dma_wait3A, %mul3A_2] : memref<2x320000xi32, #tpu.memory_space<hbm>> -> memref<1x10000xi32, #tpu.memory_space<hbm>>
    %dma_wait3A_25 = tpu.memref_squeeze %dma_wait3A_24 : memref<1x10000xi32, #tpu.memory_space<hbm>> -> memref<10000xi32, #tpu.memory_space<hbm>>
    tpu.wait_dma2 semaphore(%arg13 : memref<!tpu.dma_semaphore, #tpu.memory_space<semaphore_mem>>) src(%dma_wait3A_25 : memref<10000xi32, #tpu.memory_space<hbm>>) dst(%arg6 : memref<10000xi32, #tpu.memory_space<vmem>>)
    %dma_wait3A_26 = arith.constant 1 : i32
    %dma_wait3A_27 = tpu.memref_slice %arg2[%dma_wait3A_26, %mul3A_2] : memref<2x320000xi32, #tpu.memory_space<hbm>> -> memref<1x10000xi32, #tpu.memory_space<hbm>>
    %dma_wait3A_28 = tpu.memref_squeeze %dma_wait3A_27 : memref<1x10000xi32, #tpu.memory_space<hbm>> -> memref<10000xi32, #tpu.memory_space<hbm>>
    %dma_wait3A_29 = tpu.memref_slice %arg2[%dma_wait3A_26, %mul3A_2] : memref<2x320000xi32, #tpu.memory_space<hbm>> -> memref<1x10000xi32, #tpu.memory_space<hbm>>
    %dma_wait3A_30 = tpu.memref_squeeze %dma_wait3A_29 : memref<1x10000xi32, #tpu.memory_space<hbm>> -> memref<10000xi32, #tpu.memory_space<hbm>>
    tpu.wait_dma2 semaphore(%arg14 : memref<!tpu.dma_semaphore, #tpu.memory_space<semaphore_mem>>) src(%dma_wait3A_30 : memref<10000xi32, #tpu.memory_space<hbm>>) dst(%arg7 : memref<10000xi32, #tpu.memory_space<vmem>>)
    %scan3A_31 = arith.constant 0 : i32
    %scan3A_32 = arith.constant 624 : i32
    %scan3A_33 = arith.addi %scan3A_31, %scan3A_32 : i32
    %scan3A_34 = arith.constant 1 : i32
    scf.for %scan3A_110 = %scan3A_31 to %scan3A_33 step %scan3A_34  : i32 {
      %mul3A_111 = arith.constant 1 : i32
      %mul3A_112 = arith.muli %scan3A_110, %mul3A_111 : i32
      %add3A_113 = arith.constant 0 : i32
      %add3A_114 = arith.addi %add3A_113, %mul3A_112 : i32
      %mul3A_115 = arith.constant 16 : i32
      %mul3A_116 = arith.muli %add3A_114, %mul3A_115 : i32
      %get3A_117 = arith.index_cast %mul3A_116 : i32 to index
      %get3A_118 = tpu.vector_load %arg7[%get3A_117] {strides = array<i32>} : memref<10000xi32, #tpu.memory_space<vmem>>, vector<16xi32>,
      %jit3A = arith.constant 8 : i32
      %div3A = arith.divsi %add3A_114, %jit3A : i32
      %sign3A = arith.constant 0 : i32
      %sign3A_119 = arith.cmpi sgt, %add3A_114, %sign3A : i32
      %sign3A_120 = arith.extui %sign3A_119 : i1 to i32
      %sign3A_121 = arith.constant 0 : i32
      %sign3A_122 = arith.cmpi slt, %add3A_114, %sign3A_121 : i32
      %sign3A_123 = arith.extui %sign3A_122 : i1 to i32
      %sign3A_124 = arith.subi %sign3A_120, %sign3A_123 : i32
      %sign3A_125 = arith.constant 0 : i32
      %sign3A_126 = arith.cmpi sgt, %jit3A, %sign3A_125 : i32
      %sign3A_127 = arith.extui %sign3A_126 : i1 to i32
      %sign3A_128 = arith.constant 0 : i32
      %sign3A_129 = arith.cmpi slt, %jit3A, %sign3A_128 : i32
      %sign3A_130 = arith.extui %sign3A_129 : i1 to i32
      %sign3A_131 = arith.subi %sign3A_127, %sign3A_130 : i32
      %ne3A = arith.cmpi ne, %sign3A_124, %sign3A_131 : i32
      %rem3A = arith.remsi %add3A_114, %jit3A : i32
      %ne3A_132 = arith.constant 0 : i32
      %ne3A_133 = arith.cmpi ne, %rem3A, %ne3A_132 : i32
      %and3A = arith.andi %ne3A, %ne3A_133 : i1
      %sub3A = arith.constant 1 : i32
      %sub3A_134 = arith.subi %div3A, %sub3A : i32
      %select_n3A = arith.select %and3A, %sub3A_134, %div3A : i32
      %jit3A_135 = arith.constant 8 : i32
      %eq3A = arith.constant 0 : i32
      %eq3A_136 = arith.cmpi eq, %jit3A_135, %eq3A : i32
      %jit3A_137 = arith.constant 1 : i32
      %select_n3A_138 = arith.select %eq3A_136, %jit3A_137, %jit3A_135 : i32
      %rem3A_139 = arith.remsi %add3A_114, %select_n3A_138 : i32
      %ne3A_140 = arith.constant 0 : i32
      %ne3A_141 = arith.cmpi ne, %rem3A_139, %ne3A_140 : i32
      %lt3A = arith.constant 0 : i32
      %lt3A_142 = arith.cmpi slt, %rem3A_139, %lt3A : i32
      %lt3A_143 = arith.constant 0 : i32
      %lt3A_144 = arith.cmpi slt, %select_n3A_138, %lt3A_143 : i32
      %ne3A_145 = arith.xori %lt3A_142, %lt3A_144 : i1
      %and3A_146 = arith.andi %ne3A_145, %ne3A_141 : i1
      %add3A_147 = arith.addi %rem3A_139, %select_n3A_138 : i32
      %select_n3A_148 = arith.select %and3A_146, %add3A_147, %rem3A_139 : i32
      %mul3A_149 = arith.constant 16 : i32
      %mul3A_150 = arith.muli %select_n3A_148, %mul3A_149 : i32
      %swap3A_151 = arith.index_cast %select_n3A : i32 to index
      %swap3A_152 = arith.index_cast %mul3A_150 : i32 to index
      %swap3A_153 = tpu.vector_load %arg8[%swap3A_151, %swap3A_152] {strides = array<i32>} : memref<78x128xi32, #tpu.memory_space<vmem>>, vector<16xi32>,
      tpu.vector_store %arg8[%swap3A_151, %swap3A_152], %get3A_118 {strides = array<i32>} : memref<78x128xi32, #tpu.memory_space<vmem>>, vector<16xi32>,
    }
    %scan3A_35 = arith.constant 624 : i32
    %get3A = arith.constant 9984 : index
    %get3A_36 = tpu.vector_load %arg7[%get3A] {strides = array<i32>} : memref<10000xi32, #tpu.memory_space<vmem>>, vector<16xi32>,
    %swap3A = arith.constant 0 : index
    %swap3A_37 = tpu.vector_load %arg9[%swap3A] {strides = array<i32>} : memref<16xi32, #tpu.memory_space<vmem>>, vector<16xi32>,
    tpu.vector_store %arg9[%swap3A], %get3A_36 {strides = array<i32>} : memref<16xi32, #tpu.memory_space<vmem>>, vector<16xi32>,
    %barrier3A = arith.constant 0 : index
    tpu.barrier barrier_id(%barrier3A)
    %dma_start3A_38 = arith.constant 0 : i32
    %dma_start3A_39 = arith.constant 0 : i32
    %dma_start3A_40 = arith.constant 0 : i32
    %dma_start3A_41 = tpu.memref_slice %arg10[%dma_start3A_38, %dma_start3A_39, %dma_start3A_40] : memref<6x128x16xf32, #tpu.memory_space<vmem>> -> memref<1x128x16xf32, #tpu.memory_space<vmem>>
    %dma_start3A_42 = tpu.memref_squeeze %dma_start3A_41 : memref<1x128x16xf32, #tpu.memory_space<vmem>> -> memref<128x16xf32, #tpu.memory_space<vmem>>
    %dma_start3A_43 = arith.constant 0 : i32
    %dma_start3A_44 = tpu.memref_slice %arg6[%dma_start3A_43] : memref<10000xi32, #tpu.memory_space<vmem>> -> memref<128xi32, #tpu.memory_space<vmem>>
    %dma_start3A_45 = arith.constant 0 : i32
    %dma_start3A_46 = arith.constant 0 : i32
    %dma_start3A_47 = tpu.memref_slice %arg3[%dma_start3A_45, %dma_start3A_46] : memref<10240x16xf32, #tpu.memory_space<hbm>> -> memref<10240x16xf32, #tpu.memory_space<hbm>>
    tpu.enqueue_indirect_dma source(%dma_start3A_47 : memref<10240x16xf32, #tpu.memory_space<hbm>>) target(%dma_start3A_42 : memref<128x16xf32, #tpu.memory_space<vmem>>) offsets(%dma_start3A_44 : memref<128xi32, #tpu.memory_space<vmem>>) semaphore(%arg13 : memref<!tpu.dma_semaphore, #tpu.memory_space<semaphore_mem>>)
    %dma_start3A_48 = arith.constant 1 : i32
    %dma_start3A_49 = arith.constant 0 : i32
    %dma_start3A_50 = arith.constant 0 : i32
    %dma_start3A_51 = tpu.memref_slice %arg10[%dma_start3A_48, %dma_start3A_49, %dma_start3A_50] : memref<6x128x16xf32, #tpu.memory_space<vmem>> -> memref<1x128x16xf32, #tpu.memory_space<vmem>>
    %dma_start3A_52 = tpu.memref_squeeze %dma_start3A_51 : memref<1x128x16xf32, #tpu.memory_space<vmem>> -> memref<128x16xf32, #tpu.memory_space<vmem>>
    %dma_start3A_53 = arith.constant 128 : i32
    %dma_start3A_54 = tpu.memref_slice %arg6[%dma_start3A_53] : memref<10000xi32, #tpu.memory_space<vmem>> -> memref<128xi32, #tpu.memory_space<vmem>>
    %dma_start3A_55 = arith.constant 0 : i32
    %dma_start3A_56 = arith.constant 0 : i32
    %dma_start3A_57 = tpu.memref_slice %arg3[%dma_start3A_55, %dma_start3A_56] : memref<10240x16xf32, #tpu.memory_space<hbm>> -> memref<10240x16xf32, #tpu.memory_space<hbm>>
    tpu.enqueue_indirect_dma source(%dma_start3A_57 : memref<10240x16xf32, #tpu.memory_space<hbm>>) target(%dma_start3A_52 : memref<128x16xf32, #tpu.memory_space<vmem>>) offsets(%dma_start3A_54 : memref<128xi32, #tpu.memory_space<vmem>>) semaphore(%arg14 : memref<!tpu.dma_semaphore, #tpu.memory_space<semaphore_mem>>)
    %dma_start3A_58 = arith.constant 2 : i32
    %dma_start3A_59 = arith.constant 0 : i32
    %dma_start3A_60 = arith.constant 0 : i32
    %dma_start3A_61 = tpu.memref_slice %arg10[%dma_start3A_58, %dma_start3A_59, %dma_start3A_60] : memref<6x128x16xf32, #tpu.memory_space<vmem>> -> memref<1x128x16xf32, #tpu.memory_space<vmem>>
    %dma_start3A_62 = tpu.memref_squeeze %dma_start3A_61 : memref<1x128x16xf32, #tpu.memory_space<vmem>> -> memref<128x16xf32, #tpu.memory_space<vmem>>
    %dma_start3A_63 = arith.constant 256 : i32
    %dma_start3A_64 = tpu.memref_slice %arg6[%dma_start3A_63] : memref<10000xi32, #tpu.memory_space<vmem>> -> memref<128xi32, #tpu.memory_space<vmem>>
    %dma_start3A_65 = arith.constant 0 : i32
    %dma_start3A_66 = arith.constant 0 : i32
    %dma_start3A_67 = tpu.memref_slice %arg3[%dma_start3A_65, %dma_start3A_66] : memref<10240x16xf32, #tpu.memory_space<hbm>> -> memref<10240x16xf32, #tpu.memory_space<hbm>>
    tpu.enqueue_indirect_dma source(%dma_start3A_67 : memref<10240x16xf32, #tpu.memory_space<hbm>>) target(%dma_start3A_62 : memref<128x16xf32, #tpu.memory_space<vmem>>) offsets(%dma_start3A_64 : memref<128xi32, #tpu.memory_space<vmem>>) semaphore(%arg15 : memref<!tpu.dma_semaphore, #tpu.memory_space<semaphore_mem>>)
    %dma_start3A_68 = arith.constant 3 : i32
    %dma_start3A_69 = arith.constant 0 : i32
    %dma_start3A_70 = arith.constant 0 : i32
    %dma_start3A_71 = tpu.memref_slice %arg10[%dma_start3A_68, %dma_start3A_69, %dma_start3A_70] : memref<6x128x16xf32, #tpu.memory_space<vmem>> -> memref<1x128x16xf32, #tpu.memory_space<vmem>>
    %dma_start3A_72 = tpu.memref_squeeze %dma_start3A_71 : memref<1x128x16xf32, #tpu.memory_space<vmem>> -> memref<128x16xf32, #tpu.memory_space<vmem>>
    %dma_start3A_73 = arith.constant 384 : i32
    %dma_start3A_74 = tpu.memref_slice %arg6[%dma_start3A_73] : memref<10000xi32, #tpu.memory_space<vmem>> -> memref<128xi32, #tpu.memory_space<vmem>>
    %dma_start3A_75 = arith.constant 0 : i32
    %dma_start3A_76 = arith.constant 0 : i32
    %dma_start3A_77 = tpu.memref_slice %arg3[%dma_start3A_75, %dma_start3A_76] : memref<10240x16xf32, #tpu.memory_space<hbm>> -> memref<10240x16xf32, #tpu.memory_space<hbm>>
    tpu.enqueue_indirect_dma source(%dma_start3A_77 : memref<10240x16xf32, #tpu.memory_space<hbm>>) target(%dma_start3A_72 : memref<128x16xf32, #tpu.memory_space<vmem>>) offsets(%dma_start3A_74 : memref<128xi32, #tpu.memory_space<vmem>>) semaphore(%arg16 : memref<!tpu.dma_semaphore, #tpu.memory_space<semaphore_mem>>)
    %dma_start3A_78 = arith.constant 4 : i32
    %dma_start3A_79 = arith.constant 0 : i32
    %dma_start3A_80 = arith.constant 0 : i32
    %dma_start3A_81 = tpu.memref_slice %arg10[%dma_start3A_78, %dma_start3A_79, %dma_start3A_80] : memref<6x128x16xf32, #tpu.memory_space<vmem>> -> memref<1x128x16xf32, #tpu.memory_space<vmem>>
    %dma_start3A_82 = tpu.memref_squeeze %dma_start3A_81 : memref<1x128x16xf32, #tpu.memory_space<vmem>> -> memref<128x16xf32, #tpu.memory_space<vmem>>
    %dma_start3A_83 = arith.constant 512 : i32
    %dma_start3A_84 = tpu.memref_slice %arg6[%dma_start3A_83] : memref<10000xi32, #tpu.memory_space<vmem>> -> memref<128xi32, #tpu.memory_space<vmem>>
    %dma_start3A_85 = arith.constant 0 : i32
    %dma_start3A_86 = arith.constant 0 : i32
    %dma_start3A_87 = tpu.memref_slice %arg3[%dma_start3A_85, %dma_start3A_86] : memref<10240x16xf32, #tpu.memory_space<hbm>> -> memref<10240x16xf32, #tpu.memory_space<hbm>>
    tpu.enqueue_indirect_dma source(%dma_start3A_87 : memref<10240x16xf32, #tpu.memory_space<hbm>>) target(%dma_start3A_82 : memref<128x16xf32, #tpu.memory_space<vmem>>) offsets(%dma_start3A_84 : memref<128xi32, #tpu.memory_space<vmem>>) semaphore(%arg17 : memref<!tpu.dma_semaphore, #tpu.memory_space<semaphore_mem>>)
    %dma_start3A_88 = arith.constant 5 : i32
    %dma_start3A_89 = arith.constant 0 : i32
    %dma_start3A_90 = arith.constant 0 : i32
    %dma_start3A_91 = tpu.memref_slice %arg10[%dma_start3A_88, %dma_start3A_89, %dma_start3A_90] : memref<6x128x16xf32, #tpu.memory_space<vmem>> -> memref<1x128x16xf32, #tpu.memory_space<vmem>>
    %dma_start3A_92 = tpu.memref_squeeze %dma_start3A_91 : memref<1x128x16xf32, #tpu.memory_space<vmem>> -> memref<128x16xf32, #tpu.memory_space<vmem>>
    %dma_start3A_93 = arith.constant 640 : i32
    %dma_start3A_94 = tpu.memref_slice %arg6[%dma_start3A_93] : memref<10000xi32, #tpu.memory_space<vmem>> -> memref<128xi32, #tpu.memory_space<vmem>>
    %dma_start3A_95 = arith.constant 0 : i32
    %dma_start3A_96 = arith.constant 0 : i32
    %dma_start3A_97 = tpu.memref_slice %arg3[%dma_start3A_95, %dma_start3A_96] : memref<10240x16xf32, #tpu.memory_space<hbm>> -> memref<10240x16xf32, #tpu.memory_space<hbm>>
    tpu.enqueue_indirect_dma source(%dma_start3A_97 : memref<10240x16xf32, #tpu.memory_space<hbm>>) target(%dma_start3A_92 : memref<128x16xf32, #tpu.memory_space<vmem>>) offsets(%dma_start3A_94 : memref<128xi32, #tpu.memory_space<vmem>>) semaphore(%arg18 : memref<!tpu.dma_semaphore, #tpu.memory_space<semaphore_mem>>)
    %scan3A_98 = arith.constant 0 : i32
    %scan3A_99 = arith.constant 13 : i32
    %scan3A_100 = arith.addi %scan3A_98, %scan3A_99 : i32
    %scan3A_101 = arith.constant 1 : i32
    scf.for %scan3A_110 = %scan3A_98 to %scan3A_100 step %scan3A_101  : i32 {
      %mul3A_111 = arith.constant 1 : i32
      %mul3A_112 = arith.muli %scan3A_110, %mul3A_111 : i32
      %add3A_113 = arith.constant 0 : i32
      %add3A_114 = arith.addi %add3A_113, %mul3A_112 : i32
      %mul3A_115 = arith.constant 6 : i32
      %mul3A_116 = arith.muli %add3A_114, %mul3A_115 : i32
      %add3A_117 = arith.constant 0 : i32
      %add3A_118 = arith.addi %mul3A_116, %add3A_117 : i32
      %mul3A_119 = arith.constant 128 : i32
      %mul3A_120 = arith.muli %add3A_118, %mul3A_119 : i32
      %dma_wait3A_121 = arith.constant 0 : i32
      %dma_wait3A_122 = arith.constant 0 : i32
      %dma_wait3A_123 = arith.constant 0 : i32
      %dma_wait3A_124 = tpu.memref_slice %arg10[%dma_wait3A_121, %dma_wait3A_122, %dma_wait3A_123] : memref<6x128x16xf32, #tpu.memory_space<vmem>> -> memref<1x128x16xf32, #tpu.memory_space<vmem>>
      %dma_wait3A_125 = tpu.memref_squeeze %dma_wait3A_124 : memref<1x128x16xf32, #tpu.memory_space<vmem>> -> memref<128x16xf32, #tpu.memory_space<vmem>>
      %dma_wait3A_126 = tpu.memref_slice %arg6[%mul3A_120] : memref<10000xi32, #tpu.memory_space<vmem>> -> memref<128xi32, #tpu.memory_space<vmem>>
      %dma_wait3A_127 = arith.constant 0 : i32
      %dma_wait3A_128 = arith.constant 0 : i32
      %dma_wait3A_129 = tpu.memref_slice %arg3[%dma_wait3A_127, %dma_wait3A_128] : memref<10240x16xf32, #tpu.memory_space<hbm>> -> memref<10240x16xf32, #tpu.memory_space<hbm>>
      tpu.wait_indirect_dma semaphore(%arg13 : memref<!tpu.dma_semaphore, #tpu.memory_space<semaphore_mem>>) src(%dma_wait3A_129 : memref<10240x16xf32, #tpu.memory_space<hbm>>) dst(%dma_wait3A_125 : memref<128x16xf32, #tpu.memory_space<vmem>>)
      %add3A_130 = arith.constant 0 : i32
      %add3A_131 = arith.addi %mul3A_116, %add3A_130 : i32
      %dma_start3A_132 = arith.constant 0 : i32
      %dma_start3A_133 = arith.constant 0 : i32
      %dma_start3A_134 = arith.constant 0 : i32
      %dma_start3A_135 = tpu.memref_slice %arg10[%dma_start3A_132, %dma_start3A_133, %dma_start3A_134] : memref<6x128x16xf32, #tpu.memory_space<vmem>> -> memref<1x128x16xf32, #tpu.memory_space<vmem>>
      %dma_start3A_136 = tpu.memref_squeeze %dma_start3A_135 : memref<1x128x16xf32, #tpu.memory_space<vmem>> -> memref<128x16xf32, #tpu.memory_space<vmem>>
      %dma_start3A_137 = arith.constant 0 : i32
      %dma_start3A_138 = tpu.memref_slice %arg8[%add3A_131, %dma_start3A_137] : memref<78x128xi32, #tpu.memory_space<vmem>> -> memref<1x128xi32, #tpu.memory_space<vmem>>
      %dma_start3A_139 = tpu.memref_squeeze %dma_start3A_138 : memref<1x128xi32, #tpu.memory_space<vmem>> -> memref<128xi32, #tpu.memory_space<vmem>>
      %dma_start3A_140 = arith.constant 0 : i32
      %dma_start3A_141 = arith.constant 0 : i32
      %dma_start3A_142 = tpu.memref_slice %arg12[%dma_start3A_140, %dma_start3A_141] : memref<10240x16xf32, #tpu.memory_space<vmem_shared>> -> memref<10240x16xf32, #tpu.memory_space<vmem_shared>>
      tpu.enqueue_indirect_dma source(%dma_start3A_136 : memref<128x16xf32, #tpu.memory_space<vmem>>) target(%dma_start3A_142 : memref<10240x16xf32, #tpu.memory_space<vmem_shared>>) offsets(%dma_start3A_139 : memref<128xi32, #tpu.memory_space<vmem>>) semaphore(%arg19 : memref<!tpu.dma_semaphore, #tpu.memory_space<semaphore_mem>>) {add = true}
      %add3A_143 = arith.constant 1 : i32
      %add3A_144 = arith.addi %mul3A_116, %add3A_143 : i32
      %mul3A_145 = arith.constant 128 : i32
      %mul3A_146 = arith.muli %add3A_144, %mul3A_145 : i32
      %dma_wait3A_147 = arith.constant 1 : i32
      %dma_wait3A_148 = arith.constant 0 : i32
      %dma_wait3A_149 = arith.constant 0 : i32
      %dma_wait3A_150 = tpu.memref_slice %arg10[%dma_wait3A_147, %dma_wait3A_148, %dma_wait3A_149] : memref<6x128x16xf32, #tpu.memory_space<vmem>> -> memref<1x128x16xf32, #tpu.memory_space<vmem>>
      %dma_wait3A_151 = tpu.memref_squeeze %dma_wait3A_150 : memref<1x128x16xf32, #tpu.memory_space<vmem>> -> memref<128x16xf32, #tpu.memory_space<vmem>>
      %dma_wait3A_152 = tpu.memref_slice %arg6[%mul3A_146] : memref<10000xi32, #tpu.memory_space<vmem>> -> memref<128xi32, #tpu.memory_space<vmem>>
      %dma_wait3A_153 = arith.constant 0 : i32
      %dma_wait3A_154 = arith.constant 0 : i32
      %dma_wait3A_155 = tpu.memref_slice %arg3[%dma_wait3A_153, %dma_wait3A_154] : memref<10240x16xf32, #tpu.memory_space<hbm>> -> memref<10240x16xf32, #tpu.memory_space<hbm>>
      tpu.wait_indirect_dma semaphore(%arg14 : memref<!tpu.dma_semaphore, #tpu.memory_space<semaphore_mem>>) src(%dma_wait3A_155 : memref<10240x16xf32, #tpu.memory_space<hbm>>) dst(%dma_wait3A_151 : memref<128x16xf32, #tpu.memory_space<vmem>>)
      %add3A_156 = arith.constant 1 : i32
      %add3A_157 = arith.addi %mul3A_116, %add3A_156 : i32
      %dma_start3A_158 = arith.constant 1 : i32
      %dma_start3A_159 = arith.constant 0 : i32
      %dma_start3A_160 = arith.constant 0 : i32
      %dma_start3A_161 = tpu.memref_slice %arg10[%dma_start3A_158, %dma_start3A_159, %dma_start3A_160] : memref<6x128x16xf32, #tpu.memory_space<vmem>> -> memref<1x128x16xf32, #tpu.memory_space<vmem>>
      %dma_start3A_162 = tpu.memref_squeeze %dma_start3A_161 : memref<1x128x16xf32, #tpu.memory_space<vmem>> -> memref<128x16xf32, #tpu.memory_space<vmem>>
      %dma_start3A_163 = arith.constant 0 : i32
      %dma_start3A_164 = tpu.memref_slice %arg8[%add3A_157, %dma_start3A_163] : memref<78x128xi32, #tpu.memory_space<vmem>> -> memref<1x128xi32, #tpu.memory_space<vmem>>
      %dma_start3A_165 = tpu.memref_squeeze %dma_start3A_164 : memref<1x128xi32, #tpu.memory_space<vmem>> -> memref<128xi32, #tpu.memory_space<vmem>>
      %dma_start3A_166 = arith.constant 0 : i32
      %dma_start3A_167 = arith.constant 0 : i32
      %dma_start3A_168 = tpu.memref_slice %arg12[%dma_start3A_166, %dma_start3A_167] : memref<10240x16xf32, #tpu.memory_space<vmem_shared>> -> memref<10240x16xf32, #tpu.memory_space<vmem_shared>>
      tpu.enqueue_indirect_dma source(%dma_start3A_162 : memref<128x16xf32, #tpu.memory_space<vmem>>) target(%dma_start3A_168 : memref<10240x16xf32, #tpu.memory_space<vmem_shared>>) offsets(%dma_start3A_165 : memref<128xi32, #tpu.memory_space<vmem>>) semaphore(%arg19 : memref<!tpu.dma_semaphore, #tpu.memory_space<semaphore_mem>>) {add = true}
      %add3A_169 = arith.constant 2 : i32
      %add3A_170 = arith.addi %mul3A_116, %add3A_169 : i32
      %mul3A_171 = arith.constant 128 : i32
      %mul3A_172 = arith.muli %add3A_170, %mul3A_171 : i32
      %dma_wait3A_173 = arith.constant 2 : i32
      %dma_wait3A_174 = arith.constant 0 : i32
      %dma_wait3A_175 = arith.constant 0 : i32
      %dma_wait3A_176 = tpu.memref_slice %arg10[%dma_wait3A_173, %dma_wait3A_174, %dma_wait3A_175] : memref<6x128x16xf32, #tpu.memory_space<vmem>> -> memref<1x128x16xf32, #tpu.memory_space<vmem>>
      %dma_wait3A_177 = tpu.memref_squeeze %dma_wait3A_176 : memref<1x128x16xf32, #tpu.memory_space<vmem>> -> memref<128x16xf32, #tpu.memory_space<vmem>>
      %dma_wait3A_178 = tpu.memref_slice %arg6[%mul3A_172] : memref<10000xi32, #tpu.memory_space<vmem>> -> memref<128xi32, #tpu.memory_space<vmem>>
      %dma_wait3A_179 = arith.constant 0 : i32
      %dma_wait3A_180 = arith.constant 0 : i32
      %dma_wait3A_181 = tpu.memref_slice %arg3[%dma_wait3A_179, %dma_wait3A_180] : memref<10240x16xf32, #tpu.memory_space<hbm>> -> memref<10240x16xf32, #tpu.memory_space<hbm>>
      tpu.wait_indirect_dma semaphore(%arg15 : memref<!tpu.dma_semaphore, #tpu.memory_space<semaphore_mem>>) src(%dma_wait3A_181 : memref<10240x16xf32, #tpu.memory_space<hbm>>) dst(%dma_wait3A_177 : memref<128x16xf32, #tpu.memory_space<vmem>>)
      %add3A_182 = arith.constant 2 : i32
      %add3A_183 = arith.addi %mul3A_116, %add3A_182 : i32
      %dma_start3A_184 = arith.constant 2 : i32
      %dma_start3A_185 = arith.constant 0 : i32
      %dma_start3A_186 = arith.constant 0 : i32
      %dma_start3A_187 = tpu.memref_slice %arg10[%dma_start3A_184, %dma_start3A_185, %dma_start3A_186] : memref<6x128x16xf32, #tpu.memory_space<vmem>> -> memref<1x128x16xf32, #tpu.memory_space<vmem>>
      %dma_start3A_188 = tpu.memref_squeeze %dma_start3A_187 : memref<1x128x16xf32, #tpu.memory_space<vmem>> -> memref<128x16xf32, #tpu.memory_space<vmem>>
      %dma_start3A_189 = arith.constant 0 : i32
      %dma_start3A_190 = tpu.memref_slice %arg8[%add3A_183, %dma_start3A_189] : memref<78x128xi32, #tpu.memory_space<vmem>> -> memref<1x128xi32, #tpu.memory_space<vmem>>
      %dma_start3A_191 = tpu.memref_squeeze %dma_start3A_190 : memref<1x128xi32, #tpu.memory_space<vmem>> -> memref<128xi32, #tpu.memory_space<vmem>>
      %dma_start3A_192 = arith.constant 0 : i32
      %dma_start3A_193 = arith.constant 0 : i32
      %dma_start3A_194 = tpu.memref_slice %arg12[%dma_start3A_192, %dma_start3A_193] : memref<10240x16xf32, #tpu.memory_space<vmem_shared>> -> memref<10240x16xf32, #tpu.memory_space<vmem_shared>>
      tpu.enqueue_indirect_dma source(%dma_start3A_188 : memref<128x16xf32, #tpu.memory_space<vmem>>) target(%dma_start3A_194 : memref<10240x16xf32, #tpu.memory_space<vmem_shared>>) offsets(%dma_start3A_191 : memref<128xi32, #tpu.memory_space<vmem>>) semaphore(%arg19 : memref<!tpu.dma_semaphore, #tpu.memory_space<semaphore_mem>>) {add = true}
      %add3A_195 = arith.constant 3 : i32
      %add3A_196 = arith.addi %mul3A_116, %add3A_195 : i32
      %mul3A_197 = arith.constant 128 : i32
      %mul3A_198 = arith.muli %add3A_196, %mul3A_197 : i32
      %dma_wait3A_199 = arith.constant 3 : i32
      %dma_wait3A_200 = arith.constant 0 : i32
      %dma_wait3A_201 = arith.constant 0 : i32
      %dma_wait3A_202 = tpu.memref_slice %arg10[%dma_wait3A_199, %dma_wait3A_200, %dma_wait3A_201] : memref<6x128x16xf32, #tpu.memory_space<vmem>> -> memref<1x128x16xf32, #tpu.memory_space<vmem>>
      %dma_wait3A_203 = tpu.memref_squeeze %dma_wait3A_202 : memref<1x128x16xf32, #tpu.memory_space<vmem>> -> memref<128x16xf32, #tpu.memory_space<vmem>>
      %dma_wait3A_204 = tpu.memref_slice %arg6[%mul3A_198] : memref<10000xi32, #tpu.memory_space<vmem>> -> memref<128xi32, #tpu.memory_space<vmem>>
      %dma_wait3A_205 = arith.constant 0 : i32
      %dma_wait3A_206 = arith.constant 0 : i32
      %dma_wait3A_207 = tpu.memref_slice %arg3[%dma_wait3A_205, %dma_wait3A_206] : memref<10240x16xf32, #tpu.memory_space<hbm>> -> memref<10240x16xf32, #tpu.memory_space<hbm>>
      tpu.wait_indirect_dma semaphore(%arg16 : memref<!tpu.dma_semaphore, #tpu.memory_space<semaphore_mem>>) src(%dma_wait3A_207 : memref<10240x16xf32, #tpu.memory_space<hbm>>) dst(%dma_wait3A_203 : memref<128x16xf32, #tpu.memory_space<vmem>>)
      %add3A_208 = arith.constant 3 : i32
      %add3A_209 = arith.addi %mul3A_116, %add3A_208 : i32
      %dma_start3A_210 = arith.constant 3 : i32
      %dma_start3A_211 = arith.constant 0 : i32
      %dma_start3A_212 = arith.constant 0 : i32
      %dma_start3A_213 = tpu.memref_slice %arg10[%dma_start3A_210, %dma_start3A_211, %dma_start3A_212] : memref<6x128x16xf32, #tpu.memory_space<vmem>> -> memref<1x128x16xf32, #tpu.memory_space<vmem>>
      %dma_start3A_214 = tpu.memref_squeeze %dma_start3A_213 : memref<1x128x16xf32, #tpu.memory_space<vmem>> -> memref<128x16xf32, #tpu.memory_space<vmem>>
      %dma_start3A_215 = arith.constant 0 : i32
      %dma_start3A_216 = tpu.memref_slice %arg8[%add3A_209, %dma_start3A_215] : memref<78x128xi32, #tpu.memory_space<vmem>> -> memref<1x128xi32, #tpu.memory_space<vmem>>
      %dma_start3A_217 = tpu.memref_squeeze %dma_start3A_216 : memref<1x128xi32, #tpu.memory_space<vmem>> -> memref<128xi32, #tpu.memory_space<vmem>>
      %dma_start3A_218 = arith.constant 0 : i32
      %dma_start3A_219 = arith.constant 0 : i32
      %dma_start3A_220 = tpu.memref_slice %arg12[%dma_start3A_218, %dma_start3A_219] : memref<10240x16xf32, #tpu.memory_space<vmem_shared>> -> memref<10240x16xf32, #tpu.memory_space<vmem_shared>>
      tpu.enqueue_indirect_dma source(%dma_start3A_214 : memref<128x16xf32, #tpu.memory_space<vmem>>) target(%dma_start3A_220 : memref<10240x16xf32, #tpu.memory_space<vmem_shared>>) offsets(%dma_start3A_217 : memref<128xi32, #tpu.memory_space<vmem>>) semaphore(%arg19 : memref<!tpu.dma_semaphore, #tpu.memory_space<semaphore_mem>>) {add = true}
      %add3A_221 = arith.constant 4 : i32
      %add3A_222 = arith.addi %mul3A_116, %add3A_221 : i32
      %mul3A_223 = arith.constant 128 : i32
      %mul3A_224 = arith.muli %add3A_222, %mul3A_223 : i32
      %dma_wait3A_225 = arith.constant 4 : i32
      %dma_wait3A_226 = arith.constant 0 : i32
      %dma_wait3A_227 = arith.constant 0 : i32
      %dma_wait3A_228 = tpu.memref_slice %arg10[%dma_wait3A_225, %dma_wait3A_226, %dma_wait3A_227] : memref<6x128x16xf32, #tpu.memory_space<vmem>> -> memref<1x128x16xf32, #tpu.memory_space<vmem>>
      %dma_wait3A_229 = tpu.memref_squeeze %dma_wait3A_228 : memref<1x128x16xf32, #tpu.memory_space<vmem>> -> memref<128x16xf32, #tpu.memory_space<vmem>>
      %dma_wait3A_230 = tpu.memref_slice %arg6[%mul3A_224] : memref<10000xi32, #tpu.memory_space<vmem>> -> memref<128xi32, #tpu.memory_space<vmem>>
      %dma_wait3A_231 = arith.constant 0 : i32
      %dma_wait3A_232 = arith.constant 0 : i32
      %dma_wait3A_233 = tpu.memref_slice %arg3[%dma_wait3A_231, %dma_wait3A_232] : memref<10240x16xf32, #tpu.memory_space<hbm>> -> memref<10240x16xf32, #tpu.memory_space<hbm>>
      tpu.wait_indirect_dma semaphore(%arg17 : memref<!tpu.dma_semaphore, #tpu.memory_space<semaphore_mem>>) src(%dma_wait3A_233 : memref<10240x16xf32, #tpu.memory_space<hbm>>) dst(%dma_wait3A_229 : memref<128x16xf32, #tpu.memory_space<vmem>>)
      %add3A_234 = arith.constant 4 : i32
      %add3A_235 = arith.addi %mul3A_116, %add3A_234 : i32
      %dma_start3A_236 = arith.constant 4 : i32
      %dma_start3A_237 = arith.constant 0 : i32
      %dma_start3A_238 = arith.constant 0 : i32
      %dma_start3A_239 = tpu.memref_slice %arg10[%dma_start3A_236, %dma_start3A_237, %dma_start3A_238] : memref<6x128x16xf32, #tpu.memory_space<vmem>> -> memref<1x128x16xf32, #tpu.memory_space<vmem>>
      %dma_start3A_240 = tpu.memref_squeeze %dma_start3A_239 : memref<1x128x16xf32, #tpu.memory_space<vmem>> -> memref<128x16xf32, #tpu.memory_space<vmem>>
      %dma_start3A_241 = arith.constant 0 : i32
      %dma_start3A_242 = tpu.memref_slice %arg8[%add3A_235, %dma_start3A_241] : memref<78x128xi32, #tpu.memory_space<vmem>> -> memref<1x128xi32, #tpu.memory_space<vmem>>
      %dma_start3A_243 = tpu.memref_squeeze %dma_start3A_242 : memref<1x128xi32, #tpu.memory_space<vmem>> -> memref<128xi32, #tpu.memory_space<vmem>>
      %dma_start3A_244 = arith.constant 0 : i32
      %dma_start3A_245 = arith.constant 0 : i32
      %dma_start3A_246 = tpu.memref_slice %arg12[%dma_start3A_244, %dma_start3A_245] : memref<10240x16xf32, #tpu.memory_space<vmem_shared>> -> memref<10240x16xf32, #tpu.memory_space<vmem_shared>>
      tpu.enqueue_indirect_dma source(%dma_start3A_240 : memref<128x16xf32, #tpu.memory_space<vmem>>) target(%dma_start3A_246 : memref<10240x16xf32, #tpu.memory_space<vmem_shared>>) offsets(%dma_start3A_243 : memref<128xi32, #tpu.memory_space<vmem>>) semaphore(%arg19 : memref<!tpu.dma_semaphore, #tpu.memory_space<semaphore_mem>>) {add = true}
      %add3A_247 = arith.constant 5 : i32
      %add3A_248 = arith.addi %mul3A_116, %add3A_247 : i32
      %mul3A_249 = arith.constant 128 : i32
      %mul3A_250 = arith.muli %add3A_248, %mul3A_249 : i32
      %dma_wait3A_251 = arith.constant 5 : i32
      %dma_wait3A_252 = arith.constant 0 : i32
      %dma_wait3A_253 = arith.constant 0 : i32
      %dma_wait3A_254 = tpu.memref_slice %arg10[%dma_wait3A_251, %dma_wait3A_252, %dma_wait3A_253] : memref<6x128x16xf32, #tpu.memory_space<vmem>> -> memref<1x128x16xf32, #tpu.memory_space<vmem>>
      %dma_wait3A_255 = tpu.memref_squeeze %dma_wait3A_254 : memref<1x128x16xf32, #tpu.memory_space<vmem>> -> memref<128x16xf32, #tpu.memory_space<vmem>>
      %dma_wait3A_256 = tpu.memref_slice %arg6[%mul3A_250] : memref<10000xi32, #tpu.memory_space<vmem>> -> memref<128xi32, #tpu.memory_space<vmem>>
      %dma_wait3A_257 = arith.constant 0 : i32
      %dma_wait3A_258 = arith.constant 0 : i32
      %dma_wait3A_259 = tpu.memref_slice %arg3[%dma_wait3A_257, %dma_wait3A_258] : memref<10240x16xf32, #tpu.memory_space<hbm>> -> memref<10240x16xf32, #tpu.memory_space<hbm>>
      tpu.wait_indirect_dma semaphore(%arg18 : memref<!tpu.dma_semaphore, #tpu.memory_space<semaphore_mem>>) src(%dma_wait3A_259 : memref<10240x16xf32, #tpu.memory_space<hbm>>) dst(%dma_wait3A_255 : memref<128x16xf32, #tpu.memory_space<vmem>>)
      %add3A_260 = arith.constant 5 : i32
      %add3A_261 = arith.addi %mul3A_116, %add3A_260 : i32
      %dma_start3A_262 = arith.constant 5 : i32
      %dma_start3A_263 = arith.constant 0 : i32
      %dma_start3A_264 = arith.constant 0 : i32
      %dma_start3A_265 = tpu.memref_slice %arg10[%dma_start3A_262, %dma_start3A_263, %dma_start3A_264] : memref<6x128x16xf32, #tpu.memory_space<vmem>> -> memref<1x128x16xf32, #tpu.memory_space<vmem>>
      %dma_start3A_266 = tpu.memref_squeeze %dma_start3A_265 : memref<1x128x16xf32, #tpu.memory_space<vmem>> -> memref<128x16xf32, #tpu.memory_space<vmem>>
      %dma_start3A_267 = arith.constant 0 : i32
      %dma_start3A_268 = tpu.memref_slice %arg8[%add3A_261, %dma_start3A_267] : memref<78x128xi32, #tpu.memory_space<vmem>> -> memref<1x128xi32, #tpu.memory_space<vmem>>
      %dma_start3A_269 = tpu.memref_squeeze %dma_start3A_268 : memref<1x128xi32, #tpu.memory_space<vmem>> -> memref<128xi32, #tpu.memory_space<vmem>>
      %dma_start3A_270 = arith.constant 0 : i32
      %dma_start3A_271 = arith.constant 0 : i32
      %dma_start3A_272 = tpu.memref_slice %arg12[%dma_start3A_270, %dma_start3A_271] : memref<10240x16xf32, #tpu.memory_space<vmem_shared>> -> memref<10240x16xf32, #tpu.memory_space<vmem_shared>>
      tpu.enqueue_indirect_dma source(%dma_start3A_266 : memref<128x16xf32, #tpu.memory_space<vmem>>) target(%dma_start3A_272 : memref<10240x16xf32, #tpu.memory_space<vmem_shared>>) offsets(%dma_start3A_269 : memref<128xi32, #tpu.memory_space<vmem>>) semaphore(%arg19 : memref<!tpu.dma_semaphore, #tpu.memory_space<semaphore_mem>>) {add = true}
      %add3A_273 = arith.constant 0 : i32
      %add3A_274 = arith.addi %mul3A_116, %add3A_273 : i32
      %dma_wait3A_275 = arith.constant 0 : i32
      %dma_wait3A_276 = arith.constant 0 : i32
      %dma_wait3A_277 = arith.constant 0 : i32
      %dma_wait3A_278 = tpu.memref_slice %arg10[%dma_wait3A_275, %dma_wait3A_276, %dma_wait3A_277] : memref<6x128x16xf32, #tpu.memory_space<vmem>> -> memref<1x128x16xf32, #tpu.memory_space<vmem>>
      %dma_wait3A_279 = tpu.memref_squeeze %dma_wait3A_278 : memref<1x128x16xf32, #tpu.memory_space<vmem>> -> memref<128x16xf32, #tpu.memory_space<vmem>>
      %dma_wait3A_280 = arith.constant 0 : i32
      %dma_wait3A_281 = tpu.memref_slice %arg8[%add3A_274, %dma_wait3A_280] : memref<78x128xi32, #tpu.memory_space<vmem>> -> memref<1x128xi32, #tpu.memory_space<vmem>>
      %dma_wait3A_282 = tpu.memref_squeeze %dma_wait3A_281 : memref<1x128xi32, #tpu.memory_space<vmem>> -> memref<128xi32, #tpu.memory_space<vmem>>
      %dma_wait3A_283 = arith.constant 0 : i32
      %dma_wait3A_284 = arith.constant 0 : i32
      %dma_wait3A_285 = tpu.memref_slice %arg12[%dma_wait3A_283, %dma_wait3A_284] : memref<10240x16xf32, #tpu.memory_space<vmem_shared>> -> memref<10240x16xf32, #tpu.memory_space<vmem_shared>>
      tpu.wait_indirect_dma semaphore(%arg19 : memref<!tpu.dma_semaphore, #tpu.memory_space<semaphore_mem>>) src(%dma_wait3A_279 : memref<128x16xf32, #tpu.memory_space<vmem>>) dst(%dma_wait3A_285 : memref<10240x16xf32, #tpu.memory_space<vmem_shared>>)
      %add3A_286 = arith.constant 1 : i32
      %add3A_287 = arith.addi %mul3A_116, %add3A_286 : i32
      %dma_wait3A_288 = arith.constant 1 : i32
      %dma_wait3A_289 = arith.constant 0 : i32
      %dma_wait3A_290 = arith.constant 0 : i32
      %dma_wait3A_291 = tpu.memref_slice %arg10[%dma_wait3A_288, %dma_wait3A_289, %dma_wait3A_290] : memref<6x128x16xf32, #tpu.memory_space<vmem>> -> memref<1x128x16xf32, #tpu.memory_space<vmem>>
      %dma_wait3A_292 = tpu.memref_squeeze %dma_wait3A_291 : memref<1x128x16xf32, #tpu.memory_space<vmem>> -> memref<128x16xf32, #tpu.memory_space<vmem>>
      %dma_wait3A_293 = arith.constant 0 : i32
      %dma_wait3A_294 = tpu.memref_slice %arg8[%add3A_287, %dma_wait3A_293] : memref<78x128xi32, #tpu.memory_space<vmem>> -> memref<1x128xi32, #tpu.memory_space<vmem>>
      %dma_wait3A_295 = tpu.memref_squeeze %dma_wait3A_294 : memref<1x128xi32, #tpu.memory_space<vmem>> -> memref<128xi32, #tpu.memory_space<vmem>>
      %dma_wait3A_296 = arith.constant 0 : i32
      %dma_wait3A_297 = arith.constant 0 : i32
      %dma_wait3A_298 = tpu.memref_slice %arg12[%dma_wait3A_296, %dma_wait3A_297] : memref<10240x16xf32, #tpu.memory_space<vmem_shared>> -> memref<10240x16xf32, #tpu.memory_space<vmem_shared>>
      tpu.wait_indirect_dma semaphore(%arg19 : memref<!tpu.dma_semaphore, #tpu.memory_space<semaphore_mem>>) src(%dma_wait3A_292 : memref<128x16xf32, #tpu.memory_space<vmem>>) dst(%dma_wait3A_298 : memref<10240x16xf32, #tpu.memory_space<vmem_shared>>)
      %add3A_299 = arith.constant 2 : i32
      %add3A_300 = arith.addi %mul3A_116, %add3A_299 : i32
      %dma_wait3A_301 = arith.constant 2 : i32
      %dma_wait3A_302 = arith.constant 0 : i32
      %dma_wait3A_303 = arith.constant 0 : i32
      %dma_wait3A_304 = tpu.memref_slice %arg10[%dma_wait3A_301, %dma_wait3A_302, %dma_wait3A_303] : memref<6x128x16xf32, #tpu.memory_space<vmem>> -> memref<1x128x16xf32, #tpu.memory_space<vmem>>
      %dma_wait3A_305 = tpu.memref_squeeze %dma_wait3A_304 : memref<1x128x16xf32, #tpu.memory_space<vmem>> -> memref<128x16xf32, #tpu.memory_space<vmem>>
      %dma_wait3A_306 = arith.constant 0 : i32
      %dma_wait3A_307 = tpu.memref_slice %arg8[%add3A_300, %dma_wait3A_306] : memref<78x128xi32, #tpu.memory_space<vmem>> -> memref<1x128xi32, #tpu.memory_space<vmem>>
      %dma_wait3A_308 = tpu.memref_squeeze %dma_wait3A_307 : memref<1x128xi32, #tpu.memory_space<vmem>> -> memref<128xi32, #tpu.memory_space<vmem>>
      %dma_wait3A_309 = arith.constant 0 : i32
      %dma_wait3A_310 = arith.constant 0 : i32
      %dma_wait3A_311 = tpu.memref_slice %arg12[%dma_wait3A_309, %dma_wait3A_310] : memref<10240x16xf32, #tpu.memory_space<vmem_shared>> -> memref<10240x16xf32, #tpu.memory_space<vmem_shared>>
      tpu.wait_indirect_dma semaphore(%arg19 : memref<!tpu.dma_semaphore, #tpu.memory_space<semaphore_mem>>) src(%dma_wait3A_305 : memref<128x16xf32, #tpu.memory_space<vmem>>) dst(%dma_wait3A_311 : memref<10240x16xf32, #tpu.memory_space<vmem_shared>>)
      %add3A_312 = arith.constant 3 : i32
      %add3A_313 = arith.addi %mul3A_116, %add3A_312 : i32
      %dma_wait3A_314 = arith.constant 3 : i32
      %dma_wait3A_315 = arith.constant 0 : i32
      %dma_wait3A_316 = arith.constant 0 : i32
      %dma_wait3A_317 = tpu.memref_slice %arg10[%dma_wait3A_314, %dma_wait3A_315, %dma_wait3A_316] : memref<6x128x16xf32, #tpu.memory_space<vmem>> -> memref<1x128x16xf32, #tpu.memory_space<vmem>>
      %dma_wait3A_318 = tpu.memref_squeeze %dma_wait3A_317 : memref<1x128x16xf32, #tpu.memory_space<vmem>> -> memref<128x16xf32, #tpu.memory_space<vmem>>
      %dma_wait3A_319 = arith.constant 0 : i32
      %dma_wait3A_320 = tpu.memref_slice %arg8[%add3A_313, %dma_wait3A_319] : memref<78x128xi32, #tpu.memory_space<vmem>> -> memref<1x128xi32, #tpu.memory_space<vmem>>
      %dma_wait3A_321 = tpu.memref_squeeze %dma_wait3A_320 : memref<1x128xi32, #tpu.memory_space<vmem>> -> memref<128xi32, #tpu.memory_space<vmem>>
      %dma_wait3A_322 = arith.constant 0 : i32
      %dma_wait3A_323 = arith.constant 0 : i32
      %dma_wait3A_324 = tpu.memref_slice %arg12[%dma_wait3A_322, %dma_wait3A_323] : memref<10240x16xf32, #tpu.memory_space<vmem_shared>> -> memref<10240x16xf32, #tpu.memory_space<vmem_shared>>
      tpu.wait_indirect_dma semaphore(%arg19 : memref<!tpu.dma_semaphore, #tpu.memory_space<semaphore_mem>>) src(%dma_wait3A_318 : memref<128x16xf32, #tpu.memory_space<vmem>>) dst(%dma_wait3A_324 : memref<10240x16xf32, #tpu.memory_space<vmem_shared>>)
      %add3A_325 = arith.constant 4 : i32
      %add3A_326 = arith.addi %mul3A_116, %add3A_325 : i32
      %dma_wait3A_327 = arith.constant 4 : i32
      %dma_wait3A_328 = arith.constant 0 : i32
      %dma_wait3A_329 = arith.constant 0 : i32
      %dma_wait3A_330 = tpu.memref_slice %arg10[%dma_wait3A_327, %dma_wait3A_328, %dma_wait3A_329] : memref<6x128x16xf32, #tpu.memory_space<vmem>> -> memref<1x128x16xf32, #tpu.memory_space<vmem>>
      %dma_wait3A_331 = tpu.memref_squeeze %dma_wait3A_330 : memref<1x128x16xf32, #tpu.memory_space<vmem>> -> memref<128x16xf32, #tpu.memory_space<vmem>>
      %dma_wait3A_332 = arith.constant 0 : i32
      %dma_wait3A_333 = tpu.memref_slice %arg8[%add3A_326, %dma_wait3A_332] : memref<78x128xi32, #tpu.memory_space<vmem>> -> memref<1x128xi32, #tpu.memory_space<vmem>>
      %dma_wait3A_334 = tpu.memref_squeeze %dma_wait3A_333 : memref<1x128xi32, #tpu.memory_space<vmem>> -> memref<128xi32, #tpu.memory_space<vmem>>
      %dma_wait3A_335 = arith.constant 0 : i32
      %dma_wait3A_336 = arith.constant 0 : i32
      %dma_wait3A_337 = tpu.memref_slice %arg12[%dma_wait3A_335, %dma_wait3A_336] : memref<10240x16xf32, #tpu.memory_space<vmem_shared>> -> memref<10240x16xf32, #tpu.memory_space<vmem_shared>>
      tpu.wait_indirect_dma semaphore(%arg19 : memref<!tpu.dma_semaphore, #tpu.memory_space<semaphore_mem>>) src(%dma_wait3A_331 : memref<128x16xf32, #tpu.memory_space<vmem>>) dst(%dma_wait3A_337 : memref<10240x16xf32, #tpu.memory_space<vmem_shared>>)
      %add3A_338 = arith.constant 5 : i32
      %add3A_339 = arith.addi %mul3A_116, %add3A_338 : i32
      %dma_wait3A_340 = arith.constant 5 : i32
      %dma_wait3A_341 = arith.constant 0 : i32
      %dma_wait3A_342 = arith.constant 0 : i32
      %dma_wait3A_343 = tpu.memref_slice %arg10[%dma_wait3A_340, %dma_wait3A_341, %dma_wait3A_342] : memref<6x128x16xf32, #tpu.memory_space<vmem>> -> memref<1x128x16xf32, #tpu.memory_space<vmem>>
      %dma_wait3A_344 = tpu.memref_squeeze %dma_wait3A_343 : memref<1x128x16xf32, #tpu.memory_space<vmem>> -> memref<128x16xf32, #tpu.memory_space<vmem>>
      %dma_wait3A_345 = arith.constant 0 : i32
      %dma_wait3A_346 = tpu.memref_slice %arg8[%add3A_339, %dma_wait3A_345] : memref<78x128xi32, #tpu.memory_space<vmem>> -> memref<1x128xi32, #tpu.memory_space<vmem>>
      %dma_wait3A_347 = tpu.memref_squeeze %dma_wait3A_346 : memref<1x128xi32, #tpu.memory_space<vmem>> -> memref<128xi32, #tpu.memory_space<vmem>>
      %dma_wait3A_348 = arith.constant 0 : i32
      %dma_wait3A_349 = arith.constant 0 : i32
      %dma_wait3A_350 = tpu.memref_slice %arg12[%dma_wait3A_348, %dma_wait3A_349] : memref<10240x16xf32, #tpu.memory_space<vmem_shared>> -> memref<10240x16xf32, #tpu.memory_space<vmem_shared>>
      tpu.wait_indirect_dma semaphore(%arg19 : memref<!tpu.dma_semaphore, #tpu.memory_space<semaphore_mem>>) src(%dma_wait3A_344 : memref<128x16xf32, #tpu.memory_space<vmem>>) dst(%dma_wait3A_350 : memref<10240x16xf32, #tpu.memory_space<vmem_shared>>)
      %add3A_351 = arith.constant 6 : i32
      %add3A_352 = arith.addi %mul3A_116, %add3A_351 : i32
      %add3A_353 = arith.constant 0 : i32
      %add3A_354 = arith.addi %add3A_352, %add3A_353 : i32
      %lt3A = arith.constant 78 : i32
      %lt3A_355 = arith.cmpi slt, %add3A_354, %lt3A : i32
      %convert_element_type3A = arith.extui %lt3A_355 : i1 to i32
      %cond3A = arith.constant 0 : i32
      %cond3A_356 = arith.cmpi ne, %convert_element_type3A, %cond3A : i32
      scf.if %cond3A_356 {
        %mul3A_402 = arith.constant 128 : i32
        %mul3A_403 = arith.muli %add3A_354, %mul3A_402 : i32
        %dma_start3A_404 = arith.constant 0 : i32
        %dma_start3A_405 = arith.constant 0 : i32
        %dma_start3A_406 = arith.constant 0 : i32
        %dma_start3A_407 = tpu.memref_slice %arg10[%dma_start3A_404, %dma_start3A_405, %dma_start3A_406] : memref<6x128x16xf32, #tpu.memory_space<vmem>> -> memref<1x128x16xf32, #tpu.memory_space<vmem>>
        %dma_start3A_408 = tpu.memref_squeeze %dma_start3A_407 : memref<1x128x16xf32, #tpu.memory_space<vmem>> -> memref<128x16xf32, #tpu.memory_space<vmem>>
        %dma_start3A_409 = tpu.memref_slice %arg6[%mul3A_403] : memref<10000xi32, #tpu.memory_space<vmem>> -> memref<128xi32, #tpu.memory_space<vmem>>
        %dma_start3A_410 = arith.constant 0 : i32
        %dma_start3A_411 = arith.constant 0 : i32
        %dma_start3A_412 = tpu.memref_slice %arg3[%dma_start3A_410, %dma_start3A_411] : memref<10240x16xf32, #tpu.memory_space<hbm>> -> memref<10240x16xf32, #tpu.memory_space<hbm>>
        tpu.enqueue_indirect_dma source(%dma_start3A_412 : memref<10240x16xf32, #tpu.memory_space<hbm>>) target(%dma_start3A_408 : memref<128x16xf32, #tpu.memory_space<vmem>>) offsets(%dma_start3A_409 : memref<128xi32, #tpu.memory_space<vmem>>) semaphore(%arg13 : memref<!tpu.dma_semaphore, #tpu.memory_space<semaphore_mem>>)
      } else {
      }
      %add3A_357 = arith.constant 6 : i32
      %add3A_358 = arith.addi %mul3A_116, %add3A_357 : i32
      %add3A_359 = arith.constant 1 : i32
      %add3A_360 = arith.addi %add3A_358, %add3A_359 : i32
      %lt3A_361 = arith.constant 78 : i32
      %lt3A_362 = arith.cmpi slt, %add3A_360, %lt3A_361 : i32
      %convert_element_type3A_363 = arith.extui %lt3A_362 : i1 to i32
      %cond3A_364 = arith.constant 0 : i32
      %cond3A_365 = arith.cmpi ne, %convert_element_type3A_363, %cond3A_364 : i32
      scf.if %cond3A_365 {
        %mul3A_402 = arith.constant 128 : i32
        %mul3A_403 = arith.muli %add3A_360, %mul3A_402 : i32
        %dma_start3A_404 = arith.constant 1 : i32
        %dma_start3A_405 = arith.constant 0 : i32
        %dma_start3A_406 = arith.constant 0 : i32
        %dma_start3A_407 = tpu.memref_slice %arg10[%dma_start3A_404, %dma_start3A_405, %dma_start3A_406] : memref<6x128x16xf32, #tpu.memory_space<vmem>> -> memref<1x128x16xf32, #tpu.memory_space<vmem>>
        %dma_start3A_408 = tpu.memref_squeeze %dma_start3A_407 : memref<1x128x16xf32, #tpu.memory_space<vmem>> -> memref<128x16xf32, #tpu.memory_space<vmem>>
        %dma_start3A_409 = tpu.memref_slice %arg6[%mul3A_403] : memref<10000xi32, #tpu.memory_space<vmem>> -> memref<128xi32, #tpu.memory_space<vmem>>
        %dma_start3A_410 = arith.constant 0 : i32
        %dma_start3A_411 = arith.constant 0 : i32
        %dma_start3A_412 = tpu.memref_slice %arg3[%dma_start3A_410, %dma_start3A_411] : memref<10240x16xf32, #tpu.memory_space<hbm>> -> memref<10240x16xf32, #tpu.memory_space<hbm>>
        tpu.enqueue_indirect_dma source(%dma_start3A_412 : memref<10240x16xf32, #tpu.memory_space<hbm>>) target(%dma_start3A_408 : memref<128x16xf32, #tpu.memory_space<vmem>>) offsets(%dma_start3A_409 : memref<128xi32, #tpu.memory_space<vmem>>) semaphore(%arg14 : memref<!tpu.dma_semaphore, #tpu.memory_space<semaphore_mem>>)
      } else {
      }
      %add3A_366 = arith.constant 6 : i32
      %add3A_367 = arith.addi %mul3A_116, %add3A_366 : i32
      %add3A_368 = arith.constant 2 : i32
      %add3A_369 = arith.addi %add3A_367, %add3A_368 : i32
      %lt3A_370 = arith.constant 78 : i32
      %lt3A_371 = arith.cmpi slt, %add3A_369, %lt3A_370 : i32
      %convert_element_type3A_372 = arith.extui %lt3A_371 : i1 to i32
      %cond3A_373 = arith.constant 0 : i32
      %cond3A_374 = arith.cmpi ne, %convert_element_type3A_372, %cond3A_373 : i32
      scf.if %cond3A_374 {
        %mul3A_402 = arith.constant 128 : i32
        %mul3A_403 = arith.muli %add3A_369, %mul3A_402 : i32
        %dma_start3A_404 = arith.constant 2 : i32
        %dma_start3A_405 = arith.constant 0 : i32
        %dma_start3A_406 = arith.constant 0 : i32
        %dma_start3A_407 = tpu.memref_slice %arg10[%dma_start3A_404, %dma_start3A_405, %dma_start3A_406] : memref<6x128x16xf32, #tpu.memory_space<vmem>> -> memref<1x128x16xf32, #tpu.memory_space<vmem>>
        %dma_start3A_408 = tpu.memref_squeeze %dma_start3A_407 : memref<1x128x16xf32, #tpu.memory_space<vmem>> -> memref<128x16xf32, #tpu.memory_space<vmem>>
        %dma_start3A_409 = tpu.memref_slice %arg6[%mul3A_403] : memref<10000xi32, #tpu.memory_space<vmem>> -> memref<128xi32, #tpu.memory_space<vmem>>
        %dma_start3A_410 = arith.constant 0 : i32
        %dma_start3A_411 = arith.constant 0 : i32
        %dma_start3A_412 = tpu.memref_slice %arg3[%dma_start3A_410, %dma_start3A_411] : memref<10240x16xf32, #tpu.memory_space<hbm>> -> memref<10240x16xf32, #tpu.memory_space<hbm>>
        tpu.enqueue_indirect_dma source(%dma_start3A_412 : memref<10240x16xf32, #tpu.memory_space<hbm>>) target(%dma_start3A_408 : memref<128x16xf32, #tpu.memory_space<vmem>>) offsets(%dma_start3A_409 : memref<128xi32, #tpu.memory_space<vmem>>) semaphore(%arg15 : memref<!tpu.dma_semaphore, #tpu.memory_space<semaphore_mem>>)
      } else {
      }
      %add3A_375 = arith.constant 6 : i32
      %add3A_376 = arith.addi %mul3A_116, %add3A_375 : i32
      %add3A_377 = arith.constant 3 : i32
      %add3A_378 = arith.addi %add3A_376, %add3A_377 : i32
      %lt3A_379 = arith.constant 78 : i32
      %lt3A_380 = arith.cmpi slt, %add3A_378, %lt3A_379 : i32
      %convert_element_type3A_381 = arith.extui %lt3A_380 : i1 to i32
      %cond3A_382 = arith.constant 0 : i32
      %cond3A_383 = arith.cmpi ne, %convert_element_type3A_381, %cond3A_382 : i32
      scf.if %cond3A_383 {
        %mul3A_402 = arith.constant 128 : i32
        %mul3A_403 = arith.muli %add3A_378, %mul3A_402 : i32
        %dma_start3A_404 = arith.constant 3 : i32
        %dma_start3A_405 = arith.constant 0 : i32
        %dma_start3A_406 = arith.constant 0 : i32
        %dma_start3A_407 = tpu.memref_slice %arg10[%dma_start3A_404, %dma_start3A_405, %dma_start3A_406] : memref<6x128x16xf32, #tpu.memory_space<vmem>> -> memref<1x128x16xf32, #tpu.memory_space<vmem>>
        %dma_start3A_408 = tpu.memref_squeeze %dma_start3A_407 : memref<1x128x16xf32, #tpu.memory_space<vmem>> -> memref<128x16xf32, #tpu.memory_space<vmem>>
        %dma_start3A_409 = tpu.memref_slice %arg6[%mul3A_403] : memref<10000xi32, #tpu.memory_space<vmem>> -> memref<128xi32, #tpu.memory_space<vmem>>
        %dma_start3A_410 = arith.constant 0 : i32
        %dma_start3A_411 = arith.constant 0 : i32
        %dma_start3A_412 = tpu.memref_slice %arg3[%dma_start3A_410, %dma_start3A_411] : memref<10240x16xf32, #tpu.memory_space<hbm>> -> memref<10240x16xf32, #tpu.memory_space<hbm>>
        tpu.enqueue_indirect_dma source(%dma_start3A_412 : memref<10240x16xf32, #tpu.memory_space<hbm>>) target(%dma_start3A_408 : memref<128x16xf32, #tpu.memory_space<vmem>>) offsets(%dma_start3A_409 : memref<128xi32, #tpu.memory_space<vmem>>) semaphore(%arg16 : memref<!tpu.dma_semaphore, #tpu.memory_space<semaphore_mem>>)
      } else {
      }
      %add3A_384 = arith.constant 6 : i32
      %add3A_385 = arith.addi %mul3A_116, %add3A_384 : i32
      %add3A_386 = arith.constant 4 : i32
      %add3A_387 = arith.addi %add3A_385, %add3A_386 : i32
      %lt3A_388 = arith.constant 78 : i32
      %lt3A_389 = arith.cmpi slt, %add3A_387, %lt3A_388 : i32
      %convert_element_type3A_390 = arith.extui %lt3A_389 : i1 to i32
      %cond3A_391 = arith.constant 0 : i32
      %cond3A_392 = arith.cmpi ne, %convert_element_type3A_390, %cond3A_391 : i32
      scf.if %cond3A_392 {
        %mul3A_402 = arith.constant 128 : i32
        %mul3A_403 = arith.muli %add3A_387, %mul3A_402 : i32
        %dma_start3A_404 = arith.constant 4 : i32
        %dma_start3A_405 = arith.constant 0 : i32
        %dma_start3A_406 = arith.constant 0 : i32
        %dma_start3A_407 = tpu.memref_slice %arg10[%dma_start3A_404, %dma_start3A_405, %dma_start3A_406] : memref<6x128x16xf32, #tpu.memory_space<vmem>> -> memref<1x128x16xf32, #tpu.memory_space<vmem>>
        %dma_start3A_408 = tpu.memref_squeeze %dma_start3A_407 : memref<1x128x16xf32, #tpu.memory_space<vmem>> -> memref<128x16xf32, #tpu.memory_space<vmem>>
        %dma_start3A_409 = tpu.memref_slice %arg6[%mul3A_403] : memref<10000xi32, #tpu.memory_space<vmem>> -> memref<128xi32, #tpu.memory_space<vmem>>
        %dma_start3A_410 = arith.constant 0 : i32
        %dma_start3A_411 = arith.constant 0 : i32
        %dma_start3A_412 = tpu.memref_slice %arg3[%dma_start3A_410, %dma_start3A_411] : memref<10240x16xf32, #tpu.memory_space<hbm>> -> memref<10240x16xf32, #tpu.memory_space<hbm>>
        tpu.enqueue_indirect_dma source(%dma_start3A_412 : memref<10240x16xf32, #tpu.memory_space<hbm>>) target(%dma_start3A_408 : memref<128x16xf32, #tpu.memory_space<vmem>>) offsets(%dma_start3A_409 : memref<128xi32, #tpu.memory_space<vmem>>) semaphore(%arg17 : memref<!tpu.dma_semaphore, #tpu.memory_space<semaphore_mem>>)
      } else {
      }
      %add3A_393 = arith.constant 6 : i32
      %add3A_394 = arith.addi %mul3A_116, %add3A_393 : i32
      %add3A_395 = arith.constant 5 : i32
      %add3A_396 = arith.addi %add3A_394, %add3A_395 : i32
      %lt3A_397 = arith.constant 78 : i32
      %lt3A_398 = arith.cmpi slt, %add3A_396, %lt3A_397 : i32
      %convert_element_type3A_399 = arith.extui %lt3A_398 : i1 to i32
      %cond3A_400 = arith.constant 0 : i32
      %cond3A_401 = arith.cmpi ne, %convert_element_type3A_399, %cond3A_400 : i32
      scf.if %cond3A_401 {
        %mul3A_402 = arith.constant 128 : i32
        %mul3A_403 = arith.muli %add3A_396, %mul3A_402 : i32
        %dma_start3A_404 = arith.constant 5 : i32
        %dma_start3A_405 = arith.constant 0 : i32
        %dma_start3A_406 = arith.constant 0 : i32
        %dma_start3A_407 = tpu.memref_slice %arg10[%dma_start3A_404, %dma_start3A_405, %dma_start3A_406] : memref<6x128x16xf32, #tpu.memory_space<vmem>> -> memref<1x128x16xf32, #tpu.memory_space<vmem>>
        %dma_start3A_408 = tpu.memref_squeeze %dma_start3A_407 : memref<1x128x16xf32, #tpu.memory_space<vmem>> -> memref<128x16xf32, #tpu.memory_space<vmem>>
        %dma_start3A_409 = tpu.memref_slice %arg6[%mul3A_403] : memref<10000xi32, #tpu.memory_space<vmem>> -> memref<128xi32, #tpu.memory_space<vmem>>
        %dma_start3A_410 = arith.constant 0 : i32
        %dma_start3A_411 = arith.constant 0 : i32
        %dma_start3A_412 = tpu.memref_slice %arg3[%dma_start3A_410, %dma_start3A_411] : memref<10240x16xf32, #tpu.memory_space<hbm>> -> memref<10240x16xf32, #tpu.memory_space<hbm>>
        tpu.enqueue_indirect_dma source(%dma_start3A_412 : memref<10240x16xf32, #tpu.memory_space<hbm>>) target(%dma_start3A_408 : memref<128x16xf32, #tpu.memory_space<vmem>>) offsets(%dma_start3A_409 : memref<128xi32, #tpu.memory_space<vmem>>) semaphore(%arg18 : memref<!tpu.dma_semaphore, #tpu.memory_space<semaphore_mem>>)
      } else {
      }
    }
    %scan3A_102 = arith.constant 13 : i32
    %run_scoped3A = arith.constant 0 : i32
    "tpu.region"() ({
      %run_scoped3A_110 = tpu.sem_alloc : memref<!tpu.dma_semaphore, #tpu.memory_space<semaphore_mem>>
      %dma_start3A_111 = arith.constant 0 : i32
      %dma_start3A_112 = arith.constant 0 : i32
      %dma_start3A_113 = tpu.memref_slice %arg10[%run_scoped3A, %dma_start3A_111, %dma_start3A_112] : memref<6x128x16xf32, #tpu.memory_space<vmem>> -> memref<1x16x16xf32, #tpu.memory_space<vmem>>
      %dma_start3A_114 = tpu.memref_squeeze %dma_start3A_113 : memref<1x16x16xf32, #tpu.memory_space<vmem>> -> memref<16x16xf32, #tpu.memory_space<vmem>>
      %dma_start3A_115 = arith.constant 9984 : i32
      %dma_start3A_116 = tpu.memref_slice %arg6[%dma_start3A_115] : memref<10000xi32, #tpu.memory_space<vmem>> -> memref<16xi32, #tpu.memory_space<vmem>>
      %dma_start3A_117 = arith.constant 0 : i32
      %dma_start3A_118 = arith.constant 0 : i32
      %dma_start3A_119 = tpu.memref_slice %arg3[%dma_start3A_117, %dma_start3A_118] : memref<10240x16xf32, #tpu.memory_space<hbm>> -> memref<10240x16xf32, #tpu.memory_space<hbm>>
      tpu.enqueue_indirect_dma source(%dma_start3A_119 : memref<10240x16xf32, #tpu.memory_space<hbm>>) target(%dma_start3A_114 : memref<16x16xf32, #tpu.memory_space<vmem>>) offsets(%dma_start3A_116 : memref<16xi32, #tpu.memory_space<vmem>>) semaphore(%run_scoped3A_110 : memref<!tpu.dma_semaphore, #tpu.memory_space<semaphore_mem>>)
      %dma_wait3A_120 = arith.constant 0 : i32
      %dma_wait3A_121 = arith.constant 0 : i32
      %dma_wait3A_122 = tpu.memref_slice %arg10[%run_scoped3A, %dma_wait3A_120, %dma_wait3A_121] : memref<6x128x16xf32, #tpu.memory_space<vmem>> -> memref<1x16x16xf32, #tpu.memory_space<vmem>>
      %dma_wait3A_123 = tpu.memref_squeeze %dma_wait3A_122 : memref<1x16x16xf32, #tpu.memory_space<vmem>> -> memref<16x16xf32, #tpu.memory_space<vmem>>
      %dma_wait3A_124 = arith.constant 9984 : i32
      %dma_wait3A_125 = tpu.memref_slice %arg6[%dma_wait3A_124] : memref<10000xi32, #tpu.memory_space<vmem>> -> memref<16xi32, #tpu.memory_space<vmem>>
      %dma_wait3A_126 = arith.constant 0 : i32
      %dma_wait3A_127 = arith.constant 0 : i32
      %dma_wait3A_128 = tpu.memref_slice %arg3[%dma_wait3A_126, %dma_wait3A_127] : memref<10240x16xf32, #tpu.memory_space<hbm>> -> memref<10240x16xf32, #tpu.memory_space<hbm>>
      tpu.wait_indirect_dma semaphore(%run_scoped3A_110 : memref<!tpu.dma_semaphore, #tpu.memory_space<semaphore_mem>>) src(%dma_wait3A_128 : memref<10240x16xf32, #tpu.memory_space<hbm>>) dst(%dma_wait3A_123 : memref<16x16xf32, #tpu.memory_space<vmem>>)
      tpu.yield
    }) : () -> ()
    %run_scoped3A_103 = arith.constant 0 : i32
    "tpu.region"() ({
      %run_scoped3A_110 = tpu.sem_alloc : memref<!tpu.dma_semaphore, #tpu.memory_space<semaphore_mem>>
      %dma_start3A_111 = arith.constant 0 : i32
      %dma_start3A_112 = arith.constant 0 : i32
      %dma_start3A_113 = tpu.memref_slice %arg10[%run_scoped3A_103, %dma_start3A_111, %dma_start3A_112] : memref<6x128x16xf32, #tpu.memory_space<vmem>> -> memref<1x16x16xf32, #tpu.memory_space<vmem>>
      %dma_start3A_114 = tpu.memref_squeeze %dma_start3A_113 : memref<1x16x16xf32, #tpu.memory_space<vmem>> -> memref<16x16xf32, #tpu.memory_space<vmem>>
      %dma_start3A_115 = arith.constant 0 : i32
      %dma_start3A_116 = arith.constant 0 : i32
      %dma_start3A_117 = tpu.memref_slice %arg12[%dma_start3A_115, %dma_start3A_116] : memref<10240x16xf32, #tpu.memory_space<vmem_shared>> -> memref<10240x16xf32, #tpu.memory_space<vmem_shared>>
      tpu.enqueue_indirect_dma source(%dma_start3A_114 : memref<16x16xf32, #tpu.memory_space<vmem>>) target(%dma_start3A_117 : memref<10240x16xf32, #tpu.memory_space<vmem_shared>>) offsets(%arg9 : memref<16xi32, #tpu.memory_space<vmem>>) semaphore(%run_scoped3A_110 : memref<!tpu.dma_semaphore, #tpu.memory_space<semaphore_mem>>) {add = true}
      %dma_wait3A_118 = arith.constant 0 : i32
      %dma_wait3A_119 = arith.constant 0 : i32
      %dma_wait3A_120 = tpu.memref_slice %arg10[%run_scoped3A_103, %dma_wait3A_118, %dma_wait3A_119] : memref<6x128x16xf32, #tpu.memory_space<vmem>> -> memref<1x16x16xf32, #tpu.memory_space<vmem>>
      %dma_wait3A_121 = tpu.memref_squeeze %dma_wait3A_120 : memref<1x16x16xf32, #tpu.memory_space<vmem>> -> memref<16x16xf32, #tpu.memory_space<vmem>>
      %dma_wait3A_122 = arith.constant 0 : i32
      %dma_wait3A_123 = arith.constant 0 : i32
      %dma_wait3A_124 = tpu.memref_slice %arg12[%dma_wait3A_122, %dma_wait3A_123] : memref<10240x16xf32, #tpu.memory_space<vmem_shared>> -> memref<10240x16xf32, #tpu.memory_space<vmem_shared>>
      tpu.wait_indirect_dma semaphore(%run_scoped3A_110 : memref<!tpu.dma_semaphore, #tpu.memory_space<semaphore_mem>>) src(%dma_wait3A_121 : memref<16x16xf32, #tpu.memory_space<vmem>>) dst(%dma_wait3A_124 : memref<10240x16xf32, #tpu.memory_space<vmem_shared>>)
      tpu.yield
    }) : () -> ()
    %barrier3A_104 = arith.constant 0 : index
    tpu.barrier barrier_id(%barrier3A_104)
    %scan3A_105 = arith.constant 0 : i32
    %scan3A_106 = arith.constant 5 : i32
    %scan3A_107 = arith.addi %scan3A_105, %scan3A_106 : i32
    %scan3A_108 = arith.constant 1 : i32
    scf.for %scan3A_110 = %scan3A_105 to %scan3A_107 step %scan3A_108  : i32 {
      %mul3A_111 = arith.constant 1 : i32
      %mul3A_112 = arith.muli %scan3A_110, %mul3A_111 : i32
      %add3A_113 = arith.constant 0 : i32
      %add3A_114 = arith.addi %add3A_113, %mul3A_112 : i32
      %mul3A_115 = arith.constant 640 : i32
      %mul3A_116 = arith.muli %arg1, %mul3A_115 : i32
      %mul3A_117 = arith.constant 128 : i32
      %mul3A_118 = arith.muli %add3A_114, %mul3A_117 : i32
      %add3A_119 = arith.addi %mul3A_116, %mul3A_118 : i32
      "tpu.region"() ({
        %run_scoped3A_127 = tpu.sem_alloc : memref<!tpu.dma_semaphore, #tpu.memory_space<semaphore_mem>>
        %dma_start3A_128 = arith.constant 0 : i32
        %dma_start3A_129 = tpu.memref_slice %arg12[%add3A_119, %dma_start3A_128] : memref<10240x16xf32, #tpu.memory_space<vmem_shared>> -> memref<128x16xf32, #tpu.memory_space<vmem_shared>>
        %dma_start3A_130 = arith.constant 0 : i32
        %dma_start3A_131 = tpu.memref_slice %arg12[%add3A_119, %dma_start3A_130] : memref<10240x16xf32, #tpu.memory_space<vmem_shared>> -> memref<128x16xf32, #tpu.memory_space<vmem_shared>>
        tpu.enqueue_dma source(%dma_start3A_131 : memref<128x16xf32, #tpu.memory_space<vmem_shared>>) target(%arg11 : memref<128x16xf32, #tpu.memory_space<vmem>>) target_semaphore(%run_scoped3A_127 : memref<!tpu.dma_semaphore, #tpu.memory_space<semaphore_mem>>)
        %dma_wait3A_132 = arith.constant 0 : i32
        %dma_wait3A_133 = tpu.memref_slice %arg12[%add3A_119, %dma_wait3A_132] : memref<10240x16xf32, #tpu.memory_space<vmem_shared>> -> memref<128x16xf32, #tpu.memory_space<vmem_shared>>
        %dma_wait3A_134 = arith.constant 0 : i32
        %dma_wait3A_135 = tpu.memref_slice %arg12[%add3A_119, %dma_wait3A_134] : memref<10240x16xf32, #tpu.memory_space<vmem_shared>> -> memref<128x16xf32, #tpu.memory_space<vmem_shared>>
        tpu.wait_dma2 semaphore(%run_scoped3A_127 : memref<!tpu.dma_semaphore, #tpu.memory_space<semaphore_mem>>) src(%dma_wait3A_135 : memref<128x16xf32, #tpu.memory_space<vmem_shared>>) dst(%arg11 : memref<128x16xf32, #tpu.memory_space<vmem>>)
        tpu.yield
      }) : () -> ()
      %eq3A = arith.constant 0 : i32
      %eq3A_120 = arith.cmpi eq, %arg0, %eq3A : i32
      %convert_element_type3A = arith.extui %eq3A_120 : i1 to i32
      %cond3A = arith.constant 0 : i32
      %cond3A_121 = arith.cmpi ne, %convert_element_type3A, %cond3A : i32
      scf.if %cond3A_121 {
        "tpu.region"() ({
          %run_scoped3A_127 = tpu.sem_alloc : memref<!tpu.dma_semaphore, #tpu.memory_space<semaphore_mem>>
          %dma_start3A_128 = arith.constant 0 : i32
          %dma_start3A_129 = tpu.memref_slice %arg4[%add3A_119, %dma_start3A_128] : memref<10240x16xf32, #tpu.memory_space<hbm>> -> memref<128x16xf32, #tpu.memory_space<hbm>>
          %dma_start3A_130 = arith.constant 0 : i32
          %dma_start3A_131 = tpu.memref_slice %arg4[%add3A_119, %dma_start3A_130] : memref<10240x16xf32, #tpu.memory_space<hbm>> -> memref<128x16xf32, #tpu.memory_space<hbm>>
          tpu.enqueue_dma source(%arg11 : memref<128x16xf32, #tpu.memory_space<vmem>>) target(%dma_start3A_131 : memref<128x16xf32, #tpu.memory_space<hbm>>) target_semaphore(%run_scoped3A_127 : memref<!tpu.dma_semaphore, #tpu.memory_space<semaphore_mem>>)
          %dma_wait3A_132 = arith.constant 0 : i32
          %dma_wait3A_133 = tpu.memref_slice %arg4[%add3A_119, %dma_wait3A_132] : memref<10240x16xf32, #tpu.memory_space<hbm>> -> memref<128x16xf32, #tpu.memory_space<hbm>>
          %dma_wait3A_134 = arith.constant 0 : i32
          %dma_wait3A_135 = tpu.memref_slice %arg4[%add3A_119, %dma_wait3A_134] : memref<10240x16xf32, #tpu.memory_space<hbm>> -> memref<128x16xf32, #tpu.memory_space<hbm>>
          tpu.wait_dma2 semaphore(%run_scoped3A_127 : memref<!tpu.dma_semaphore, #tpu.memory_space<semaphore_mem>>) src(%arg11 : memref<128x16xf32, #tpu.memory_space<vmem>>) dst(%dma_wait3A_135 : memref<128x16xf32, #tpu.memory_space<hbm>>)
          tpu.yield
        }) : () -> ()
      } else {
      }
      %eq3A_122 = arith.constant 1 : i32
      %eq3A_123 = arith.cmpi eq, %arg0, %eq3A_122 : i32
      %convert_element_type3A_124 = arith.extui %eq3A_123 : i1 to i32
      %cond3A_125 = arith.constant 0 : i32
      %cond3A_126 = arith.cmpi ne, %convert_element_type3A_124, %cond3A_125 : i32
      scf.if %cond3A_126 {
        "tpu.region"() ({
          %run_scoped3A_127 = tpu.sem_alloc : memref<!tpu.dma_semaphore, #tpu.memory_space<semaphore_mem>>
          %dma_start3A_128 = arith.constant 0 : i32
          %dma_start3A_129 = tpu.memref_slice %arg5[%add3A_119, %dma_start3A_128] : memref<10240x16xf32, #tpu.memory_space<hbm>> -> memref<128x16xf32, #tpu.memory_space<hbm>>
          %dma_start3A_130 = arith.constant 0 : i32
          %dma_start3A_131 = tpu.memref_slice %arg5[%add3A_119, %dma_start3A_130] : memref<10240x16xf32, #tpu.memory_space<hbm>> -> memref<128x16xf32, #tpu.memory_space<hbm>>
          tpu.enqueue_dma source(%arg11 : memref<128x16xf32, #tpu.memory_space<vmem>>) target(%dma_start3A_131 : memref<128x16xf32, #tpu.memory_space<hbm>>) target_semaphore(%run_scoped3A_127 : memref<!tpu.dma_semaphore, #tpu.memory_space<semaphore_mem>>)
          %dma_wait3A_132 = arith.constant 0 : i32
          %dma_wait3A_133 = tpu.memref_slice %arg5[%add3A_119, %dma_wait3A_132] : memref<10240x16xf32, #tpu.memory_space<hbm>> -> memref<128x16xf32, #tpu.memory_space<hbm>>
          %dma_wait3A_134 = arith.constant 0 : i32
          %dma_wait3A_135 = tpu.memref_slice %arg5[%add3A_119, %dma_wait3A_134] : memref<10240x16xf32, #tpu.memory_space<hbm>> -> memref<128x16xf32, #tpu.memory_space<hbm>>
          tpu.wait_dma2 semaphore(%run_scoped3A_127 : memref<!tpu.dma_semaphore, #tpu.memory_space<semaphore_mem>>) src(%arg11 : memref<128x16xf32, #tpu.memory_space<vmem>>) dst(%dma_wait3A_135 : memref<128x16xf32, #tpu.memory_space<hbm>>)
          tpu.yield
        }) : () -> ()
      } else {
      }
    }
    %scan3A_109 = arith.constant 5 : i32
    return
  }
}

#map = affine_map<(d0, d1) -> (0, 0)>
module attributes {stable_mosaic.version = 14 : i64} {
  func.func @_sc_deg_body(%arg0: i32, %arg1: i32, %arg2: memref<2x320000xi32, #tpu.memory_space<hbm>>, %arg3: memref<10240x16xf32, #tpu.memory_space<hbm>>, %arg4: memref<10240x16xf32, #tpu.memory_space<hbm>>, %arg5: memref<10000xi32, #tpu.memory_space<vmem>>, %arg6: memref<78x128xi32, #tpu.memory_space<vmem>>, %arg7: memref<16xi32, #tpu.memory_space<vmem>>, %arg8: memref<128x16xf32, #tpu.memory_space<vmem>>, %arg9: memref<128x16xf32, #tpu.memory_space<vmem>>, %arg10: memref<10240x16xf32, #tpu.memory_space<vmem_shared>>, %arg11: memref<!tpu.dma_semaphore, #tpu.memory_space<semaphore_mem>>) attributes {dimension_semantics = [#tpu.dimension_semantics<core_parallel>, #tpu.dimension_semantics<subcore_parallel>], iteration_bounds = array<i64: 2, 16>, scalar_prefetch = 0 : i64, scratch_operands = 7 : i64, tpu.core_type = #tpu.core_type<sc_vector_subcore>, window_params = [{transform_indices = #map}, {transform_indices = #map}, {transform_indices = #map}]} {
    %mul3A = arith.constant 16 : i32
    %mul3A_0 = arith.muli %arg0, %mul3A : i32
    %add3A = arith.addi %mul3A_0, %arg1 : i32
    %mul3A_1 = arith.constant 10000 : i32
    %mul3A_2 = arith.muli %add3A, %mul3A_1 : i32
    %dma_start3A = arith.constant 1 : i32
    %dma_start3A_3 = tpu.memref_slice %arg2[%dma_start3A, %mul3A_2] : memref<2x320000xi32, #tpu.memory_space<hbm>> -> memref<1x10000xi32, #tpu.memory_space<hbm>>
    %dma_start3A_4 = tpu.memref_squeeze %dma_start3A_3 : memref<1x10000xi32, #tpu.memory_space<hbm>> -> memref<10000xi32, #tpu.memory_space<hbm>>
    %dma_start3A_5 = tpu.memref_slice %arg2[%dma_start3A, %mul3A_2] : memref<2x320000xi32, #tpu.memory_space<hbm>> -> memref<1x10000xi32, #tpu.memory_space<hbm>>
    %dma_start3A_6 = tpu.memref_squeeze %dma_start3A_5 : memref<1x10000xi32, #tpu.memory_space<hbm>> -> memref<10000xi32, #tpu.memory_space<hbm>>
    tpu.enqueue_dma source(%dma_start3A_6 : memref<10000xi32, #tpu.memory_space<hbm>>) target(%arg5 : memref<10000xi32, #tpu.memory_space<vmem>>) target_semaphore(%arg11 : memref<!tpu.dma_semaphore, #tpu.memory_space<semaphore_mem>>)
    %broadcast_in_dim3A = arith.constant 1.000000e+00 : f32
    %broadcast_in_dim3A_7 = vector.broadcast %broadcast_in_dim3A : f32 to vector<16xf32>
    %scan3A = arith.constant 0 : i32
    %scan3A_8 = arith.constant 128 : i32
    %scan3A_9 = arith.addi %scan3A, %scan3A_8 : i32
    %scan3A_10 = arith.constant 1 : i32
    scf.for %scan3A_46 = %scan3A to %scan3A_9 step %scan3A_10  : i32 {
      %mul3A_47 = arith.constant 1 : i32
      %mul3A_48 = arith.muli %scan3A_46, %mul3A_47 : i32
      %add3A_49 = arith.constant 0 : i32
      %add3A_50 = arith.addi %add3A_49, %mul3A_48 : i32
      %swap3A_51 = arith.index_cast %add3A_50 : i32 to index
      %swap3A_52 = arith.constant 0 : index
      %swap3A_53 = tpu.vector_load %arg8[%swap3A_51, %swap3A_52] {strides = array<i32>} : memref<128x16xf32, #tpu.memory_space<vmem>>, vector<16xf32>,
      tpu.vector_store %arg8[%swap3A_51, %swap3A_52], %broadcast_in_dim3A_7 {strides = array<i32>} : memref<128x16xf32, #tpu.memory_space<vmem>>, vector<16xf32>,
    }
    %scan3A_11 = arith.constant 128 : i32
    %broadcast_in_dim3A_12 = arith.constant 0.000000e+00 : f32
    %broadcast_in_dim3A_13 = vector.broadcast %broadcast_in_dim3A_12 : f32 to vector<16xf32>
    %scan3A_14 = arith.constant 0 : i32
    %scan3A_15 = arith.constant 128 : i32
    %scan3A_16 = arith.addi %scan3A_14, %scan3A_15 : i32
    %scan3A_17 = arith.constant 1 : i32
    scf.for %scan3A_46 = %scan3A_14 to %scan3A_16 step %scan3A_17  : i32 {
      %mul3A_47 = arith.constant 1 : i32
      %mul3A_48 = arith.muli %scan3A_46, %mul3A_47 : i32
      %add3A_49 = arith.constant 0 : i32
      %add3A_50 = arith.addi %add3A_49, %mul3A_48 : i32
      %swap3A_51 = arith.index_cast %add3A_50 : i32 to index
      %swap3A_52 = arith.constant 0 : index
      %swap3A_53 = tpu.vector_load %arg9[%swap3A_51, %swap3A_52] {strides = array<i32>} : memref<128x16xf32, #tpu.memory_space<vmem>>, vector<16xf32>,
      tpu.vector_store %arg9[%swap3A_51, %swap3A_52], %broadcast_in_dim3A_13 {strides = array<i32>} : memref<128x16xf32, #tpu.memory_space<vmem>>, vector<16xf32>,
    }
    %scan3A_18 = arith.constant 128 : i32
    %scan3A_19 = arith.constant 0 : i32
    %scan3A_20 = arith.constant 5 : i32
    %scan3A_21 = arith.addi %scan3A_19, %scan3A_20 : i32
    %scan3A_22 = arith.constant 1 : i32
    scf.for %scan3A_46 = %scan3A_19 to %scan3A_21 step %scan3A_22  : i32 {
      %mul3A_47 = arith.constant 1 : i32
      %mul3A_48 = arith.muli %scan3A_46, %mul3A_47 : i32
      %add3A_49 = arith.constant 0 : i32
      %add3A_50 = arith.addi %add3A_49, %mul3A_48 : i32
      %mul3A_51 = arith.constant 640 : i32
      %mul3A_52 = arith.muli %arg1, %mul3A_51 : i32
      %mul3A_53 = arith.constant 128 : i32
      %mul3A_54 = arith.muli %add3A_50, %mul3A_53 : i32
      %add3A_55 = arith.addi %mul3A_52, %mul3A_54 : i32
      "tpu.region"() ({
        %run_scoped3A = tpu.sem_alloc : memref<!tpu.dma_semaphore, #tpu.memory_space<semaphore_mem>>
        %dma_start3A_56 = arith.constant 0 : i32
        %dma_start3A_57 = tpu.memref_slice %arg10[%add3A_55, %dma_start3A_56] : memref<10240x16xf32, #tpu.memory_space<vmem_shared>> -> memref<128x16xf32, #tpu.memory_space<vmem_shared>>
        %dma_start3A_58 = arith.constant 0 : i32
        %dma_start3A_59 = tpu.memref_slice %arg10[%add3A_55, %dma_start3A_58] : memref<10240x16xf32, #tpu.memory_space<vmem_shared>> -> memref<128x16xf32, #tpu.memory_space<vmem_shared>>
        tpu.enqueue_dma source(%arg9 : memref<128x16xf32, #tpu.memory_space<vmem>>) target(%dma_start3A_59 : memref<128x16xf32, #tpu.memory_space<vmem_shared>>) target_semaphore(%run_scoped3A : memref<!tpu.dma_semaphore, #tpu.memory_space<semaphore_mem>>)
        %dma_wait3A_60 = arith.constant 0 : i32
        %dma_wait3A_61 = tpu.memref_slice %arg10[%add3A_55, %dma_wait3A_60] : memref<10240x16xf32, #tpu.memory_space<vmem_shared>> -> memref<128x16xf32, #tpu.memory_space<vmem_shared>>
        %dma_wait3A_62 = arith.constant 0 : i32
        %dma_wait3A_63 = tpu.memref_slice %arg10[%add3A_55, %dma_wait3A_62] : memref<10240x16xf32, #tpu.memory_space<vmem_shared>> -> memref<128x16xf32, #tpu.memory_space<vmem_shared>>
        tpu.wait_dma2 semaphore(%run_scoped3A : memref<!tpu.dma_semaphore, #tpu.memory_space<semaphore_mem>>) src(%arg9 : memref<128x16xf32, #tpu.memory_space<vmem>>) dst(%dma_wait3A_63 : memref<128x16xf32, #tpu.memory_space<vmem_shared>>)
        tpu.yield
      }) : () -> ()
    }
    %scan3A_23 = arith.constant 5 : i32
    %dma_wait3A = arith.constant 1 : i32
    %dma_wait3A_24 = tpu.memref_slice %arg2[%dma_wait3A, %mul3A_2] : memref<2x320000xi32, #tpu.memory_space<hbm>> -> memref<1x10000xi32, #tpu.memory_space<hbm>>
    %dma_wait3A_25 = tpu.memref_squeeze %dma_wait3A_24 : memref<1x10000xi32, #tpu.memory_space<hbm>> -> memref<10000xi32, #tpu.memory_space<hbm>>
    %dma_wait3A_26 = tpu.memref_slice %arg2[%dma_wait3A, %mul3A_2] : memref<2x320000xi32, #tpu.memory_space<hbm>> -> memref<1x10000xi32, #tpu.memory_space<hbm>>
    %dma_wait3A_27 = tpu.memref_squeeze %dma_wait3A_26 : memref<1x10000xi32, #tpu.memory_space<hbm>> -> memref<10000xi32, #tpu.memory_space<hbm>>
    tpu.wait_dma2 semaphore(%arg11 : memref<!tpu.dma_semaphore, #tpu.memory_space<semaphore_mem>>) src(%dma_wait3A_27 : memref<10000xi32, #tpu.memory_space<hbm>>) dst(%arg5 : memref<10000xi32, #tpu.memory_space<vmem>>)
    %scan3A_28 = arith.constant 0 : i32
    %scan3A_29 = arith.constant 624 : i32
    %scan3A_30 = arith.addi %scan3A_28, %scan3A_29 : i32
    %scan3A_31 = arith.constant 1 : i32
    scf.for %scan3A_46 = %scan3A_28 to %scan3A_30 step %scan3A_31  : i32 {
      %mul3A_47 = arith.constant 1 : i32
      %mul3A_48 = arith.muli %scan3A_46, %mul3A_47 : i32
      %add3A_49 = arith.constant 0 : i32
      %add3A_50 = arith.addi %add3A_49, %mul3A_48 : i32
      %mul3A_51 = arith.constant 16 : i32
      %mul3A_52 = arith.muli %add3A_50, %mul3A_51 : i32
      %get3A_53 = arith.index_cast %mul3A_52 : i32 to index
      %get3A_54 = tpu.vector_load %arg5[%get3A_53] {strides = array<i32>} : memref<10000xi32, #tpu.memory_space<vmem>>, vector<16xi32>,
      %jit3A = arith.constant 8 : i32
      %div3A = arith.divsi %add3A_50, %jit3A : i32
      %sign3A = arith.constant 0 : i32
      %sign3A_55 = arith.cmpi sgt, %add3A_50, %sign3A : i32
      %sign3A_56 = arith.extui %sign3A_55 : i1 to i32
      %sign3A_57 = arith.constant 0 : i32
      %sign3A_58 = arith.cmpi slt, %add3A_50, %sign3A_57 : i32
      %sign3A_59 = arith.extui %sign3A_58 : i1 to i32
      %sign3A_60 = arith.subi %sign3A_56, %sign3A_59 : i32
      %sign3A_61 = arith.constant 0 : i32
      %sign3A_62 = arith.cmpi sgt, %jit3A, %sign3A_61 : i32
      %sign3A_63 = arith.extui %sign3A_62 : i1 to i32
      %sign3A_64 = arith.constant 0 : i32
      %sign3A_65 = arith.cmpi slt, %jit3A, %sign3A_64 : i32
      %sign3A_66 = arith.extui %sign3A_65 : i1 to i32
      %sign3A_67 = arith.subi %sign3A_63, %sign3A_66 : i32
      %ne3A = arith.cmpi ne, %sign3A_60, %sign3A_67 : i32
      %rem3A = arith.remsi %add3A_50, %jit3A : i32
      %ne3A_68 = arith.constant 0 : i32
      %ne3A_69 = arith.cmpi ne, %rem3A, %ne3A_68 : i32
      %and3A = arith.andi %ne3A, %ne3A_69 : i1
      %sub3A = arith.constant 1 : i32
      %sub3A_70 = arith.subi %div3A, %sub3A : i32
      %select_n3A = arith.select %and3A, %sub3A_70, %div3A : i32
      %jit3A_71 = arith.constant 8 : i32
      %eq3A = arith.constant 0 : i32
      %eq3A_72 = arith.cmpi eq, %jit3A_71, %eq3A : i32
      %jit3A_73 = arith.constant 1 : i32
      %select_n3A_74 = arith.select %eq3A_72, %jit3A_73, %jit3A_71 : i32
      %rem3A_75 = arith.remsi %add3A_50, %select_n3A_74 : i32
      %ne3A_76 = arith.constant 0 : i32
      %ne3A_77 = arith.cmpi ne, %rem3A_75, %ne3A_76 : i32
      %lt3A = arith.constant 0 : i32
      %lt3A_78 = arith.cmpi slt, %rem3A_75, %lt3A : i32
      %lt3A_79 = arith.constant 0 : i32
      %lt3A_80 = arith.cmpi slt, %select_n3A_74, %lt3A_79 : i32
      %ne3A_81 = arith.xori %lt3A_78, %lt3A_80 : i1
      %and3A_82 = arith.andi %ne3A_81, %ne3A_77 : i1
      %add3A_83 = arith.addi %rem3A_75, %select_n3A_74 : i32
      %select_n3A_84 = arith.select %and3A_82, %add3A_83, %rem3A_75 : i32
      %mul3A_85 = arith.constant 16 : i32
      %mul3A_86 = arith.muli %select_n3A_84, %mul3A_85 : i32
      %swap3A_87 = arith.index_cast %select_n3A : i32 to index
      %swap3A_88 = arith.index_cast %mul3A_86 : i32 to index
      %swap3A_89 = tpu.vector_load %arg6[%swap3A_87, %swap3A_88] {strides = array<i32>} : memref<78x128xi32, #tpu.memory_space<vmem>>, vector<16xi32>,
      tpu.vector_store %arg6[%swap3A_87, %swap3A_88], %get3A_54 {strides = array<i32>} : memref<78x128xi32, #tpu.memory_space<vmem>>, vector<16xi32>,
    }
    %scan3A_32 = arith.constant 624 : i32
    %get3A = arith.constant 9984 : index
    %get3A_33 = tpu.vector_load %arg5[%get3A] {strides = array<i32>} : memref<10000xi32, #tpu.memory_space<vmem>>, vector<16xi32>,
    %swap3A = arith.constant 0 : index
    %swap3A_34 = tpu.vector_load %arg7[%swap3A] {strides = array<i32>} : memref<16xi32, #tpu.memory_space<vmem>>, vector<16xi32>,
    tpu.vector_store %arg7[%swap3A], %get3A_33 {strides = array<i32>} : memref<16xi32, #tpu.memory_space<vmem>>, vector<16xi32>,
    %barrier3A = arith.constant 0 : index
    tpu.barrier barrier_id(%barrier3A)
    %scan3A_35 = arith.constant 0 : i32
    %scan3A_36 = arith.constant 13 : i32
    %scan3A_37 = arith.addi %scan3A_35, %scan3A_36 : i32
    %scan3A_38 = arith.constant 1 : i32
    scf.for %scan3A_46 = %scan3A_35 to %scan3A_37 step %scan3A_38  : i32 {
      %mul3A_47 = arith.constant 1 : i32
      %mul3A_48 = arith.muli %scan3A_46, %mul3A_47 : i32
      %add3A_49 = arith.constant 0 : i32
      %add3A_50 = arith.addi %add3A_49, %mul3A_48 : i32
      %mul3A_51 = arith.constant 6 : i32
      %mul3A_52 = arith.muli %add3A_50, %mul3A_51 : i32
      %add3A_53 = arith.constant 0 : i32
      %add3A_54 = arith.addi %mul3A_52, %add3A_53 : i32
      %dma_start3A_55 = arith.constant 0 : i32
      %dma_start3A_56 = tpu.memref_slice %arg6[%add3A_54, %dma_start3A_55] : memref<78x128xi32, #tpu.memory_space<vmem>> -> memref<1x128xi32, #tpu.memory_space<vmem>>
      %dma_start3A_57 = tpu.memref_squeeze %dma_start3A_56 : memref<1x128xi32, #tpu.memory_space<vmem>> -> memref<128xi32, #tpu.memory_space<vmem>>
      %dma_start3A_58 = arith.constant 0 : i32
      %dma_start3A_59 = arith.constant 0 : i32
      %dma_start3A_60 = tpu.memref_slice %arg10[%dma_start3A_58, %dma_start3A_59] : memref<10240x16xf32, #tpu.memory_space<vmem_shared>> -> memref<10240x16xf32, #tpu.memory_space<vmem_shared>>
      tpu.enqueue_indirect_dma source(%arg8 : memref<128x16xf32, #tpu.memory_space<vmem>>) target(%dma_start3A_60 : memref<10240x16xf32, #tpu.memory_space<vmem_shared>>) offsets(%dma_start3A_57 : memref<128xi32, #tpu.memory_space<vmem>>) semaphore(%arg11 : memref<!tpu.dma_semaphore, #tpu.memory_space<semaphore_mem>>) {add = true}
      %add3A_61 = arith.constant 1 : i32
      %add3A_62 = arith.addi %mul3A_52, %add3A_61 : i32
      %dma_start3A_63 = arith.constant 0 : i32
      %dma_start3A_64 = tpu.memref_slice %arg6[%add3A_62, %dma_start3A_63] : memref<78x128xi32, #tpu.memory_space<vmem>> -> memref<1x128xi32, #tpu.memory_space<vmem>>
      %dma_start3A_65 = tpu.memref_squeeze %dma_start3A_64 : memref<1x128xi32, #tpu.memory_space<vmem>> -> memref<128xi32, #tpu.memory_space<vmem>>
      %dma_start3A_66 = arith.constant 0 : i32
      %dma_start3A_67 = arith.constant 0 : i32
      %dma_start3A_68 = tpu.memref_slice %arg10[%dma_start3A_66, %dma_start3A_67] : memref<10240x16xf32, #tpu.memory_space<vmem_shared>> -> memref<10240x16xf32, #tpu.memory_space<vmem_shared>>
      tpu.enqueue_indirect_dma source(%arg8 : memref<128x16xf32, #tpu.memory_space<vmem>>) target(%dma_start3A_68 : memref<10240x16xf32, #tpu.memory_space<vmem_shared>>) offsets(%dma_start3A_65 : memref<128xi32, #tpu.memory_space<vmem>>) semaphore(%arg11 : memref<!tpu.dma_semaphore, #tpu.memory_space<semaphore_mem>>) {add = true}
      %add3A_69 = arith.constant 2 : i32
      %add3A_70 = arith.addi %mul3A_52, %add3A_69 : i32
      %dma_start3A_71 = arith.constant 0 : i32
      %dma_start3A_72 = tpu.memref_slice %arg6[%add3A_70, %dma_start3A_71] : memref<78x128xi32, #tpu.memory_space<vmem>> -> memref<1x128xi32, #tpu.memory_space<vmem>>
      %dma_start3A_73 = tpu.memref_squeeze %dma_start3A_72 : memref<1x128xi32, #tpu.memory_space<vmem>> -> memref<128xi32, #tpu.memory_space<vmem>>
      %dma_start3A_74 = arith.constant 0 : i32
      %dma_start3A_75 = arith.constant 0 : i32
      %dma_start3A_76 = tpu.memref_slice %arg10[%dma_start3A_74, %dma_start3A_75] : memref<10240x16xf32, #tpu.memory_space<vmem_shared>> -> memref<10240x16xf32, #tpu.memory_space<vmem_shared>>
      tpu.enqueue_indirect_dma source(%arg8 : memref<128x16xf32, #tpu.memory_space<vmem>>) target(%dma_start3A_76 : memref<10240x16xf32, #tpu.memory_space<vmem_shared>>) offsets(%dma_start3A_73 : memref<128xi32, #tpu.memory_space<vmem>>) semaphore(%arg11 : memref<!tpu.dma_semaphore, #tpu.memory_space<semaphore_mem>>) {add = true}
      %add3A_77 = arith.constant 3 : i32
      %add3A_78 = arith.addi %mul3A_52, %add3A_77 : i32
      %dma_start3A_79 = arith.constant 0 : i32
      %dma_start3A_80 = tpu.memref_slice %arg6[%add3A_78, %dma_start3A_79] : memref<78x128xi32, #tpu.memory_space<vmem>> -> memref<1x128xi32, #tpu.memory_space<vmem>>
      %dma_start3A_81 = tpu.memref_squeeze %dma_start3A_80 : memref<1x128xi32, #tpu.memory_space<vmem>> -> memref<128xi32, #tpu.memory_space<vmem>>
      %dma_start3A_82 = arith.constant 0 : i32
      %dma_start3A_83 = arith.constant 0 : i32
      %dma_start3A_84 = tpu.memref_slice %arg10[%dma_start3A_82, %dma_start3A_83] : memref<10240x16xf32, #tpu.memory_space<vmem_shared>> -> memref<10240x16xf32, #tpu.memory_space<vmem_shared>>
      tpu.enqueue_indirect_dma source(%arg8 : memref<128x16xf32, #tpu.memory_space<vmem>>) target(%dma_start3A_84 : memref<10240x16xf32, #tpu.memory_space<vmem_shared>>) offsets(%dma_start3A_81 : memref<128xi32, #tpu.memory_space<vmem>>) semaphore(%arg11 : memref<!tpu.dma_semaphore, #tpu.memory_space<semaphore_mem>>) {add = true}
      %add3A_85 = arith.constant 4 : i32
      %add3A_86 = arith.addi %mul3A_52, %add3A_85 : i32
      %dma_start3A_87 = arith.constant 0 : i32
      %dma_start3A_88 = tpu.memref_slice %arg6[%add3A_86, %dma_start3A_87] : memref<78x128xi32, #tpu.memory_space<vmem>> -> memref<1x128xi32, #tpu.memory_space<vmem>>
      %dma_start3A_89 = tpu.memref_squeeze %dma_start3A_88 : memref<1x128xi32, #tpu.memory_space<vmem>> -> memref<128xi32, #tpu.memory_space<vmem>>
      %dma_start3A_90 = arith.constant 0 : i32
      %dma_start3A_91 = arith.constant 0 : i32
      %dma_start3A_92 = tpu.memref_slice %arg10[%dma_start3A_90, %dma_start3A_91] : memref<10240x16xf32, #tpu.memory_space<vmem_shared>> -> memref<10240x16xf32, #tpu.memory_space<vmem_shared>>
      tpu.enqueue_indirect_dma source(%arg8 : memref<128x16xf32, #tpu.memory_space<vmem>>) target(%dma_start3A_92 : memref<10240x16xf32, #tpu.memory_space<vmem_shared>>) offsets(%dma_start3A_89 : memref<128xi32, #tpu.memory_space<vmem>>) semaphore(%arg11 : memref<!tpu.dma_semaphore, #tpu.memory_space<semaphore_mem>>) {add = true}
      %add3A_93 = arith.constant 5 : i32
      %add3A_94 = arith.addi %mul3A_52, %add3A_93 : i32
      %dma_start3A_95 = arith.constant 0 : i32
      %dma_start3A_96 = tpu.memref_slice %arg6[%add3A_94, %dma_start3A_95] : memref<78x128xi32, #tpu.memory_space<vmem>> -> memref<1x128xi32, #tpu.memory_space<vmem>>
      %dma_start3A_97 = tpu.memref_squeeze %dma_start3A_96 : memref<1x128xi32, #tpu.memory_space<vmem>> -> memref<128xi32, #tpu.memory_space<vmem>>
      %dma_start3A_98 = arith.constant 0 : i32
      %dma_start3A_99 = arith.constant 0 : i32
      %dma_start3A_100 = tpu.memref_slice %arg10[%dma_start3A_98, %dma_start3A_99] : memref<10240x16xf32, #tpu.memory_space<vmem_shared>> -> memref<10240x16xf32, #tpu.memory_space<vmem_shared>>
      tpu.enqueue_indirect_dma source(%arg8 : memref<128x16xf32, #tpu.memory_space<vmem>>) target(%dma_start3A_100 : memref<10240x16xf32, #tpu.memory_space<vmem_shared>>) offsets(%dma_start3A_97 : memref<128xi32, #tpu.memory_space<vmem>>) semaphore(%arg11 : memref<!tpu.dma_semaphore, #tpu.memory_space<semaphore_mem>>) {add = true}
      %add3A_101 = arith.constant 0 : i32
      %add3A_102 = arith.addi %mul3A_52, %add3A_101 : i32
      %dma_wait3A_103 = arith.constant 0 : i32
      %dma_wait3A_104 = tpu.memref_slice %arg6[%add3A_102, %dma_wait3A_103] : memref<78x128xi32, #tpu.memory_space<vmem>> -> memref<1x128xi32, #tpu.memory_space<vmem>>
      %dma_wait3A_105 = tpu.memref_squeeze %dma_wait3A_104 : memref<1x128xi32, #tpu.memory_space<vmem>> -> memref<128xi32, #tpu.memory_space<vmem>>
      %dma_wait3A_106 = arith.constant 0 : i32
      %dma_wait3A_107 = arith.constant 0 : i32
      %dma_wait3A_108 = tpu.memref_slice %arg10[%dma_wait3A_106, %dma_wait3A_107] : memref<10240x16xf32, #tpu.memory_space<vmem_shared>> -> memref<10240x16xf32, #tpu.memory_space<vmem_shared>>
      tpu.wait_indirect_dma semaphore(%arg11 : memref<!tpu.dma_semaphore, #tpu.memory_space<semaphore_mem>>) src(%arg8 : memref<128x16xf32, #tpu.memory_space<vmem>>) dst(%dma_wait3A_108 : memref<10240x16xf32, #tpu.memory_space<vmem_shared>>)
      %add3A_109 = arith.constant 1 : i32
      %add3A_110 = arith.addi %mul3A_52, %add3A_109 : i32
      %dma_wait3A_111 = arith.constant 0 : i32
      %dma_wait3A_112 = tpu.memref_slice %arg6[%add3A_110, %dma_wait3A_111] : memref<78x128xi32, #tpu.memory_space<vmem>> -> memref<1x128xi32, #tpu.memory_space<vmem>>
      %dma_wait3A_113 = tpu.memref_squeeze %dma_wait3A_112 : memref<1x128xi32, #tpu.memory_space<vmem>> -> memref<128xi32, #tpu.memory_space<vmem>>
      %dma_wait3A_114 = arith.constant 0 : i32
      %dma_wait3A_115 = arith.constant 0 : i32
      %dma_wait3A_116 = tpu.memref_slice %arg10[%dma_wait3A_114, %dma_wait3A_115] : memref<10240x16xf32, #tpu.memory_space<vmem_shared>> -> memref<10240x16xf32, #tpu.memory_space<vmem_shared>>
      tpu.wait_indirect_dma semaphore(%arg11 : memref<!tpu.dma_semaphore, #tpu.memory_space<semaphore_mem>>) src(%arg8 : memref<128x16xf32, #tpu.memory_space<vmem>>) dst(%dma_wait3A_116 : memref<10240x16xf32, #tpu.memory_space<vmem_shared>>)
      %add3A_117 = arith.constant 2 : i32
      %add3A_118 = arith.addi %mul3A_52, %add3A_117 : i32
      %dma_wait3A_119 = arith.constant 0 : i32
      %dma_wait3A_120 = tpu.memref_slice %arg6[%add3A_118, %dma_wait3A_119] : memref<78x128xi32, #tpu.memory_space<vmem>> -> memref<1x128xi32, #tpu.memory_space<vmem>>
      %dma_wait3A_121 = tpu.memref_squeeze %dma_wait3A_120 : memref<1x128xi32, #tpu.memory_space<vmem>> -> memref<128xi32, #tpu.memory_space<vmem>>
      %dma_wait3A_122 = arith.constant 0 : i32
      %dma_wait3A_123 = arith.constant 0 : i32
      %dma_wait3A_124 = tpu.memref_slice %arg10[%dma_wait3A_122, %dma_wait3A_123] : memref<10240x16xf32, #tpu.memory_space<vmem_shared>> -> memref<10240x16xf32, #tpu.memory_space<vmem_shared>>
      tpu.wait_indirect_dma semaphore(%arg11 : memref<!tpu.dma_semaphore, #tpu.memory_space<semaphore_mem>>) src(%arg8 : memref<128x16xf32, #tpu.memory_space<vmem>>) dst(%dma_wait3A_124 : memref<10240x16xf32, #tpu.memory_space<vmem_shared>>)
      %add3A_125 = arith.constant 3 : i32
      %add3A_126 = arith.addi %mul3A_52, %add3A_125 : i32
      %dma_wait3A_127 = arith.constant 0 : i32
      %dma_wait3A_128 = tpu.memref_slice %arg6[%add3A_126, %dma_wait3A_127] : memref<78x128xi32, #tpu.memory_space<vmem>> -> memref<1x128xi32, #tpu.memory_space<vmem>>
      %dma_wait3A_129 = tpu.memref_squeeze %dma_wait3A_128 : memref<1x128xi32, #tpu.memory_space<vmem>> -> memref<128xi32, #tpu.memory_space<vmem>>
      %dma_wait3A_130 = arith.constant 0 : i32
      %dma_wait3A_131 = arith.constant 0 : i32
      %dma_wait3A_132 = tpu.memref_slice %arg10[%dma_wait3A_130, %dma_wait3A_131] : memref<10240x16xf32, #tpu.memory_space<vmem_shared>> -> memref<10240x16xf32, #tpu.memory_space<vmem_shared>>
      tpu.wait_indirect_dma semaphore(%arg11 : memref<!tpu.dma_semaphore, #tpu.memory_space<semaphore_mem>>) src(%arg8 : memref<128x16xf32, #tpu.memory_space<vmem>>) dst(%dma_wait3A_132 : memref<10240x16xf32, #tpu.memory_space<vmem_shared>>)
      %add3A_133 = arith.constant 4 : i32
      %add3A_134 = arith.addi %mul3A_52, %add3A_133 : i32
      %dma_wait3A_135 = arith.constant 0 : i32
      %dma_wait3A_136 = tpu.memref_slice %arg6[%add3A_134, %dma_wait3A_135] : memref<78x128xi32, #tpu.memory_space<vmem>> -> memref<1x128xi32, #tpu.memory_space<vmem>>
      %dma_wait3A_137 = tpu.memref_squeeze %dma_wait3A_136 : memref<1x128xi32, #tpu.memory_space<vmem>> -> memref<128xi32, #tpu.memory_space<vmem>>
      %dma_wait3A_138 = arith.constant 0 : i32
      %dma_wait3A_139 = arith.constant 0 : i32
      %dma_wait3A_140 = tpu.memref_slice %arg10[%dma_wait3A_138, %dma_wait3A_139] : memref<10240x16xf32, #tpu.memory_space<vmem_shared>> -> memref<10240x16xf32, #tpu.memory_space<vmem_shared>>
      tpu.wait_indirect_dma semaphore(%arg11 : memref<!tpu.dma_semaphore, #tpu.memory_space<semaphore_mem>>) src(%arg8 : memref<128x16xf32, #tpu.memory_space<vmem>>) dst(%dma_wait3A_140 : memref<10240x16xf32, #tpu.memory_space<vmem_shared>>)
      %add3A_141 = arith.constant 5 : i32
      %add3A_142 = arith.addi %mul3A_52, %add3A_141 : i32
      %dma_wait3A_143 = arith.constant 0 : i32
      %dma_wait3A_144 = tpu.memref_slice %arg6[%add3A_142, %dma_wait3A_143] : memref<78x128xi32, #tpu.memory_space<vmem>> -> memref<1x128xi32, #tpu.memory_space<vmem>>
      %dma_wait3A_145 = tpu.memref_squeeze %dma_wait3A_144 : memref<1x128xi32, #tpu.memory_space<vmem>> -> memref<128xi32, #tpu.memory_space<vmem>>
      %dma_wait3A_146 = arith.constant 0 : i32
      %dma_wait3A_147 = arith.constant 0 : i32
      %dma_wait3A_148 = tpu.memref_slice %arg10[%dma_wait3A_146, %dma_wait3A_147] : memref<10240x16xf32, #tpu.memory_space<vmem_shared>> -> memref<10240x16xf32, #tpu.memory_space<vmem_shared>>
      tpu.wait_indirect_dma semaphore(%arg11 : memref<!tpu.dma_semaphore, #tpu.memory_space<semaphore_mem>>) src(%arg8 : memref<128x16xf32, #tpu.memory_space<vmem>>) dst(%dma_wait3A_148 : memref<10240x16xf32, #tpu.memory_space<vmem_shared>>)
    }
    %scan3A_39 = arith.constant 13 : i32
    "tpu.region"() ({
      %run_scoped3A = tpu.sem_alloc : memref<!tpu.dma_semaphore, #tpu.memory_space<semaphore_mem>>
      %dma_start3A_46 = arith.constant 0 : i32
      %dma_start3A_47 = arith.constant 0 : i32
      %dma_start3A_48 = tpu.memref_slice %arg8[%dma_start3A_46, %dma_start3A_47] : memref<128x16xf32, #tpu.memory_space<vmem>> -> memref<16x16xf32, #tpu.memory_space<vmem>>
      %dma_start3A_49 = arith.constant 0 : i32
      %dma_start3A_50 = arith.constant 0 : i32
      %dma_start3A_51 = tpu.memref_slice %arg10[%dma_start3A_49, %dma_start3A_50] : memref<10240x16xf32, #tpu.memory_space<vmem_shared>> -> memref<10240x16xf32, #tpu.memory_space<vmem_shared>>
      tpu.enqueue_indirect_dma source(%dma_start3A_48 : memref<16x16xf32, #tpu.memory_space<vmem>>) target(%dma_start3A_51 : memref<10240x16xf32, #tpu.memory_space<vmem_shared>>) offsets(%arg7 : memref<16xi32, #tpu.memory_space<vmem>>) semaphore(%run_scoped3A : memref<!tpu.dma_semaphore, #tpu.memory_space<semaphore_mem>>) {add = true}
      %dma_wait3A_52 = arith.constant 0 : i32
      %dma_wait3A_53 = arith.constant 0 : i32
      %dma_wait3A_54 = tpu.memref_slice %arg8[%dma_wait3A_52, %dma_wait3A_53] : memref<128x16xf32, #tpu.memory_space<vmem>> -> memref<16x16xf32, #tpu.memory_space<vmem>>
      %dma_wait3A_55 = arith.constant 0 : i32
      %dma_wait3A_56 = arith.constant 0 : i32
      %dma_wait3A_57 = tpu.memref_slice %arg10[%dma_wait3A_55, %dma_wait3A_56] : memref<10240x16xf32, #tpu.memory_space<vmem_shared>> -> memref<10240x16xf32, #tpu.memory_space<vmem_shared>>
      tpu.wait_indirect_dma semaphore(%run_scoped3A : memref<!tpu.dma_semaphore, #tpu.memory_space<semaphore_mem>>) src(%dma_wait3A_54 : memref<16x16xf32, #tpu.memory_space<vmem>>) dst(%dma_wait3A_57 : memref<10240x16xf32, #tpu.memory_space<vmem_shared>>)
      tpu.yield
    }) : () -> ()
    %barrier3A_40 = arith.constant 0 : index
    tpu.barrier barrier_id(%barrier3A_40)
    %scan3A_41 = arith.constant 0 : i32
    %scan3A_42 = arith.constant 5 : i32
    %scan3A_43 = arith.addi %scan3A_41, %scan3A_42 : i32
    %scan3A_44 = arith.constant 1 : i32
    scf.for %scan3A_46 = %scan3A_41 to %scan3A_43 step %scan3A_44  : i32 {
      %mul3A_47 = arith.constant 1 : i32
      %mul3A_48 = arith.muli %scan3A_46, %mul3A_47 : i32
      %add3A_49 = arith.constant 0 : i32
      %add3A_50 = arith.addi %add3A_49, %mul3A_48 : i32
      %mul3A_51 = arith.constant 640 : i32
      %mul3A_52 = arith.muli %arg1, %mul3A_51 : i32
      %mul3A_53 = arith.constant 128 : i32
      %mul3A_54 = arith.muli %add3A_50, %mul3A_53 : i32
      %add3A_55 = arith.addi %mul3A_52, %mul3A_54 : i32
      "tpu.region"() ({
        %run_scoped3A = tpu.sem_alloc : memref<!tpu.dma_semaphore, #tpu.memory_space<semaphore_mem>>
        %dma_start3A_63 = arith.constant 0 : i32
        %dma_start3A_64 = tpu.memref_slice %arg10[%add3A_55, %dma_start3A_63] : memref<10240x16xf32, #tpu.memory_space<vmem_shared>> -> memref<128x16xf32, #tpu.memory_space<vmem_shared>>
        %dma_start3A_65 = arith.constant 0 : i32
        %dma_start3A_66 = tpu.memref_slice %arg10[%add3A_55, %dma_start3A_65] : memref<10240x16xf32, #tpu.memory_space<vmem_shared>> -> memref<128x16xf32, #tpu.memory_space<vmem_shared>>
        tpu.enqueue_dma source(%dma_start3A_66 : memref<128x16xf32, #tpu.memory_space<vmem_shared>>) target(%arg9 : memref<128x16xf32, #tpu.memory_space<vmem>>) target_semaphore(%run_scoped3A : memref<!tpu.dma_semaphore, #tpu.memory_space<semaphore_mem>>)
        %dma_wait3A_67 = arith.constant 0 : i32
        %dma_wait3A_68 = tpu.memref_slice %arg10[%add3A_55, %dma_wait3A_67] : memref<10240x16xf32, #tpu.memory_space<vmem_shared>> -> memref<128x16xf32, #tpu.memory_space<vmem_shared>>
        %dma_wait3A_69 = arith.constant 0 : i32
        %dma_wait3A_70 = tpu.memref_slice %arg10[%add3A_55, %dma_wait3A_69] : memref<10240x16xf32, #tpu.memory_space<vmem_shared>> -> memref<128x16xf32, #tpu.memory_space<vmem_shared>>
        tpu.wait_dma2 semaphore(%run_scoped3A : memref<!tpu.dma_semaphore, #tpu.memory_space<semaphore_mem>>) src(%dma_wait3A_70 : memref<128x16xf32, #tpu.memory_space<vmem_shared>>) dst(%arg9 : memref<128x16xf32, #tpu.memory_space<vmem>>)
        tpu.yield
      }) : () -> ()
      %eq3A = arith.constant 0 : i32
      %eq3A_56 = arith.cmpi eq, %arg0, %eq3A : i32
      %convert_element_type3A = arith.extui %eq3A_56 : i1 to i32
      %cond3A = arith.constant 0 : i32
      %cond3A_57 = arith.cmpi ne, %convert_element_type3A, %cond3A : i32
      scf.if %cond3A_57 {
        "tpu.region"() ({
          %run_scoped3A = tpu.sem_alloc : memref<!tpu.dma_semaphore, #tpu.memory_space<semaphore_mem>>
          %dma_start3A_63 = arith.constant 0 : i32
          %dma_start3A_64 = tpu.memref_slice %arg3[%add3A_55, %dma_start3A_63] : memref<10240x16xf32, #tpu.memory_space<hbm>> -> memref<128x16xf32, #tpu.memory_space<hbm>>
          %dma_start3A_65 = arith.constant 0 : i32
          %dma_start3A_66 = tpu.memref_slice %arg3[%add3A_55, %dma_start3A_65] : memref<10240x16xf32, #tpu.memory_space<hbm>> -> memref<128x16xf32, #tpu.memory_space<hbm>>
          tpu.enqueue_dma source(%arg9 : memref<128x16xf32, #tpu.memory_space<vmem>>) target(%dma_start3A_66 : memref<128x16xf32, #tpu.memory_space<hbm>>) target_semaphore(%run_scoped3A : memref<!tpu.dma_semaphore, #tpu.memory_space<semaphore_mem>>)
          %dma_wait3A_67 = arith.constant 0 : i32
          %dma_wait3A_68 = tpu.memref_slice %arg3[%add3A_55, %dma_wait3A_67] : memref<10240x16xf32, #tpu.memory_space<hbm>> -> memref<128x16xf32, #tpu.memory_space<hbm>>
          %dma_wait3A_69 = arith.constant 0 : i32
          %dma_wait3A_70 = tpu.memref_slice %arg3[%add3A_55, %dma_wait3A_69] : memref<10240x16xf32, #tpu.memory_space<hbm>> -> memref<128x16xf32, #tpu.memory_space<hbm>>
          tpu.wait_dma2 semaphore(%run_scoped3A : memref<!tpu.dma_semaphore, #tpu.memory_space<semaphore_mem>>) src(%arg9 : memref<128x16xf32, #tpu.memory_space<vmem>>) dst(%dma_wait3A_70 : memref<128x16xf32, #tpu.memory_space<hbm>>)
          tpu.yield
        }) : () -> ()
      } else {
      }
      %eq3A_58 = arith.constant 1 : i32
      %eq3A_59 = arith.cmpi eq, %arg0, %eq3A_58 : i32
      %convert_element_type3A_60 = arith.extui %eq3A_59 : i1 to i32
      %cond3A_61 = arith.constant 0 : i32
      %cond3A_62 = arith.cmpi ne, %convert_element_type3A_60, %cond3A_61 : i32
      scf.if %cond3A_62 {
        "tpu.region"() ({
          %run_scoped3A = tpu.sem_alloc : memref<!tpu.dma_semaphore, #tpu.memory_space<semaphore_mem>>
          %dma_start3A_63 = arith.constant 0 : i32
          %dma_start3A_64 = tpu.memref_slice %arg4[%add3A_55, %dma_start3A_63] : memref<10240x16xf32, #tpu.memory_space<hbm>> -> memref<128x16xf32, #tpu.memory_space<hbm>>
          %dma_start3A_65 = arith.constant 0 : i32
          %dma_start3A_66 = tpu.memref_slice %arg4[%add3A_55, %dma_start3A_65] : memref<10240x16xf32, #tpu.memory_space<hbm>> -> memref<128x16xf32, #tpu.memory_space<hbm>>
          tpu.enqueue_dma source(%arg9 : memref<128x16xf32, #tpu.memory_space<vmem>>) target(%dma_start3A_66 : memref<128x16xf32, #tpu.memory_space<hbm>>) target_semaphore(%run_scoped3A : memref<!tpu.dma_semaphore, #tpu.memory_space<semaphore_mem>>)
          %dma_wait3A_67 = arith.constant 0 : i32
          %dma_wait3A_68 = tpu.memref_slice %arg4[%add3A_55, %dma_wait3A_67] : memref<10240x16xf32, #tpu.memory_space<hbm>> -> memref<128x16xf32, #tpu.memory_space<hbm>>
          %dma_wait3A_69 = arith.constant 0 : i32
          %dma_wait3A_70 = tpu.memref_slice %arg4[%add3A_55, %dma_wait3A_69] : memref<10240x16xf32, #tpu.memory_space<hbm>> -> memref<128x16xf32, #tpu.memory_space<hbm>>
          tpu.wait_dma2 semaphore(%run_scoped3A : memref<!tpu.dma_semaphore, #tpu.memory_space<semaphore_mem>>) src(%arg9 : memref<128x16xf32, #tpu.memory_space<vmem>>) dst(%dma_wait3A_70 : memref<128x16xf32, #tpu.memory_space<hbm>>)
          tpu.yield
        }) : () -> ()
      } else {
      }
    }
    %scan3A_45 = arith.constant 5 : i32
    return
  }
}

#map = affine_map<(d0, d1) -> (0, 0)>
#map1 = affine_map<(d0, d1) -> (0)>
module attributes {stable_mosaic.version = 14 : i64} {
  func.func @_sc_pool_body(%arg0: i32, %arg1: i32, %arg2: memref<10240x2xf32, #tpu.memory_space<hbm>>, %arg3: memref<128xi32, #tpu.memory_space<hbm>>, %arg4: memref<128xi32, #tpu.memory_space<hbm>>, %arg5: memref<100x128xf32, #tpu.memory_space<hbm>>, %arg6: memref<10240x2xf32, #tpu.memory_space<vmem>>, %arg7: memref<10240xf32, #tpu.memory_space<vmem>>, %arg8: memref<128xi32, #tpu.memory_space<vmem>>, %arg9: memref<128xi32, #tpu.memory_space<vmem>>, %arg10: memref<64xi32, #tpu.memory_space<vmem>>, %arg11: memref<128xf32, #tpu.memory_space<vmem>>) attributes {dimension_semantics = [#tpu.dimension_semantics<core_parallel>, #tpu.dimension_semantics<subcore_parallel>], iteration_bounds = array<i64: 2, 16>, scalar_prefetch = 0 : i64, scratch_operands = 6 : i64, tpu.core_type = #tpu.core_type<sc_vector_subcore>, window_params = [{transform_indices = #map}, {transform_indices = #map1}, {transform_indices = #map1}, {transform_indices = #map}]} {
    %mul3A = arith.constant 16 : i32
    %mul3A_0 = arith.muli %arg0, %mul3A : i32
    %add3A = arith.addi %mul3A_0, %arg1 : i32
    "tpu.region"() ({
      %run_scoped3A = tpu.sem_alloc : memref<!tpu.dma_semaphore, #tpu.memory_space<semaphore_mem>>
      tpu.enqueue_dma source(%arg2 : memref<10240x2xf32, #tpu.memory_space<hbm>>) target(%arg6 : memref<10240x2xf32, #tpu.memory_space<vmem>>) target_semaphore(%run_scoped3A : memref<!tpu.dma_semaphore, #tpu.memory_space<semaphore_mem>>)
      tpu.wait_dma2 semaphore(%run_scoped3A : memref<!tpu.dma_semaphore, #tpu.memory_space<semaphore_mem>>) src(%arg2 : memref<10240x2xf32, #tpu.memory_space<hbm>>) dst(%arg6 : memref<10240x2xf32, #tpu.memory_space<vmem>>)
      tpu.yield
    }) : () -> ()
    "tpu.region"() ({
      %run_scoped3A = tpu.sem_alloc : memref<!tpu.dma_semaphore, #tpu.memory_space<semaphore_mem>>
      tpu.enqueue_dma source(%arg3 : memref<128xi32, #tpu.memory_space<hbm>>) target(%arg8 : memref<128xi32, #tpu.memory_space<vmem>>) target_semaphore(%run_scoped3A : memref<!tpu.dma_semaphore, #tpu.memory_space<semaphore_mem>>)
      tpu.wait_dma2 semaphore(%run_scoped3A : memref<!tpu.dma_semaphore, #tpu.memory_space<semaphore_mem>>) src(%arg3 : memref<128xi32, #tpu.memory_space<hbm>>) dst(%arg8 : memref<128xi32, #tpu.memory_space<vmem>>)
      tpu.yield
    }) : () -> ()
    "tpu.region"() ({
      %run_scoped3A = tpu.sem_alloc : memref<!tpu.dma_semaphore, #tpu.memory_space<semaphore_mem>>
      tpu.enqueue_dma source(%arg4 : memref<128xi32, #tpu.memory_space<hbm>>) target(%arg9 : memref<128xi32, #tpu.memory_space<vmem>>) target_semaphore(%run_scoped3A : memref<!tpu.dma_semaphore, #tpu.memory_space<semaphore_mem>>)
      tpu.wait_dma2 semaphore(%run_scoped3A : memref<!tpu.dma_semaphore, #tpu.memory_space<semaphore_mem>>) src(%arg4 : memref<128xi32, #tpu.memory_space<hbm>>) dst(%arg9 : memref<128xi32, #tpu.memory_space<vmem>>)
      tpu.yield
    }) : () -> ()
    %iota3A = tpu.iota {dimensions = array<i32: 0>} : vector<16xi32>
    %broadcast_in_dim3A = arith.constant 1 : i32
    %broadcast_in_dim3A_1 = vector.broadcast %broadcast_in_dim3A : i32 to vector<16xi32>
    %scan3A = arith.constant 0 : i32
    %scan3A_2 = arith.constant 640 : i32
    %scan3A_3 = arith.addi %scan3A, %scan3A_2 : i32
    %scan3A_4 = arith.constant 1 : i32
    scf.for %scan3A_31 = %scan3A to %scan3A_3 step %scan3A_4  : i32 {
      %mul3A_32 = arith.constant 1 : i32
      %mul3A_33 = arith.muli %scan3A_31, %mul3A_32 : i32
      %add3A_34 = arith.constant 0 : i32
      %add3A_35 = arith.addi %add3A_34, %mul3A_33 : i32
      %mul3A_36 = arith.constant 16 : i32
      %mul3A_37 = arith.muli %add3A_35, %mul3A_36 : i32
      %add3A_38 = vector.broadcast %mul3A_37 : i32 to vector<16xi32>
      %add3A_39 = arith.addi %add3A_38, %iota3A : vector<16xi32>
      %gather3A = tpu.vector_load_idx %arg6[%add3A_39, %broadcast_in_dim3A_1] : memref<10240x2xf32, #tpu.memory_space<vmem>>[vector<16xi32>, vector<16xi32>], vector<16xf32>,
      %mul3A_40 = arith.constant 16 : i32
      %mul3A_41 = arith.muli %add3A_35, %mul3A_40 : i32
      %swap3A = arith.index_cast %mul3A_41 : i32 to index
      %swap3A_42 = tpu.vector_load %arg7[%swap3A] {strides = array<i32>} : memref<10240xf32, #tpu.memory_space<vmem>>, vector<16xf32>,
      tpu.vector_store %arg7[%swap3A], %gather3A {strides = array<i32>} : memref<10240xf32, #tpu.memory_space<vmem>>, vector<16xf32>,
    }
    %scan3A_5 = arith.constant 640 : i32
    %add3A_6 = arith.constant 0 : i32
    %add3A_7 = arith.addi %add3A, %add3A_6 : i32
    %lt3A = arith.constant 100 : i32
    %lt3A_8 = arith.cmpi slt, %add3A_7, %lt3A : i32
    %convert_element_type3A = arith.extui %lt3A_8 : i1 to i32
    %cond3A = arith.constant 0 : i32
    %cond3A_9 = arith.cmpi ne, %convert_element_type3A, %cond3A : i32
    scf.if %cond3A_9 {
      %broadcast_in_dim3A_31 = vector.broadcast %add3A_7 : i32 to vector<16xi32>
      %gather3A = tpu.vector_load_idx %arg8[%broadcast_in_dim3A_31] : memref<128xi32, #tpu.memory_space<vmem>>[vector<16xi32>], vector<16xi32>,
      %reduce_max3A = arith.constant true
      %reduce_max3A_32 = vector.broadcast %reduce_max3A : i1 to vector<16xi1>
      %reduce_max3A_33 = arith.constant -2147483648 : i32
      %reduce_max3A_34 = vector.broadcast %reduce_max3A_33 : i32 to vector<16xi32>
      %reduce_max3A_35 = arith.xori %gather3A, %reduce_max3A_34 : vector<16xi32>
      %reduce_max3A_36 = tpu.scan <max>, %reduce_max3A_35 masked %reduce_max3A_32 : vector<16xi32>, vector<16xi1> -> vector<16xi32>
      %reduce_max3A_37 = arith.xori %reduce_max3A_36, %reduce_max3A_34 : vector<16xi32>
      %reduce_max3A_38 = vector.extract %reduce_max3A_37[15] : i32 from vector<16xi32>
      %gather3A_39 = tpu.vector_load_idx %arg9[%broadcast_in_dim3A_31] : memref<128xi32, #tpu.memory_space<vmem>>[vector<16xi32>], vector<16xi32>,
      %reduce_max3A_40 = arith.constant true
      %reduce_max3A_41 = vector.broadcast %reduce_max3A_40 : i1 to vector<16xi1>
      %reduce_max3A_42 = arith.constant -2147483648 : i32
      %reduce_max3A_43 = vector.broadcast %reduce_max3A_42 : i32 to vector<16xi32>
      %reduce_max3A_44 = arith.xori %gather3A_39, %reduce_max3A_43 : vector<16xi32>
      %reduce_max3A_45 = tpu.scan <max>, %reduce_max3A_44 masked %reduce_max3A_41 : vector<16xi32>, vector<16xi1> -> vector<16xi32>
      %reduce_max3A_46 = arith.xori %reduce_max3A_45, %reduce_max3A_43 : vector<16xi32>
      %reduce_max3A_47 = vector.extract %reduce_max3A_46[15] : i32 from vector<16xi32>
      %broadcast_in_dim3A_48 = arith.constant 10000 : i32
      %broadcast_in_dim3A_49 = vector.broadcast %broadcast_in_dim3A_48 : i32 to vector<16xi32>
      %swap3A = arith.constant 0 : index
      %swap3A_50 = tpu.vector_load %arg10[%swap3A] {strides = array<i32>} : memref<64xi32, #tpu.memory_space<vmem>>, vector<16xi32>,
      tpu.vector_store %arg10[%swap3A], %broadcast_in_dim3A_49 {strides = array<i32>} : memref<64xi32, #tpu.memory_space<vmem>>, vector<16xi32>,
      %broadcast_in_dim3A_51 = arith.constant 10000 : i32
      %broadcast_in_dim3A_52 = vector.broadcast %broadcast_in_dim3A_51 : i32 to vector<16xi32>
      %swap3A_53 = arith.constant 16 : index
      %swap3A_54 = tpu.vector_load %arg10[%swap3A_53] {strides = array<i32>} : memref<64xi32, #tpu.memory_space<vmem>>, vector<16xi32>,
      tpu.vector_store %arg10[%swap3A_53], %broadcast_in_dim3A_52 {strides = array<i32>} : memref<64xi32, #tpu.memory_space<vmem>>, vector<16xi32>,
      %broadcast_in_dim3A_55 = arith.constant 10000 : i32
      %broadcast_in_dim3A_56 = vector.broadcast %broadcast_in_dim3A_55 : i32 to vector<16xi32>
      %swap3A_57 = arith.constant 32 : index
      %swap3A_58 = tpu.vector_load %arg10[%swap3A_57] {strides = array<i32>} : memref<64xi32, #tpu.memory_space<vmem>>, vector<16xi32>,
      tpu.vector_store %arg10[%swap3A_57], %broadcast_in_dim3A_56 {strides = array<i32>} : memref<64xi32, #tpu.memory_space<vmem>>, vector<16xi32>,
      %broadcast_in_dim3A_59 = arith.constant 10000 : i32
      %broadcast_in_dim3A_60 = vector.broadcast %broadcast_in_dim3A_59 : i32 to vector<16xi32>
      %swap3A_61 = arith.constant 48 : index
      %swap3A_62 = tpu.vector_load %arg10[%swap3A_61] {strides = array<i32>} : memref<64xi32, #tpu.memory_space<vmem>>, vector<16xi32>,
      tpu.vector_store %arg10[%swap3A_61], %broadcast_in_dim3A_60 {strides = array<i32>} : memref<64xi32, #tpu.memory_space<vmem>>, vector<16xi32>,
      %gt3A = arith.constant 0 : i32
      %gt3A_63 = arith.cmpi sgt, %reduce_max3A_47, %gt3A : i32
      %convert_element_type3A_64 = arith.extui %gt3A_63 : i1 to i32
      %cond3A_65 = arith.constant 0 : i32
      %cond3A_66 = arith.cmpi ne, %convert_element_type3A_64, %cond3A_65 : i32
      scf.if %cond3A_66 {
        %add3A_170 = arith.constant 15 : i32
        %add3A_171 = arith.addi %reduce_max3A_47, %add3A_170 : i32
        %jit3A = arith.constant 16 : i32
        %div3A = arith.divsi %add3A_171, %jit3A : i32
        %sign3A = arith.constant 0 : i32
        %sign3A_172 = arith.cmpi sgt, %add3A_171, %sign3A : i32
        %sign3A_173 = arith.extui %sign3A_172 : i1 to i32
        %sign3A_174 = arith.constant 0 : i32
        %sign3A_175 = arith.cmpi slt, %add3A_171, %sign3A_174 : i32
        %sign3A_176 = arith.extui %sign3A_175 : i1 to i32
        %sign3A_177 = arith.subi %sign3A_173, %sign3A_176 : i32
        %sign3A_178 = arith.constant 0 : i32
        %sign3A_179 = arith.cmpi sgt, %jit3A, %sign3A_178 : i32
        %sign3A_180 = arith.extui %sign3A_179 : i1 to i32
        %sign3A_181 = arith.constant 0 : i32
        %sign3A_182 = arith.cmpi slt, %jit3A, %sign3A_181 : i32
        %sign3A_183 = arith.extui %sign3A_182 : i1 to i32
        %sign3A_184 = arith.subi %sign3A_180, %sign3A_183 : i32
        %ne3A = arith.cmpi ne, %sign3A_177, %sign3A_184 : i32
        %rem3A = arith.remsi %add3A_171, %jit3A : i32
        %ne3A_185 = arith.constant 0 : i32
        %ne3A_186 = arith.cmpi ne, %rem3A, %ne3A_185 : i32
        %and3A = arith.andi %ne3A, %ne3A_186 : i1
        %sub3A = arith.constant 1 : i32
        %sub3A_187 = arith.subi %div3A, %sub3A : i32
        %select_n3A = arith.select %and3A, %sub3A_187, %div3A : i32
        %sub3A_188 = arith.constant 1 : i32
        %sub3A_189 = arith.subi %select_n3A, %sub3A_188 : i32
        %mul3A_190 = arith.constant 16 : i32
        %mul3A_191 = arith.muli %sub3A_189, %mul3A_190 : i32
        %add3A_192 = arith.addi %reduce_max3A_38, %mul3A_191 : i32
        %get3A_193 = arith.index_cast %add3A_192 : i32 to index
        %get3A_194 = tpu.vector_load %arg7[%get3A_193] {strides = array<i32>} : memref<10240xf32, #tpu.memory_space<vmem>>, vector<16xf32>,
        %sub3A_195 = arith.constant 1 : i32
        %sub3A_196 = arith.subi %select_n3A, %sub3A_195 : i32
        %mul3A_197 = arith.constant 16 : i32
        %mul3A_198 = arith.muli %sub3A_196, %mul3A_197 : i32
        %add3A_199 = vector.broadcast %mul3A_198 : i32 to vector<16xi32>
        %add3A_200 = arith.addi %add3A_199, %iota3A : vector<16xi32>
        %lt3A_201 = vector.broadcast %reduce_max3A_47 : i32 to vector<16xi32>
        %lt3A_202 = arith.cmpi slt, %add3A_200, %lt3A_201 : vector<16xi32>
        %jit3A_203 = arith.constant 0xFF800000 : f32
        %broadcast_in_dim3A_204 = vector.broadcast %jit3A_203 : f32 to vector<16xf32>
        %select_n3A_205 = arith.select %lt3A_202, %get3A_194, %broadcast_in_dim3A_204 : vector<16xi1>, vector<16xf32>
        %swap3A_206 = arith.index_cast %add3A_192 : i32 to index
        %swap3A_207 = tpu.vector_load %arg7[%swap3A_206] {strides = array<i32>} : memref<10240xf32, #tpu.memory_space<vmem>>, vector<16xf32>,
        tpu.vector_store %arg7[%swap3A_206], %select_n3A_205 {strides = array<i32>} : memref<10240xf32, #tpu.memory_space<vmem>>, vector<16xf32>,
        %while3A = arith.constant 0 : i32
        %while3A_208 = arith.constant 0 : i32
        %while3A_209 = arith.subi %reduce_max3A_47, %while3A : i32
        %while3A_210 = arith.addi %while3A, %while3A_209 : i32
        %while3A_211 = arith.constant 1 : i32
        %while3A_212 = arith.divsi %while3A_209, %while3A_211 : i32
        %while3A_213 = arith.muli %while3A_212, %while3A_211 : i32
        %while3A_214 = arith.addi %while3A, %while3A_213 : i32
        %while3A_215 = arith.constant 1 : i32
        %while3A_216 = scf.for %while3A_219 = %while3A to %while3A_214 step %while3A_215 iter_args(%while3A_220 = %while3A_208) -> (i32)  : i32 {
          %add3A_221 = arith.addi %reduce_max3A_38, %while3A_219 : i32
          %broadcast_in_dim3A_222 = vector.broadcast %add3A_221 : i32 to vector<16xi32>
          %gather3A_223 = tpu.vector_load_idx %arg7[%broadcast_in_dim3A_222] : memref<10240xf32, #tpu.memory_space<vmem>>[vector<16xi32>], vector<16xf32>,
          %broadcast_in_dim3A_224 = arith.constant 0 : i32
          %broadcast_in_dim3A_225 = vector.broadcast %broadcast_in_dim3A_224 : i32 to vector<16xi32>
          %while3A_226 = arith.constant 0 : i32
          %while3A_227 = arith.subi %select_n3A, %while3A_226 : i32
          %while3A_228 = arith.addi %while3A_226, %while3A_227 : i32
          %while3A_229 = arith.constant 1 : i32
          %while3A_230 = arith.divsi %while3A_227, %while3A_229 : i32
          %while3A_231 = arith.muli %while3A_230, %while3A_229 : i32
          %while3A_232 = arith.addi %while3A_226, %while3A_231 : i32
          %while3A_233 = arith.constant 1 : i32
          %while3A_234 = scf.for %while3A_254 = %while3A_226 to %while3A_232 step %while3A_233 iter_args(%while3A_255 = %broadcast_in_dim3A_225) -> (vector<16xi32>)  : i32 {
            %mul3A_256 = arith.constant 16 : i32
            %mul3A_257 = arith.muli %while3A_254, %mul3A_256 : i32
            %add3A_258 = arith.addi %reduce_max3A_38, %mul3A_257 : i32
            %get3A_259 = arith.index_cast %add3A_258 : i32 to index
            %get3A_260 = tpu.vector_load %arg7[%get3A_259] {strides = array<i32>} : memref<10240xf32, #tpu.memory_space<vmem>>, vector<16xf32>,
            %mul3A_261 = arith.constant 16 : i32
            %mul3A_262 = arith.muli %while3A_254, %mul3A_261 : i32
            %add3A_263 = vector.broadcast %mul3A_262 : i32 to vector<16xi32>
            %add3A_264 = arith.addi %add3A_263, %iota3A : vector<16xi32>
            %gt3A_265 = arith.cmpf ogt, %get3A_260, %gather3A_223 : vector<16xf32>
            %eq3A_266 = arith.cmpf oeq, %get3A_260, %gather3A_223 : vector<16xf32>
            %lt3A_267 = vector.broadcast %while3A_219 : i32 to vector<16xi32>
            %lt3A_268 = arith.cmpi slt, %add3A_264, %lt3A_267 : vector<16xi32>
            %and3A_269 = arith.andi %eq3A_266, %lt3A_268 : vector<16xi1>
            %or3A = arith.ori %gt3A_265, %and3A_269 : vector<16xi1>
            %all_reduce_population_count3A = tpu.all_reduce %or3A {dim = 0 : i64, kind = #tpu.reduction_kind<sum>} : vector<16xi1> -> vector<16xi32>
            %add3A_270 = arith.addi %while3A_255, %all_reduce_population_count3A : vector<16xi32>
            scf.yield %add3A_270 : vector<16xi32>
          }
          %while3A_235 = arith.constant 1 : i32
          %while3A_236 = scf.for %while3A_254 = %while3A_232 to %while3A_228 step %while3A_235 iter_args(%while3A_255 = %while3A_234) -> (vector<16xi32>)  : i32 {
            %mul3A_256 = arith.constant 16 : i32
            %mul3A_257 = arith.muli %while3A_254, %mul3A_256 : i32
            %add3A_258 = arith.addi %reduce_max3A_38, %mul3A_257 : i32
            %get3A_259 = arith.index_cast %add3A_258 : i32 to index
            %get3A_260 = tpu.vector_load %arg7[%get3A_259] {strides = array<i32>} : memref<10240xf32, #tpu.memory_space<vmem>>, vector<16xf32>,
            %mul3A_261 = arith.constant 16 : i32
            %mul3A_262 = arith.muli %while3A_254, %mul3A_261 : i32
            %add3A_263 = vector.broadcast %mul3A_262 : i32 to vector<16xi32>
            %add3A_264 = arith.addi %add3A_263, %iota3A : vector<16xi32>
            %gt3A_265 = arith.cmpf ogt, %get3A_260, %gather3A_223 : vector<16xf32>
            %eq3A_266 = arith.cmpf oeq, %get3A_260, %gather3A_223 : vector<16xf32>
            %lt3A_267 = vector.broadcast %while3A_219 : i32 to vector<16xi32>
            %lt3A_268 = arith.cmpi slt, %add3A_264, %lt3A_267 : vector<16xi32>
            %and3A_269 = arith.andi %eq3A_266, %lt3A_268 : vector<16xi1>
            %or3A = arith.ori %gt3A_265, %and3A_269 : vector<16xi1>
            %all_reduce_population_count3A = tpu.all_reduce %or3A {dim = 0 : i64, kind = #tpu.reduction_kind<sum>} : vector<16xi1> -> vector<16xi32>
            %add3A_270 = arith.addi %while3A_255, %all_reduce_population_count3A : vector<16xi32>
            scf.yield %add3A_270 : vector<16xi32>
          }
          %reduce_max3A_237 = arith.constant true
          %reduce_max3A_238 = vector.broadcast %reduce_max3A_237 : i1 to vector<16xi1>
          %reduce_max3A_239 = arith.constant -2147483648 : i32
          %reduce_max3A_240 = vector.broadcast %reduce_max3A_239 : i32 to vector<16xi32>
          %reduce_max3A_241 = arith.xori %while3A_236, %reduce_max3A_240 : vector<16xi32>
          %reduce_max3A_242 = tpu.scan <max>, %reduce_max3A_241 masked %reduce_max3A_238 : vector<16xi32>, vector<16xi1> -> vector<16xi32>
          %reduce_max3A_243 = arith.xori %reduce_max3A_242, %reduce_max3A_240 : vector<16xi32>
          %reduce_max3A_244 = vector.extract %reduce_max3A_243[15] : i32 from vector<16xi32>
          %broadcast_in_dim3A_245 = vector.broadcast %reduce_max3A_244 : i32 to vector<16xi32>
          %eq3A = arith.constant 0 : i32
          %eq3A_246 = vector.broadcast %eq3A : i32 to vector<16xi32>
          %eq3A_247 = arith.cmpi eq, %iota3A, %eq3A_246 : vector<16xi32>
          %lt3A_248 = arith.constant 64 : i32
          %lt3A_249 = vector.broadcast %lt3A_248 : i32 to vector<16xi32>
          %lt3A_250 = arith.cmpi slt, %broadcast_in_dim3A_245, %lt3A_249 : vector<16xi32>
          %and3A_251 = arith.andi %eq3A_247, %lt3A_250 : vector<16xi1>
          %broadcast_in_dim3A_252 = vector.broadcast %add3A_221 : i32 to vector<16xi32>
          tpu.vector_store_idx %arg10[%broadcast_in_dim3A_245], %broadcast_in_dim3A_252 masked %and3A_251 : memref<64xi32, #tpu.memory_space<vmem>>[vector<16xi32>], vector<16xi32>, vector<16xi1>
          %while3A_253 = arith.constant 0 : i32
          scf.yield %while3A_253 : i32
        }
        %while3A_217 = arith.constant 1 : i32
        %while3A_218 = scf.for %while3A_219 = %while3A_214 to %while3A_210 step %while3A_217 iter_args(%while3A_220 = %while3A_216) -> (i32)  : i32 {
          %add3A_221 = arith.addi %reduce_max3A_38, %while3A_219 : i32
          %broadcast_in_dim3A_222 = vector.broadcast %add3A_221 : i32 to vector<16xi32>
          %gather3A_223 = tpu.vector_load_idx %arg7[%broadcast_in_dim3A_222] : memref<10240xf32, #tpu.memory_space<vmem>>[vector<16xi32>], vector<16xf32>,
          %broadcast_in_dim3A_224 = arith.constant 0 : i32
          %broadcast_in_dim3A_225 = vector.broadcast %broadcast_in_dim3A_224 : i32 to vector<16xi32>
          %while3A_226 = arith.constant 0 : i32
          %while3A_227 = arith.subi %select_n3A, %while3A_226 : i32
          %while3A_228 = arith.addi %while3A_226, %while3A_227 : i32
          %while3A_229 = arith.constant 1 : i32
          %while3A_230 = arith.divsi %while3A_227, %while3A_229 : i32
          %while3A_231 = arith.muli %while3A_230, %while3A_229 : i32
          %while3A_232 = arith.addi %while3A_226, %while3A_231 : i32
          %while3A_233 = arith.constant 1 : i32
          %while3A_234 = scf.for %while3A_254 = %while3A_226 to %while3A_232 step %while3A_233 iter_args(%while3A_255 = %broadcast_in_dim3A_225) -> (vector<16xi32>)  : i32 {
            %mul3A_256 = arith.constant 16 : i32
            %mul3A_257 = arith.muli %while3A_254, %mul3A_256 : i32
            %add3A_258 = arith.addi %reduce_max3A_38, %mul3A_257 : i32
            %get3A_259 = arith.index_cast %add3A_258 : i32 to index
            %get3A_260 = tpu.vector_load %arg7[%get3A_259] {strides = array<i32>} : memref<10240xf32, #tpu.memory_space<vmem>>, vector<16xf32>,
            %mul3A_261 = arith.constant 16 : i32
            %mul3A_262 = arith.muli %while3A_254, %mul3A_261 : i32
            %add3A_263 = vector.broadcast %mul3A_262 : i32 to vector<16xi32>
            %add3A_264 = arith.addi %add3A_263, %iota3A : vector<16xi32>
            %gt3A_265 = arith.cmpf ogt, %get3A_260, %gather3A_223 : vector<16xf32>
            %eq3A_266 = arith.cmpf oeq, %get3A_260, %gather3A_223 : vector<16xf32>
            %lt3A_267 = vector.broadcast %while3A_219 : i32 to vector<16xi32>
            %lt3A_268 = arith.cmpi slt, %add3A_264, %lt3A_267 : vector<16xi32>
            %and3A_269 = arith.andi %eq3A_266, %lt3A_268 : vector<16xi1>
            %or3A = arith.ori %gt3A_265, %and3A_269 : vector<16xi1>
            %all_reduce_population_count3A = tpu.all_reduce %or3A {dim = 0 : i64, kind = #tpu.reduction_kind<sum>} : vector<16xi1> -> vector<16xi32>
            %add3A_270 = arith.addi %while3A_255, %all_reduce_population_count3A : vector<16xi32>
            scf.yield %add3A_270 : vector<16xi32>
          }
          %while3A_235 = arith.constant 1 : i32
          %while3A_236 = scf.for %while3A_254 = %while3A_232 to %while3A_228 step %while3A_235 iter_args(%while3A_255 = %while3A_234) -> (vector<16xi32>)  : i32 {
            %mul3A_256 = arith.constant 16 : i32
            %mul3A_257 = arith.muli %while3A_254, %mul3A_256 : i32
            %add3A_258 = arith.addi %reduce_max3A_38, %mul3A_257 : i32
            %get3A_259 = arith.index_cast %add3A_258 : i32 to index
            %get3A_260 = tpu.vector_load %arg7[%get3A_259] {strides = array<i32>} : memref<10240xf32, #tpu.memory_space<vmem>>, vector<16xf32>,
            %mul3A_261 = arith.constant 16 : i32
            %mul3A_262 = arith.muli %while3A_254, %mul3A_261 : i32
            %add3A_263 = vector.broadcast %mul3A_262 : i32 to vector<16xi32>
            %add3A_264 = arith.addi %add3A_263, %iota3A : vector<16xi32>
            %gt3A_265 = arith.cmpf ogt, %get3A_260, %gather3A_223 : vector<16xf32>
            %eq3A_266 = arith.cmpf oeq, %get3A_260, %gather3A_223 : vector<16xf32>
            %lt3A_267 = vector.broadcast %while3A_219 : i32 to vector<16xi32>
            %lt3A_268 = arith.cmpi slt, %add3A_264, %lt3A_267 : vector<16xi32>
            %and3A_269 = arith.andi %eq3A_266, %lt3A_268 : vector<16xi1>
            %or3A = arith.ori %gt3A_265, %and3A_269 : vector<16xi1>
            %all_reduce_population_count3A = tpu.all_reduce %or3A {dim = 0 : i64, kind = #tpu.reduction_kind<sum>} : vector<16xi1> -> vector<16xi32>
            %add3A_270 = arith.addi %while3A_255, %all_reduce_population_count3A : vector<16xi32>
            scf.yield %add3A_270 : vector<16xi32>
          }
          %reduce_max3A_237 = arith.constant true
          %reduce_max3A_238 = vector.broadcast %reduce_max3A_237 : i1 to vector<16xi1>
          %reduce_max3A_239 = arith.constant -2147483648 : i32
          %reduce_max3A_240 = vector.broadcast %reduce_max3A_239 : i32 to vector<16xi32>
          %reduce_max3A_241 = arith.xori %while3A_236, %reduce_max3A_240 : vector<16xi32>
          %reduce_max3A_242 = tpu.scan <max>, %reduce_max3A_241 masked %reduce_max3A_238 : vector<16xi32>, vector<16xi1> -> vector<16xi32>
          %reduce_max3A_243 = arith.xori %reduce_max3A_242, %reduce_max3A_240 : vector<16xi32>
          %reduce_max3A_244 = vector.extract %reduce_max3A_243[15] : i32 from vector<16xi32>
          %broadcast_in_dim3A_245 = vector.broadcast %reduce_max3A_244 : i32 to vector<16xi32>
          %eq3A = arith.constant 0 : i32
          %eq3A_246 = vector.broadcast %eq3A : i32 to vector<16xi32>
          %eq3A_247 = arith.cmpi eq, %iota3A, %eq3A_246 : vector<16xi32>
          %lt3A_248 = arith.constant 64 : i32
          %lt3A_249 = vector.broadcast %lt3A_248 : i32 to vector<16xi32>
          %lt3A_250 = arith.cmpi slt, %broadcast_in_dim3A_245, %lt3A_249 : vector<16xi32>
          %and3A_251 = arith.andi %eq3A_247, %lt3A_250 : vector<16xi1>
          %broadcast_in_dim3A_252 = vector.broadcast %add3A_221 : i32 to vector<16xi32>
          tpu.vector_store_idx %arg10[%broadcast_in_dim3A_245], %broadcast_in_dim3A_252 masked %and3A_251 : memref<64xi32, #tpu.memory_space<vmem>>[vector<16xi32>], vector<16xi32>, vector<16xi1>
          %while3A_253 = arith.constant 0 : i32
          scf.yield %while3A_253 : i32
        }
      } else {
      }
      %get3A = arith.constant 0 : index
      %get3A_67 = tpu.vector_load %arg10[%get3A] {strides = array<i32>} : memref<64xi32, #tpu.memory_space<vmem>>, vector<16xi32>,
      %broadcast_in_dim3A_68 = arith.constant 0 : i32
      %broadcast_in_dim3A_69 = vector.broadcast %broadcast_in_dim3A_68 : i32 to vector<16xi32>
      %gather3A_70 = tpu.vector_load_idx %arg6[%get3A_67, %broadcast_in_dim3A_69] : memref<10240x2xf32, #tpu.memory_space<vmem>>[vector<16xi32>, vector<16xi32>], vector<16xf32>,
      %add3A_71 = arith.constant 0 : i32
      %add3A_72 = vector.broadcast %add3A_71 : i32 to vector<16xi32>
      %add3A_73 = arith.addi %add3A_72, %iota3A : vector<16xi32>
      %mul3A_74 = arith.constant 2 : i32
      %mul3A_75 = vector.broadcast %mul3A_74 : i32 to vector<16xi32>
      %mul3A_76 = arith.muli %add3A_73, %mul3A_75 : vector<16xi32>
      %add3A_77 = arith.constant 0 : i32
      %add3A_78 = vector.broadcast %add3A_77 : i32 to vector<16xi32>
      %add3A_79 = arith.addi %mul3A_76, %add3A_78 : vector<16xi32>
      tpu.vector_store_idx %arg11[%add3A_79], %gather3A_70 : memref<128xf32, #tpu.memory_space<vmem>>[vector<16xi32>], vector<16xf32>,
      %broadcast_in_dim3A_80 = arith.constant 1 : i32
      %broadcast_in_dim3A_81 = vector.broadcast %broadcast_in_dim3A_80 : i32 to vector<16xi32>
      %gather3A_82 = tpu.vector_load_idx %arg6[%get3A_67, %broadcast_in_dim3A_81] : memref<10240x2xf32, #tpu.memory_space<vmem>>[vector<16xi32>, vector<16xi32>], vector<16xf32>,
      %add3A_83 = arith.constant 0 : i32
      %add3A_84 = vector.broadcast %add3A_83 : i32 to vector<16xi32>
      %add3A_85 = arith.addi %add3A_84, %iota3A : vector<16xi32>
      %mul3A_86 = arith.constant 2 : i32
      %mul3A_87 = vector.broadcast %mul3A_86 : i32 to vector<16xi32>
      %mul3A_88 = arith.muli %add3A_85, %mul3A_87 : vector<16xi32>
      %add3A_89 = arith.constant 1 : i32
      %add3A_90 = vector.broadcast %add3A_89 : i32 to vector<16xi32>
      %add3A_91 = arith.addi %mul3A_88, %add3A_90 : vector<16xi32>
      tpu.vector_store_idx %arg11[%add3A_91], %gather3A_82 : memref<128xf32, #tpu.memory_space<vmem>>[vector<16xi32>], vector<16xf32>,
      %get3A_92 = arith.constant 16 : index
      %get3A_93 = tpu.vector_load %arg10[%get3A_92] {strides = array<i32>} : memref<64xi32, #tpu.memory_space<vmem>>, vector<16xi32>,
      %broadcast_in_dim3A_94 = arith.constant 0 : i32
      %broadcast_in_dim3A_95 = vector.broadcast %broadcast_in_dim3A_94 : i32 to vector<16xi32>
      %gather3A_96 = tpu.vector_load_idx %arg6[%get3A_93, %broadcast_in_dim3A_95] : memref<10240x2xf32, #tpu.memory_space<vmem>>[vector<16xi32>, vector<16xi32>], vector<16xf32>,
      %add3A_97 = arith.constant 16 : i32
      %add3A_98 = vector.broadcast %add3A_97 : i32 to vector<16xi32>
      %add3A_99 = arith.addi %add3A_98, %iota3A : vector<16xi32>
      %mul3A_100 = arith.constant 2 : i32
      %mul3A_101 = vector.broadcast %mul3A_100 : i32 to vector<16xi32>
      %mul3A_102 = arith.muli %add3A_99, %mul3A_101 : vector<16xi32>
      %add3A_103 = arith.constant 0 : i32
      %add3A_104 = vector.broadcast %add3A_103 : i32 to vector<16xi32>
      %add3A_105 = arith.addi %mul3A_102, %add3A_104 : vector<16xi32>
      tpu.vector_store_idx %arg11[%add3A_105], %gather3A_96 : memref<128xf32, #tpu.memory_space<vmem>>[vector<16xi32>], vector<16xf32>,
      %broadcast_in_dim3A_106 = arith.constant 1 : i32
      %broadcast_in_dim3A_107 = vector.broadcast %broadcast_in_dim3A_106 : i32 to vector<16xi32>
      %gather3A_108 = tpu.vector_load_idx %arg6[%get3A_93, %broadcast_in_dim3A_107] : memref<10240x2xf32, #tpu.memory_space<vmem>>[vector<16xi32>, vector<16xi32>], vector<16xf32>,
      %add3A_109 = arith.constant 16 : i32
      %add3A_110 = vector.broadcast %add3A_109 : i32 to vector<16xi32>
      %add3A_111 = arith.addi %add3A_110, %iota3A : vector<16xi32>
      %mul3A_112 = arith.constant 2 : i32
      %mul3A_113 = vector.broadcast %mul3A_112 : i32 to vector<16xi32>
      %mul3A_114 = arith.muli %add3A_111, %mul3A_113 : vector<16xi32>
      %add3A_115 = arith.constant 1 : i32
      %add3A_116 = vector.broadcast %add3A_115 : i32 to vector<16xi32>
      %add3A_117 = arith.addi %mul3A_114, %add3A_116 : vector<16xi32>
      tpu.vector_store_idx %arg11[%add3A_117], %gather3A_108 : memref<128xf32, #tpu.memory_space<vmem>>[vector<16xi32>], vector<16xf32>,
      %get3A_118 = arith.constant 32 : index
      %get3A_119 = tpu.vector_load %arg10[%get3A_118] {strides = array<i32>} : memref<64xi32, #tpu.memory_space<vmem>>, vector<16xi32>,
      %broadcast_in_dim3A_120 = arith.constant 0 : i32
      %broadcast_in_dim3A_121 = vector.broadcast %broadcast_in_dim3A_120 : i32 to vector<16xi32>
      %gather3A_122 = tpu.vector_load_idx %arg6[%get3A_119, %broadcast_in_dim3A_121] : memref<10240x2xf32, #tpu.memory_space<vmem>>[vector<16xi32>, vector<16xi32>], vector<16xf32>,
      %add3A_123 = arith.constant 32 : i32
      %add3A_124 = vector.broadcast %add3A_123 : i32 to vector<16xi32>
      %add3A_125 = arith.addi %add3A_124, %iota3A : vector<16xi32>
      %mul3A_126 = arith.constant 2 : i32
      %mul3A_127 = vector.broadcast %mul3A_126 : i32 to vector<16xi32>
      %mul3A_128 = arith.muli %add3A_125, %mul3A_127 : vector<16xi32>
      %add3A_129 = arith.constant 0 : i32
      %add3A_130 = vector.broadcast %add3A_129 : i32 to vector<16xi32>
      %add3A_131 = arith.addi %mul3A_128, %add3A_130 : vector<16xi32>
      tpu.vector_store_idx %arg11[%add3A_131], %gather3A_122 : memref<128xf32, #tpu.memory_space<vmem>>[vector<16xi32>], vector<16xf32>,
      %broadcast_in_dim3A_132 = arith.constant 1 : i32
      %broadcast_in_dim3A_133 = vector.broadcast %broadcast_in_dim3A_132 : i32 to vector<16xi32>
      %gather3A_134 = tpu.vector_load_idx %arg6[%get3A_119, %broadcast_in_dim3A_133] : memref<10240x2xf32, #tpu.memory_space<vmem>>[vector<16xi32>, vector<16xi32>], vector<16xf32>,
      %add3A_135 = arith.constant 32 : i32
      %add3A_136 = vector.broadcast %add3A_135 : i32 to vector<16xi32>
      %add3A_137 = arith.addi %add3A_136, %iota3A : vector<16xi32>
      %mul3A_138 = arith.constant 2 : i32
      %mul3A_139 = vector.broadcast %mul3A_138 : i32 to vector<16xi32>
      %mul3A_140 = arith.muli %add3A_137, %mul3A_139 : vector<16xi32>
      %add3A_141 = arith.constant 1 : i32
      %add3A_142 = vector.broadcast %add3A_141 : i32 to vector<16xi32>
      %add3A_143 = arith.addi %mul3A_140, %add3A_142 : vector<16xi32>
      tpu.vector_store_idx %arg11[%add3A_143], %gather3A_134 : memref<128xf32, #tpu.memory_space<vmem>>[vector<16xi32>], vector<16xf32>,
      %get3A_144 = arith.constant 48 : index
      %get3A_145 = tpu.vector_load %arg10[%get3A_144] {strides = array<i32>} : memref<64xi32, #tpu.memory_space<vmem>>, vector<16xi32>,
      %broadcast_in_dim3A_146 = arith.constant 0 : i32
      %broadcast_in_dim3A_147 = vector.broadcast %broadcast_in_dim3A_146 : i32 to vector<16xi32>
      %gather3A_148 = tpu.vector_load_idx %arg6[%get3A_145, %broadcast_in_dim3A_147] : memref<10240x2xf32, #tpu.memory_space<vmem>>[vector<16xi32>, vector<16xi32>], vector<16xf32>,
      %add3A_149 = arith.constant 48 : i32
      %add3A_150 = vector.broadcast %add3A_149 : i32 to vector<16xi32>
      %add3A_151 = arith.addi %add3A_150, %iota3A : vector<16xi32>
      %mul3A_152 = arith.constant 2 : i32
      %mul3A_153 = vector.broadcast %mul3A_152 : i32 to vector<16xi32>
      %mul3A_154 = arith.muli %add3A_151, %mul3A_153 : vector<16xi32>
      %add3A_155 = arith.constant 0 : i32
      %add3A_156 = vector.broadcast %add3A_155 : i32 to vector<16xi32>
      %add3A_157 = arith.addi %mul3A_154, %add3A_156 : vector<16xi32>
      tpu.vector_store_idx %arg11[%add3A_157], %gather3A_148 : memref<128xf32, #tpu.memory_space<vmem>>[vector<16xi32>], vector<16xf32>,
      %broadcast_in_dim3A_158 = arith.constant 1 : i32
      %broadcast_in_dim3A_159 = vector.broadcast %broadcast_in_dim3A_158 : i32 to vector<16xi32>
      %gather3A_160 = tpu.vector_load_idx %arg6[%get3A_145, %broadcast_in_dim3A_159] : memref<10240x2xf32, #tpu.memory_space<vmem>>[vector<16xi32>, vector<16xi32>], vector<16xf32>,
      %add3A_161 = arith.constant 48 : i32
      %add3A_162 = vector.broadcast %add3A_161 : i32 to vector<16xi32>
      %add3A_163 = arith.addi %add3A_162, %iota3A : vector<16xi32>
      %mul3A_164 = arith.constant 2 : i32
      %mul3A_165 = vector.broadcast %mul3A_164 : i32 to vector<16xi32>
      %mul3A_166 = arith.muli %add3A_163, %mul3A_165 : vector<16xi32>
      %add3A_167 = arith.constant 1 : i32
      %add3A_168 = vector.broadcast %add3A_167 : i32 to vector<16xi32>
      %add3A_169 = arith.addi %mul3A_166, %add3A_168 : vector<16xi32>
      tpu.vector_store_idx %arg11[%add3A_169], %gather3A_160 : memref<128xf32, #tpu.memory_space<vmem>>[vector<16xi32>], vector<16xf32>,
      "tpu.region"() ({
        %run_scoped3A = tpu.sem_alloc : memref<!tpu.dma_semaphore, #tpu.memory_space<semaphore_mem>>
        %dma_start3A = arith.constant 0 : i32
        %dma_start3A_170 = tpu.memref_slice %arg5[%add3A_7, %dma_start3A] : memref<100x128xf32, #tpu.memory_space<hbm>> -> memref<1x128xf32, #tpu.memory_space<hbm>>
        %dma_start3A_171 = tpu.memref_squeeze %dma_start3A_170 : memref<1x128xf32, #tpu.memory_space<hbm>> -> memref<128xf32, #tpu.memory_space<hbm>>
        %dma_start3A_172 = arith.constant 0 : i32
        %dma_start3A_173 = tpu.memref_slice %arg5[%add3A_7, %dma_start3A_172] : memref<100x128xf32, #tpu.memory_space<hbm>> -> memref<1x128xf32, #tpu.memory_space<hbm>>
        %dma_start3A_174 = tpu.memref_squeeze %dma_start3A_173 : memref<1x128xf32, #tpu.memory_space<hbm>> -> memref<128xf32, #tpu.memory_space<hbm>>
        tpu.enqueue_dma source(%arg11 : memref<128xf32, #tpu.memory_space<vmem>>) target(%dma_start3A_174 : memref<128xf32, #tpu.memory_space<hbm>>) target_semaphore(%run_scoped3A : memref<!tpu.dma_semaphore, #tpu.memory_space<semaphore_mem>>)
        %dma_wait3A = arith.constant 0 : i32
        %dma_wait3A_175 = tpu.memref_slice %arg5[%add3A_7, %dma_wait3A] : memref<100x128xf32, #tpu.memory_space<hbm>> -> memref<1x128xf32, #tpu.memory_space<hbm>>
        %dma_wait3A_176 = tpu.memref_squeeze %dma_wait3A_175 : memref<1x128xf32, #tpu.memory_space<hbm>> -> memref<128xf32, #tpu.memory_space<hbm>>
        %dma_wait3A_177 = arith.constant 0 : i32
        %dma_wait3A_178 = tpu.memref_slice %arg5[%add3A_7, %dma_wait3A_177] : memref<100x128xf32, #tpu.memory_space<hbm>> -> memref<1x128xf32, #tpu.memory_space<hbm>>
        %dma_wait3A_179 = tpu.memref_squeeze %dma_wait3A_178 : memref<1x128xf32, #tpu.memory_space<hbm>> -> memref<128xf32, #tpu.memory_space<hbm>>
        tpu.wait_dma2 semaphore(%run_scoped3A : memref<!tpu.dma_semaphore, #tpu.memory_space<semaphore_mem>>) src(%arg11 : memref<128xf32, #tpu.memory_space<vmem>>) dst(%dma_wait3A_179 : memref<128xf32, #tpu.memory_space<hbm>>)
        tpu.yield
      }) : () -> ()
    } else {
    }
    %add3A_10 = arith.constant 32 : i32
    %add3A_11 = arith.addi %add3A, %add3A_10 : i32
    %lt3A_12 = arith.constant 100 : i32
    %lt3A_13 = arith.cmpi slt, %add3A_11, %lt3A_12 : i32
    %convert_element_type3A_14 = arith.extui %lt3A_13 : i1 to i32
    %cond3A_15 = arith.constant 0 : i32
    %cond3A_16 = arith.cmpi ne, %convert_element_type3A_14, %cond3A_15 : i32
    scf.if %cond3A_16 {
      %broadcast_in_dim3A_31 = vector.broadcast %add3A_11 : i32 to vector<16xi32>
      %gather3A = tpu.vector_load_idx %arg8[%broadcast_in_dim3A_31] : memref<128xi32, #tpu.memory_space<vmem>>[vector<16xi32>], vector<16xi32>,
      %reduce_max3A = arith.constant true
      %reduce_max3A_32 = vector.broadcast %reduce_max3A : i1 to vector<16xi1>
      %reduce_max3A_33 = arith.constant -2147483648 : i32
      %reduce_max3A_34 = vector.broadcast %reduce_max3A_33 : i32 to vector<16xi32>
      %reduce_max3A_35 = arith.xori %gather3A, %reduce_max3A_34 : vector<16xi32>
      %reduce_max3A_36 = tpu.scan <max>, %reduce_max3A_35 masked %reduce_max3A_32 : vector<16xi32>, vector<16xi1> -> vector<16xi32>
      %reduce_max3A_37 = arith.xori %reduce_max3A_36, %reduce_max3A_34 : vector<16xi32>
      %reduce_max3A_38 = vector.extract %reduce_max3A_37[15] : i32 from vector<16xi32>
      %gather3A_39 = tpu.vector_load_idx %arg9[%broadcast_in_dim3A_31] : memref<128xi32, #tpu.memory_space<vmem>>[vector<16xi32>], vector<16xi32>,
      %reduce_max3A_40 = arith.constant true
      %reduce_max3A_41 = vector.broadcast %reduce_max3A_40 : i1 to vector<16xi1>
      %reduce_max3A_42 = arith.constant -2147483648 : i32
      %reduce_max3A_43 = vector.broadcast %reduce_max3A_42 : i32 to vector<16xi32>
      %reduce_max3A_44 = arith.xori %gather3A_39, %reduce_max3A_43 : vector<16xi32>
      %reduce_max3A_45 = tpu.scan <max>, %reduce_max3A_44 masked %reduce_max3A_41 : vector<16xi32>, vector<16xi1> -> vector<16xi32>
      %reduce_max3A_46 = arith.xori %reduce_max3A_45, %reduce_max3A_43 : vector<16xi32>
      %reduce_max3A_47 = vector.extract %reduce_max3A_46[15] : i32 from vector<16xi32>
      %broadcast_in_dim3A_48 = arith.constant 10000 : i32
      %broadcast_in_dim3A_49 = vector.broadcast %broadcast_in_dim3A_48 : i32 to vector<16xi32>
      %swap3A = arith.constant 0 : index
      %swap3A_50 = tpu.vector_load %arg10[%swap3A] {strides = array<i32>} : memref<64xi32, #tpu.memory_space<vmem>>, vector<16xi32>,
      tpu.vector_store %arg10[%swap3A], %broadcast_in_dim3A_49 {strides = array<i32>} : memref<64xi32, #tpu.memory_space<vmem>>, vector<16xi32>,
      %broadcast_in_dim3A_51 = arith.constant 10000 : i32
      %broadcast_in_dim3A_52 = vector.broadcast %broadcast_in_dim3A_51 : i32 to vector<16xi32>
      %swap3A_53 = arith.constant 16 : index
      %swap3A_54 = tpu.vector_load %arg10[%swap3A_53] {strides = array<i32>} : memref<64xi32, #tpu.memory_space<vmem>>, vector<16xi32>,
      tpu.vector_store %arg10[%swap3A_53], %broadcast_in_dim3A_52 {strides = array<i32>} : memref<64xi32, #tpu.memory_space<vmem>>, vector<16xi32>,
      %broadcast_in_dim3A_55 = arith.constant 10000 : i32
      %broadcast_in_dim3A_56 = vector.broadcast %broadcast_in_dim3A_55 : i32 to vector<16xi32>
      %swap3A_57 = arith.constant 32 : index
      %swap3A_58 = tpu.vector_load %arg10[%swap3A_57] {strides = array<i32>} : memref<64xi32, #tpu.memory_space<vmem>>, vector<16xi32>,
      tpu.vector_store %arg10[%swap3A_57], %broadcast_in_dim3A_56 {strides = array<i32>} : memref<64xi32, #tpu.memory_space<vmem>>, vector<16xi32>,
      %broadcast_in_dim3A_59 = arith.constant 10000 : i32
      %broadcast_in_dim3A_60 = vector.broadcast %broadcast_in_dim3A_59 : i32 to vector<16xi32>
      %swap3A_61 = arith.constant 48 : index
      %swap3A_62 = tpu.vector_load %arg10[%swap3A_61] {strides = array<i32>} : memref<64xi32, #tpu.memory_space<vmem>>, vector<16xi32>,
      tpu.vector_store %arg10[%swap3A_61], %broadcast_in_dim3A_60 {strides = array<i32>} : memref<64xi32, #tpu.memory_space<vmem>>, vector<16xi32>,
      %gt3A = arith.constant 0 : i32
      %gt3A_63 = arith.cmpi sgt, %reduce_max3A_47, %gt3A : i32
      %convert_element_type3A_64 = arith.extui %gt3A_63 : i1 to i32
      %cond3A_65 = arith.constant 0 : i32
      %cond3A_66 = arith.cmpi ne, %convert_element_type3A_64, %cond3A_65 : i32
      scf.if %cond3A_66 {
        %add3A_170 = arith.constant 15 : i32
        %add3A_171 = arith.addi %reduce_max3A_47, %add3A_170 : i32
        %jit3A = arith.constant 16 : i32
        %div3A = arith.divsi %add3A_171, %jit3A : i32
        %sign3A = arith.constant 0 : i32
        %sign3A_172 = arith.cmpi sgt, %add3A_171, %sign3A : i32
        %sign3A_173 = arith.extui %sign3A_172 : i1 to i32
        %sign3A_174 = arith.constant 0 : i32
        %sign3A_175 = arith.cmpi slt, %add3A_171, %sign3A_174 : i32
        %sign3A_176 = arith.extui %sign3A_175 : i1 to i32
        %sign3A_177 = arith.subi %sign3A_173, %sign3A_176 : i32
        %sign3A_178 = arith.constant 0 : i32
        %sign3A_179 = arith.cmpi sgt, %jit3A, %sign3A_178 : i32
        %sign3A_180 = arith.extui %sign3A_179 : i1 to i32
        %sign3A_181 = arith.constant 0 : i32
        %sign3A_182 = arith.cmpi slt, %jit3A, %sign3A_181 : i32
        %sign3A_183 = arith.extui %sign3A_182 : i1 to i32
        %sign3A_184 = arith.subi %sign3A_180, %sign3A_183 : i32
        %ne3A = arith.cmpi ne, %sign3A_177, %sign3A_184 : i32
        %rem3A = arith.remsi %add3A_171, %jit3A : i32
        %ne3A_185 = arith.constant 0 : i32
        %ne3A_186 = arith.cmpi ne, %rem3A, %ne3A_185 : i32
        %and3A = arith.andi %ne3A, %ne3A_186 : i1
        %sub3A = arith.constant 1 : i32
        %sub3A_187 = arith.subi %div3A, %sub3A : i32
        %select_n3A = arith.select %and3A, %sub3A_187, %div3A : i32
        %sub3A_188 = arith.constant 1 : i32
        %sub3A_189 = arith.subi %select_n3A, %sub3A_188 : i32
        %mul3A_190 = arith.constant 16 : i32
        %mul3A_191 = arith.muli %sub3A_189, %mul3A_190 : i32
        %add3A_192 = arith.addi %reduce_max3A_38, %mul3A_191 : i32
        %get3A_193 = arith.index_cast %add3A_192 : i32 to index
        %get3A_194 = tpu.vector_load %arg7[%get3A_193] {strides = array<i32>} : memref<10240xf32, #tpu.memory_space<vmem>>, vector<16xf32>,
        %sub3A_195 = arith.constant 1 : i32
        %sub3A_196 = arith.subi %select_n3A, %sub3A_195 : i32
        %mul3A_197 = arith.constant 16 : i32
        %mul3A_198 = arith.muli %sub3A_196, %mul3A_197 : i32
        %add3A_199 = vector.broadcast %mul3A_198 : i32 to vector<16xi32>
        %add3A_200 = arith.addi %add3A_199, %iota3A : vector<16xi32>
        %lt3A_201 = vector.broadcast %reduce_max3A_47 : i32 to vector<16xi32>
        %lt3A_202 = arith.cmpi slt, %add3A_200, %lt3A_201 : vector<16xi32>
        %jit3A_203 = arith.constant 0xFF800000 : f32
        %broadcast_in_dim3A_204 = vector.broadcast %jit3A_203 : f32 to vector<16xf32>
        %select_n3A_205 = arith.select %lt3A_202, %get3A_194, %broadcast_in_dim3A_204 : vector<16xi1>, vector<16xf32>
        %swap3A_206 = arith.index_cast %add3A_192 : i32 to index
        %swap3A_207 = tpu.vector_load %arg7[%swap3A_206] {strides = array<i32>} : memref<10240xf32, #tpu.memory_space<vmem>>, vector<16xf32>,
        tpu.vector_store %arg7[%swap3A_206], %select_n3A_205 {strides = array<i32>} : memref<10240xf32, #tpu.memory_space<vmem>>, vector<16xf32>,
        %while3A = arith.constant 0 : i32
        %while3A_208 = arith.constant 0 : i32
        %while3A_209 = arith.subi %reduce_max3A_47, %while3A : i32
        %while3A_210 = arith.addi %while3A, %while3A_209 : i32
        %while3A_211 = arith.constant 1 : i32
        %while3A_212 = arith.divsi %while3A_209, %while3A_211 : i32
        %while3A_213 = arith.muli %while3A_212, %while3A_211 : i32
        %while3A_214 = arith.addi %while3A, %while3A_213 : i32
        %while3A_215 = arith.constant 1 : i32
        %while3A_216 = scf.for %while3A_219 = %while3A to %while3A_214 step %while3A_215 iter_args(%while3A_220 = %while3A_208) -> (i32)  : i32 {
          %add3A_221 = arith.addi %reduce_max3A_38, %while3A_219 : i32
          %broadcast_in_dim3A_222 = vector.broadcast %add3A_221 : i32 to vector<16xi32>
          %gather3A_223 = tpu.vector_load_idx %arg7[%broadcast_in_dim3A_222] : memref<10240xf32, #tpu.memory_space<vmem>>[vector<16xi32>], vector<16xf32>,
          %broadcast_in_dim3A_224 = arith.constant 0 : i32
          %broadcast_in_dim3A_225 = vector.broadcast %broadcast_in_dim3A_224 : i32 to vector<16xi32>
          %while3A_226 = arith.constant 0 : i32
          %while3A_227 = arith.subi %select_n3A, %while3A_226 : i32
          %while3A_228 = arith.addi %while3A_226, %while3A_227 : i32
          %while3A_229 = arith.constant 1 : i32
          %while3A_230 = arith.divsi %while3A_227, %while3A_229 : i32
          %while3A_231 = arith.muli %while3A_230, %while3A_229 : i32
          %while3A_232 = arith.addi %while3A_226, %while3A_231 : i32
          %while3A_233 = arith.constant 1 : i32
          %while3A_234 = scf.for %while3A_254 = %while3A_226 to %while3A_232 step %while3A_233 iter_args(%while3A_255 = %broadcast_in_dim3A_225) -> (vector<16xi32>)  : i32 {
            %mul3A_256 = arith.constant 16 : i32
            %mul3A_257 = arith.muli %while3A_254, %mul3A_256 : i32
            %add3A_258 = arith.addi %reduce_max3A_38, %mul3A_257 : i32
            %get3A_259 = arith.index_cast %add3A_258 : i32 to index
            %get3A_260 = tpu.vector_load %arg7[%get3A_259] {strides = array<i32>} : memref<10240xf32, #tpu.memory_space<vmem>>, vector<16xf32>,
            %mul3A_261 = arith.constant 16 : i32
            %mul3A_262 = arith.muli %while3A_254, %mul3A_261 : i32
            %add3A_263 = vector.broadcast %mul3A_262 : i32 to vector<16xi32>
            %add3A_264 = arith.addi %add3A_263, %iota3A : vector<16xi32>
            %gt3A_265 = arith.cmpf ogt, %get3A_260, %gather3A_223 : vector<16xf32>
            %eq3A_266 = arith.cmpf oeq, %get3A_260, %gather3A_223 : vector<16xf32>
            %lt3A_267 = vector.broadcast %while3A_219 : i32 to vector<16xi32>
            %lt3A_268 = arith.cmpi slt, %add3A_264, %lt3A_267 : vector<16xi32>
            %and3A_269 = arith.andi %eq3A_266, %lt3A_268 : vector<16xi1>
            %or3A = arith.ori %gt3A_265, %and3A_269 : vector<16xi1>
            %all_reduce_population_count3A = tpu.all_reduce %or3A {dim = 0 : i64, kind = #tpu.reduction_kind<sum>} : vector<16xi1> -> vector<16xi32>
            %add3A_270 = arith.addi %while3A_255, %all_reduce_population_count3A : vector<16xi32>
            scf.yield %add3A_270 : vector<16xi32>
          }
          %while3A_235 = arith.constant 1 : i32
          %while3A_236 = scf.for %while3A_254 = %while3A_232 to %while3A_228 step %while3A_235 iter_args(%while3A_255 = %while3A_234) -> (vector<16xi32>)  : i32 {
            %mul3A_256 = arith.constant 16 : i32
            %mul3A_257 = arith.muli %while3A_254, %mul3A_256 : i32
            %add3A_258 = arith.addi %reduce_max3A_38, %mul3A_257 : i32
            %get3A_259 = arith.index_cast %add3A_258 : i32 to index
            %get3A_260 = tpu.vector_load %arg7[%get3A_259] {strides = array<i32>} : memref<10240xf32, #tpu.memory_space<vmem>>, vector<16xf32>,
            %mul3A_261 = arith.constant 16 : i32
            %mul3A_262 = arith.muli %while3A_254, %mul3A_261 : i32
            %add3A_263 = vector.broadcast %mul3A_262 : i32 to vector<16xi32>
            %add3A_264 = arith.addi %add3A_263, %iota3A : vector<16xi32>
            %gt3A_265 = arith.cmpf ogt, %get3A_260, %gather3A_223 : vector<16xf32>
            %eq3A_266 = arith.cmpf oeq, %get3A_260, %gather3A_223 : vector<16xf32>
            %lt3A_267 = vector.broadcast %while3A_219 : i32 to vector<16xi32>
            %lt3A_268 = arith.cmpi slt, %add3A_264, %lt3A_267 : vector<16xi32>
            %and3A_269 = arith.andi %eq3A_266, %lt3A_268 : vector<16xi1>
            %or3A = arith.ori %gt3A_265, %and3A_269 : vector<16xi1>
            %all_reduce_population_count3A = tpu.all_reduce %or3A {dim = 0 : i64, kind = #tpu.reduction_kind<sum>} : vector<16xi1> -> vector<16xi32>
            %add3A_270 = arith.addi %while3A_255, %all_reduce_population_count3A : vector<16xi32>
            scf.yield %add3A_270 : vector<16xi32>
          }
          %reduce_max3A_237 = arith.constant true
          %reduce_max3A_238 = vector.broadcast %reduce_max3A_237 : i1 to vector<16xi1>
          %reduce_max3A_239 = arith.constant -2147483648 : i32
          %reduce_max3A_240 = vector.broadcast %reduce_max3A_239 : i32 to vector<16xi32>
          %reduce_max3A_241 = arith.xori %while3A_236, %reduce_max3A_240 : vector<16xi32>
          %reduce_max3A_242 = tpu.scan <max>, %reduce_max3A_241 masked %reduce_max3A_238 : vector<16xi32>, vector<16xi1> -> vector<16xi32>
          %reduce_max3A_243 = arith.xori %reduce_max3A_242, %reduce_max3A_240 : vector<16xi32>
          %reduce_max3A_244 = vector.extract %reduce_max3A_243[15] : i32 from vector<16xi32>
          %broadcast_in_dim3A_245 = vector.broadcast %reduce_max3A_244 : i32 to vector<16xi32>
          %eq3A = arith.constant 0 : i32
          %eq3A_246 = vector.broadcast %eq3A : i32 to vector<16xi32>
          %eq3A_247 = arith.cmpi eq, %iota3A, %eq3A_246 : vector<16xi32>
          %lt3A_248 = arith.constant 64 : i32
          %lt3A_249 = vector.broadcast %lt3A_248 : i32 to vector<16xi32>
          %lt3A_250 = arith.cmpi slt, %broadcast_in_dim3A_245, %lt3A_249 : vector<16xi32>
          %and3A_251 = arith.andi %eq3A_247, %lt3A_250 : vector<16xi1>
          %broadcast_in_dim3A_252 = vector.broadcast %add3A_221 : i32 to vector<16xi32>
          tpu.vector_store_idx %arg10[%broadcast_in_dim3A_245], %broadcast_in_dim3A_252 masked %and3A_251 : memref<64xi32, #tpu.memory_space<vmem>>[vector<16xi32>], vector<16xi32>, vector<16xi1>
          %while3A_253 = arith.constant 0 : i32
          scf.yield %while3A_253 : i32
        }
        %while3A_217 = arith.constant 1 : i32
        %while3A_218 = scf.for %while3A_219 = %while3A_214 to %while3A_210 step %while3A_217 iter_args(%while3A_220 = %while3A_216) -> (i32)  : i32 {
          %add3A_221 = arith.addi %reduce_max3A_38, %while3A_219 : i32
          %broadcast_in_dim3A_222 = vector.broadcast %add3A_221 : i32 to vector<16xi32>
          %gather3A_223 = tpu.vector_load_idx %arg7[%broadcast_in_dim3A_222] : memref<10240xf32, #tpu.memory_space<vmem>>[vector<16xi32>], vector<16xf32>,
          %broadcast_in_dim3A_224 = arith.constant 0 : i32
          %broadcast_in_dim3A_225 = vector.broadcast %broadcast_in_dim3A_224 : i32 to vector<16xi32>
          %while3A_226 = arith.constant 0 : i32
          %while3A_227 = arith.subi %select_n3A, %while3A_226 : i32
          %while3A_228 = arith.addi %while3A_226, %while3A_227 : i32
          %while3A_229 = arith.constant 1 : i32
          %while3A_230 = arith.divsi %while3A_227, %while3A_229 : i32
          %while3A_231 = arith.muli %while3A_230, %while3A_229 : i32
          %while3A_232 = arith.addi %while3A_226, %while3A_231 : i32
          %while3A_233 = arith.constant 1 : i32
          %while3A_234 = scf.for %while3A_254 = %while3A_226 to %while3A_232 step %while3A_233 iter_args(%while3A_255 = %broadcast_in_dim3A_225) -> (vector<16xi32>)  : i32 {
            %mul3A_256 = arith.constant 16 : i32
            %mul3A_257 = arith.muli %while3A_254, %mul3A_256 : i32
            %add3A_258 = arith.addi %reduce_max3A_38, %mul3A_257 : i32
            %get3A_259 = arith.index_cast %add3A_258 : i32 to index
            %get3A_260 = tpu.vector_load %arg7[%get3A_259] {strides = array<i32>} : memref<10240xf32, #tpu.memory_space<vmem>>, vector<16xf32>,
            %mul3A_261 = arith.constant 16 : i32
            %mul3A_262 = arith.muli %while3A_254, %mul3A_261 : i32
            %add3A_263 = vector.broadcast %mul3A_262 : i32 to vector<16xi32>
            %add3A_264 = arith.addi %add3A_263, %iota3A : vector<16xi32>
            %gt3A_265 = arith.cmpf ogt, %get3A_260, %gather3A_223 : vector<16xf32>
            %eq3A_266 = arith.cmpf oeq, %get3A_260, %gather3A_223 : vector<16xf32>
            %lt3A_267 = vector.broadcast %while3A_219 : i32 to vector<16xi32>
            %lt3A_268 = arith.cmpi slt, %add3A_264, %lt3A_267 : vector<16xi32>
            %and3A_269 = arith.andi %eq3A_266, %lt3A_268 : vector<16xi1>
            %or3A = arith.ori %gt3A_265, %and3A_269 : vector<16xi1>
            %all_reduce_population_count3A = tpu.all_reduce %or3A {dim = 0 : i64, kind = #tpu.reduction_kind<sum>} : vector<16xi1> -> vector<16xi32>
            %add3A_270 = arith.addi %while3A_255, %all_reduce_population_count3A : vector<16xi32>
            scf.yield %add3A_270 : vector<16xi32>
          }
          %while3A_235 = arith.constant 1 : i32
          %while3A_236 = scf.for %while3A_254 = %while3A_232 to %while3A_228 step %while3A_235 iter_args(%while3A_255 = %while3A_234) -> (vector<16xi32>)  : i32 {
            %mul3A_256 = arith.constant 16 : i32
            %mul3A_257 = arith.muli %while3A_254, %mul3A_256 : i32
            %add3A_258 = arith.addi %reduce_max3A_38, %mul3A_257 : i32
            %get3A_259 = arith.index_cast %add3A_258 : i32 to index
            %get3A_260 = tpu.vector_load %arg7[%get3A_259] {strides = array<i32>} : memref<10240xf32, #tpu.memory_space<vmem>>, vector<16xf32>,
            %mul3A_261 = arith.constant 16 : i32
            %mul3A_262 = arith.muli %while3A_254, %mul3A_261 : i32
            %add3A_263 = vector.broadcast %mul3A_262 : i32 to vector<16xi32>
            %add3A_264 = arith.addi %add3A_263, %iota3A : vector<16xi32>
            %gt3A_265 = arith.cmpf ogt, %get3A_260, %gather3A_223 : vector<16xf32>
            %eq3A_266 = arith.cmpf oeq, %get3A_260, %gather3A_223 : vector<16xf32>
            %lt3A_267 = vector.broadcast %while3A_219 : i32 to vector<16xi32>
            %lt3A_268 = arith.cmpi slt, %add3A_264, %lt3A_267 : vector<16xi32>
            %and3A_269 = arith.andi %eq3A_266, %lt3A_268 : vector<16xi1>
            %or3A = arith.ori %gt3A_265, %and3A_269 : vector<16xi1>
            %all_reduce_population_count3A = tpu.all_reduce %or3A {dim = 0 : i64, kind = #tpu.reduction_kind<sum>} : vector<16xi1> -> vector<16xi32>
            %add3A_270 = arith.addi %while3A_255, %all_reduce_population_count3A : vector<16xi32>
            scf.yield %add3A_270 : vector<16xi32>
          }
          %reduce_max3A_237 = arith.constant true
          %reduce_max3A_238 = vector.broadcast %reduce_max3A_237 : i1 to vector<16xi1>
          %reduce_max3A_239 = arith.constant -2147483648 : i32
          %reduce_max3A_240 = vector.broadcast %reduce_max3A_239 : i32 to vector<16xi32>
          %reduce_max3A_241 = arith.xori %while3A_236, %reduce_max3A_240 : vector<16xi32>
          %reduce_max3A_242 = tpu.scan <max>, %reduce_max3A_241 masked %reduce_max3A_238 : vector<16xi32>, vector<16xi1> -> vector<16xi32>
          %reduce_max3A_243 = arith.xori %reduce_max3A_242, %reduce_max3A_240 : vector<16xi32>
          %reduce_max3A_244 = vector.extract %reduce_max3A_243[15] : i32 from vector<16xi32>
          %broadcast_in_dim3A_245 = vector.broadcast %reduce_max3A_244 : i32 to vector<16xi32>
          %eq3A = arith.constant 0 : i32
          %eq3A_246 = vector.broadcast %eq3A : i32 to vector<16xi32>
          %eq3A_247 = arith.cmpi eq, %iota3A, %eq3A_246 : vector<16xi32>
          %lt3A_248 = arith.constant 64 : i32
          %lt3A_249 = vector.broadcast %lt3A_248 : i32 to vector<16xi32>
          %lt3A_250 = arith.cmpi slt, %broadcast_in_dim3A_245, %lt3A_249 : vector<16xi32>
          %and3A_251 = arith.andi %eq3A_247, %lt3A_250 : vector<16xi1>
          %broadcast_in_dim3A_252 = vector.broadcast %add3A_221 : i32 to vector<16xi32>
          tpu.vector_store_idx %arg10[%broadcast_in_dim3A_245], %broadcast_in_dim3A_252 masked %and3A_251 : memref<64xi32, #tpu.memory_space<vmem>>[vector<16xi32>], vector<16xi32>, vector<16xi1>
          %while3A_253 = arith.constant 0 : i32
          scf.yield %while3A_253 : i32
        }
      } else {
      }
      %get3A = arith.constant 0 : index
      %get3A_67 = tpu.vector_load %arg10[%get3A] {strides = array<i32>} : memref<64xi32, #tpu.memory_space<vmem>>, vector<16xi32>,
      %broadcast_in_dim3A_68 = arith.constant 0 : i32
      %broadcast_in_dim3A_69 = vector.broadcast %broadcast_in_dim3A_68 : i32 to vector<16xi32>
      %gather3A_70 = tpu.vector_load_idx %arg6[%get3A_67, %broadcast_in_dim3A_69] : memref<10240x2xf32, #tpu.memory_space<vmem>>[vector<16xi32>, vector<16xi32>], vector<16xf32>,
      %add3A_71 = arith.constant 0 : i32
      %add3A_72 = vector.broadcast %add3A_71 : i32 to vector<16xi32>
      %add3A_73 = arith.addi %add3A_72, %iota3A : vector<16xi32>
      %mul3A_74 = arith.constant 2 : i32
      %mul3A_75 = vector.broadcast %mul3A_74 : i32 to vector<16xi32>
      %mul3A_76 = arith.muli %add3A_73, %mul3A_75 : vector<16xi32>
      %add3A_77 = arith.constant 0 : i32
      %add3A_78 = vector.broadcast %add3A_77 : i32 to vector<16xi32>
      %add3A_79 = arith.addi %mul3A_76, %add3A_78 : vector<16xi32>
      tpu.vector_store_idx %arg11[%add3A_79], %gather3A_70 : memref<128xf32, #tpu.memory_space<vmem>>[vector<16xi32>], vector<16xf32>,
      %broadcast_in_dim3A_80 = arith.constant 1 : i32
      %broadcast_in_dim3A_81 = vector.broadcast %broadcast_in_dim3A_80 : i32 to vector<16xi32>
      %gather3A_82 = tpu.vector_load_idx %arg6[%get3A_67, %broadcast_in_dim3A_81] : memref<10240x2xf32, #tpu.memory_space<vmem>>[vector<16xi32>, vector<16xi32>], vector<16xf32>,
      %add3A_83 = arith.constant 0 : i32
      %add3A_84 = vector.broadcast %add3A_83 : i32 to vector<16xi32>
      %add3A_85 = arith.addi %add3A_84, %iota3A : vector<16xi32>
      %mul3A_86 = arith.constant 2 : i32
      %mul3A_87 = vector.broadcast %mul3A_86 : i32 to vector<16xi32>
      %mul3A_88 = arith.muli %add3A_85, %mul3A_87 : vector<16xi32>
      %add3A_89 = arith.constant 1 : i32
      %add3A_90 = vector.broadcast %add3A_89 : i32 to vector<16xi32>
      %add3A_91 = arith.addi %mul3A_88, %add3A_90 : vector<16xi32>
      tpu.vector_store_idx %arg11[%add3A_91], %gather3A_82 : memref<128xf32, #tpu.memory_space<vmem>>[vector<16xi32>], vector<16xf32>,
      %get3A_92 = arith.constant 16 : index
      %get3A_93 = tpu.vector_load %arg10[%get3A_92] {strides = array<i32>} : memref<64xi32, #tpu.memory_space<vmem>>, vector<16xi32>,
      %broadcast_in_dim3A_94 = arith.constant 0 : i32
      %broadcast_in_dim3A_95 = vector.broadcast %broadcast_in_dim3A_94 : i32 to vector<16xi32>
      %gather3A_96 = tpu.vector_load_idx %arg6[%get3A_93, %broadcast_in_dim3A_95] : memref<10240x2xf32, #tpu.memory_space<vmem>>[vector<16xi32>, vector<16xi32>], vector<16xf32>,
      %add3A_97 = arith.constant 16 : i32
      %add3A_98 = vector.broadcast %add3A_97 : i32 to vector<16xi32>
      %add3A_99 = arith.addi %add3A_98, %iota3A : vector<16xi32>
      %mul3A_100 = arith.constant 2 : i32
      %mul3A_101 = vector.broadcast %mul3A_100 : i32 to vector<16xi32>
      %mul3A_102 = arith.muli %add3A_99, %mul3A_101 : vector<16xi32>
      %add3A_103 = arith.constant 0 : i32
      %add3A_104 = vector.broadcast %add3A_103 : i32 to vector<16xi32>
      %add3A_105 = arith.addi %mul3A_102, %add3A_104 : vector<16xi32>
      tpu.vector_store_idx %arg11[%add3A_105], %gather3A_96 : memref<128xf32, #tpu.memory_space<vmem>>[vector<16xi32>], vector<16xf32>,
      %broadcast_in_dim3A_106 = arith.constant 1 : i32
      %broadcast_in_dim3A_107 = vector.broadcast %broadcast_in_dim3A_106 : i32 to vector<16xi32>
      %gather3A_108 = tpu.vector_load_idx %arg6[%get3A_93, %broadcast_in_dim3A_107] : memref<10240x2xf32, #tpu.memory_space<vmem>>[vector<16xi32>, vector<16xi32>], vector<16xf32>,
      %add3A_109 = arith.constant 16 : i32
      %add3A_110 = vector.broadcast %add3A_109 : i32 to vector<16xi32>
      %add3A_111 = arith.addi %add3A_110, %iota3A : vector<16xi32>
      %mul3A_112 = arith.constant 2 : i32
      %mul3A_113 = vector.broadcast %mul3A_112 : i32 to vector<16xi32>
      %mul3A_114 = arith.muli %add3A_111, %mul3A_113 : vector<16xi32>
      %add3A_115 = arith.constant 1 : i32
      %add3A_116 = vector.broadcast %add3A_115 : i32 to vector<16xi32>
      %add3A_117 = arith.addi %mul3A_114, %add3A_116 : vector<16xi32>
      tpu.vector_store_idx %arg11[%add3A_117], %gather3A_108 : memref<128xf32, #tpu.memory_space<vmem>>[vector<16xi32>], vector<16xf32>,
      %get3A_118 = arith.constant 32 : index
      %get3A_119 = tpu.vector_load %arg10[%get3A_118] {strides = array<i32>} : memref<64xi32, #tpu.memory_space<vmem>>, vector<16xi32>,
      %broadcast_in_dim3A_120 = arith.constant 0 : i32
      %broadcast_in_dim3A_121 = vector.broadcast %broadcast_in_dim3A_120 : i32 to vector<16xi32>
      %gather3A_122 = tpu.vector_load_idx %arg6[%get3A_119, %broadcast_in_dim3A_121] : memref<10240x2xf32, #tpu.memory_space<vmem>>[vector<16xi32>, vector<16xi32>], vector<16xf32>,
      %add3A_123 = arith.constant 32 : i32
      %add3A_124 = vector.broadcast %add3A_123 : i32 to vector<16xi32>
      %add3A_125 = arith.addi %add3A_124, %iota3A : vector<16xi32>
      %mul3A_126 = arith.constant 2 : i32
      %mul3A_127 = vector.broadcast %mul3A_126 : i32 to vector<16xi32>
      %mul3A_128 = arith.muli %add3A_125, %mul3A_127 : vector<16xi32>
      %add3A_129 = arith.constant 0 : i32
      %add3A_130 = vector.broadcast %add3A_129 : i32 to vector<16xi32>
      %add3A_131 = arith.addi %mul3A_128, %add3A_130 : vector<16xi32>
      tpu.vector_store_idx %arg11[%add3A_131], %gather3A_122 : memref<128xf32, #tpu.memory_space<vmem>>[vector<16xi32>], vector<16xf32>,
      %broadcast_in_dim3A_132 = arith.constant 1 : i32
      %broadcast_in_dim3A_133 = vector.broadcast %broadcast_in_dim3A_132 : i32 to vector<16xi32>
      %gather3A_134 = tpu.vector_load_idx %arg6[%get3A_119, %broadcast_in_dim3A_133] : memref<10240x2xf32, #tpu.memory_space<vmem>>[vector<16xi32>, vector<16xi32>], vector<16xf32>,
      %add3A_135 = arith.constant 32 : i32
      %add3A_136 = vector.broadcast %add3A_135 : i32 to vector<16xi32>
      %add3A_137 = arith.addi %add3A_136, %iota3A : vector<16xi32>
      %mul3A_138 = arith.constant 2 : i32
      %mul3A_139 = vector.broadcast %mul3A_138 : i32 to vector<16xi32>
      %mul3A_140 = arith.muli %add3A_137, %mul3A_139 : vector<16xi32>
      %add3A_141 = arith.constant 1 : i32
      %add3A_142 = vector.broadcast %add3A_141 : i32 to vector<16xi32>
      %add3A_143 = arith.addi %mul3A_140, %add3A_142 : vector<16xi32>
      tpu.vector_store_idx %arg11[%add3A_143], %gather3A_134 : memref<128xf32, #tpu.memory_space<vmem>>[vector<16xi32>], vector<16xf32>,
      %get3A_144 = arith.constant 48 : index
      %get3A_145 = tpu.vector_load %arg10[%get3A_144] {strides = array<i32>} : memref<64xi32, #tpu.memory_space<vmem>>, vector<16xi32>,
      %broadcast_in_dim3A_146 = arith.constant 0 : i32
      %broadcast_in_dim3A_147 = vector.broadcast %broadcast_in_dim3A_146 : i32 to vector<16xi32>
      %gather3A_148 = tpu.vector_load_idx %arg6[%get3A_145, %broadcast_in_dim3A_147] : memref<10240x2xf32, #tpu.memory_space<vmem>>[vector<16xi32>, vector<16xi32>], vector<16xf32>,
      %add3A_149 = arith.constant 48 : i32
      %add3A_150 = vector.broadcast %add3A_149 : i32 to vector<16xi32>
      %add3A_151 = arith.addi %add3A_150, %iota3A : vector<16xi32>
      %mul3A_152 = arith.constant 2 : i32
      %mul3A_153 = vector.broadcast %mul3A_152 : i32 to vector<16xi32>
      %mul3A_154 = arith.muli %add3A_151, %mul3A_153 : vector<16xi32>
      %add3A_155 = arith.constant 0 : i32
      %add3A_156 = vector.broadcast %add3A_155 : i32 to vector<16xi32>
      %add3A_157 = arith.addi %mul3A_154, %add3A_156 : vector<16xi32>
      tpu.vector_store_idx %arg11[%add3A_157], %gather3A_148 : memref<128xf32, #tpu.memory_space<vmem>>[vector<16xi32>], vector<16xf32>,
      %broadcast_in_dim3A_158 = arith.constant 1 : i32
      %broadcast_in_dim3A_159 = vector.broadcast %broadcast_in_dim3A_158 : i32 to vector<16xi32>
      %gather3A_160 = tpu.vector_load_idx %arg6[%get3A_145, %broadcast_in_dim3A_159] : memref<10240x2xf32, #tpu.memory_space<vmem>>[vector<16xi32>, vector<16xi32>], vector<16xf32>,
      %add3A_161 = arith.constant 48 : i32
      %add3A_162 = vector.broadcast %add3A_161 : i32 to vector<16xi32>
      %add3A_163 = arith.addi %add3A_162, %iota3A : vector<16xi32>
      %mul3A_164 = arith.constant 2 : i32
      %mul3A_165 = vector.broadcast %mul3A_164 : i32 to vector<16xi32>
      %mul3A_166 = arith.muli %add3A_163, %mul3A_165 : vector<16xi32>
      %add3A_167 = arith.constant 1 : i32
      %add3A_168 = vector.broadcast %add3A_167 : i32 to vector<16xi32>
      %add3A_169 = arith.addi %mul3A_166, %add3A_168 : vector<16xi32>
      tpu.vector_store_idx %arg11[%add3A_169], %gather3A_160 : memref<128xf32, #tpu.memory_space<vmem>>[vector<16xi32>], vector<16xf32>,
      "tpu.region"() ({
        %run_scoped3A = tpu.sem_alloc : memref<!tpu.dma_semaphore, #tpu.memory_space<semaphore_mem>>
        %dma_start3A = arith.constant 0 : i32
        %dma_start3A_170 = tpu.memref_slice %arg5[%add3A_11, %dma_start3A] : memref<100x128xf32, #tpu.memory_space<hbm>> -> memref<1x128xf32, #tpu.memory_space<hbm>>
        %dma_start3A_171 = tpu.memref_squeeze %dma_start3A_170 : memref<1x128xf32, #tpu.memory_space<hbm>> -> memref<128xf32, #tpu.memory_space<hbm>>
        %dma_start3A_172 = arith.constant 0 : i32
        %dma_start3A_173 = tpu.memref_slice %arg5[%add3A_11, %dma_start3A_172] : memref<100x128xf32, #tpu.memory_space<hbm>> -> memref<1x128xf32, #tpu.memory_space<hbm>>
        %dma_start3A_174 = tpu.memref_squeeze %dma_start3A_173 : memref<1x128xf32, #tpu.memory_space<hbm>> -> memref<128xf32, #tpu.memory_space<hbm>>
        tpu.enqueue_dma source(%arg11 : memref<128xf32, #tpu.memory_space<vmem>>) target(%dma_start3A_174 : memref<128xf32, #tpu.memory_space<hbm>>) target_semaphore(%run_scoped3A : memref<!tpu.dma_semaphore, #tpu.memory_space<semaphore_mem>>)
        %dma_wait3A = arith.constant 0 : i32
        %dma_wait3A_175 = tpu.memref_slice %arg5[%add3A_11, %dma_wait3A] : memref<100x128xf32, #tpu.memory_space<hbm>> -> memref<1x128xf32, #tpu.memory_space<hbm>>
        %dma_wait3A_176 = tpu.memref_squeeze %dma_wait3A_175 : memref<1x128xf32, #tpu.memory_space<hbm>> -> memref<128xf32, #tpu.memory_space<hbm>>
        %dma_wait3A_177 = arith.constant 0 : i32
        %dma_wait3A_178 = tpu.memref_slice %arg5[%add3A_11, %dma_wait3A_177] : memref<100x128xf32, #tpu.memory_space<hbm>> -> memref<1x128xf32, #tpu.memory_space<hbm>>
        %dma_wait3A_179 = tpu.memref_squeeze %dma_wait3A_178 : memref<1x128xf32, #tpu.memory_space<hbm>> -> memref<128xf32, #tpu.memory_space<hbm>>
        tpu.wait_dma2 semaphore(%run_scoped3A : memref<!tpu.dma_semaphore, #tpu.memory_space<semaphore_mem>>) src(%arg11 : memref<128xf32, #tpu.memory_space<vmem>>) dst(%dma_wait3A_179 : memref<128xf32, #tpu.memory_space<hbm>>)
        tpu.yield
      }) : () -> ()
    } else {
    }
    %add3A_17 = arith.constant 64 : i32
    %add3A_18 = arith.addi %add3A, %add3A_17 : i32
    %lt3A_19 = arith.constant 100 : i32
    %lt3A_20 = arith.cmpi slt, %add3A_18, %lt3A_19 : i32
    %convert_element_type3A_21 = arith.extui %lt3A_20 : i1 to i32
    %cond3A_22 = arith.constant 0 : i32
    %cond3A_23 = arith.cmpi ne, %convert_element_type3A_21, %cond3A_22 : i32
    scf.if %cond3A_23 {
      %broadcast_in_dim3A_31 = vector.broadcast %add3A_18 : i32 to vector<16xi32>
      %gather3A = tpu.vector_load_idx %arg8[%broadcast_in_dim3A_31] : memref<128xi32, #tpu.memory_space<vmem>>[vector<16xi32>], vector<16xi32>,
      %reduce_max3A = arith.constant true
      %reduce_max3A_32 = vector.broadcast %reduce_max3A : i1 to vector<16xi1>
      %reduce_max3A_33 = arith.constant -2147483648 : i32
      %reduce_max3A_34 = vector.broadcast %reduce_max3A_33 : i32 to vector<16xi32>
      %reduce_max3A_35 = arith.xori %gather3A, %reduce_max3A_34 : vector<16xi32>
      %reduce_max3A_36 = tpu.scan <max>, %reduce_max3A_35 masked %reduce_max3A_32 : vector<16xi32>, vector<16xi1> -> vector<16xi32>
      %reduce_max3A_37 = arith.xori %reduce_max3A_36, %reduce_max3A_34 : vector<16xi32>
      %reduce_max3A_38 = vector.extract %reduce_max3A_37[15] : i32 from vector<16xi32>
      %gather3A_39 = tpu.vector_load_idx %arg9[%broadcast_in_dim3A_31] : memref<128xi32, #tpu.memory_space<vmem>>[vector<16xi32>], vector<16xi32>,
      %reduce_max3A_40 = arith.constant true
      %reduce_max3A_41 = vector.broadcast %reduce_max3A_40 : i1 to vector<16xi1>
      %reduce_max3A_42 = arith.constant -2147483648 : i32
      %reduce_max3A_43 = vector.broadcast %reduce_max3A_42 : i32 to vector<16xi32>
      %reduce_max3A_44 = arith.xori %gather3A_39, %reduce_max3A_43 : vector<16xi32>
      %reduce_max3A_45 = tpu.scan <max>, %reduce_max3A_44 masked %reduce_max3A_41 : vector<16xi32>, vector<16xi1> -> vector<16xi32>
      %reduce_max3A_46 = arith.xori %reduce_max3A_45, %reduce_max3A_43 : vector<16xi32>
      %reduce_max3A_47 = vector.extract %reduce_max3A_46[15] : i32 from vector<16xi32>
      %broadcast_in_dim3A_48 = arith.constant 10000 : i32
      %broadcast_in_dim3A_49 = vector.broadcast %broadcast_in_dim3A_48 : i32 to vector<16xi32>
      %swap3A = arith.constant 0 : index
      %swap3A_50 = tpu.vector_load %arg10[%swap3A] {strides = array<i32>} : memref<64xi32, #tpu.memory_space<vmem>>, vector<16xi32>,
      tpu.vector_store %arg10[%swap3A], %broadcast_in_dim3A_49 {strides = array<i32>} : memref<64xi32, #tpu.memory_space<vmem>>, vector<16xi32>,
      %broadcast_in_dim3A_51 = arith.constant 10000 : i32
      %broadcast_in_dim3A_52 = vector.broadcast %broadcast_in_dim3A_51 : i32 to vector<16xi32>
      %swap3A_53 = arith.constant 16 : index
      %swap3A_54 = tpu.vector_load %arg10[%swap3A_53] {strides = array<i32>} : memref<64xi32, #tpu.memory_space<vmem>>, vector<16xi32>,
      tpu.vector_store %arg10[%swap3A_53], %broadcast_in_dim3A_52 {strides = array<i32>} : memref<64xi32, #tpu.memory_space<vmem>>, vector<16xi32>,
      %broadcast_in_dim3A_55 = arith.constant 10000 : i32
      %broadcast_in_dim3A_56 = vector.broadcast %broadcast_in_dim3A_55 : i32 to vector<16xi32>
      %swap3A_57 = arith.constant 32 : index
      %swap3A_58 = tpu.vector_load %arg10[%swap3A_57] {strides = array<i32>} : memref<64xi32, #tpu.memory_space<vmem>>, vector<16xi32>,
      tpu.vector_store %arg10[%swap3A_57], %broadcast_in_dim3A_56 {strides = array<i32>} : memref<64xi32, #tpu.memory_space<vmem>>, vector<16xi32>,
      %broadcast_in_dim3A_59 = arith.constant 10000 : i32
      %broadcast_in_dim3A_60 = vector.broadcast %broadcast_in_dim3A_59 : i32 to vector<16xi32>
      %swap3A_61 = arith.constant 48 : index
      %swap3A_62 = tpu.vector_load %arg10[%swap3A_61] {strides = array<i32>} : memref<64xi32, #tpu.memory_space<vmem>>, vector<16xi32>,
      tpu.vector_store %arg10[%swap3A_61], %broadcast_in_dim3A_60 {strides = array<i32>} : memref<64xi32, #tpu.memory_space<vmem>>, vector<16xi32>,
      %gt3A = arith.constant 0 : i32
      %gt3A_63 = arith.cmpi sgt, %reduce_max3A_47, %gt3A : i32
      %convert_element_type3A_64 = arith.extui %gt3A_63 : i1 to i32
      %cond3A_65 = arith.constant 0 : i32
      %cond3A_66 = arith.cmpi ne, %convert_element_type3A_64, %cond3A_65 : i32
      scf.if %cond3A_66 {
        %add3A_170 = arith.constant 15 : i32
        %add3A_171 = arith.addi %reduce_max3A_47, %add3A_170 : i32
        %jit3A = arith.constant 16 : i32
        %div3A = arith.divsi %add3A_171, %jit3A : i32
        %sign3A = arith.constant 0 : i32
        %sign3A_172 = arith.cmpi sgt, %add3A_171, %sign3A : i32
        %sign3A_173 = arith.extui %sign3A_172 : i1 to i32
        %sign3A_174 = arith.constant 0 : i32
        %sign3A_175 = arith.cmpi slt, %add3A_171, %sign3A_174 : i32
        %sign3A_176 = arith.extui %sign3A_175 : i1 to i32
        %sign3A_177 = arith.subi %sign3A_173, %sign3A_176 : i32
        %sign3A_178 = arith.constant 0 : i32
        %sign3A_179 = arith.cmpi sgt, %jit3A, %sign3A_178 : i32
        %sign3A_180 = arith.extui %sign3A_179 : i1 to i32
        %sign3A_181 = arith.constant 0 : i32
        %sign3A_182 = arith.cmpi slt, %jit3A, %sign3A_181 : i32
        %sign3A_183 = arith.extui %sign3A_182 : i1 to i32
        %sign3A_184 = arith.subi %sign3A_180, %sign3A_183 : i32
        %ne3A = arith.cmpi ne, %sign3A_177, %sign3A_184 : i32
        %rem3A = arith.remsi %add3A_171, %jit3A : i32
        %ne3A_185 = arith.constant 0 : i32
        %ne3A_186 = arith.cmpi ne, %rem3A, %ne3A_185 : i32
        %and3A = arith.andi %ne3A, %ne3A_186 : i1
        %sub3A = arith.constant 1 : i32
        %sub3A_187 = arith.subi %div3A, %sub3A : i32
        %select_n3A = arith.select %and3A, %sub3A_187, %div3A : i32
        %sub3A_188 = arith.constant 1 : i32
        %sub3A_189 = arith.subi %select_n3A, %sub3A_188 : i32
        %mul3A_190 = arith.constant 16 : i32
        %mul3A_191 = arith.muli %sub3A_189, %mul3A_190 : i32
        %add3A_192 = arith.addi %reduce_max3A_38, %mul3A_191 : i32
        %get3A_193 = arith.index_cast %add3A_192 : i32 to index
        %get3A_194 = tpu.vector_load %arg7[%get3A_193] {strides = array<i32>} : memref<10240xf32, #tpu.memory_space<vmem>>, vector<16xf32>,
        %sub3A_195 = arith.constant 1 : i32
        %sub3A_196 = arith.subi %select_n3A, %sub3A_195 : i32
        %mul3A_197 = arith.constant 16 : i32
        %mul3A_198 = arith.muli %sub3A_196, %mul3A_197 : i32
        %add3A_199 = vector.broadcast %mul3A_198 : i32 to vector<16xi32>
        %add3A_200 = arith.addi %add3A_199, %iota3A : vector<16xi32>
        %lt3A_201 = vector.broadcast %reduce_max3A_47 : i32 to vector<16xi32>
        %lt3A_202 = arith.cmpi slt, %add3A_200, %lt3A_201 : vector<16xi32>
        %jit3A_203 = arith.constant 0xFF800000 : f32
        %broadcast_in_dim3A_204 = vector.broadcast %jit3A_203 : f32 to vector<16xf32>
        %select_n3A_205 = arith.select %lt3A_202, %get3A_194, %broadcast_in_dim3A_204 : vector<16xi1>, vector<16xf32>
        %swap3A_206 = arith.index_cast %add3A_192 : i32 to index
        %swap3A_207 = tpu.vector_load %arg7[%swap3A_206] {strides = array<i32>} : memref<10240xf32, #tpu.memory_space<vmem>>, vector<16xf32>,
        tpu.vector_store %arg7[%swap3A_206], %select_n3A_205 {strides = array<i32>} : memref<10240xf32, #tpu.memory_space<vmem>>, vector<16xf32>,
        %while3A = arith.constant 0 : i32
        %while3A_208 = arith.constant 0 : i32
        %while3A_209 = arith.subi %reduce_max3A_47, %while3A : i32
        %while3A_210 = arith.addi %while3A, %while3A_209 : i32
        %while3A_211 = arith.constant 1 : i32
        %while3A_212 = arith.divsi %while3A_209, %while3A_211 : i32
        %while3A_213 = arith.muli %while3A_212, %while3A_211 : i32
        %while3A_214 = arith.addi %while3A, %while3A_213 : i32
        %while3A_215 = arith.constant 1 : i32
        %while3A_216 = scf.for %while3A_219 = %while3A to %while3A_214 step %while3A_215 iter_args(%while3A_220 = %while3A_208) -> (i32)  : i32 {
          %add3A_221 = arith.addi %reduce_max3A_38, %while3A_219 : i32
          %broadcast_in_dim3A_222 = vector.broadcast %add3A_221 : i32 to vector<16xi32>
          %gather3A_223 = tpu.vector_load_idx %arg7[%broadcast_in_dim3A_222] : memref<10240xf32, #tpu.memory_space<vmem>>[vector<16xi32>], vector<16xf32>,
          %broadcast_in_dim3A_224 = arith.constant 0 : i32
          %broadcast_in_dim3A_225 = vector.broadcast %broadcast_in_dim3A_224 : i32 to vector<16xi32>
          %while3A_226 = arith.constant 0 : i32
          %while3A_227 = arith.subi %select_n3A, %while3A_226 : i32
          %while3A_228 = arith.addi %while3A_226, %while3A_227 : i32
          %while3A_229 = arith.constant 1 : i32
          %while3A_230 = arith.divsi %while3A_227, %while3A_229 : i32
          %while3A_231 = arith.muli %while3A_230, %while3A_229 : i32
          %while3A_232 = arith.addi %while3A_226, %while3A_231 : i32
          %while3A_233 = arith.constant 1 : i32
          %while3A_234 = scf.for %while3A_254 = %while3A_226 to %while3A_232 step %while3A_233 iter_args(%while3A_255 = %broadcast_in_dim3A_225) -> (vector<16xi32>)  : i32 {
            %mul3A_256 = arith.constant 16 : i32
            %mul3A_257 = arith.muli %while3A_254, %mul3A_256 : i32
            %add3A_258 = arith.addi %reduce_max3A_38, %mul3A_257 : i32
            %get3A_259 = arith.index_cast %add3A_258 : i32 to index
            %get3A_260 = tpu.vector_load %arg7[%get3A_259] {strides = array<i32>} : memref<10240xf32, #tpu.memory_space<vmem>>, vector<16xf32>,
            %mul3A_261 = arith.constant 16 : i32
            %mul3A_262 = arith.muli %while3A_254, %mul3A_261 : i32
            %add3A_263 = vector.broadcast %mul3A_262 : i32 to vector<16xi32>
            %add3A_264 = arith.addi %add3A_263, %iota3A : vector<16xi32>
            %gt3A_265 = arith.cmpf ogt, %get3A_260, %gather3A_223 : vector<16xf32>
            %eq3A_266 = arith.cmpf oeq, %get3A_260, %gather3A_223 : vector<16xf32>
            %lt3A_267 = vector.broadcast %while3A_219 : i32 to vector<16xi32>
            %lt3A_268 = arith.cmpi slt, %add3A_264, %lt3A_267 : vector<16xi32>
            %and3A_269 = arith.andi %eq3A_266, %lt3A_268 : vector<16xi1>
            %or3A = arith.ori %gt3A_265, %and3A_269 : vector<16xi1>
            %all_reduce_population_count3A = tpu.all_reduce %or3A {dim = 0 : i64, kind = #tpu.reduction_kind<sum>} : vector<16xi1> -> vector<16xi32>
            %add3A_270 = arith.addi %while3A_255, %all_reduce_population_count3A : vector<16xi32>
            scf.yield %add3A_270 : vector<16xi32>
          }
          %while3A_235 = arith.constant 1 : i32
          %while3A_236 = scf.for %while3A_254 = %while3A_232 to %while3A_228 step %while3A_235 iter_args(%while3A_255 = %while3A_234) -> (vector<16xi32>)  : i32 {
            %mul3A_256 = arith.constant 16 : i32
            %mul3A_257 = arith.muli %while3A_254, %mul3A_256 : i32
            %add3A_258 = arith.addi %reduce_max3A_38, %mul3A_257 : i32
            %get3A_259 = arith.index_cast %add3A_258 : i32 to index
            %get3A_260 = tpu.vector_load %arg7[%get3A_259] {strides = array<i32>} : memref<10240xf32, #tpu.memory_space<vmem>>, vector<16xf32>,
            %mul3A_261 = arith.constant 16 : i32
            %mul3A_262 = arith.muli %while3A_254, %mul3A_261 : i32
            %add3A_263 = vector.broadcast %mul3A_262 : i32 to vector<16xi32>
            %add3A_264 = arith.addi %add3A_263, %iota3A : vector<16xi32>
            %gt3A_265 = arith.cmpf ogt, %get3A_260, %gather3A_223 : vector<16xf32>
            %eq3A_266 = arith.cmpf oeq, %get3A_260, %gather3A_223 : vector<16xf32>
            %lt3A_267 = vector.broadcast %while3A_219 : i32 to vector<16xi32>
            %lt3A_268 = arith.cmpi slt, %add3A_264, %lt3A_267 : vector<16xi32>
            %and3A_269 = arith.andi %eq3A_266, %lt3A_268 : vector<16xi1>
            %or3A = arith.ori %gt3A_265, %and3A_269 : vector<16xi1>
            %all_reduce_population_count3A = tpu.all_reduce %or3A {dim = 0 : i64, kind = #tpu.reduction_kind<sum>} : vector<16xi1> -> vector<16xi32>
            %add3A_270 = arith.addi %while3A_255, %all_reduce_population_count3A : vector<16xi32>
            scf.yield %add3A_270 : vector<16xi32>
          }
          %reduce_max3A_237 = arith.constant true
          %reduce_max3A_238 = vector.broadcast %reduce_max3A_237 : i1 to vector<16xi1>
          %reduce_max3A_239 = arith.constant -2147483648 : i32
          %reduce_max3A_240 = vector.broadcast %reduce_max3A_239 : i32 to vector<16xi32>
          %reduce_max3A_241 = arith.xori %while3A_236, %reduce_max3A_240 : vector<16xi32>
          %reduce_max3A_242 = tpu.scan <max>, %reduce_max3A_241 masked %reduce_max3A_238 : vector<16xi32>, vector<16xi1> -> vector<16xi32>
          %reduce_max3A_243 = arith.xori %reduce_max3A_242, %reduce_max3A_240 : vector<16xi32>
          %reduce_max3A_244 = vector.extract %reduce_max3A_243[15] : i32 from vector<16xi32>
          %broadcast_in_dim3A_245 = vector.broadcast %reduce_max3A_244 : i32 to vector<16xi32>
          %eq3A = arith.constant 0 : i32
          %eq3A_246 = vector.broadcast %eq3A : i32 to vector<16xi32>
          %eq3A_247 = arith.cmpi eq, %iota3A, %eq3A_246 : vector<16xi32>
          %lt3A_248 = arith.constant 64 : i32
          %lt3A_249 = vector.broadcast %lt3A_248 : i32 to vector<16xi32>
          %lt3A_250 = arith.cmpi slt, %broadcast_in_dim3A_245, %lt3A_249 : vector<16xi32>
          %and3A_251 = arith.andi %eq3A_247, %lt3A_250 : vector<16xi1>
          %broadcast_in_dim3A_252 = vector.broadcast %add3A_221 : i32 to vector<16xi32>
          tpu.vector_store_idx %arg10[%broadcast_in_dim3A_245], %broadcast_in_dim3A_252 masked %and3A_251 : memref<64xi32, #tpu.memory_space<vmem>>[vector<16xi32>], vector<16xi32>, vector<16xi1>
          %while3A_253 = arith.constant 0 : i32
          scf.yield %while3A_253 : i32
        }
        %while3A_217 = arith.constant 1 : i32
        %while3A_218 = scf.for %while3A_219 = %while3A_214 to %while3A_210 step %while3A_217 iter_args(%while3A_220 = %while3A_216) -> (i32)  : i32 {
          %add3A_221 = arith.addi %reduce_max3A_38, %while3A_219 : i32
          %broadcast_in_dim3A_222 = vector.broadcast %add3A_221 : i32 to vector<16xi32>
          %gather3A_223 = tpu.vector_load_idx %arg7[%broadcast_in_dim3A_222] : memref<10240xf32, #tpu.memory_space<vmem>>[vector<16xi32>], vector<16xf32>,
          %broadcast_in_dim3A_224 = arith.constant 0 : i32
          %broadcast_in_dim3A_225 = vector.broadcast %broadcast_in_dim3A_224 : i32 to vector<16xi32>
          %while3A_226 = arith.constant 0 : i32
          %while3A_227 = arith.subi %select_n3A, %while3A_226 : i32
          %while3A_228 = arith.addi %while3A_226, %while3A_227 : i32
          %while3A_229 = arith.constant 1 : i32
          %while3A_230 = arith.divsi %while3A_227, %while3A_229 : i32
          %while3A_231 = arith.muli %while3A_230, %while3A_229 : i32
          %while3A_232 = arith.addi %while3A_226, %while3A_231 : i32
          %while3A_233 = arith.constant 1 : i32
          %while3A_234 = scf.for %while3A_254 = %while3A_226 to %while3A_232 step %while3A_233 iter_args(%while3A_255 = %broadcast_in_dim3A_225) -> (vector<16xi32>)  : i32 {
            %mul3A_256 = arith.constant 16 : i32
            %mul3A_257 = arith.muli %while3A_254, %mul3A_256 : i32
            %add3A_258 = arith.addi %reduce_max3A_38, %mul3A_257 : i32
            %get3A_259 = arith.index_cast %add3A_258 : i32 to index
            %get3A_260 = tpu.vector_load %arg7[%get3A_259] {strides = array<i32>} : memref<10240xf32, #tpu.memory_space<vmem>>, vector<16xf32>,
            %mul3A_261 = arith.constant 16 : i32
            %mul3A_262 = arith.muli %while3A_254, %mul3A_261 : i32
            %add3A_263 = vector.broadcast %mul3A_262 : i32 to vector<16xi32>
            %add3A_264 = arith.addi %add3A_263, %iota3A : vector<16xi32>
            %gt3A_265 = arith.cmpf ogt, %get3A_260, %gather3A_223 : vector<16xf32>
            %eq3A_266 = arith.cmpf oeq, %get3A_260, %gather3A_223 : vector<16xf32>
            %lt3A_267 = vector.broadcast %while3A_219 : i32 to vector<16xi32>
            %lt3A_268 = arith.cmpi slt, %add3A_264, %lt3A_267 : vector<16xi32>
            %and3A_269 = arith.andi %eq3A_266, %lt3A_268 : vector<16xi1>
            %or3A = arith.ori %gt3A_265, %and3A_269 : vector<16xi1>
            %all_reduce_population_count3A = tpu.all_reduce %or3A {dim = 0 : i64, kind = #tpu.reduction_kind<sum>} : vector<16xi1> -> vector<16xi32>
            %add3A_270 = arith.addi %while3A_255, %all_reduce_population_count3A : vector<16xi32>
            scf.yield %add3A_270 : vector<16xi32>
          }
          %while3A_235 = arith.constant 1 : i32
          %while3A_236 = scf.for %while3A_254 = %while3A_232 to %while3A_228 step %while3A_235 iter_args(%while3A_255 = %while3A_234) -> (vector<16xi32>)  : i32 {
            %mul3A_256 = arith.constant 16 : i32
            %mul3A_257 = arith.muli %while3A_254, %mul3A_256 : i32
            %add3A_258 = arith.addi %reduce_max3A_38, %mul3A_257 : i32
            %get3A_259 = arith.index_cast %add3A_258 : i32 to index
            %get3A_260 = tpu.vector_load %arg7[%get3A_259] {strides = array<i32>} : memref<10240xf32, #tpu.memory_space<vmem>>, vector<16xf32>,
            %mul3A_261 = arith.constant 16 : i32
            %mul3A_262 = arith.muli %while3A_254, %mul3A_261 : i32
            %add3A_263 = vector.broadcast %mul3A_262 : i32 to vector<16xi32>
            %add3A_264 = arith.addi %add3A_263, %iota3A : vector<16xi32>
            %gt3A_265 = arith.cmpf ogt, %get3A_260, %gather3A_223 : vector<16xf32>
            %eq3A_266 = arith.cmpf oeq, %get3A_260, %gather3A_223 : vector<16xf32>
            %lt3A_267 = vector.broadcast %while3A_219 : i32 to vector<16xi32>
            %lt3A_268 = arith.cmpi slt, %add3A_264, %lt3A_267 : vector<16xi32>
            %and3A_269 = arith.andi %eq3A_266, %lt3A_268 : vector<16xi1>
            %or3A = arith.ori %gt3A_265, %and3A_269 : vector<16xi1>
            %all_reduce_population_count3A = tpu.all_reduce %or3A {dim = 0 : i64, kind = #tpu.reduction_kind<sum>} : vector<16xi1> -> vector<16xi32>
            %add3A_270 = arith.addi %while3A_255, %all_reduce_population_count3A : vector<16xi32>
            scf.yield %add3A_270 : vector<16xi32>
          }
          %reduce_max3A_237 = arith.constant true
          %reduce_max3A_238 = vector.broadcast %reduce_max3A_237 : i1 to vector<16xi1>
          %reduce_max3A_239 = arith.constant -2147483648 : i32
          %reduce_max3A_240 = vector.broadcast %reduce_max3A_239 : i32 to vector<16xi32>
          %reduce_max3A_241 = arith.xori %while3A_236, %reduce_max3A_240 : vector<16xi32>
          %reduce_max3A_242 = tpu.scan <max>, %reduce_max3A_241 masked %reduce_max3A_238 : vector<16xi32>, vector<16xi1> -> vector<16xi32>
          %reduce_max3A_243 = arith.xori %reduce_max3A_242, %reduce_max3A_240 : vector<16xi32>
          %reduce_max3A_244 = vector.extract %reduce_max3A_243[15] : i32 from vector<16xi32>
          %broadcast_in_dim3A_245 = vector.broadcast %reduce_max3A_244 : i32 to vector<16xi32>
          %eq3A = arith.constant 0 : i32
          %eq3A_246 = vector.broadcast %eq3A : i32 to vector<16xi32>
          %eq3A_247 = arith.cmpi eq, %iota3A, %eq3A_246 : vector<16xi32>
          %lt3A_248 = arith.constant 64 : i32
          %lt3A_249 = vector.broadcast %lt3A_248 : i32 to vector<16xi32>
          %lt3A_250 = arith.cmpi slt, %broadcast_in_dim3A_245, %lt3A_249 : vector<16xi32>
          %and3A_251 = arith.andi %eq3A_247, %lt3A_250 : vector<16xi1>
          %broadcast_in_dim3A_252 = vector.broadcast %add3A_221 : i32 to vector<16xi32>
          tpu.vector_store_idx %arg10[%broadcast_in_dim3A_245], %broadcast_in_dim3A_252 masked %and3A_251 : memref<64xi32, #tpu.memory_space<vmem>>[vector<16xi32>], vector<16xi32>, vector<16xi1>
          %while3A_253 = arith.constant 0 : i32
          scf.yield %while3A_253 : i32
        }
      } else {
      }
      %get3A = arith.constant 0 : index
      %get3A_67 = tpu.vector_load %arg10[%get3A] {strides = array<i32>} : memref<64xi32, #tpu.memory_space<vmem>>, vector<16xi32>,
      %broadcast_in_dim3A_68 = arith.constant 0 : i32
      %broadcast_in_dim3A_69 = vector.broadcast %broadcast_in_dim3A_68 : i32 to vector<16xi32>
      %gather3A_70 = tpu.vector_load_idx %arg6[%get3A_67, %broadcast_in_dim3A_69] : memref<10240x2xf32, #tpu.memory_space<vmem>>[vector<16xi32>, vector<16xi32>], vector<16xf32>,
      %add3A_71 = arith.constant 0 : i32
      %add3A_72 = vector.broadcast %add3A_71 : i32 to vector<16xi32>
      %add3A_73 = arith.addi %add3A_72, %iota3A : vector<16xi32>
      %mul3A_74 = arith.constant 2 : i32
      %mul3A_75 = vector.broadcast %mul3A_74 : i32 to vector<16xi32>
      %mul3A_76 = arith.muli %add3A_73, %mul3A_75 : vector<16xi32>
      %add3A_77 = arith.constant 0 : i32
      %add3A_78 = vector.broadcast %add3A_77 : i32 to vector<16xi32>
      %add3A_79 = arith.addi %mul3A_76, %add3A_78 : vector<16xi32>
      tpu.vector_store_idx %arg11[%add3A_79], %gather3A_70 : memref<128xf32, #tpu.memory_space<vmem>>[vector<16xi32>], vector<16xf32>,
      %broadcast_in_dim3A_80 = arith.constant 1 : i32
      %broadcast_in_dim3A_81 = vector.broadcast %broadcast_in_dim3A_80 : i32 to vector<16xi32>
      %gather3A_82 = tpu.vector_load_idx %arg6[%get3A_67, %broadcast_in_dim3A_81] : memref<10240x2xf32, #tpu.memory_space<vmem>>[vector<16xi32>, vector<16xi32>], vector<16xf32>,
      %add3A_83 = arith.constant 0 : i32
      %add3A_84 = vector.broadcast %add3A_83 : i32 to vector<16xi32>
      %add3A_85 = arith.addi %add3A_84, %iota3A : vector<16xi32>
      %mul3A_86 = arith.constant 2 : i32
      %mul3A_87 = vector.broadcast %mul3A_86 : i32 to vector<16xi32>
      %mul3A_88 = arith.muli %add3A_85, %mul3A_87 : vector<16xi32>
      %add3A_89 = arith.constant 1 : i32
      %add3A_90 = vector.broadcast %add3A_89 : i32 to vector<16xi32>
      %add3A_91 = arith.addi %mul3A_88, %add3A_90 : vector<16xi32>
      tpu.vector_store_idx %arg11[%add3A_91], %gather3A_82 : memref<128xf32, #tpu.memory_space<vmem>>[vector<16xi32>], vector<16xf32>,
      %get3A_92 = arith.constant 16 : index
      %get3A_93 = tpu.vector_load %arg10[%get3A_92] {strides = array<i32>} : memref<64xi32, #tpu.memory_space<vmem>>, vector<16xi32>,
      %broadcast_in_dim3A_94 = arith.constant 0 : i32
      %broadcast_in_dim3A_95 = vector.broadcast %broadcast_in_dim3A_94 : i32 to vector<16xi32>
      %gather3A_96 = tpu.vector_load_idx %arg6[%get3A_93, %broadcast_in_dim3A_95] : memref<10240x2xf32, #tpu.memory_space<vmem>>[vector<16xi32>, vector<16xi32>], vector<16xf32>,
      %add3A_97 = arith.constant 16 : i32
      %add3A_98 = vector.broadcast %add3A_97 : i32 to vector<16xi32>
      %add3A_99 = arith.addi %add3A_98, %iota3A : vector<16xi32>
      %mul3A_100 = arith.constant 2 : i32
      %mul3A_101 = vector.broadcast %mul3A_100 : i32 to vector<16xi32>
      %mul3A_102 = arith.muli %add3A_99, %mul3A_101 : vector<16xi32>
      %add3A_103 = arith.constant 0 : i32
      %add3A_104 = vector.broadcast %add3A_103 : i32 to vector<16xi32>
      %add3A_105 = arith.addi %mul3A_102, %add3A_104 : vector<16xi32>
      tpu.vector_store_idx %arg11[%add3A_105], %gather3A_96 : memref<128xf32, #tpu.memory_space<vmem>>[vector<16xi32>], vector<16xf32>,
      %broadcast_in_dim3A_106 = arith.constant 1 : i32
      %broadcast_in_dim3A_107 = vector.broadcast %broadcast_in_dim3A_106 : i32 to vector<16xi32>
      %gather3A_108 = tpu.vector_load_idx %arg6[%get3A_93, %broadcast_in_dim3A_107] : memref<10240x2xf32, #tpu.memory_space<vmem>>[vector<16xi32>, vector<16xi32>], vector<16xf32>,
      %add3A_109 = arith.constant 16 : i32
      %add3A_110 = vector.broadcast %add3A_109 : i32 to vector<16xi32>
      %add3A_111 = arith.addi %add3A_110, %iota3A : vector<16xi32>
      %mul3A_112 = arith.constant 2 : i32
      %mul3A_113 = vector.broadcast %mul3A_112 : i32 to vector<16xi32>
      %mul3A_114 = arith.muli %add3A_111, %mul3A_113 : vector<16xi32>
      %add3A_115 = arith.constant 1 : i32
      %add3A_116 = vector.broadcast %add3A_115 : i32 to vector<16xi32>
      %add3A_117 = arith.addi %mul3A_114, %add3A_116 : vector<16xi32>
      tpu.vector_store_idx %arg11[%add3A_117], %gather3A_108 : memref<128xf32, #tpu.memory_space<vmem>>[vector<16xi32>], vector<16xf32>,
      %get3A_118 = arith.constant 32 : index
      %get3A_119 = tpu.vector_load %arg10[%get3A_118] {strides = array<i32>} : memref<64xi32, #tpu.memory_space<vmem>>, vector<16xi32>,
      %broadcast_in_dim3A_120 = arith.constant 0 : i32
      %broadcast_in_dim3A_121 = vector.broadcast %broadcast_in_dim3A_120 : i32 to vector<16xi32>
      %gather3A_122 = tpu.vector_load_idx %arg6[%get3A_119, %broadcast_in_dim3A_121] : memref<10240x2xf32, #tpu.memory_space<vmem>>[vector<16xi32>, vector<16xi32>], vector<16xf32>,
      %add3A_123 = arith.constant 32 : i32
      %add3A_124 = vector.broadcast %add3A_123 : i32 to vector<16xi32>
      %add3A_125 = arith.addi %add3A_124, %iota3A : vector<16xi32>
      %mul3A_126 = arith.constant 2 : i32
      %mul3A_127 = vector.broadcast %mul3A_126 : i32 to vector<16xi32>
      %mul3A_128 = arith.muli %add3A_125, %mul3A_127 : vector<16xi32>
      %add3A_129 = arith.constant 0 : i32
      %add3A_130 = vector.broadcast %add3A_129 : i32 to vector<16xi32>
      %add3A_131 = arith.addi %mul3A_128, %add3A_130 : vector<16xi32>
      tpu.vector_store_idx %arg11[%add3A_131], %gather3A_122 : memref<128xf32, #tpu.memory_space<vmem>>[vector<16xi32>], vector<16xf32>,
      %broadcast_in_dim3A_132 = arith.constant 1 : i32
      %broadcast_in_dim3A_133 = vector.broadcast %broadcast_in_dim3A_132 : i32 to vector<16xi32>
      %gather3A_134 = tpu.vector_load_idx %arg6[%get3A_119, %broadcast_in_dim3A_133] : memref<10240x2xf32, #tpu.memory_space<vmem>>[vector<16xi32>, vector<16xi32>], vector<16xf32>,
      %add3A_135 = arith.constant 32 : i32
      %add3A_136 = vector.broadcast %add3A_135 : i32 to vector<16xi32>
      %add3A_137 = arith.addi %add3A_136, %iota3A : vector<16xi32>
      %mul3A_138 = arith.constant 2 : i32
      %mul3A_139 = vector.broadcast %mul3A_138 : i32 to vector<16xi32>
      %mul3A_140 = arith.muli %add3A_137, %mul3A_139 : vector<16xi32>
      %add3A_141 = arith.constant 1 : i32
      %add3A_142 = vector.broadcast %add3A_141 : i32 to vector<16xi32>
      %add3A_143 = arith.addi %mul3A_140, %add3A_142 : vector<16xi32>
      tpu.vector_store_idx %arg11[%add3A_143], %gather3A_134 : memref<128xf32, #tpu.memory_space<vmem>>[vector<16xi32>], vector<16xf32>,
      %get3A_144 = arith.constant 48 : index
      %get3A_145 = tpu.vector_load %arg10[%get3A_144] {strides = array<i32>} : memref<64xi32, #tpu.memory_space<vmem>>, vector<16xi32>,
      %broadcast_in_dim3A_146 = arith.constant 0 : i32
      %broadcast_in_dim3A_147 = vector.broadcast %broadcast_in_dim3A_146 : i32 to vector<16xi32>
      %gather3A_148 = tpu.vector_load_idx %arg6[%get3A_145, %broadcast_in_dim3A_147] : memref<10240x2xf32, #tpu.memory_space<vmem>>[vector<16xi32>, vector<16xi32>], vector<16xf32>,
      %add3A_149 = arith.constant 48 : i32
      %add3A_150 = vector.broadcast %add3A_149 : i32 to vector<16xi32>
      %add3A_151 = arith.addi %add3A_150, %iota3A : vector<16xi32>
      %mul3A_152 = arith.constant 2 : i32
      %mul3A_153 = vector.broadcast %mul3A_152 : i32 to vector<16xi32>
      %mul3A_154 = arith.muli %add3A_151, %mul3A_153 : vector<16xi32>
      %add3A_155 = arith.constant 0 : i32
      %add3A_156 = vector.broadcast %add3A_155 : i32 to vector<16xi32>
      %add3A_157 = arith.addi %mul3A_154, %add3A_156 : vector<16xi32>
      tpu.vector_store_idx %arg11[%add3A_157], %gather3A_148 : memref<128xf32, #tpu.memory_space<vmem>>[vector<16xi32>], vector<16xf32>,
      %broadcast_in_dim3A_158 = arith.constant 1 : i32
      %broadcast_in_dim3A_159 = vector.broadcast %broadcast_in_dim3A_158 : i32 to vector<16xi32>
      %gather3A_160 = tpu.vector_load_idx %arg6[%get3A_145, %broadcast_in_dim3A_159] : memref<10240x2xf32, #tpu.memory_space<vmem>>[vector<16xi32>, vector<16xi32>], vector<16xf32>,
      %add3A_161 = arith.constant 48 : i32
      %add3A_162 = vector.broadcast %add3A_161 : i32 to vector<16xi32>
      %add3A_163 = arith.addi %add3A_162, %iota3A : vector<16xi32>
      %mul3A_164 = arith.constant 2 : i32
      %mul3A_165 = vector.broadcast %mul3A_164 : i32 to vector<16xi32>
      %mul3A_166 = arith.muli %add3A_163, %mul3A_165 : vector<16xi32>
      %add3A_167 = arith.constant 1 : i32
      %add3A_168 = vector.broadcast %add3A_167 : i32 to vector<16xi32>
      %add3A_169 = arith.addi %mul3A_166, %add3A_168 : vector<16xi32>
      tpu.vector_store_idx %arg11[%add3A_169], %gather3A_160 : memref<128xf32, #tpu.memory_space<vmem>>[vector<16xi32>], vector<16xf32>,
      "tpu.region"() ({
        %run_scoped3A = tpu.sem_alloc : memref<!tpu.dma_semaphore, #tpu.memory_space<semaphore_mem>>
        %dma_start3A = arith.constant 0 : i32
        %dma_start3A_170 = tpu.memref_slice %arg5[%add3A_18, %dma_start3A] : memref<100x128xf32, #tpu.memory_space<hbm>> -> memref<1x128xf32, #tpu.memory_space<hbm>>
        %dma_start3A_171 = tpu.memref_squeeze %dma_start3A_170 : memref<1x128xf32, #tpu.memory_space<hbm>> -> memref<128xf32, #tpu.memory_space<hbm>>
        %dma_start3A_172 = arith.constant 0 : i32
        %dma_start3A_173 = tpu.memref_slice %arg5[%add3A_18, %dma_start3A_172] : memref<100x128xf32, #tpu.memory_space<hbm>> -> memref<1x128xf32, #tpu.memory_space<hbm>>
        %dma_start3A_174 = tpu.memref_squeeze %dma_start3A_173 : memref<1x128xf32, #tpu.memory_space<hbm>> -> memref<128xf32, #tpu.memory_space<hbm>>
        tpu.enqueue_dma source(%arg11 : memref<128xf32, #tpu.memory_space<vmem>>) target(%dma_start3A_174 : memref<128xf32, #tpu.memory_space<hbm>>) target_semaphore(%run_scoped3A : memref<!tpu.dma_semaphore, #tpu.memory_space<semaphore_mem>>)
        %dma_wait3A = arith.constant 0 : i32
        %dma_wait3A_175 = tpu.memref_slice %arg5[%add3A_18, %dma_wait3A] : memref<100x128xf32, #tpu.memory_space<hbm>> -> memref<1x128xf32, #tpu.memory_space<hbm>>
        %dma_wait3A_176 = tpu.memref_squeeze %dma_wait3A_175 : memref<1x128xf32, #tpu.memory_space<hbm>> -> memref<128xf32, #tpu.memory_space<hbm>>
        %dma_wait3A_177 = arith.constant 0 : i32
        %dma_wait3A_178 = tpu.memref_slice %arg5[%add3A_18, %dma_wait3A_177] : memref<100x128xf32, #tpu.memory_space<hbm>> -> memref<1x128xf32, #tpu.memory_space<hbm>>
        %dma_wait3A_179 = tpu.memref_squeeze %dma_wait3A_178 : memref<1x128xf32, #tpu.memory_space<hbm>> -> memref<128xf32, #tpu.memory_space<hbm>>
        tpu.wait_dma2 semaphore(%run_scoped3A : memref<!tpu.dma_semaphore, #tpu.memory_space<semaphore_mem>>) src(%arg11 : memref<128xf32, #tpu.memory_space<vmem>>) dst(%dma_wait3A_179 : memref<128xf32, #tpu.memory_space<hbm>>)
        tpu.yield
      }) : () -> ()
    } else {
    }
    %add3A_24 = arith.constant 96 : i32
    %add3A_25 = arith.addi %add3A, %add3A_24 : i32
    %lt3A_26 = arith.constant 100 : i32
    %lt3A_27 = arith.cmpi slt, %add3A_25, %lt3A_26 : i32
    %convert_element_type3A_28 = arith.extui %lt3A_27 : i1 to i32
    %cond3A_29 = arith.constant 0 : i32
    %cond3A_30 = arith.cmpi ne, %convert_element_type3A_28, %cond3A_29 : i32
    scf.if %cond3A_30 {
      %broadcast_in_dim3A_31 = vector.broadcast %add3A_25 : i32 to vector<16xi32>
      %gather3A = tpu.vector_load_idx %arg8[%broadcast_in_dim3A_31] : memref<128xi32, #tpu.memory_space<vmem>>[vector<16xi32>], vector<16xi32>,
      %reduce_max3A = arith.constant true
      %reduce_max3A_32 = vector.broadcast %reduce_max3A : i1 to vector<16xi1>
      %reduce_max3A_33 = arith.constant -2147483648 : i32
      %reduce_max3A_34 = vector.broadcast %reduce_max3A_33 : i32 to vector<16xi32>
      %reduce_max3A_35 = arith.xori %gather3A, %reduce_max3A_34 : vector<16xi32>
      %reduce_max3A_36 = tpu.scan <max>, %reduce_max3A_35 masked %reduce_max3A_32 : vector<16xi32>, vector<16xi1> -> vector<16xi32>
      %reduce_max3A_37 = arith.xori %reduce_max3A_36, %reduce_max3A_34 : vector<16xi32>
      %reduce_max3A_38 = vector.extract %reduce_max3A_37[15] : i32 from vector<16xi32>
      %gather3A_39 = tpu.vector_load_idx %arg9[%broadcast_in_dim3A_31] : memref<128xi32, #tpu.memory_space<vmem>>[vector<16xi32>], vector<16xi32>,
      %reduce_max3A_40 = arith.constant true
      %reduce_max3A_41 = vector.broadcast %reduce_max3A_40 : i1 to vector<16xi1>
      %reduce_max3A_42 = arith.constant -2147483648 : i32
      %reduce_max3A_43 = vector.broadcast %reduce_max3A_42 : i32 to vector<16xi32>
      %reduce_max3A_44 = arith.xori %gather3A_39, %reduce_max3A_43 : vector<16xi32>
      %reduce_max3A_45 = tpu.scan <max>, %reduce_max3A_44 masked %reduce_max3A_41 : vector<16xi32>, vector<16xi1> -> vector<16xi32>
      %reduce_max3A_46 = arith.xori %reduce_max3A_45, %reduce_max3A_43 : vector<16xi32>
      %reduce_max3A_47 = vector.extract %reduce_max3A_46[15] : i32 from vector<16xi32>
      %broadcast_in_dim3A_48 = arith.constant 10000 : i32
      %broadcast_in_dim3A_49 = vector.broadcast %broadcast_in_dim3A_48 : i32 to vector<16xi32>
      %swap3A = arith.constant 0 : index
      %swap3A_50 = tpu.vector_load %arg10[%swap3A] {strides = array<i32>} : memref<64xi32, #tpu.memory_space<vmem>>, vector<16xi32>,
      tpu.vector_store %arg10[%swap3A], %broadcast_in_dim3A_49 {strides = array<i32>} : memref<64xi32, #tpu.memory_space<vmem>>, vector<16xi32>,
      %broadcast_in_dim3A_51 = arith.constant 10000 : i32
      %broadcast_in_dim3A_52 = vector.broadcast %broadcast_in_dim3A_51 : i32 to vector<16xi32>
      %swap3A_53 = arith.constant 16 : index
      %swap3A_54 = tpu.vector_load %arg10[%swap3A_53] {strides = array<i32>} : memref<64xi32, #tpu.memory_space<vmem>>, vector<16xi32>,
      tpu.vector_store %arg10[%swap3A_53], %broadcast_in_dim3A_52 {strides = array<i32>} : memref<64xi32, #tpu.memory_space<vmem>>, vector<16xi32>,
      %broadcast_in_dim3A_55 = arith.constant 10000 : i32
      %broadcast_in_dim3A_56 = vector.broadcast %broadcast_in_dim3A_55 : i32 to vector<16xi32>
      %swap3A_57 = arith.constant 32 : index
      %swap3A_58 = tpu.vector_load %arg10[%swap3A_57] {strides = array<i32>} : memref<64xi32, #tpu.memory_space<vmem>>, vector<16xi32>,
      tpu.vector_store %arg10[%swap3A_57], %broadcast_in_dim3A_56 {strides = array<i32>} : memref<64xi32, #tpu.memory_space<vmem>>, vector<16xi32>,
      %broadcast_in_dim3A_59 = arith.constant 10000 : i32
      %broadcast_in_dim3A_60 = vector.broadcast %broadcast_in_dim3A_59 : i32 to vector<16xi32>
      %swap3A_61 = arith.constant 48 : index
      %swap3A_62 = tpu.vector_load %arg10[%swap3A_61] {strides = array<i32>} : memref<64xi32, #tpu.memory_space<vmem>>, vector<16xi32>,
      tpu.vector_store %arg10[%swap3A_61], %broadcast_in_dim3A_60 {strides = array<i32>} : memref<64xi32, #tpu.memory_space<vmem>>, vector<16xi32>,
      %gt3A = arith.constant 0 : i32
      %gt3A_63 = arith.cmpi sgt, %reduce_max3A_47, %gt3A : i32
      %convert_element_type3A_64 = arith.extui %gt3A_63 : i1 to i32
      %cond3A_65 = arith.constant 0 : i32
      %cond3A_66 = arith.cmpi ne, %convert_element_type3A_64, %cond3A_65 : i32
      scf.if %cond3A_66 {
        %add3A_170 = arith.constant 15 : i32
        %add3A_171 = arith.addi %reduce_max3A_47, %add3A_170 : i32
        %jit3A = arith.constant 16 : i32
        %div3A = arith.divsi %add3A_171, %jit3A : i32
        %sign3A = arith.constant 0 : i32
        %sign3A_172 = arith.cmpi sgt, %add3A_171, %sign3A : i32
        %sign3A_173 = arith.extui %sign3A_172 : i1 to i32
        %sign3A_174 = arith.constant 0 : i32
        %sign3A_175 = arith.cmpi slt, %add3A_171, %sign3A_174 : i32
        %sign3A_176 = arith.extui %sign3A_175 : i1 to i32
        %sign3A_177 = arith.subi %sign3A_173, %sign3A_176 : i32
        %sign3A_178 = arith.constant 0 : i32
        %sign3A_179 = arith.cmpi sgt, %jit3A, %sign3A_178 : i32
        %sign3A_180 = arith.extui %sign3A_179 : i1 to i32
        %sign3A_181 = arith.constant 0 : i32
        %sign3A_182 = arith.cmpi slt, %jit3A, %sign3A_181 : i32
        %sign3A_183 = arith.extui %sign3A_182 : i1 to i32
        %sign3A_184 = arith.subi %sign3A_180, %sign3A_183 : i32
        %ne3A = arith.cmpi ne, %sign3A_177, %sign3A_184 : i32
        %rem3A = arith.remsi %add3A_171, %jit3A : i32
        %ne3A_185 = arith.constant 0 : i32
        %ne3A_186 = arith.cmpi ne, %rem3A, %ne3A_185 : i32
        %and3A = arith.andi %ne3A, %ne3A_186 : i1
        %sub3A = arith.constant 1 : i32
        %sub3A_187 = arith.subi %div3A, %sub3A : i32
        %select_n3A = arith.select %and3A, %sub3A_187, %div3A : i32
        %sub3A_188 = arith.constant 1 : i32
        %sub3A_189 = arith.subi %select_n3A, %sub3A_188 : i32
        %mul3A_190 = arith.constant 16 : i32
        %mul3A_191 = arith.muli %sub3A_189, %mul3A_190 : i32
        %add3A_192 = arith.addi %reduce_max3A_38, %mul3A_191 : i32
        %get3A_193 = arith.index_cast %add3A_192 : i32 to index
        %get3A_194 = tpu.vector_load %arg7[%get3A_193] {strides = array<i32>} : memref<10240xf32, #tpu.memory_space<vmem>>, vector<16xf32>,
        %sub3A_195 = arith.constant 1 : i32
        %sub3A_196 = arith.subi %select_n3A, %sub3A_195 : i32
        %mul3A_197 = arith.constant 16 : i32
        %mul3A_198 = arith.muli %sub3A_196, %mul3A_197 : i32
        %add3A_199 = vector.broadcast %mul3A_198 : i32 to vector<16xi32>
        %add3A_200 = arith.addi %add3A_199, %iota3A : vector<16xi32>
        %lt3A_201 = vector.broadcast %reduce_max3A_47 : i32 to vector<16xi32>
        %lt3A_202 = arith.cmpi slt, %add3A_200, %lt3A_201 : vector<16xi32>
        %jit3A_203 = arith.constant 0xFF800000 : f32
        %broadcast_in_dim3A_204 = vector.broadcast %jit3A_203 : f32 to vector<16xf32>
        %select_n3A_205 = arith.select %lt3A_202, %get3A_194, %broadcast_in_dim3A_204 : vector<16xi1>, vector<16xf32>
        %swap3A_206 = arith.index_cast %add3A_192 : i32 to index
        %swap3A_207 = tpu.vector_load %arg7[%swap3A_206] {strides = array<i32>} : memref<10240xf32, #tpu.memory_space<vmem>>, vector<16xf32>,
        tpu.vector_store %arg7[%swap3A_206], %select_n3A_205 {strides = array<i32>} : memref<10240xf32, #tpu.memory_space<vmem>>, vector<16xf32>,
        %while3A = arith.constant 0 : i32
        %while3A_208 = arith.constant 0 : i32
        %while3A_209 = arith.subi %reduce_max3A_47, %while3A : i32
        %while3A_210 = arith.addi %while3A, %while3A_209 : i32
        %while3A_211 = arith.constant 1 : i32
        %while3A_212 = arith.divsi %while3A_209, %while3A_211 : i32
        %while3A_213 = arith.muli %while3A_212, %while3A_211 : i32
        %while3A_214 = arith.addi %while3A, %while3A_213 : i32
        %while3A_215 = arith.constant 1 : i32
        %while3A_216 = scf.for %while3A_219 = %while3A to %while3A_214 step %while3A_215 iter_args(%while3A_220 = %while3A_208) -> (i32)  : i32 {
          %add3A_221 = arith.addi %reduce_max3A_38, %while3A_219 : i32
          %broadcast_in_dim3A_222 = vector.broadcast %add3A_221 : i32 to vector<16xi32>
          %gather3A_223 = tpu.vector_load_idx %arg7[%broadcast_in_dim3A_222] : memref<10240xf32, #tpu.memory_space<vmem>>[vector<16xi32>], vector<16xf32>,
          %broadcast_in_dim3A_224 = arith.constant 0 : i32
          %broadcast_in_dim3A_225 = vector.broadcast %broadcast_in_dim3A_224 : i32 to vector<16xi32>
          %while3A_226 = arith.constant 0 : i32
          %while3A_227 = arith.subi %select_n3A, %while3A_226 : i32
          %while3A_228 = arith.addi %while3A_226, %while3A_227 : i32
          %while3A_229 = arith.constant 1 : i32
          %while3A_230 = arith.divsi %while3A_227, %while3A_229 : i32
          %while3A_231 = arith.muli %while3A_230, %while3A_229 : i32
          %while3A_232 = arith.addi %while3A_226, %while3A_231 : i32
          %while3A_233 = arith.constant 1 : i32
          %while3A_234 = scf.for %while3A_254 = %while3A_226 to %while3A_232 step %while3A_233 iter_args(%while3A_255 = %broadcast_in_dim3A_225) -> (vector<16xi32>)  : i32 {
            %mul3A_256 = arith.constant 16 : i32
            %mul3A_257 = arith.muli %while3A_254, %mul3A_256 : i32
            %add3A_258 = arith.addi %reduce_max3A_38, %mul3A_257 : i32
            %get3A_259 = arith.index_cast %add3A_258 : i32 to index
            %get3A_260 = tpu.vector_load %arg7[%get3A_259] {strides = array<i32>} : memref<10240xf32, #tpu.memory_space<vmem>>, vector<16xf32>,
            %mul3A_261 = arith.constant 16 : i32
            %mul3A_262 = arith.muli %while3A_254, %mul3A_261 : i32
            %add3A_263 = vector.broadcast %mul3A_262 : i32 to vector<16xi32>
            %add3A_264 = arith.addi %add3A_263, %iota3A : vector<16xi32>
            %gt3A_265 = arith.cmpf ogt, %get3A_260, %gather3A_223 : vector<16xf32>
            %eq3A_266 = arith.cmpf oeq, %get3A_260, %gather3A_223 : vector<16xf32>
            %lt3A_267 = vector.broadcast %while3A_219 : i32 to vector<16xi32>
            %lt3A_268 = arith.cmpi slt, %add3A_264, %lt3A_267 : vector<16xi32>
            %and3A_269 = arith.andi %eq3A_266, %lt3A_268 : vector<16xi1>
            %or3A = arith.ori %gt3A_265, %and3A_269 : vector<16xi1>
            %all_reduce_population_count3A = tpu.all_reduce %or3A {dim = 0 : i64, kind = #tpu.reduction_kind<sum>} : vector<16xi1> -> vector<16xi32>
            %add3A_270 = arith.addi %while3A_255, %all_reduce_population_count3A : vector<16xi32>
            scf.yield %add3A_270 : vector<16xi32>
          }
          %while3A_235 = arith.constant 1 : i32
          %while3A_236 = scf.for %while3A_254 = %while3A_232 to %while3A_228 step %while3A_235 iter_args(%while3A_255 = %while3A_234) -> (vector<16xi32>)  : i32 {
            %mul3A_256 = arith.constant 16 : i32
            %mul3A_257 = arith.muli %while3A_254, %mul3A_256 : i32
            %add3A_258 = arith.addi %reduce_max3A_38, %mul3A_257 : i32
            %get3A_259 = arith.index_cast %add3A_258 : i32 to index
            %get3A_260 = tpu.vector_load %arg7[%get3A_259] {strides = array<i32>} : memref<10240xf32, #tpu.memory_space<vmem>>, vector<16xf32>,
            %mul3A_261 = arith.constant 16 : i32
            %mul3A_262 = arith.muli %while3A_254, %mul3A_261 : i32
            %add3A_263 = vector.broadcast %mul3A_262 : i32 to vector<16xi32>
            %add3A_264 = arith.addi %add3A_263, %iota3A : vector<16xi32>
            %gt3A_265 = arith.cmpf ogt, %get3A_260, %gather3A_223 : vector<16xf32>
            %eq3A_266 = arith.cmpf oeq, %get3A_260, %gather3A_223 : vector<16xf32>
            %lt3A_267 = vector.broadcast %while3A_219 : i32 to vector<16xi32>
            %lt3A_268 = arith.cmpi slt, %add3A_264, %lt3A_267 : vector<16xi32>
            %and3A_269 = arith.andi %eq3A_266, %lt3A_268 : vector<16xi1>
            %or3A = arith.ori %gt3A_265, %and3A_269 : vector<16xi1>
            %all_reduce_population_count3A = tpu.all_reduce %or3A {dim = 0 : i64, kind = #tpu.reduction_kind<sum>} : vector<16xi1> -> vector<16xi32>
            %add3A_270 = arith.addi %while3A_255, %all_reduce_population_count3A : vector<16xi32>
            scf.yield %add3A_270 : vector<16xi32>
          }
          %reduce_max3A_237 = arith.constant true
          %reduce_max3A_238 = vector.broadcast %reduce_max3A_237 : i1 to vector<16xi1>
          %reduce_max3A_239 = arith.constant -2147483648 : i32
          %reduce_max3A_240 = vector.broadcast %reduce_max3A_239 : i32 to vector<16xi32>
          %reduce_max3A_241 = arith.xori %while3A_236, %reduce_max3A_240 : vector<16xi32>
          %reduce_max3A_242 = tpu.scan <max>, %reduce_max3A_241 masked %reduce_max3A_238 : vector<16xi32>, vector<16xi1> -> vector<16xi32>
          %reduce_max3A_243 = arith.xori %reduce_max3A_242, %reduce_max3A_240 : vector<16xi32>
          %reduce_max3A_244 = vector.extract %reduce_max3A_243[15] : i32 from vector<16xi32>
          %broadcast_in_dim3A_245 = vector.broadcast %reduce_max3A_244 : i32 to vector<16xi32>
          %eq3A = arith.constant 0 : i32
          %eq3A_246 = vector.broadcast %eq3A : i32 to vector<16xi32>
          %eq3A_247 = arith.cmpi eq, %iota3A, %eq3A_246 : vector<16xi32>
          %lt3A_248 = arith.constant 64 : i32
          %lt3A_249 = vector.broadcast %lt3A_248 : i32 to vector<16xi32>
          %lt3A_250 = arith.cmpi slt, %broadcast_in_dim3A_245, %lt3A_249 : vector<16xi32>
          %and3A_251 = arith.andi %eq3A_247, %lt3A_250 : vector<16xi1>
          %broadcast_in_dim3A_252 = vector.broadcast %add3A_221 : i32 to vector<16xi32>
          tpu.vector_store_idx %arg10[%broadcast_in_dim3A_245], %broadcast_in_dim3A_252 masked %and3A_251 : memref<64xi32, #tpu.memory_space<vmem>>[vector<16xi32>], vector<16xi32>, vector<16xi1>
          %while3A_253 = arith.constant 0 : i32
          scf.yield %while3A_253 : i32
        }
        %while3A_217 = arith.constant 1 : i32
        %while3A_218 = scf.for %while3A_219 = %while3A_214 to %while3A_210 step %while3A_217 iter_args(%while3A_220 = %while3A_216) -> (i32)  : i32 {
          %add3A_221 = arith.addi %reduce_max3A_38, %while3A_219 : i32
          %broadcast_in_dim3A_222 = vector.broadcast %add3A_221 : i32 to vector<16xi32>
          %gather3A_223 = tpu.vector_load_idx %arg7[%broadcast_in_dim3A_222] : memref<10240xf32, #tpu.memory_space<vmem>>[vector<16xi32>], vector<16xf32>,
          %broadcast_in_dim3A_224 = arith.constant 0 : i32
          %broadcast_in_dim3A_225 = vector.broadcast %broadcast_in_dim3A_224 : i32 to vector<16xi32>
          %while3A_226 = arith.constant 0 : i32
          %while3A_227 = arith.subi %select_n3A, %while3A_226 : i32
          %while3A_228 = arith.addi %while3A_226, %while3A_227 : i32
          %while3A_229 = arith.constant 1 : i32
          %while3A_230 = arith.divsi %while3A_227, %while3A_229 : i32
          %while3A_231 = arith.muli %while3A_230, %while3A_229 : i32
          %while3A_232 = arith.addi %while3A_226, %while3A_231 : i32
          %while3A_233 = arith.constant 1 : i32
          %while3A_234 = scf.for %while3A_254 = %while3A_226 to %while3A_232 step %while3A_233 iter_args(%while3A_255 = %broadcast_in_dim3A_225) -> (vector<16xi32>)  : i32 {
            %mul3A_256 = arith.constant 16 : i32
            %mul3A_257 = arith.muli %while3A_254, %mul3A_256 : i32
            %add3A_258 = arith.addi %reduce_max3A_38, %mul3A_257 : i32
            %get3A_259 = arith.index_cast %add3A_258 : i32 to index
            %get3A_260 = tpu.vector_load %arg7[%get3A_259] {strides = array<i32>} : memref<10240xf32, #tpu.memory_space<vmem>>, vector<16xf32>,
            %mul3A_261 = arith.constant 16 : i32
            %mul3A_262 = arith.muli %while3A_254, %mul3A_261 : i32
            %add3A_263 = vector.broadcast %mul3A_262 : i32 to vector<16xi32>
            %add3A_264 = arith.addi %add3A_263, %iota3A : vector<16xi32>
            %gt3A_265 = arith.cmpf ogt, %get3A_260, %gather3A_223 : vector<16xf32>
            %eq3A_266 = arith.cmpf oeq, %get3A_260, %gather3A_223 : vector<16xf32>
            %lt3A_267 = vector.broadcast %while3A_219 : i32 to vector<16xi32>
            %lt3A_268 = arith.cmpi slt, %add3A_264, %lt3A_267 : vector<16xi32>
            %and3A_269 = arith.andi %eq3A_266, %lt3A_268 : vector<16xi1>
            %or3A = arith.ori %gt3A_265, %and3A_269 : vector<16xi1>
            %all_reduce_population_count3A = tpu.all_reduce %or3A {dim = 0 : i64, kind = #tpu.reduction_kind<sum>} : vector<16xi1> -> vector<16xi32>
            %add3A_270 = arith.addi %while3A_255, %all_reduce_population_count3A : vector<16xi32>
            scf.yield %add3A_270 : vector<16xi32>
          }
          %while3A_235 = arith.constant 1 : i32
          %while3A_236 = scf.for %while3A_254 = %while3A_232 to %while3A_228 step %while3A_235 iter_args(%while3A_255 = %while3A_234) -> (vector<16xi32>)  : i32 {
            %mul3A_256 = arith.constant 16 : i32
            %mul3A_257 = arith.muli %while3A_254, %mul3A_256 : i32
            %add3A_258 = arith.addi %reduce_max3A_38, %mul3A_257 : i32
            %get3A_259 = arith.index_cast %add3A_258 : i32 to index
            %get3A_260 = tpu.vector_load %arg7[%get3A_259] {strides = array<i32>} : memref<10240xf32, #tpu.memory_space<vmem>>, vector<16xf32>,
            %mul3A_261 = arith.constant 16 : i32
            %mul3A_262 = arith.muli %while3A_254, %mul3A_261 : i32
            %add3A_263 = vector.broadcast %mul3A_262 : i32 to vector<16xi32>
            %add3A_264 = arith.addi %add3A_263, %iota3A : vector<16xi32>
            %gt3A_265 = arith.cmpf ogt, %get3A_260, %gather3A_223 : vector<16xf32>
            %eq3A_266 = arith.cmpf oeq, %get3A_260, %gather3A_223 : vector<16xf32>
            %lt3A_267 = vector.broadcast %while3A_219 : i32 to vector<16xi32>
            %lt3A_268 = arith.cmpi slt, %add3A_264, %lt3A_267 : vector<16xi32>
            %and3A_269 = arith.andi %eq3A_266, %lt3A_268 : vector<16xi1>
            %or3A = arith.ori %gt3A_265, %and3A_269 : vector<16xi1>
            %all_reduce_population_count3A = tpu.all_reduce %or3A {dim = 0 : i64, kind = #tpu.reduction_kind<sum>} : vector<16xi1> -> vector<16xi32>
            %add3A_270 = arith.addi %while3A_255, %all_reduce_population_count3A : vector<16xi32>
            scf.yield %add3A_270 : vector<16xi32>
          }
          %reduce_max3A_237 = arith.constant true
          %reduce_max3A_238 = vector.broadcast %reduce_max3A_237 : i1 to vector<16xi1>
          %reduce_max3A_239 = arith.constant -2147483648 : i32
          %reduce_max3A_240 = vector.broadcast %reduce_max3A_239 : i32 to vector<16xi32>
          %reduce_max3A_241 = arith.xori %while3A_236, %reduce_max3A_240 : vector<16xi32>
          %reduce_max3A_242 = tpu.scan <max>, %reduce_max3A_241 masked %reduce_max3A_238 : vector<16xi32>, vector<16xi1> -> vector<16xi32>
          %reduce_max3A_243 = arith.xori %reduce_max3A_242, %reduce_max3A_240 : vector<16xi32>
          %reduce_max3A_244 = vector.extract %reduce_max3A_243[15] : i32 from vector<16xi32>
          %broadcast_in_dim3A_245 = vector.broadcast %reduce_max3A_244 : i32 to vector<16xi32>
          %eq3A = arith.constant 0 : i32
          %eq3A_246 = vector.broadcast %eq3A : i32 to vector<16xi32>
          %eq3A_247 = arith.cmpi eq, %iota3A, %eq3A_246 : vector<16xi32>
          %lt3A_248 = arith.constant 64 : i32
          %lt3A_249 = vector.broadcast %lt3A_248 : i32 to vector<16xi32>
          %lt3A_250 = arith.cmpi slt, %broadcast_in_dim3A_245, %lt3A_249 : vector<16xi32>
          %and3A_251 = arith.andi %eq3A_247, %lt3A_250 : vector<16xi1>
          %broadcast_in_dim3A_252 = vector.broadcast %add3A_221 : i32 to vector<16xi32>
          tpu.vector_store_idx %arg10[%broadcast_in_dim3A_245], %broadcast_in_dim3A_252 masked %and3A_251 : memref<64xi32, #tpu.memory_space<vmem>>[vector<16xi32>], vector<16xi32>, vector<16xi1>
          %while3A_253 = arith.constant 0 : i32
          scf.yield %while3A_253 : i32
        }
      } else {
      }
      %get3A = arith.constant 0 : index
      %get3A_67 = tpu.vector_load %arg10[%get3A] {strides = array<i32>} : memref<64xi32, #tpu.memory_space<vmem>>, vector<16xi32>,
      %broadcast_in_dim3A_68 = arith.constant 0 : i32
      %broadcast_in_dim3A_69 = vector.broadcast %broadcast_in_dim3A_68 : i32 to vector<16xi32>
      %gather3A_70 = tpu.vector_load_idx %arg6[%get3A_67, %broadcast_in_dim3A_69] : memref<10240x2xf32, #tpu.memory_space<vmem>>[vector<16xi32>, vector<16xi32>], vector<16xf32>,
      %add3A_71 = arith.constant 0 : i32
      %add3A_72 = vector.broadcast %add3A_71 : i32 to vector<16xi32>
      %add3A_73 = arith.addi %add3A_72, %iota3A : vector<16xi32>
      %mul3A_74 = arith.constant 2 : i32
      %mul3A_75 = vector.broadcast %mul3A_74 : i32 to vector<16xi32>
      %mul3A_76 = arith.muli %add3A_73, %mul3A_75 : vector<16xi32>
      %add3A_77 = arith.constant 0 : i32
      %add3A_78 = vector.broadcast %add3A_77 : i32 to vector<16xi32>
      %add3A_79 = arith.addi %mul3A_76, %add3A_78 : vector<16xi32>
      tpu.vector_store_idx %arg11[%add3A_79], %gather3A_70 : memref<128xf32, #tpu.memory_space<vmem>>[vector<16xi32>], vector<16xf32>,
      %broadcast_in_dim3A_80 = arith.constant 1 : i32
      %broadcast_in_dim3A_81 = vector.broadcast %broadcast_in_dim3A_80 : i32 to vector<16xi32>
      %gather3A_82 = tpu.vector_load_idx %arg6[%get3A_67, %broadcast_in_dim3A_81] : memref<10240x2xf32, #tpu.memory_space<vmem>>[vector<16xi32>, vector<16xi32>], vector<16xf32>,
      %add3A_83 = arith.constant 0 : i32
      %add3A_84 = vector.broadcast %add3A_83 : i32 to vector<16xi32>
      %add3A_85 = arith.addi %add3A_84, %iota3A : vector<16xi32>
      %mul3A_86 = arith.constant 2 : i32
      %mul3A_87 = vector.broadcast %mul3A_86 : i32 to vector<16xi32>
      %mul3A_88 = arith.muli %add3A_85, %mul3A_87 : vector<16xi32>
      %add3A_89 = arith.constant 1 : i32
      %add3A_90 = vector.broadcast %add3A_89 : i32 to vector<16xi32>
      %add3A_91 = arith.addi %mul3A_88, %add3A_90 : vector<16xi32>
      tpu.vector_store_idx %arg11[%add3A_91], %gather3A_82 : memref<128xf32, #tpu.memory_space<vmem>>[vector<16xi32>], vector<16xf32>,
      %get3A_92 = arith.constant 16 : index
      %get3A_93 = tpu.vector_load %arg10[%get3A_92] {strides = array<i32>} : memref<64xi32, #tpu.memory_space<vmem>>, vector<16xi32>,
      %broadcast_in_dim3A_94 = arith.constant 0 : i32
      %broadcast_in_dim3A_95 = vector.broadcast %broadcast_in_dim3A_94 : i32 to vector<16xi32>
      %gather3A_96 = tpu.vector_load_idx %arg6[%get3A_93, %broadcast_in_dim3A_95] : memref<10240x2xf32, #tpu.memory_space<vmem>>[vector<16xi32>, vector<16xi32>], vector<16xf32>,
      %add3A_97 = arith.constant 16 : i32
      %add3A_98 = vector.broadcast %add3A_97 : i32 to vector<16xi32>
      %add3A_99 = arith.addi %add3A_98, %iota3A : vector<16xi32>
      %mul3A_100 = arith.constant 2 : i32
      %mul3A_101 = vector.broadcast %mul3A_100 : i32 to vector<16xi32>
      %mul3A_102 = arith.muli %add3A_99, %mul3A_101 : vector<16xi32>
      %add3A_103 = arith.constant 0 : i32
      %add3A_104 = vector.broadcast %add3A_103 : i32 to vector<16xi32>
      %add3A_105 = arith.addi %mul3A_102, %add3A_104 : vector<16xi32>
      tpu.vector_store_idx %arg11[%add3A_105], %gather3A_96 : memref<128xf32, #tpu.memory_space<vmem>>[vector<16xi32>], vector<16xf32>,
      %broadcast_in_dim3A_106 = arith.constant 1 : i32
      %broadcast_in_dim3A_107 = vector.broadcast %broadcast_in_dim3A_106 : i32 to vector<16xi32>
      %gather3A_108 = tpu.vector_load_idx %arg6[%get3A_93, %broadcast_in_dim3A_107] : memref<10240x2xf32, #tpu.memory_space<vmem>>[vector<16xi32>, vector<16xi32>], vector<16xf32>,
      %add3A_109 = arith.constant 16 : i32
      %add3A_110 = vector.broadcast %add3A_109 : i32 to vector<16xi32>
      %add3A_111 = arith.addi %add3A_110, %iota3A : vector<16xi32>
      %mul3A_112 = arith.constant 2 : i32
      %mul3A_113 = vector.broadcast %mul3A_112 : i32 to vector<16xi32>
      %mul3A_114 = arith.muli %add3A_111, %mul3A_113 : vector<16xi32>
      %add3A_115 = arith.constant 1 : i32
      %add3A_116 = vector.broadcast %add3A_115 : i32 to vector<16xi32>
      %add3A_117 = arith.addi %mul3A_114, %add3A_116 : vector<16xi32>
      tpu.vector_store_idx %arg11[%add3A_117], %gather3A_108 : memref<128xf32, #tpu.memory_space<vmem>>[vector<16xi32>], vector<16xf32>,
      %get3A_118 = arith.constant 32 : index
      %get3A_119 = tpu.vector_load %arg10[%get3A_118] {strides = array<i32>} : memref<64xi32, #tpu.memory_space<vmem>>, vector<16xi32>,
      %broadcast_in_dim3A_120 = arith.constant 0 : i32
      %broadcast_in_dim3A_121 = vector.broadcast %broadcast_in_dim3A_120 : i32 to vector<16xi32>
      %gather3A_122 = tpu.vector_load_idx %arg6[%get3A_119, %broadcast_in_dim3A_121] : memref<10240x2xf32, #tpu.memory_space<vmem>>[vector<16xi32>, vector<16xi32>], vector<16xf32>,
      %add3A_123 = arith.constant 32 : i32
      %add3A_124 = vector.broadcast %add3A_123 : i32 to vector<16xi32>
      %add3A_125 = arith.addi %add3A_124, %iota3A : vector<16xi32>
      %mul3A_126 = arith.constant 2 : i32
      %mul3A_127 = vector.broadcast %mul3A_126 : i32 to vector<16xi32>
      %mul3A_128 = arith.muli %add3A_125, %mul3A_127 : vector<16xi32>
      %add3A_129 = arith.constant 0 : i32
      %add3A_130 = vector.broadcast %add3A_129 : i32 to vector<16xi32>
      %add3A_131 = arith.addi %mul3A_128, %add3A_130 : vector<16xi32>
      tpu.vector_store_idx %arg11[%add3A_131], %gather3A_122 : memref<128xf32, #tpu.memory_space<vmem>>[vector<16xi32>], vector<16xf32>,
      %broadcast_in_dim3A_132 = arith.constant 1 : i32
      %broadcast_in_dim3A_133 = vector.broadcast %broadcast_in_dim3A_132 : i32 to vector<16xi32>
      %gather3A_134 = tpu.vector_load_idx %arg6[%get3A_119, %broadcast_in_dim3A_133] : memref<10240x2xf32, #tpu.memory_space<vmem>>[vector<16xi32>, vector<16xi32>], vector<16xf32>,
      %add3A_135 = arith.constant 32 : i32
      %add3A_136 = vector.broadcast %add3A_135 : i32 to vector<16xi32>
      %add3A_137 = arith.addi %add3A_136, %iota3A : vector<16xi32>
      %mul3A_138 = arith.constant 2 : i32
      %mul3A_139 = vector.broadcast %mul3A_138 : i32 to vector<16xi32>
      %mul3A_140 = arith.muli %add3A_137, %mul3A_139 : vector<16xi32>
      %add3A_141 = arith.constant 1 : i32
      %add3A_142 = vector.broadcast %add3A_141 : i32 to vector<16xi32>
      %add3A_143 = arith.addi %mul3A_140, %add3A_142 : vector<16xi32>
      tpu.vector_store_idx %arg11[%add3A_143], %gather3A_134 : memref<128xf32, #tpu.memory_space<vmem>>[vector<16xi32>], vector<16xf32>,
      %get3A_144 = arith.constant 48 : index
      %get3A_145 = tpu.vector_load %arg10[%get3A_144] {strides = array<i32>} : memref<64xi32, #tpu.memory_space<vmem>>, vector<16xi32>,
      %broadcast_in_dim3A_146 = arith.constant 0 : i32
      %broadcast_in_dim3A_147 = vector.broadcast %broadcast_in_dim3A_146 : i32 to vector<16xi32>
      %gather3A_148 = tpu.vector_load_idx %arg6[%get3A_145, %broadcast_in_dim3A_147] : memref<10240x2xf32, #tpu.memory_space<vmem>>[vector<16xi32>, vector<16xi32>], vector<16xf32>,
      %add3A_149 = arith.constant 48 : i32
      %add3A_150 = vector.broadcast %add3A_149 : i32 to vector<16xi32>
      %add3A_151 = arith.addi %add3A_150, %iota3A : vector<16xi32>
      %mul3A_152 = arith.constant 2 : i32
      %mul3A_153 = vector.broadcast %mul3A_152 : i32 to vector<16xi32>
      %mul3A_154 = arith.muli %add3A_151, %mul3A_153 : vector<16xi32>
      %add3A_155 = arith.constant 0 : i32
      %add3A_156 = vector.broadcast %add3A_155 : i32 to vector<16xi32>
      %add3A_157 = arith.addi %mul3A_154, %add3A_156 : vector<16xi32>
      tpu.vector_store_idx %arg11[%add3A_157], %gather3A_148 : memref<128xf32, #tpu.memory_space<vmem>>[vector<16xi32>], vector<16xf32>,
      %broadcast_in_dim3A_158 = arith.constant 1 : i32
      %broadcast_in_dim3A_159 = vector.broadcast %broadcast_in_dim3A_158 : i32 to vector<16xi32>
      %gather3A_160 = tpu.vector_load_idx %arg6[%get3A_145, %broadcast_in_dim3A_159] : memref<10240x2xf32, #tpu.memory_space<vmem>>[vector<16xi32>, vector<16xi32>], vector<16xf32>,
      %add3A_161 = arith.constant 48 : i32
      %add3A_162 = vector.broadcast %add3A_161 : i32 to vector<16xi32>
      %add3A_163 = arith.addi %add3A_162, %iota3A : vector<16xi32>
      %mul3A_164 = arith.constant 2 : i32
      %mul3A_165 = vector.broadcast %mul3A_164 : i32 to vector<16xi32>
      %mul3A_166 = arith.muli %add3A_163, %mul3A_165 : vector<16xi32>
      %add3A_167 = arith.constant 1 : i32
      %add3A_168 = vector.broadcast %add3A_167 : i32 to vector<16xi32>
      %add3A_169 = arith.addi %mul3A_166, %add3A_168 : vector<16xi32>
      tpu.vector_store_idx %arg11[%add3A_169], %gather3A_160 : memref<128xf32, #tpu.memory_space<vmem>>[vector<16xi32>], vector<16xf32>,
      "tpu.region"() ({
        %run_scoped3A = tpu.sem_alloc : memref<!tpu.dma_semaphore, #tpu.memory_space<semaphore_mem>>
        %dma_start3A = arith.constant 0 : i32
        %dma_start3A_170 = tpu.memref_slice %arg5[%add3A_25, %dma_start3A] : memref<100x128xf32, #tpu.memory_space<hbm>> -> memref<1x128xf32, #tpu.memory_space<hbm>>
        %dma_start3A_171 = tpu.memref_squeeze %dma_start3A_170 : memref<1x128xf32, #tpu.memory_space<hbm>> -> memref<128xf32, #tpu.memory_space<hbm>>
        %dma_start3A_172 = arith.constant 0 : i32
        %dma_start3A_173 = tpu.memref_slice %arg5[%add3A_25, %dma_start3A_172] : memref<100x128xf32, #tpu.memory_space<hbm>> -> memref<1x128xf32, #tpu.memory_space<hbm>>
        %dma_start3A_174 = tpu.memref_squeeze %dma_start3A_173 : memref<1x128xf32, #tpu.memory_space<hbm>> -> memref<128xf32, #tpu.memory_space<hbm>>
        tpu.enqueue_dma source(%arg11 : memref<128xf32, #tpu.memory_space<vmem>>) target(%dma_start3A_174 : memref<128xf32, #tpu.memory_space<hbm>>) target_semaphore(%run_scoped3A : memref<!tpu.dma_semaphore, #tpu.memory_space<semaphore_mem>>)
        %dma_wait3A = arith.constant 0 : i32
        %dma_wait3A_175 = tpu.memref_slice %arg5[%add3A_25, %dma_wait3A] : memref<100x128xf32, #tpu.memory_space<hbm>> -> memref<1x128xf32, #tpu.memory_space<hbm>>
        %dma_wait3A_176 = tpu.memref_squeeze %dma_wait3A_175 : memref<1x128xf32, #tpu.memory_space<hbm>> -> memref<128xf32, #tpu.memory_space<hbm>>
        %dma_wait3A_177 = arith.constant 0 : i32
        %dma_wait3A_178 = tpu.memref_slice %arg5[%add3A_25, %dma_wait3A_177] : memref<100x128xf32, #tpu.memory_space<hbm>> -> memref<1x128xf32, #tpu.memory_space<hbm>>
        %dma_wait3A_179 = tpu.memref_squeeze %dma_wait3A_178 : memref<1x128xf32, #tpu.memory_space<hbm>> -> memref<128xf32, #tpu.memory_space<hbm>>
        tpu.wait_dma2 semaphore(%run_scoped3A : memref<!tpu.dma_semaphore, #tpu.memory_space<semaphore_mem>>) src(%arg11 : memref<128xf32, #tpu.memory_space<vmem>>) dst(%dma_wait3A_179 : memref<128xf32, #tpu.memory_space<hbm>>)
        tpu.yield
      }) : () -> ()
    } else {
    }
    return
  }
}

#map = affine_map<(d0, d1) -> (0, 0)>
module attributes {stable_mosaic.version = 14 : i64} {
  func.func @_sc_agg_body(%arg0: i32, %arg1: i32, %arg2: memref<2x320000xi32, #tpu.memory_space<hbm>>, %arg3: memref<10240x64xf32, #tpu.memory_space<hbm>>, %arg4: memref<10240x64xf32, #tpu.memory_space<hbm>>, %arg5: memref<10240x64xf32, #tpu.memory_space<hbm>>, %arg6: memref<10000xi32, #tpu.memory_space<vmem>>, %arg7: memref<10000xi32, #tpu.memory_space<vmem>>, %arg8: memref<78x128xi32, #tpu.memory_space<vmem>>, %arg9: memref<16xi32, #tpu.memory_space<vmem>>, %arg10: memref<6x128x64xf32, #tpu.memory_space<vmem>>, %arg11: memref<128x64xf32, #tpu.memory_space<vmem>>, %arg12: memref<10240x64xf32, #tpu.memory_space<vmem_shared>>, %arg13: memref<!tpu.dma_semaphore, #tpu.memory_space<semaphore_mem>>, %arg14: memref<!tpu.dma_semaphore, #tpu.memory_space<semaphore_mem>>, %arg15: memref<!tpu.dma_semaphore, #tpu.memory_space<semaphore_mem>>, %arg16: memref<!tpu.dma_semaphore, #tpu.memory_space<semaphore_mem>>, %arg17: memref<!tpu.dma_semaphore, #tpu.memory_space<semaphore_mem>>, %arg18: memref<!tpu.dma_semaphore, #tpu.memory_space<semaphore_mem>>, %arg19: memref<!tpu.dma_semaphore, #tpu.memory_space<semaphore_mem>>) attributes {dimension_semantics = [#tpu.dimension_semantics<core_parallel>, #tpu.dimension_semantics<subcore_parallel>], iteration_bounds = array<i64: 2, 16>, scalar_prefetch = 0 : i64, scratch_operands = 14 : i64, tpu.core_type = #tpu.core_type<sc_vector_subcore>, window_params = [{transform_indices = #map}, {transform_indices = #map}, {transform_indices = #map}, {transform_indices = #map}]} {
    %mul3A = arith.constant 16 : i32
    %mul3A_0 = arith.muli %arg0, %mul3A : i32
    %add3A = arith.addi %mul3A_0, %arg1 : i32
    %mul3A_1 = arith.constant 10000 : i32
    %mul3A_2 = arith.muli %add3A, %mul3A_1 : i32
    %dma_start3A = arith.constant 0 : i32
    %dma_start3A_3 = tpu.memref_slice %arg2[%dma_start3A, %mul3A_2] : memref<2x320000xi32, #tpu.memory_space<hbm>> -> memref<1x10000xi32, #tpu.memory_space<hbm>>
    %dma_start3A_4 = tpu.memref_squeeze %dma_start3A_3 : memref<1x10000xi32, #tpu.memory_space<hbm>> -> memref<10000xi32, #tpu.memory_space<hbm>>
    %dma_start3A_5 = tpu.memref_slice %arg2[%dma_start3A, %mul3A_2] : memref<2x320000xi32, #tpu.memory_space<hbm>> -> memref<1x10000xi32, #tpu.memory_space<hbm>>
    %dma_start3A_6 = tpu.memref_squeeze %dma_start3A_5 : memref<1x10000xi32, #tpu.memory_space<hbm>> -> memref<10000xi32, #tpu.memory_space<hbm>>
    tpu.enqueue_dma source(%dma_start3A_6 : memref<10000xi32, #tpu.memory_space<hbm>>) target(%arg6 : memref<10000xi32, #tpu.memory_space<vmem>>) target_semaphore(%arg13 : memref<!tpu.dma_semaphore, #tpu.memory_space<semaphore_mem>>)
    %dma_start3A_7 = arith.constant 1 : i32
    %dma_start3A_8 = tpu.memref_slice %arg2[%dma_start3A_7, %mul3A_2] : memref<2x320000xi32, #tpu.memory_space<hbm>> -> memref<1x10000xi32, #tpu.memory_space<hbm>>
    %dma_start3A_9 = tpu.memref_squeeze %dma_start3A_8 : memref<1x10000xi32, #tpu.memory_space<hbm>> -> memref<10000xi32, #tpu.memory_space<hbm>>
    %dma_start3A_10 = tpu.memref_slice %arg2[%dma_start3A_7, %mul3A_2] : memref<2x320000xi32, #tpu.memory_space<hbm>> -> memref<1x10000xi32, #tpu.memory_space<hbm>>
    %dma_start3A_11 = tpu.memref_squeeze %dma_start3A_10 : memref<1x10000xi32, #tpu.memory_space<hbm>> -> memref<10000xi32, #tpu.memory_space<hbm>>
    tpu.enqueue_dma source(%dma_start3A_11 : memref<10000xi32, #tpu.memory_space<hbm>>) target(%arg7 : memref<10000xi32, #tpu.memory_space<vmem>>) target_semaphore(%arg14 : memref<!tpu.dma_semaphore, #tpu.memory_space<semaphore_mem>>)
    %broadcast_in_dim3A = arith.constant 0.000000e+00 : f32
    %broadcast_in_dim3A_12 = vector.broadcast %broadcast_in_dim3A : f32 to vector<16xf32>
    %scan3A = arith.constant 0 : i32
    %scan3A_13 = arith.constant 128 : i32
    %scan3A_14 = arith.addi %scan3A, %scan3A_13 : i32
    %scan3A_15 = arith.constant 1 : i32
    scf.for %scan3A_110 = %scan3A to %scan3A_14 step %scan3A_15  : i32 {
      %mul3A_111 = arith.constant 1 : i32
      %mul3A_112 = arith.muli %scan3A_110, %mul3A_111 : i32
      %add3A_113 = arith.constant 0 : i32
      %add3A_114 = arith.addi %add3A_113, %mul3A_112 : i32
      %swap3A_115 = arith.index_cast %add3A_114 : i32 to index
      %swap3A_116 = arith.constant 0 : index
      %swap3A_117 = tpu.vector_load %arg11[%swap3A_115, %swap3A_116] {strides = array<i32>} : memref<128x64xf32, #tpu.memory_space<vmem>>, vector<16xf32>,
      tpu.vector_store %arg11[%swap3A_115, %swap3A_116], %broadcast_in_dim3A_12 {strides = array<i32>} : memref<128x64xf32, #tpu.memory_space<vmem>>, vector<16xf32>,
      %swap3A_118 = arith.index_cast %add3A_114 : i32 to index
      %swap3A_119 = arith.constant 16 : index
      %swap3A_120 = tpu.vector_load %arg11[%swap3A_118, %swap3A_119] {strides = array<i32>} : memref<128x64xf32, #tpu.memory_space<vmem>>, vector<16xf32>,
      tpu.vector_store %arg11[%swap3A_118, %swap3A_119], %broadcast_in_dim3A_12 {strides = array<i32>} : memref<128x64xf32, #tpu.memory_space<vmem>>, vector<16xf32>,
      %swap3A_121 = arith.index_cast %add3A_114 : i32 to index
      %swap3A_122 = arith.constant 32 : index
      %swap3A_123 = tpu.vector_load %arg11[%swap3A_121, %swap3A_122] {strides = array<i32>} : memref<128x64xf32, #tpu.memory_space<vmem>>, vector<16xf32>,
      tpu.vector_store %arg11[%swap3A_121, %swap3A_122], %broadcast_in_dim3A_12 {strides = array<i32>} : memref<128x64xf32, #tpu.memory_space<vmem>>, vector<16xf32>,
      %swap3A_124 = arith.index_cast %add3A_114 : i32 to index
      %swap3A_125 = arith.constant 48 : index
      %swap3A_126 = tpu.vector_load %arg11[%swap3A_124, %swap3A_125] {strides = array<i32>} : memref<128x64xf32, #tpu.memory_space<vmem>>, vector<16xf32>,
      tpu.vector_store %arg11[%swap3A_124, %swap3A_125], %broadcast_in_dim3A_12 {strides = array<i32>} : memref<128x64xf32, #tpu.memory_space<vmem>>, vector<16xf32>,
    }
    %scan3A_16 = arith.constant 128 : i32
    %scan3A_17 = arith.constant 0 : i32
    %scan3A_18 = arith.constant 5 : i32
    %scan3A_19 = arith.addi %scan3A_17, %scan3A_18 : i32
    %scan3A_20 = arith.constant 1 : i32
    scf.for %scan3A_110 = %scan3A_17 to %scan3A_19 step %scan3A_20  : i32 {
      %mul3A_111 = arith.constant 1 : i32
      %mul3A_112 = arith.muli %scan3A_110, %mul3A_111 : i32
      %add3A_113 = arith.constant 0 : i32
      %add3A_114 = arith.addi %add3A_113, %mul3A_112 : i32
      %mul3A_115 = arith.constant 640 : i32
      %mul3A_116 = arith.muli %arg1, %mul3A_115 : i32
      %mul3A_117 = arith.constant 128 : i32
      %mul3A_118 = arith.muli %add3A_114, %mul3A_117 : i32
      %add3A_119 = arith.addi %mul3A_116, %mul3A_118 : i32
      "tpu.region"() ({
        %run_scoped3A_120 = tpu.sem_alloc : memref<!tpu.dma_semaphore, #tpu.memory_space<semaphore_mem>>
        %dma_start3A_121 = arith.constant 0 : i32
        %dma_start3A_122 = tpu.memref_slice %arg12[%add3A_119, %dma_start3A_121] : memref<10240x64xf32, #tpu.memory_space<vmem_shared>> -> memref<128x64xf32, #tpu.memory_space<vmem_shared>>
        %dma_start3A_123 = arith.constant 0 : i32
        %dma_start3A_124 = tpu.memref_slice %arg12[%add3A_119, %dma_start3A_123] : memref<10240x64xf32, #tpu.memory_space<vmem_shared>> -> memref<128x64xf32, #tpu.memory_space<vmem_shared>>
        tpu.enqueue_dma source(%arg11 : memref<128x64xf32, #tpu.memory_space<vmem>>) target(%dma_start3A_124 : memref<128x64xf32, #tpu.memory_space<vmem_shared>>) target_semaphore(%run_scoped3A_120 : memref<!tpu.dma_semaphore, #tpu.memory_space<semaphore_mem>>)
        %dma_wait3A_125 = arith.constant 0 : i32
        %dma_wait3A_126 = tpu.memref_slice %arg12[%add3A_119, %dma_wait3A_125] : memref<10240x64xf32, #tpu.memory_space<vmem_shared>> -> memref<128x64xf32, #tpu.memory_space<vmem_shared>>
        %dma_wait3A_127 = arith.constant 0 : i32
        %dma_wait3A_128 = tpu.memref_slice %arg12[%add3A_119, %dma_wait3A_127] : memref<10240x64xf32, #tpu.memory_space<vmem_shared>> -> memref<128x64xf32, #tpu.memory_space<vmem_shared>>
        tpu.wait_dma2 semaphore(%run_scoped3A_120 : memref<!tpu.dma_semaphore, #tpu.memory_space<semaphore_mem>>) src(%arg11 : memref<128x64xf32, #tpu.memory_space<vmem>>) dst(%dma_wait3A_128 : memref<128x64xf32, #tpu.memory_space<vmem_shared>>)
        tpu.yield
      }) : () -> ()
    }
    %scan3A_21 = arith.constant 5 : i32
    %dma_wait3A = arith.constant 0 : i32
    %dma_wait3A_22 = tpu.memref_slice %arg2[%dma_wait3A, %mul3A_2] : memref<2x320000xi32, #tpu.memory_space<hbm>> -> memref<1x10000xi32, #tpu.memory_space<hbm>>
    %dma_wait3A_23 = tpu.memref_squeeze %dma_wait3A_22 : memref<1x10000xi32, #tpu.memory_space<hbm>> -> memref<10000xi32, #tpu.memory_space<hbm>>
    %dma_wait3A_24 = tpu.memref_slice %arg2[%dma_wait3A, %mul3A_2] : memref<2x320000xi32, #tpu.memory_space<hbm>> -> memref<1x10000xi32, #tpu.memory_space<hbm>>
    %dma_wait3A_25 = tpu.memref_squeeze %dma_wait3A_24 : memref<1x10000xi32, #tpu.memory_space<hbm>> -> memref<10000xi32, #tpu.memory_space<hbm>>
    tpu.wait_dma2 semaphore(%arg13 : memref<!tpu.dma_semaphore, #tpu.memory_space<semaphore_mem>>) src(%dma_wait3A_25 : memref<10000xi32, #tpu.memory_space<hbm>>) dst(%arg6 : memref<10000xi32, #tpu.memory_space<vmem>>)
    %dma_wait3A_26 = arith.constant 1 : i32
    %dma_wait3A_27 = tpu.memref_slice %arg2[%dma_wait3A_26, %mul3A_2] : memref<2x320000xi32, #tpu.memory_space<hbm>> -> memref<1x10000xi32, #tpu.memory_space<hbm>>
    %dma_wait3A_28 = tpu.memref_squeeze %dma_wait3A_27 : memref<1x10000xi32, #tpu.memory_space<hbm>> -> memref<10000xi32, #tpu.memory_space<hbm>>
    %dma_wait3A_29 = tpu.memref_slice %arg2[%dma_wait3A_26, %mul3A_2] : memref<2x320000xi32, #tpu.memory_space<hbm>> -> memref<1x10000xi32, #tpu.memory_space<hbm>>
    %dma_wait3A_30 = tpu.memref_squeeze %dma_wait3A_29 : memref<1x10000xi32, #tpu.memory_space<hbm>> -> memref<10000xi32, #tpu.memory_space<hbm>>
    tpu.wait_dma2 semaphore(%arg14 : memref<!tpu.dma_semaphore, #tpu.memory_space<semaphore_mem>>) src(%dma_wait3A_30 : memref<10000xi32, #tpu.memory_space<hbm>>) dst(%arg7 : memref<10000xi32, #tpu.memory_space<vmem>>)
    %scan3A_31 = arith.constant 0 : i32
    %scan3A_32 = arith.constant 624 : i32
    %scan3A_33 = arith.addi %scan3A_31, %scan3A_32 : i32
    %scan3A_34 = arith.constant 1 : i32
    scf.for %scan3A_110 = %scan3A_31 to %scan3A_33 step %scan3A_34  : i32 {
      %mul3A_111 = arith.constant 1 : i32
      %mul3A_112 = arith.muli %scan3A_110, %mul3A_111 : i32
      %add3A_113 = arith.constant 0 : i32
      %add3A_114 = arith.addi %add3A_113, %mul3A_112 : i32
      %mul3A_115 = arith.constant 16 : i32
      %mul3A_116 = arith.muli %add3A_114, %mul3A_115 : i32
      %get3A_117 = arith.index_cast %mul3A_116 : i32 to index
      %get3A_118 = tpu.vector_load %arg7[%get3A_117] {strides = array<i32>} : memref<10000xi32, #tpu.memory_space<vmem>>, vector<16xi32>,
      %jit3A = arith.constant 8 : i32
      %div3A = arith.divsi %add3A_114, %jit3A : i32
      %sign3A = arith.constant 0 : i32
      %sign3A_119 = arith.cmpi sgt, %add3A_114, %sign3A : i32
      %sign3A_120 = arith.extui %sign3A_119 : i1 to i32
      %sign3A_121 = arith.constant 0 : i32
      %sign3A_122 = arith.cmpi slt, %add3A_114, %sign3A_121 : i32
      %sign3A_123 = arith.extui %sign3A_122 : i1 to i32
      %sign3A_124 = arith.subi %sign3A_120, %sign3A_123 : i32
      %sign3A_125 = arith.constant 0 : i32
      %sign3A_126 = arith.cmpi sgt, %jit3A, %sign3A_125 : i32
      %sign3A_127 = arith.extui %sign3A_126 : i1 to i32
      %sign3A_128 = arith.constant 0 : i32
      %sign3A_129 = arith.cmpi slt, %jit3A, %sign3A_128 : i32
      %sign3A_130 = arith.extui %sign3A_129 : i1 to i32
      %sign3A_131 = arith.subi %sign3A_127, %sign3A_130 : i32
      %ne3A = arith.cmpi ne, %sign3A_124, %sign3A_131 : i32
      %rem3A = arith.remsi %add3A_114, %jit3A : i32
      %ne3A_132 = arith.constant 0 : i32
      %ne3A_133 = arith.cmpi ne, %rem3A, %ne3A_132 : i32
      %and3A = arith.andi %ne3A, %ne3A_133 : i1
      %sub3A = arith.constant 1 : i32
      %sub3A_134 = arith.subi %div3A, %sub3A : i32
      %select_n3A = arith.select %and3A, %sub3A_134, %div3A : i32
      %jit3A_135 = arith.constant 8 : i32
      %eq3A = arith.constant 0 : i32
      %eq3A_136 = arith.cmpi eq, %jit3A_135, %eq3A : i32
      %jit3A_137 = arith.constant 1 : i32
      %select_n3A_138 = arith.select %eq3A_136, %jit3A_137, %jit3A_135 : i32
      %rem3A_139 = arith.remsi %add3A_114, %select_n3A_138 : i32
      %ne3A_140 = arith.constant 0 : i32
      %ne3A_141 = arith.cmpi ne, %rem3A_139, %ne3A_140 : i32
      %lt3A = arith.constant 0 : i32
      %lt3A_142 = arith.cmpi slt, %rem3A_139, %lt3A : i32
      %lt3A_143 = arith.constant 0 : i32
      %lt3A_144 = arith.cmpi slt, %select_n3A_138, %lt3A_143 : i32
      %ne3A_145 = arith.xori %lt3A_142, %lt3A_144 : i1
      %and3A_146 = arith.andi %ne3A_145, %ne3A_141 : i1
      %add3A_147 = arith.addi %rem3A_139, %select_n3A_138 : i32
      %select_n3A_148 = arith.select %and3A_146, %add3A_147, %rem3A_139 : i32
      %mul3A_149 = arith.constant 16 : i32
      %mul3A_150 = arith.muli %select_n3A_148, %mul3A_149 : i32
      %swap3A_151 = arith.index_cast %select_n3A : i32 to index
      %swap3A_152 = arith.index_cast %mul3A_150 : i32 to index
      %swap3A_153 = tpu.vector_load %arg8[%swap3A_151, %swap3A_152] {strides = array<i32>} : memref<78x128xi32, #tpu.memory_space<vmem>>, vector<16xi32>,
      tpu.vector_store %arg8[%swap3A_151, %swap3A_152], %get3A_118 {strides = array<i32>} : memref<78x128xi32, #tpu.memory_space<vmem>>, vector<16xi32>,
    }
    %scan3A_35 = arith.constant 624 : i32
    %get3A = arith.constant 9984 : index
    %get3A_36 = tpu.vector_load %arg7[%get3A] {strides = array<i32>} : memref<10000xi32, #tpu.memory_space<vmem>>, vector<16xi32>,
    %swap3A = arith.constant 0 : index
    %swap3A_37 = tpu.vector_load %arg9[%swap3A] {strides = array<i32>} : memref<16xi32, #tpu.memory_space<vmem>>, vector<16xi32>,
    tpu.vector_store %arg9[%swap3A], %get3A_36 {strides = array<i32>} : memref<16xi32, #tpu.memory_space<vmem>>, vector<16xi32>,
    %barrier3A = arith.constant 0 : index
    tpu.barrier barrier_id(%barrier3A)
    %dma_start3A_38 = arith.constant 0 : i32
    %dma_start3A_39 = arith.constant 0 : i32
    %dma_start3A_40 = arith.constant 0 : i32
    %dma_start3A_41 = tpu.memref_slice %arg10[%dma_start3A_38, %dma_start3A_39, %dma_start3A_40] : memref<6x128x64xf32, #tpu.memory_space<vmem>> -> memref<1x128x64xf32, #tpu.memory_space<vmem>>
    %dma_start3A_42 = tpu.memref_squeeze %dma_start3A_41 : memref<1x128x64xf32, #tpu.memory_space<vmem>> -> memref<128x64xf32, #tpu.memory_space<vmem>>
    %dma_start3A_43 = arith.constant 0 : i32
    %dma_start3A_44 = tpu.memref_slice %arg6[%dma_start3A_43] : memref<10000xi32, #tpu.memory_space<vmem>> -> memref<128xi32, #tpu.memory_space<vmem>>
    %dma_start3A_45 = arith.constant 0 : i32
    %dma_start3A_46 = arith.constant 0 : i32
    %dma_start3A_47 = tpu.memref_slice %arg3[%dma_start3A_45, %dma_start3A_46] : memref<10240x64xf32, #tpu.memory_space<hbm>> -> memref<10240x64xf32, #tpu.memory_space<hbm>>
    tpu.enqueue_indirect_dma source(%dma_start3A_47 : memref<10240x64xf32, #tpu.memory_space<hbm>>) target(%dma_start3A_42 : memref<128x64xf32, #tpu.memory_space<vmem>>) offsets(%dma_start3A_44 : memref<128xi32, #tpu.memory_space<vmem>>) semaphore(%arg13 : memref<!tpu.dma_semaphore, #tpu.memory_space<semaphore_mem>>)
    %dma_start3A_48 = arith.constant 1 : i32
    %dma_start3A_49 = arith.constant 0 : i32
    %dma_start3A_50 = arith.constant 0 : i32
    %dma_start3A_51 = tpu.memref_slice %arg10[%dma_start3A_48, %dma_start3A_49, %dma_start3A_50] : memref<6x128x64xf32, #tpu.memory_space<vmem>> -> memref<1x128x64xf32, #tpu.memory_space<vmem>>
    %dma_start3A_52 = tpu.memref_squeeze %dma_start3A_51 : memref<1x128x64xf32, #tpu.memory_space<vmem>> -> memref<128x64xf32, #tpu.memory_space<vmem>>
    %dma_start3A_53 = arith.constant 128 : i32
    %dma_start3A_54 = tpu.memref_slice %arg6[%dma_start3A_53] : memref<10000xi32, #tpu.memory_space<vmem>> -> memref<128xi32, #tpu.memory_space<vmem>>
    %dma_start3A_55 = arith.constant 0 : i32
    %dma_start3A_56 = arith.constant 0 : i32
    %dma_start3A_57 = tpu.memref_slice %arg3[%dma_start3A_55, %dma_start3A_56] : memref<10240x64xf32, #tpu.memory_space<hbm>> -> memref<10240x64xf32, #tpu.memory_space<hbm>>
    tpu.enqueue_indirect_dma source(%dma_start3A_57 : memref<10240x64xf32, #tpu.memory_space<hbm>>) target(%dma_start3A_52 : memref<128x64xf32, #tpu.memory_space<vmem>>) offsets(%dma_start3A_54 : memref<128xi32, #tpu.memory_space<vmem>>) semaphore(%arg14 : memref<!tpu.dma_semaphore, #tpu.memory_space<semaphore_mem>>)
    %dma_start3A_58 = arith.constant 2 : i32
    %dma_start3A_59 = arith.constant 0 : i32
    %dma_start3A_60 = arith.constant 0 : i32
    %dma_start3A_61 = tpu.memref_slice %arg10[%dma_start3A_58, %dma_start3A_59, %dma_start3A_60] : memref<6x128x64xf32, #tpu.memory_space<vmem>> -> memref<1x128x64xf32, #tpu.memory_space<vmem>>
    %dma_start3A_62 = tpu.memref_squeeze %dma_start3A_61 : memref<1x128x64xf32, #tpu.memory_space<vmem>> -> memref<128x64xf32, #tpu.memory_space<vmem>>
    %dma_start3A_63 = arith.constant 256 : i32
    %dma_start3A_64 = tpu.memref_slice %arg6[%dma_start3A_63] : memref<10000xi32, #tpu.memory_space<vmem>> -> memref<128xi32, #tpu.memory_space<vmem>>
    %dma_start3A_65 = arith.constant 0 : i32
    %dma_start3A_66 = arith.constant 0 : i32
    %dma_start3A_67 = tpu.memref_slice %arg3[%dma_start3A_65, %dma_start3A_66] : memref<10240x64xf32, #tpu.memory_space<hbm>> -> memref<10240x64xf32, #tpu.memory_space<hbm>>
    tpu.enqueue_indirect_dma source(%dma_start3A_67 : memref<10240x64xf32, #tpu.memory_space<hbm>>) target(%dma_start3A_62 : memref<128x64xf32, #tpu.memory_space<vmem>>) offsets(%dma_start3A_64 : memref<128xi32, #tpu.memory_space<vmem>>) semaphore(%arg15 : memref<!tpu.dma_semaphore, #tpu.memory_space<semaphore_mem>>)
    %dma_start3A_68 = arith.constant 3 : i32
    %dma_start3A_69 = arith.constant 0 : i32
    %dma_start3A_70 = arith.constant 0 : i32
    %dma_start3A_71 = tpu.memref_slice %arg10[%dma_start3A_68, %dma_start3A_69, %dma_start3A_70] : memref<6x128x64xf32, #tpu.memory_space<vmem>> -> memref<1x128x64xf32, #tpu.memory_space<vmem>>
    %dma_start3A_72 = tpu.memref_squeeze %dma_start3A_71 : memref<1x128x64xf32, #tpu.memory_space<vmem>> -> memref<128x64xf32, #tpu.memory_space<vmem>>
    %dma_start3A_73 = arith.constant 384 : i32
    %dma_start3A_74 = tpu.memref_slice %arg6[%dma_start3A_73] : memref<10000xi32, #tpu.memory_space<vmem>> -> memref<128xi32, #tpu.memory_space<vmem>>
    %dma_start3A_75 = arith.constant 0 : i32
    %dma_start3A_76 = arith.constant 0 : i32
    %dma_start3A_77 = tpu.memref_slice %arg3[%dma_start3A_75, %dma_start3A_76] : memref<10240x64xf32, #tpu.memory_space<hbm>> -> memref<10240x64xf32, #tpu.memory_space<hbm>>
    tpu.enqueue_indirect_dma source(%dma_start3A_77 : memref<10240x64xf32, #tpu.memory_space<hbm>>) target(%dma_start3A_72 : memref<128x64xf32, #tpu.memory_space<vmem>>) offsets(%dma_start3A_74 : memref<128xi32, #tpu.memory_space<vmem>>) semaphore(%arg16 : memref<!tpu.dma_semaphore, #tpu.memory_space<semaphore_mem>>)
    %dma_start3A_78 = arith.constant 4 : i32
    %dma_start3A_79 = arith.constant 0 : i32
    %dma_start3A_80 = arith.constant 0 : i32
    %dma_start3A_81 = tpu.memref_slice %arg10[%dma_start3A_78, %dma_start3A_79, %dma_start3A_80] : memref<6x128x64xf32, #tpu.memory_space<vmem>> -> memref<1x128x64xf32, #tpu.memory_space<vmem>>
    %dma_start3A_82 = tpu.memref_squeeze %dma_start3A_81 : memref<1x128x64xf32, #tpu.memory_space<vmem>> -> memref<128x64xf32, #tpu.memory_space<vmem>>
    %dma_start3A_83 = arith.constant 512 : i32
    %dma_start3A_84 = tpu.memref_slice %arg6[%dma_start3A_83] : memref<10000xi32, #tpu.memory_space<vmem>> -> memref<128xi32, #tpu.memory_space<vmem>>
    %dma_start3A_85 = arith.constant 0 : i32
    %dma_start3A_86 = arith.constant 0 : i32
    %dma_start3A_87 = tpu.memref_slice %arg3[%dma_start3A_85, %dma_start3A_86] : memref<10240x64xf32, #tpu.memory_space<hbm>> -> memref<10240x64xf32, #tpu.memory_space<hbm>>
    tpu.enqueue_indirect_dma source(%dma_start3A_87 : memref<10240x64xf32, #tpu.memory_space<hbm>>) target(%dma_start3A_82 : memref<128x64xf32, #tpu.memory_space<vmem>>) offsets(%dma_start3A_84 : memref<128xi32, #tpu.memory_space<vmem>>) semaphore(%arg17 : memref<!tpu.dma_semaphore, #tpu.memory_space<semaphore_mem>>)
    %dma_start3A_88 = arith.constant 5 : i32
    %dma_start3A_89 = arith.constant 0 : i32
    %dma_start3A_90 = arith.constant 0 : i32
    %dma_start3A_91 = tpu.memref_slice %arg10[%dma_start3A_88, %dma_start3A_89, %dma_start3A_90] : memref<6x128x64xf32, #tpu.memory_space<vmem>> -> memref<1x128x64xf32, #tpu.memory_space<vmem>>
    %dma_start3A_92 = tpu.memref_squeeze %dma_start3A_91 : memref<1x128x64xf32, #tpu.memory_space<vmem>> -> memref<128x64xf32, #tpu.memory_space<vmem>>
    %dma_start3A_93 = arith.constant 640 : i32
    %dma_start3A_94 = tpu.memref_slice %arg6[%dma_start3A_93] : memref<10000xi32, #tpu.memory_space<vmem>> -> memref<128xi32, #tpu.memory_space<vmem>>
    %dma_start3A_95 = arith.constant 0 : i32
    %dma_start3A_96 = arith.constant 0 : i32
    %dma_start3A_97 = tpu.memref_slice %arg3[%dma_start3A_95, %dma_start3A_96] : memref<10240x64xf32, #tpu.memory_space<hbm>> -> memref<10240x64xf32, #tpu.memory_space<hbm>>
    tpu.enqueue_indirect_dma source(%dma_start3A_97 : memref<10240x64xf32, #tpu.memory_space<hbm>>) target(%dma_start3A_92 : memref<128x64xf32, #tpu.memory_space<vmem>>) offsets(%dma_start3A_94 : memref<128xi32, #tpu.memory_space<vmem>>) semaphore(%arg18 : memref<!tpu.dma_semaphore, #tpu.memory_space<semaphore_mem>>)
    %scan3A_98 = arith.constant 0 : i32
    %scan3A_99 = arith.constant 13 : i32
    %scan3A_100 = arith.addi %scan3A_98, %scan3A_99 : i32
    %scan3A_101 = arith.constant 1 : i32
    scf.for %scan3A_110 = %scan3A_98 to %scan3A_100 step %scan3A_101  : i32 {
      %mul3A_111 = arith.constant 1 : i32
      %mul3A_112 = arith.muli %scan3A_110, %mul3A_111 : i32
      %add3A_113 = arith.constant 0 : i32
      %add3A_114 = arith.addi %add3A_113, %mul3A_112 : i32
      %mul3A_115 = arith.constant 6 : i32
      %mul3A_116 = arith.muli %add3A_114, %mul3A_115 : i32
      %add3A_117 = arith.constant 0 : i32
      %add3A_118 = arith.addi %mul3A_116, %add3A_117 : i32
      %mul3A_119 = arith.constant 128 : i32
      %mul3A_120 = arith.muli %add3A_118, %mul3A_119 : i32
      %dma_wait3A_121 = arith.constant 0 : i32
      %dma_wait3A_122 = arith.constant 0 : i32
      %dma_wait3A_123 = arith.constant 0 : i32
      %dma_wait3A_124 = tpu.memref_slice %arg10[%dma_wait3A_121, %dma_wait3A_122, %dma_wait3A_123] : memref<6x128x64xf32, #tpu.memory_space<vmem>> -> memref<1x128x64xf32, #tpu.memory_space<vmem>>
      %dma_wait3A_125 = tpu.memref_squeeze %dma_wait3A_124 : memref<1x128x64xf32, #tpu.memory_space<vmem>> -> memref<128x64xf32, #tpu.memory_space<vmem>>
      %dma_wait3A_126 = tpu.memref_slice %arg6[%mul3A_120] : memref<10000xi32, #tpu.memory_space<vmem>> -> memref<128xi32, #tpu.memory_space<vmem>>
      %dma_wait3A_127 = arith.constant 0 : i32
      %dma_wait3A_128 = arith.constant 0 : i32
      %dma_wait3A_129 = tpu.memref_slice %arg3[%dma_wait3A_127, %dma_wait3A_128] : memref<10240x64xf32, #tpu.memory_space<hbm>> -> memref<10240x64xf32, #tpu.memory_space<hbm>>
      tpu.wait_indirect_dma semaphore(%arg13 : memref<!tpu.dma_semaphore, #tpu.memory_space<semaphore_mem>>) src(%dma_wait3A_129 : memref<10240x64xf32, #tpu.memory_space<hbm>>) dst(%dma_wait3A_125 : memref<128x64xf32, #tpu.memory_space<vmem>>)
      %add3A_130 = arith.constant 0 : i32
      %add3A_131 = arith.addi %mul3A_116, %add3A_130 : i32
      %dma_start3A_132 = arith.constant 0 : i32
      %dma_start3A_133 = arith.constant 0 : i32
      %dma_start3A_134 = arith.constant 0 : i32
      %dma_start3A_135 = tpu.memref_slice %arg10[%dma_start3A_132, %dma_start3A_133, %dma_start3A_134] : memref<6x128x64xf32, #tpu.memory_space<vmem>> -> memref<1x128x64xf32, #tpu.memory_space<vmem>>
      %dma_start3A_136 = tpu.memref_squeeze %dma_start3A_135 : memref<1x128x64xf32, #tpu.memory_space<vmem>> -> memref<128x64xf32, #tpu.memory_space<vmem>>
      %dma_start3A_137 = arith.constant 0 : i32
      %dma_start3A_138 = tpu.memref_slice %arg8[%add3A_131, %dma_start3A_137] : memref<78x128xi32, #tpu.memory_space<vmem>> -> memref<1x128xi32, #tpu.memory_space<vmem>>
      %dma_start3A_139 = tpu.memref_squeeze %dma_start3A_138 : memref<1x128xi32, #tpu.memory_space<vmem>> -> memref<128xi32, #tpu.memory_space<vmem>>
      %dma_start3A_140 = arith.constant 0 : i32
      %dma_start3A_141 = arith.constant 0 : i32
      %dma_start3A_142 = tpu.memref_slice %arg12[%dma_start3A_140, %dma_start3A_141] : memref<10240x64xf32, #tpu.memory_space<vmem_shared>> -> memref<10240x64xf32, #tpu.memory_space<vmem_shared>>
      tpu.enqueue_indirect_dma source(%dma_start3A_136 : memref<128x64xf32, #tpu.memory_space<vmem>>) target(%dma_start3A_142 : memref<10240x64xf32, #tpu.memory_space<vmem_shared>>) offsets(%dma_start3A_139 : memref<128xi32, #tpu.memory_space<vmem>>) semaphore(%arg19 : memref<!tpu.dma_semaphore, #tpu.memory_space<semaphore_mem>>) {add = true}
      %add3A_143 = arith.constant 1 : i32
      %add3A_144 = arith.addi %mul3A_116, %add3A_143 : i32
      %mul3A_145 = arith.constant 128 : i32
      %mul3A_146 = arith.muli %add3A_144, %mul3A_145 : i32
      %dma_wait3A_147 = arith.constant 1 : i32
      %dma_wait3A_148 = arith.constant 0 : i32
      %dma_wait3A_149 = arith.constant 0 : i32
      %dma_wait3A_150 = tpu.memref_slice %arg10[%dma_wait3A_147, %dma_wait3A_148, %dma_wait3A_149] : memref<6x128x64xf32, #tpu.memory_space<vmem>> -> memref<1x128x64xf32, #tpu.memory_space<vmem>>
      %dma_wait3A_151 = tpu.memref_squeeze %dma_wait3A_150 : memref<1x128x64xf32, #tpu.memory_space<vmem>> -> memref<128x64xf32, #tpu.memory_space<vmem>>
      %dma_wait3A_152 = tpu.memref_slice %arg6[%mul3A_146] : memref<10000xi32, #tpu.memory_space<vmem>> -> memref<128xi32, #tpu.memory_space<vmem>>
      %dma_wait3A_153 = arith.constant 0 : i32
      %dma_wait3A_154 = arith.constant 0 : i32
      %dma_wait3A_155 = tpu.memref_slice %arg3[%dma_wait3A_153, %dma_wait3A_154] : memref<10240x64xf32, #tpu.memory_space<hbm>> -> memref<10240x64xf32, #tpu.memory_space<hbm>>
      tpu.wait_indirect_dma semaphore(%arg14 : memref<!tpu.dma_semaphore, #tpu.memory_space<semaphore_mem>>) src(%dma_wait3A_155 : memref<10240x64xf32, #tpu.memory_space<hbm>>) dst(%dma_wait3A_151 : memref<128x64xf32, #tpu.memory_space<vmem>>)
      %add3A_156 = arith.constant 1 : i32
      %add3A_157 = arith.addi %mul3A_116, %add3A_156 : i32
      %dma_start3A_158 = arith.constant 1 : i32
      %dma_start3A_159 = arith.constant 0 : i32
      %dma_start3A_160 = arith.constant 0 : i32
      %dma_start3A_161 = tpu.memref_slice %arg10[%dma_start3A_158, %dma_start3A_159, %dma_start3A_160] : memref<6x128x64xf32, #tpu.memory_space<vmem>> -> memref<1x128x64xf32, #tpu.memory_space<vmem>>
      %dma_start3A_162 = tpu.memref_squeeze %dma_start3A_161 : memref<1x128x64xf32, #tpu.memory_space<vmem>> -> memref<128x64xf32, #tpu.memory_space<vmem>>
      %dma_start3A_163 = arith.constant 0 : i32
      %dma_start3A_164 = tpu.memref_slice %arg8[%add3A_157, %dma_start3A_163] : memref<78x128xi32, #tpu.memory_space<vmem>> -> memref<1x128xi32, #tpu.memory_space<vmem>>
      %dma_start3A_165 = tpu.memref_squeeze %dma_start3A_164 : memref<1x128xi32, #tpu.memory_space<vmem>> -> memref<128xi32, #tpu.memory_space<vmem>>
      %dma_start3A_166 = arith.constant 0 : i32
      %dma_start3A_167 = arith.constant 0 : i32
      %dma_start3A_168 = tpu.memref_slice %arg12[%dma_start3A_166, %dma_start3A_167] : memref<10240x64xf32, #tpu.memory_space<vmem_shared>> -> memref<10240x64xf32, #tpu.memory_space<vmem_shared>>
      tpu.enqueue_indirect_dma source(%dma_start3A_162 : memref<128x64xf32, #tpu.memory_space<vmem>>) target(%dma_start3A_168 : memref<10240x64xf32, #tpu.memory_space<vmem_shared>>) offsets(%dma_start3A_165 : memref<128xi32, #tpu.memory_space<vmem>>) semaphore(%arg19 : memref<!tpu.dma_semaphore, #tpu.memory_space<semaphore_mem>>) {add = true}
      %add3A_169 = arith.constant 2 : i32
      %add3A_170 = arith.addi %mul3A_116, %add3A_169 : i32
      %mul3A_171 = arith.constant 128 : i32
      %mul3A_172 = arith.muli %add3A_170, %mul3A_171 : i32
      %dma_wait3A_173 = arith.constant 2 : i32
      %dma_wait3A_174 = arith.constant 0 : i32
      %dma_wait3A_175 = arith.constant 0 : i32
      %dma_wait3A_176 = tpu.memref_slice %arg10[%dma_wait3A_173, %dma_wait3A_174, %dma_wait3A_175] : memref<6x128x64xf32, #tpu.memory_space<vmem>> -> memref<1x128x64xf32, #tpu.memory_space<vmem>>
      %dma_wait3A_177 = tpu.memref_squeeze %dma_wait3A_176 : memref<1x128x64xf32, #tpu.memory_space<vmem>> -> memref<128x64xf32, #tpu.memory_space<vmem>>
      %dma_wait3A_178 = tpu.memref_slice %arg6[%mul3A_172] : memref<10000xi32, #tpu.memory_space<vmem>> -> memref<128xi32, #tpu.memory_space<vmem>>
      %dma_wait3A_179 = arith.constant 0 : i32
      %dma_wait3A_180 = arith.constant 0 : i32
      %dma_wait3A_181 = tpu.memref_slice %arg3[%dma_wait3A_179, %dma_wait3A_180] : memref<10240x64xf32, #tpu.memory_space<hbm>> -> memref<10240x64xf32, #tpu.memory_space<hbm>>
      tpu.wait_indirect_dma semaphore(%arg15 : memref<!tpu.dma_semaphore, #tpu.memory_space<semaphore_mem>>) src(%dma_wait3A_181 : memref<10240x64xf32, #tpu.memory_space<hbm>>) dst(%dma_wait3A_177 : memref<128x64xf32, #tpu.memory_space<vmem>>)
      %add3A_182 = arith.constant 2 : i32
      %add3A_183 = arith.addi %mul3A_116, %add3A_182 : i32
      %dma_start3A_184 = arith.constant 2 : i32
      %dma_start3A_185 = arith.constant 0 : i32
      %dma_start3A_186 = arith.constant 0 : i32
      %dma_start3A_187 = tpu.memref_slice %arg10[%dma_start3A_184, %dma_start3A_185, %dma_start3A_186] : memref<6x128x64xf32, #tpu.memory_space<vmem>> -> memref<1x128x64xf32, #tpu.memory_space<vmem>>
      %dma_start3A_188 = tpu.memref_squeeze %dma_start3A_187 : memref<1x128x64xf32, #tpu.memory_space<vmem>> -> memref<128x64xf32, #tpu.memory_space<vmem>>
      %dma_start3A_189 = arith.constant 0 : i32
      %dma_start3A_190 = tpu.memref_slice %arg8[%add3A_183, %dma_start3A_189] : memref<78x128xi32, #tpu.memory_space<vmem>> -> memref<1x128xi32, #tpu.memory_space<vmem>>
      %dma_start3A_191 = tpu.memref_squeeze %dma_start3A_190 : memref<1x128xi32, #tpu.memory_space<vmem>> -> memref<128xi32, #tpu.memory_space<vmem>>
      %dma_start3A_192 = arith.constant 0 : i32
      %dma_start3A_193 = arith.constant 0 : i32
      %dma_start3A_194 = tpu.memref_slice %arg12[%dma_start3A_192, %dma_start3A_193] : memref<10240x64xf32, #tpu.memory_space<vmem_shared>> -> memref<10240x64xf32, #tpu.memory_space<vmem_shared>>
      tpu.enqueue_indirect_dma source(%dma_start3A_188 : memref<128x64xf32, #tpu.memory_space<vmem>>) target(%dma_start3A_194 : memref<10240x64xf32, #tpu.memory_space<vmem_shared>>) offsets(%dma_start3A_191 : memref<128xi32, #tpu.memory_space<vmem>>) semaphore(%arg19 : memref<!tpu.dma_semaphore, #tpu.memory_space<semaphore_mem>>) {add = true}
      %add3A_195 = arith.constant 3 : i32
      %add3A_196 = arith.addi %mul3A_116, %add3A_195 : i32
      %mul3A_197 = arith.constant 128 : i32
      %mul3A_198 = arith.muli %add3A_196, %mul3A_197 : i32
      %dma_wait3A_199 = arith.constant 3 : i32
      %dma_wait3A_200 = arith.constant 0 : i32
      %dma_wait3A_201 = arith.constant 0 : i32
      %dma_wait3A_202 = tpu.memref_slice %arg10[%dma_wait3A_199, %dma_wait3A_200, %dma_wait3A_201] : memref<6x128x64xf32, #tpu.memory_space<vmem>> -> memref<1x128x64xf32, #tpu.memory_space<vmem>>
      %dma_wait3A_203 = tpu.memref_squeeze %dma_wait3A_202 : memref<1x128x64xf32, #tpu.memory_space<vmem>> -> memref<128x64xf32, #tpu.memory_space<vmem>>
      %dma_wait3A_204 = tpu.memref_slice %arg6[%mul3A_198] : memref<10000xi32, #tpu.memory_space<vmem>> -> memref<128xi32, #tpu.memory_space<vmem>>
      %dma_wait3A_205 = arith.constant 0 : i32
      %dma_wait3A_206 = arith.constant 0 : i32
      %dma_wait3A_207 = tpu.memref_slice %arg3[%dma_wait3A_205, %dma_wait3A_206] : memref<10240x64xf32, #tpu.memory_space<hbm>> -> memref<10240x64xf32, #tpu.memory_space<hbm>>
      tpu.wait_indirect_dma semaphore(%arg16 : memref<!tpu.dma_semaphore, #tpu.memory_space<semaphore_mem>>) src(%dma_wait3A_207 : memref<10240x64xf32, #tpu.memory_space<hbm>>) dst(%dma_wait3A_203 : memref<128x64xf32, #tpu.memory_space<vmem>>)
      %add3A_208 = arith.constant 3 : i32
      %add3A_209 = arith.addi %mul3A_116, %add3A_208 : i32
      %dma_start3A_210 = arith.constant 3 : i32
      %dma_start3A_211 = arith.constant 0 : i32
      %dma_start3A_212 = arith.constant 0 : i32
      %dma_start3A_213 = tpu.memref_slice %arg10[%dma_start3A_210, %dma_start3A_211, %dma_start3A_212] : memref<6x128x64xf32, #tpu.memory_space<vmem>> -> memref<1x128x64xf32, #tpu.memory_space<vmem>>
      %dma_start3A_214 = tpu.memref_squeeze %dma_start3A_213 : memref<1x128x64xf32, #tpu.memory_space<vmem>> -> memref<128x64xf32, #tpu.memory_space<vmem>>
      %dma_start3A_215 = arith.constant 0 : i32
      %dma_start3A_216 = tpu.memref_slice %arg8[%add3A_209, %dma_start3A_215] : memref<78x128xi32, #tpu.memory_space<vmem>> -> memref<1x128xi32, #tpu.memory_space<vmem>>
      %dma_start3A_217 = tpu.memref_squeeze %dma_start3A_216 : memref<1x128xi32, #tpu.memory_space<vmem>> -> memref<128xi32, #tpu.memory_space<vmem>>
      %dma_start3A_218 = arith.constant 0 : i32
      %dma_start3A_219 = arith.constant 0 : i32
      %dma_start3A_220 = tpu.memref_slice %arg12[%dma_start3A_218, %dma_start3A_219] : memref<10240x64xf32, #tpu.memory_space<vmem_shared>> -> memref<10240x64xf32, #tpu.memory_space<vmem_shared>>
      tpu.enqueue_indirect_dma source(%dma_start3A_214 : memref<128x64xf32, #tpu.memory_space<vmem>>) target(%dma_start3A_220 : memref<10240x64xf32, #tpu.memory_space<vmem_shared>>) offsets(%dma_start3A_217 : memref<128xi32, #tpu.memory_space<vmem>>) semaphore(%arg19 : memref<!tpu.dma_semaphore, #tpu.memory_space<semaphore_mem>>) {add = true}
      %add3A_221 = arith.constant 4 : i32
      %add3A_222 = arith.addi %mul3A_116, %add3A_221 : i32
      %mul3A_223 = arith.constant 128 : i32
      %mul3A_224 = arith.muli %add3A_222, %mul3A_223 : i32
      %dma_wait3A_225 = arith.constant 4 : i32
      %dma_wait3A_226 = arith.constant 0 : i32
      %dma_wait3A_227 = arith.constant 0 : i32
      %dma_wait3A_228 = tpu.memref_slice %arg10[%dma_wait3A_225, %dma_wait3A_226, %dma_wait3A_227] : memref<6x128x64xf32, #tpu.memory_space<vmem>> -> memref<1x128x64xf32, #tpu.memory_space<vmem>>
      %dma_wait3A_229 = tpu.memref_squeeze %dma_wait3A_228 : memref<1x128x64xf32, #tpu.memory_space<vmem>> -> memref<128x64xf32, #tpu.memory_space<vmem>>
      %dma_wait3A_230 = tpu.memref_slice %arg6[%mul3A_224] : memref<10000xi32, #tpu.memory_space<vmem>> -> memref<128xi32, #tpu.memory_space<vmem>>
      %dma_wait3A_231 = arith.constant 0 : i32
      %dma_wait3A_232 = arith.constant 0 : i32
      %dma_wait3A_233 = tpu.memref_slice %arg3[%dma_wait3A_231, %dma_wait3A_232] : memref<10240x64xf32, #tpu.memory_space<hbm>> -> memref<10240x64xf32, #tpu.memory_space<hbm>>
      tpu.wait_indirect_dma semaphore(%arg17 : memref<!tpu.dma_semaphore, #tpu.memory_space<semaphore_mem>>) src(%dma_wait3A_233 : memref<10240x64xf32, #tpu.memory_space<hbm>>) dst(%dma_wait3A_229 : memref<128x64xf32, #tpu.memory_space<vmem>>)
      %add3A_234 = arith.constant 4 : i32
      %add3A_235 = arith.addi %mul3A_116, %add3A_234 : i32
      %dma_start3A_236 = arith.constant 4 : i32
      %dma_start3A_237 = arith.constant 0 : i32
      %dma_start3A_238 = arith.constant 0 : i32
      %dma_start3A_239 = tpu.memref_slice %arg10[%dma_start3A_236, %dma_start3A_237, %dma_start3A_238] : memref<6x128x64xf32, #tpu.memory_space<vmem>> -> memref<1x128x64xf32, #tpu.memory_space<vmem>>
      %dma_start3A_240 = tpu.memref_squeeze %dma_start3A_239 : memref<1x128x64xf32, #tpu.memory_space<vmem>> -> memref<128x64xf32, #tpu.memory_space<vmem>>
      %dma_start3A_241 = arith.constant 0 : i32
      %dma_start3A_242 = tpu.memref_slice %arg8[%add3A_235, %dma_start3A_241] : memref<78x128xi32, #tpu.memory_space<vmem>> -> memref<1x128xi32, #tpu.memory_space<vmem>>
      %dma_start3A_243 = tpu.memref_squeeze %dma_start3A_242 : memref<1x128xi32, #tpu.memory_space<vmem>> -> memref<128xi32, #tpu.memory_space<vmem>>
      %dma_start3A_244 = arith.constant 0 : i32
      %dma_start3A_245 = arith.constant 0 : i32
      %dma_start3A_246 = tpu.memref_slice %arg12[%dma_start3A_244, %dma_start3A_245] : memref<10240x64xf32, #tpu.memory_space<vmem_shared>> -> memref<10240x64xf32, #tpu.memory_space<vmem_shared>>
      tpu.enqueue_indirect_dma source(%dma_start3A_240 : memref<128x64xf32, #tpu.memory_space<vmem>>) target(%dma_start3A_246 : memref<10240x64xf32, #tpu.memory_space<vmem_shared>>) offsets(%dma_start3A_243 : memref<128xi32, #tpu.memory_space<vmem>>) semaphore(%arg19 : memref<!tpu.dma_semaphore, #tpu.memory_space<semaphore_mem>>) {add = true}
      %add3A_247 = arith.constant 5 : i32
      %add3A_248 = arith.addi %mul3A_116, %add3A_247 : i32
      %mul3A_249 = arith.constant 128 : i32
      %mul3A_250 = arith.muli %add3A_248, %mul3A_249 : i32
      %dma_wait3A_251 = arith.constant 5 : i32
      %dma_wait3A_252 = arith.constant 0 : i32
      %dma_wait3A_253 = arith.constant 0 : i32
      %dma_wait3A_254 = tpu.memref_slice %arg10[%dma_wait3A_251, %dma_wait3A_252, %dma_wait3A_253] : memref<6x128x64xf32, #tpu.memory_space<vmem>> -> memref<1x128x64xf32, #tpu.memory_space<vmem>>
      %dma_wait3A_255 = tpu.memref_squeeze %dma_wait3A_254 : memref<1x128x64xf32, #tpu.memory_space<vmem>> -> memref<128x64xf32, #tpu.memory_space<vmem>>
      %dma_wait3A_256 = tpu.memref_slice %arg6[%mul3A_250] : memref<10000xi32, #tpu.memory_space<vmem>> -> memref<128xi32, #tpu.memory_space<vmem>>
      %dma_wait3A_257 = arith.constant 0 : i32
      %dma_wait3A_258 = arith.constant 0 : i32
      %dma_wait3A_259 = tpu.memref_slice %arg3[%dma_wait3A_257, %dma_wait3A_258] : memref<10240x64xf32, #tpu.memory_space<hbm>> -> memref<10240x64xf32, #tpu.memory_space<hbm>>
      tpu.wait_indirect_dma semaphore(%arg18 : memref<!tpu.dma_semaphore, #tpu.memory_space<semaphore_mem>>) src(%dma_wait3A_259 : memref<10240x64xf32, #tpu.memory_space<hbm>>) dst(%dma_wait3A_255 : memref<128x64xf32, #tpu.memory_space<vmem>>)
      %add3A_260 = arith.constant 5 : i32
      %add3A_261 = arith.addi %mul3A_116, %add3A_260 : i32
      %dma_start3A_262 = arith.constant 5 : i32
      %dma_start3A_263 = arith.constant 0 : i32
      %dma_start3A_264 = arith.constant 0 : i32
      %dma_start3A_265 = tpu.memref_slice %arg10[%dma_start3A_262, %dma_start3A_263, %dma_start3A_264] : memref<6x128x64xf32, #tpu.memory_space<vmem>> -> memref<1x128x64xf32, #tpu.memory_space<vmem>>
      %dma_start3A_266 = tpu.memref_squeeze %dma_start3A_265 : memref<1x128x64xf32, #tpu.memory_space<vmem>> -> memref<128x64xf32, #tpu.memory_space<vmem>>
      %dma_start3A_267 = arith.constant 0 : i32
      %dma_start3A_268 = tpu.memref_slice %arg8[%add3A_261, %dma_start3A_267] : memref<78x128xi32, #tpu.memory_space<vmem>> -> memref<1x128xi32, #tpu.memory_space<vmem>>
      %dma_start3A_269 = tpu.memref_squeeze %dma_start3A_268 : memref<1x128xi32, #tpu.memory_space<vmem>> -> memref<128xi32, #tpu.memory_space<vmem>>
      %dma_start3A_270 = arith.constant 0 : i32
      %dma_start3A_271 = arith.constant 0 : i32
      %dma_start3A_272 = tpu.memref_slice %arg12[%dma_start3A_270, %dma_start3A_271] : memref<10240x64xf32, #tpu.memory_space<vmem_shared>> -> memref<10240x64xf32, #tpu.memory_space<vmem_shared>>
      tpu.enqueue_indirect_dma source(%dma_start3A_266 : memref<128x64xf32, #tpu.memory_space<vmem>>) target(%dma_start3A_272 : memref<10240x64xf32, #tpu.memory_space<vmem_shared>>) offsets(%dma_start3A_269 : memref<128xi32, #tpu.memory_space<vmem>>) semaphore(%arg19 : memref<!tpu.dma_semaphore, #tpu.memory_space<semaphore_mem>>) {add = true}
      %add3A_273 = arith.constant 0 : i32
      %add3A_274 = arith.addi %mul3A_116, %add3A_273 : i32
      %dma_wait3A_275 = arith.constant 0 : i32
      %dma_wait3A_276 = arith.constant 0 : i32
      %dma_wait3A_277 = arith.constant 0 : i32
      %dma_wait3A_278 = tpu.memref_slice %arg10[%dma_wait3A_275, %dma_wait3A_276, %dma_wait3A_277] : memref<6x128x64xf32, #tpu.memory_space<vmem>> -> memref<1x128x64xf32, #tpu.memory_space<vmem>>
      %dma_wait3A_279 = tpu.memref_squeeze %dma_wait3A_278 : memref<1x128x64xf32, #tpu.memory_space<vmem>> -> memref<128x64xf32, #tpu.memory_space<vmem>>
      %dma_wait3A_280 = arith.constant 0 : i32
      %dma_wait3A_281 = tpu.memref_slice %arg8[%add3A_274, %dma_wait3A_280] : memref<78x128xi32, #tpu.memory_space<vmem>> -> memref<1x128xi32, #tpu.memory_space<vmem>>
      %dma_wait3A_282 = tpu.memref_squeeze %dma_wait3A_281 : memref<1x128xi32, #tpu.memory_space<vmem>> -> memref<128xi32, #tpu.memory_space<vmem>>
      %dma_wait3A_283 = arith.constant 0 : i32
      %dma_wait3A_284 = arith.constant 0 : i32
      %dma_wait3A_285 = tpu.memref_slice %arg12[%dma_wait3A_283, %dma_wait3A_284] : memref<10240x64xf32, #tpu.memory_space<vmem_shared>> -> memref<10240x64xf32, #tpu.memory_space<vmem_shared>>
      tpu.wait_indirect_dma semaphore(%arg19 : memref<!tpu.dma_semaphore, #tpu.memory_space<semaphore_mem>>) src(%dma_wait3A_279 : memref<128x64xf32, #tpu.memory_space<vmem>>) dst(%dma_wait3A_285 : memref<10240x64xf32, #tpu.memory_space<vmem_shared>>)
      %add3A_286 = arith.constant 1 : i32
      %add3A_287 = arith.addi %mul3A_116, %add3A_286 : i32
      %dma_wait3A_288 = arith.constant 1 : i32
      %dma_wait3A_289 = arith.constant 0 : i32
      %dma_wait3A_290 = arith.constant 0 : i32
      %dma_wait3A_291 = tpu.memref_slice %arg10[%dma_wait3A_288, %dma_wait3A_289, %dma_wait3A_290] : memref<6x128x64xf32, #tpu.memory_space<vmem>> -> memref<1x128x64xf32, #tpu.memory_space<vmem>>
      %dma_wait3A_292 = tpu.memref_squeeze %dma_wait3A_291 : memref<1x128x64xf32, #tpu.memory_space<vmem>> -> memref<128x64xf32, #tpu.memory_space<vmem>>
      %dma_wait3A_293 = arith.constant 0 : i32
      %dma_wait3A_294 = tpu.memref_slice %arg8[%add3A_287, %dma_wait3A_293] : memref<78x128xi32, #tpu.memory_space<vmem>> -> memref<1x128xi32, #tpu.memory_space<vmem>>
      %dma_wait3A_295 = tpu.memref_squeeze %dma_wait3A_294 : memref<1x128xi32, #tpu.memory_space<vmem>> -> memref<128xi32, #tpu.memory_space<vmem>>
      %dma_wait3A_296 = arith.constant 0 : i32
      %dma_wait3A_297 = arith.constant 0 : i32
      %dma_wait3A_298 = tpu.memref_slice %arg12[%dma_wait3A_296, %dma_wait3A_297] : memref<10240x64xf32, #tpu.memory_space<vmem_shared>> -> memref<10240x64xf32, #tpu.memory_space<vmem_shared>>
      tpu.wait_indirect_dma semaphore(%arg19 : memref<!tpu.dma_semaphore, #tpu.memory_space<semaphore_mem>>) src(%dma_wait3A_292 : memref<128x64xf32, #tpu.memory_space<vmem>>) dst(%dma_wait3A_298 : memref<10240x64xf32, #tpu.memory_space<vmem_shared>>)
      %add3A_299 = arith.constant 2 : i32
      %add3A_300 = arith.addi %mul3A_116, %add3A_299 : i32
      %dma_wait3A_301 = arith.constant 2 : i32
      %dma_wait3A_302 = arith.constant 0 : i32
      %dma_wait3A_303 = arith.constant 0 : i32
      %dma_wait3A_304 = tpu.memref_slice %arg10[%dma_wait3A_301, %dma_wait3A_302, %dma_wait3A_303] : memref<6x128x64xf32, #tpu.memory_space<vmem>> -> memref<1x128x64xf32, #tpu.memory_space<vmem>>
      %dma_wait3A_305 = tpu.memref_squeeze %dma_wait3A_304 : memref<1x128x64xf32, #tpu.memory_space<vmem>> -> memref<128x64xf32, #tpu.memory_space<vmem>>
      %dma_wait3A_306 = arith.constant 0 : i32
      %dma_wait3A_307 = tpu.memref_slice %arg8[%add3A_300, %dma_wait3A_306] : memref<78x128xi32, #tpu.memory_space<vmem>> -> memref<1x128xi32, #tpu.memory_space<vmem>>
      %dma_wait3A_308 = tpu.memref_squeeze %dma_wait3A_307 : memref<1x128xi32, #tpu.memory_space<vmem>> -> memref<128xi32, #tpu.memory_space<vmem>>
      %dma_wait3A_309 = arith.constant 0 : i32
      %dma_wait3A_310 = arith.constant 0 : i32
      %dma_wait3A_311 = tpu.memref_slice %arg12[%dma_wait3A_309, %dma_wait3A_310] : memref<10240x64xf32, #tpu.memory_space<vmem_shared>> -> memref<10240x64xf32, #tpu.memory_space<vmem_shared>>
      tpu.wait_indirect_dma semaphore(%arg19 : memref<!tpu.dma_semaphore, #tpu.memory_space<semaphore_mem>>) src(%dma_wait3A_305 : memref<128x64xf32, #tpu.memory_space<vmem>>) dst(%dma_wait3A_311 : memref<10240x64xf32, #tpu.memory_space<vmem_shared>>)
      %add3A_312 = arith.constant 3 : i32
      %add3A_313 = arith.addi %mul3A_116, %add3A_312 : i32
      %dma_wait3A_314 = arith.constant 3 : i32
      %dma_wait3A_315 = arith.constant 0 : i32
      %dma_wait3A_316 = arith.constant 0 : i32
      %dma_wait3A_317 = tpu.memref_slice %arg10[%dma_wait3A_314, %dma_wait3A_315, %dma_wait3A_316] : memref<6x128x64xf32, #tpu.memory_space<vmem>> -> memref<1x128x64xf32, #tpu.memory_space<vmem>>
      %dma_wait3A_318 = tpu.memref_squeeze %dma_wait3A_317 : memref<1x128x64xf32, #tpu.memory_space<vmem>> -> memref<128x64xf32, #tpu.memory_space<vmem>>
      %dma_wait3A_319 = arith.constant 0 : i32
      %dma_wait3A_320 = tpu.memref_slice %arg8[%add3A_313, %dma_wait3A_319] : memref<78x128xi32, #tpu.memory_space<vmem>> -> memref<1x128xi32, #tpu.memory_space<vmem>>
      %dma_wait3A_321 = tpu.memref_squeeze %dma_wait3A_320 : memref<1x128xi32, #tpu.memory_space<vmem>> -> memref<128xi32, #tpu.memory_space<vmem>>
      %dma_wait3A_322 = arith.constant 0 : i32
      %dma_wait3A_323 = arith.constant 0 : i32
      %dma_wait3A_324 = tpu.memref_slice %arg12[%dma_wait3A_322, %dma_wait3A_323] : memref<10240x64xf32, #tpu.memory_space<vmem_shared>> -> memref<10240x64xf32, #tpu.memory_space<vmem_shared>>
      tpu.wait_indirect_dma semaphore(%arg19 : memref<!tpu.dma_semaphore, #tpu.memory_space<semaphore_mem>>) src(%dma_wait3A_318 : memref<128x64xf32, #tpu.memory_space<vmem>>) dst(%dma_wait3A_324 : memref<10240x64xf32, #tpu.memory_space<vmem_shared>>)
      %add3A_325 = arith.constant 4 : i32
      %add3A_326 = arith.addi %mul3A_116, %add3A_325 : i32
      %dma_wait3A_327 = arith.constant 4 : i32
      %dma_wait3A_328 = arith.constant 0 : i32
      %dma_wait3A_329 = arith.constant 0 : i32
      %dma_wait3A_330 = tpu.memref_slice %arg10[%dma_wait3A_327, %dma_wait3A_328, %dma_wait3A_329] : memref<6x128x64xf32, #tpu.memory_space<vmem>> -> memref<1x128x64xf32, #tpu.memory_space<vmem>>
      %dma_wait3A_331 = tpu.memref_squeeze %dma_wait3A_330 : memref<1x128x64xf32, #tpu.memory_space<vmem>> -> memref<128x64xf32, #tpu.memory_space<vmem>>
      %dma_wait3A_332 = arith.constant 0 : i32
      %dma_wait3A_333 = tpu.memref_slice %arg8[%add3A_326, %dma_wait3A_332] : memref<78x128xi32, #tpu.memory_space<vmem>> -> memref<1x128xi32, #tpu.memory_space<vmem>>
      %dma_wait3A_334 = tpu.memref_squeeze %dma_wait3A_333 : memref<1x128xi32, #tpu.memory_space<vmem>> -> memref<128xi32, #tpu.memory_space<vmem>>
      %dma_wait3A_335 = arith.constant 0 : i32
      %dma_wait3A_336 = arith.constant 0 : i32
      %dma_wait3A_337 = tpu.memref_slice %arg12[%dma_wait3A_335, %dma_wait3A_336] : memref<10240x64xf32, #tpu.memory_space<vmem_shared>> -> memref<10240x64xf32, #tpu.memory_space<vmem_shared>>
      tpu.wait_indirect_dma semaphore(%arg19 : memref<!tpu.dma_semaphore, #tpu.memory_space<semaphore_mem>>) src(%dma_wait3A_331 : memref<128x64xf32, #tpu.memory_space<vmem>>) dst(%dma_wait3A_337 : memref<10240x64xf32, #tpu.memory_space<vmem_shared>>)
      %add3A_338 = arith.constant 5 : i32
      %add3A_339 = arith.addi %mul3A_116, %add3A_338 : i32
      %dma_wait3A_340 = arith.constant 5 : i32
      %dma_wait3A_341 = arith.constant 0 : i32
      %dma_wait3A_342 = arith.constant 0 : i32
      %dma_wait3A_343 = tpu.memref_slice %arg10[%dma_wait3A_340, %dma_wait3A_341, %dma_wait3A_342] : memref<6x128x64xf32, #tpu.memory_space<vmem>> -> memref<1x128x64xf32, #tpu.memory_space<vmem>>
      %dma_wait3A_344 = tpu.memref_squeeze %dma_wait3A_343 : memref<1x128x64xf32, #tpu.memory_space<vmem>> -> memref<128x64xf32, #tpu.memory_space<vmem>>
      %dma_wait3A_345 = arith.constant 0 : i32
      %dma_wait3A_346 = tpu.memref_slice %arg8[%add3A_339, %dma_wait3A_345] : memref<78x128xi32, #tpu.memory_space<vmem>> -> memref<1x128xi32, #tpu.memory_space<vmem>>
      %dma_wait3A_347 = tpu.memref_squeeze %dma_wait3A_346 : memref<1x128xi32, #tpu.memory_space<vmem>> -> memref<128xi32, #tpu.memory_space<vmem>>
      %dma_wait3A_348 = arith.constant 0 : i32
      %dma_wait3A_349 = arith.constant 0 : i32
      %dma_wait3A_350 = tpu.memref_slice %arg12[%dma_wait3A_348, %dma_wait3A_349] : memref<10240x64xf32, #tpu.memory_space<vmem_shared>> -> memref<10240x64xf32, #tpu.memory_space<vmem_shared>>
      tpu.wait_indirect_dma semaphore(%arg19 : memref<!tpu.dma_semaphore, #tpu.memory_space<semaphore_mem>>) src(%dma_wait3A_344 : memref<128x64xf32, #tpu.memory_space<vmem>>) dst(%dma_wait3A_350 : memref<10240x64xf32, #tpu.memory_space<vmem_shared>>)
      %add3A_351 = arith.constant 6 : i32
      %add3A_352 = arith.addi %mul3A_116, %add3A_351 : i32
      %add3A_353 = arith.constant 0 : i32
      %add3A_354 = arith.addi %add3A_352, %add3A_353 : i32
      %lt3A = arith.constant 78 : i32
      %lt3A_355 = arith.cmpi slt, %add3A_354, %lt3A : i32
      %convert_element_type3A = arith.extui %lt3A_355 : i1 to i32
      %cond3A = arith.constant 0 : i32
      %cond3A_356 = arith.cmpi ne, %convert_element_type3A, %cond3A : i32
      scf.if %cond3A_356 {
        %mul3A_402 = arith.constant 128 : i32
        %mul3A_403 = arith.muli %add3A_354, %mul3A_402 : i32
        %dma_start3A_404 = arith.constant 0 : i32
        %dma_start3A_405 = arith.constant 0 : i32
        %dma_start3A_406 = arith.constant 0 : i32
        %dma_start3A_407 = tpu.memref_slice %arg10[%dma_start3A_404, %dma_start3A_405, %dma_start3A_406] : memref<6x128x64xf32, #tpu.memory_space<vmem>> -> memref<1x128x64xf32, #tpu.memory_space<vmem>>
        %dma_start3A_408 = tpu.memref_squeeze %dma_start3A_407 : memref<1x128x64xf32, #tpu.memory_space<vmem>> -> memref<128x64xf32, #tpu.memory_space<vmem>>
        %dma_start3A_409 = tpu.memref_slice %arg6[%mul3A_403] : memref<10000xi32, #tpu.memory_space<vmem>> -> memref<128xi32, #tpu.memory_space<vmem>>
        %dma_start3A_410 = arith.constant 0 : i32
        %dma_start3A_411 = arith.constant 0 : i32
        %dma_start3A_412 = tpu.memref_slice %arg3[%dma_start3A_410, %dma_start3A_411] : memref<10240x64xf32, #tpu.memory_space<hbm>> -> memref<10240x64xf32, #tpu.memory_space<hbm>>
        tpu.enqueue_indirect_dma source(%dma_start3A_412 : memref<10240x64xf32, #tpu.memory_space<hbm>>) target(%dma_start3A_408 : memref<128x64xf32, #tpu.memory_space<vmem>>) offsets(%dma_start3A_409 : memref<128xi32, #tpu.memory_space<vmem>>) semaphore(%arg13 : memref<!tpu.dma_semaphore, #tpu.memory_space<semaphore_mem>>)
      } else {
      }
      %add3A_357 = arith.constant 6 : i32
      %add3A_358 = arith.addi %mul3A_116, %add3A_357 : i32
      %add3A_359 = arith.constant 1 : i32
      %add3A_360 = arith.addi %add3A_358, %add3A_359 : i32
      %lt3A_361 = arith.constant 78 : i32
      %lt3A_362 = arith.cmpi slt, %add3A_360, %lt3A_361 : i32
      %convert_element_type3A_363 = arith.extui %lt3A_362 : i1 to i32
      %cond3A_364 = arith.constant 0 : i32
      %cond3A_365 = arith.cmpi ne, %convert_element_type3A_363, %cond3A_364 : i32
      scf.if %cond3A_365 {
        %mul3A_402 = arith.constant 128 : i32
        %mul3A_403 = arith.muli %add3A_360, %mul3A_402 : i32
        %dma_start3A_404 = arith.constant 1 : i32
        %dma_start3A_405 = arith.constant 0 : i32
        %dma_start3A_406 = arith.constant 0 : i32
        %dma_start3A_407 = tpu.memref_slice %arg10[%dma_start3A_404, %dma_start3A_405, %dma_start3A_406] : memref<6x128x64xf32, #tpu.memory_space<vmem>> -> memref<1x128x64xf32, #tpu.memory_space<vmem>>
        %dma_start3A_408 = tpu.memref_squeeze %dma_start3A_407 : memref<1x128x64xf32, #tpu.memory_space<vmem>> -> memref<128x64xf32, #tpu.memory_space<vmem>>
        %dma_start3A_409 = tpu.memref_slice %arg6[%mul3A_403] : memref<10000xi32, #tpu.memory_space<vmem>> -> memref<128xi32, #tpu.memory_space<vmem>>
        %dma_start3A_410 = arith.constant 0 : i32
        %dma_start3A_411 = arith.constant 0 : i32
        %dma_start3A_412 = tpu.memref_slice %arg3[%dma_start3A_410, %dma_start3A_411] : memref<10240x64xf32, #tpu.memory_space<hbm>> -> memref<10240x64xf32, #tpu.memory_space<hbm>>
        tpu.enqueue_indirect_dma source(%dma_start3A_412 : memref<10240x64xf32, #tpu.memory_space<hbm>>) target(%dma_start3A_408 : memref<128x64xf32, #tpu.memory_space<vmem>>) offsets(%dma_start3A_409 : memref<128xi32, #tpu.memory_space<vmem>>) semaphore(%arg14 : memref<!tpu.dma_semaphore, #tpu.memory_space<semaphore_mem>>)
      } else {
      }
      %add3A_366 = arith.constant 6 : i32
      %add3A_367 = arith.addi %mul3A_116, %add3A_366 : i32
      %add3A_368 = arith.constant 2 : i32
      %add3A_369 = arith.addi %add3A_367, %add3A_368 : i32
      %lt3A_370 = arith.constant 78 : i32
      %lt3A_371 = arith.cmpi slt, %add3A_369, %lt3A_370 : i32
      %convert_element_type3A_372 = arith.extui %lt3A_371 : i1 to i32
      %cond3A_373 = arith.constant 0 : i32
      %cond3A_374 = arith.cmpi ne, %convert_element_type3A_372, %cond3A_373 : i32
      scf.if %cond3A_374 {
        %mul3A_402 = arith.constant 128 : i32
        %mul3A_403 = arith.muli %add3A_369, %mul3A_402 : i32
        %dma_start3A_404 = arith.constant 2 : i32
        %dma_start3A_405 = arith.constant 0 : i32
        %dma_start3A_406 = arith.constant 0 : i32
        %dma_start3A_407 = tpu.memref_slice %arg10[%dma_start3A_404, %dma_start3A_405, %dma_start3A_406] : memref<6x128x64xf32, #tpu.memory_space<vmem>> -> memref<1x128x64xf32, #tpu.memory_space<vmem>>
        %dma_start3A_408 = tpu.memref_squeeze %dma_start3A_407 : memref<1x128x64xf32, #tpu.memory_space<vmem>> -> memref<128x64xf32, #tpu.memory_space<vmem>>
        %dma_start3A_409 = tpu.memref_slice %arg6[%mul3A_403] : memref<10000xi32, #tpu.memory_space<vmem>> -> memref<128xi32, #tpu.memory_space<vmem>>
        %dma_start3A_410 = arith.constant 0 : i32
        %dma_start3A_411 = arith.constant 0 : i32
        %dma_start3A_412 = tpu.memref_slice %arg3[%dma_start3A_410, %dma_start3A_411] : memref<10240x64xf32, #tpu.memory_space<hbm>> -> memref<10240x64xf32, #tpu.memory_space<hbm>>
        tpu.enqueue_indirect_dma source(%dma_start3A_412 : memref<10240x64xf32, #tpu.memory_space<hbm>>) target(%dma_start3A_408 : memref<128x64xf32, #tpu.memory_space<vmem>>) offsets(%dma_start3A_409 : memref<128xi32, #tpu.memory_space<vmem>>) semaphore(%arg15 : memref<!tpu.dma_semaphore, #tpu.memory_space<semaphore_mem>>)
      } else {
      }
      %add3A_375 = arith.constant 6 : i32
      %add3A_376 = arith.addi %mul3A_116, %add3A_375 : i32
      %add3A_377 = arith.constant 3 : i32
      %add3A_378 = arith.addi %add3A_376, %add3A_377 : i32
      %lt3A_379 = arith.constant 78 : i32
      %lt3A_380 = arith.cmpi slt, %add3A_378, %lt3A_379 : i32
      %convert_element_type3A_381 = arith.extui %lt3A_380 : i1 to i32
      %cond3A_382 = arith.constant 0 : i32
      %cond3A_383 = arith.cmpi ne, %convert_element_type3A_381, %cond3A_382 : i32
      scf.if %cond3A_383 {
        %mul3A_402 = arith.constant 128 : i32
        %mul3A_403 = arith.muli %add3A_378, %mul3A_402 : i32
        %dma_start3A_404 = arith.constant 3 : i32
        %dma_start3A_405 = arith.constant 0 : i32
        %dma_start3A_406 = arith.constant 0 : i32
        %dma_start3A_407 = tpu.memref_slice %arg10[%dma_start3A_404, %dma_start3A_405, %dma_start3A_406] : memref<6x128x64xf32, #tpu.memory_space<vmem>> -> memref<1x128x64xf32, #tpu.memory_space<vmem>>
        %dma_start3A_408 = tpu.memref_squeeze %dma_start3A_407 : memref<1x128x64xf32, #tpu.memory_space<vmem>> -> memref<128x64xf32, #tpu.memory_space<vmem>>
        %dma_start3A_409 = tpu.memref_slice %arg6[%mul3A_403] : memref<10000xi32, #tpu.memory_space<vmem>> -> memref<128xi32, #tpu.memory_space<vmem>>
        %dma_start3A_410 = arith.constant 0 : i32
        %dma_start3A_411 = arith.constant 0 : i32
        %dma_start3A_412 = tpu.memref_slice %arg3[%dma_start3A_410, %dma_start3A_411] : memref<10240x64xf32, #tpu.memory_space<hbm>> -> memref<10240x64xf32, #tpu.memory_space<hbm>>
        tpu.enqueue_indirect_dma source(%dma_start3A_412 : memref<10240x64xf32, #tpu.memory_space<hbm>>) target(%dma_start3A_408 : memref<128x64xf32, #tpu.memory_space<vmem>>) offsets(%dma_start3A_409 : memref<128xi32, #tpu.memory_space<vmem>>) semaphore(%arg16 : memref<!tpu.dma_semaphore, #tpu.memory_space<semaphore_mem>>)
      } else {
      }
      %add3A_384 = arith.constant 6 : i32
      %add3A_385 = arith.addi %mul3A_116, %add3A_384 : i32
      %add3A_386 = arith.constant 4 : i32
      %add3A_387 = arith.addi %add3A_385, %add3A_386 : i32
      %lt3A_388 = arith.constant 78 : i32
      %lt3A_389 = arith.cmpi slt, %add3A_387, %lt3A_388 : i32
      %convert_element_type3A_390 = arith.extui %lt3A_389 : i1 to i32
      %cond3A_391 = arith.constant 0 : i32
      %cond3A_392 = arith.cmpi ne, %convert_element_type3A_390, %cond3A_391 : i32
      scf.if %cond3A_392 {
        %mul3A_402 = arith.constant 128 : i32
        %mul3A_403 = arith.muli %add3A_387, %mul3A_402 : i32
        %dma_start3A_404 = arith.constant 4 : i32
        %dma_start3A_405 = arith.constant 0 : i32
        %dma_start3A_406 = arith.constant 0 : i32
        %dma_start3A_407 = tpu.memref_slice %arg10[%dma_start3A_404, %dma_start3A_405, %dma_start3A_406] : memref<6x128x64xf32, #tpu.memory_space<vmem>> -> memref<1x128x64xf32, #tpu.memory_space<vmem>>
        %dma_start3A_408 = tpu.memref_squeeze %dma_start3A_407 : memref<1x128x64xf32, #tpu.memory_space<vmem>> -> memref<128x64xf32, #tpu.memory_space<vmem>>
        %dma_start3A_409 = tpu.memref_slice %arg6[%mul3A_403] : memref<10000xi32, #tpu.memory_space<vmem>> -> memref<128xi32, #tpu.memory_space<vmem>>
        %dma_start3A_410 = arith.constant 0 : i32
        %dma_start3A_411 = arith.constant 0 : i32
        %dma_start3A_412 = tpu.memref_slice %arg3[%dma_start3A_410, %dma_start3A_411] : memref<10240x64xf32, #tpu.memory_space<hbm>> -> memref<10240x64xf32, #tpu.memory_space<hbm>>
        tpu.enqueue_indirect_dma source(%dma_start3A_412 : memref<10240x64xf32, #tpu.memory_space<hbm>>) target(%dma_start3A_408 : memref<128x64xf32, #tpu.memory_space<vmem>>) offsets(%dma_start3A_409 : memref<128xi32, #tpu.memory_space<vmem>>) semaphore(%arg17 : memref<!tpu.dma_semaphore, #tpu.memory_space<semaphore_mem>>)
      } else {
      }
      %add3A_393 = arith.constant 6 : i32
      %add3A_394 = arith.addi %mul3A_116, %add3A_393 : i32
      %add3A_395 = arith.constant 5 : i32
      %add3A_396 = arith.addi %add3A_394, %add3A_395 : i32
      %lt3A_397 = arith.constant 78 : i32
      %lt3A_398 = arith.cmpi slt, %add3A_396, %lt3A_397 : i32
      %convert_element_type3A_399 = arith.extui %lt3A_398 : i1 to i32
      %cond3A_400 = arith.constant 0 : i32
      %cond3A_401 = arith.cmpi ne, %convert_element_type3A_399, %cond3A_400 : i32
      scf.if %cond3A_401 {
        %mul3A_402 = arith.constant 128 : i32
        %mul3A_403 = arith.muli %add3A_396, %mul3A_402 : i32
        %dma_start3A_404 = arith.constant 5 : i32
        %dma_start3A_405 = arith.constant 0 : i32
        %dma_start3A_406 = arith.constant 0 : i32
        %dma_start3A_407 = tpu.memref_slice %arg10[%dma_start3A_404, %dma_start3A_405, %dma_start3A_406] : memref<6x128x64xf32, #tpu.memory_space<vmem>> -> memref<1x128x64xf32, #tpu.memory_space<vmem>>
        %dma_start3A_408 = tpu.memref_squeeze %dma_start3A_407 : memref<1x128x64xf32, #tpu.memory_space<vmem>> -> memref<128x64xf32, #tpu.memory_space<vmem>>
        %dma_start3A_409 = tpu.memref_slice %arg6[%mul3A_403] : memref<10000xi32, #tpu.memory_space<vmem>> -> memref<128xi32, #tpu.memory_space<vmem>>
        %dma_start3A_410 = arith.constant 0 : i32
        %dma_start3A_411 = arith.constant 0 : i32
        %dma_start3A_412 = tpu.memref_slice %arg3[%dma_start3A_410, %dma_start3A_411] : memref<10240x64xf32, #tpu.memory_space<hbm>> -> memref<10240x64xf32, #tpu.memory_space<hbm>>
        tpu.enqueue_indirect_dma source(%dma_start3A_412 : memref<10240x64xf32, #tpu.memory_space<hbm>>) target(%dma_start3A_408 : memref<128x64xf32, #tpu.memory_space<vmem>>) offsets(%dma_start3A_409 : memref<128xi32, #tpu.memory_space<vmem>>) semaphore(%arg18 : memref<!tpu.dma_semaphore, #tpu.memory_space<semaphore_mem>>)
      } else {
      }
    }
    %scan3A_102 = arith.constant 13 : i32
    %run_scoped3A = arith.constant 0 : i32
    "tpu.region"() ({
      %run_scoped3A_110 = tpu.sem_alloc : memref<!tpu.dma_semaphore, #tpu.memory_space<semaphore_mem>>
      %dma_start3A_111 = arith.constant 0 : i32
      %dma_start3A_112 = arith.constant 0 : i32
      %dma_start3A_113 = tpu.memref_slice %arg10[%run_scoped3A, %dma_start3A_111, %dma_start3A_112] : memref<6x128x64xf32, #tpu.memory_space<vmem>> -> memref<1x16x64xf32, #tpu.memory_space<vmem>>
      %dma_start3A_114 = tpu.memref_squeeze %dma_start3A_113 : memref<1x16x64xf32, #tpu.memory_space<vmem>> -> memref<16x64xf32, #tpu.memory_space<vmem>>
      %dma_start3A_115 = arith.constant 9984 : i32
      %dma_start3A_116 = tpu.memref_slice %arg6[%dma_start3A_115] : memref<10000xi32, #tpu.memory_space<vmem>> -> memref<16xi32, #tpu.memory_space<vmem>>
      %dma_start3A_117 = arith.constant 0 : i32
      %dma_start3A_118 = arith.constant 0 : i32
      %dma_start3A_119 = tpu.memref_slice %arg3[%dma_start3A_117, %dma_start3A_118] : memref<10240x64xf32, #tpu.memory_space<hbm>> -> memref<10240x64xf32, #tpu.memory_space<hbm>>
      tpu.enqueue_indirect_dma source(%dma_start3A_119 : memref<10240x64xf32, #tpu.memory_space<hbm>>) target(%dma_start3A_114 : memref<16x64xf32, #tpu.memory_space<vmem>>) offsets(%dma_start3A_116 : memref<16xi32, #tpu.memory_space<vmem>>) semaphore(%run_scoped3A_110 : memref<!tpu.dma_semaphore, #tpu.memory_space<semaphore_mem>>)
      %dma_wait3A_120 = arith.constant 0 : i32
      %dma_wait3A_121 = arith.constant 0 : i32
      %dma_wait3A_122 = tpu.memref_slice %arg10[%run_scoped3A, %dma_wait3A_120, %dma_wait3A_121] : memref<6x128x64xf32, #tpu.memory_space<vmem>> -> memref<1x16x64xf32, #tpu.memory_space<vmem>>
      %dma_wait3A_123 = tpu.memref_squeeze %dma_wait3A_122 : memref<1x16x64xf32, #tpu.memory_space<vmem>> -> memref<16x64xf32, #tpu.memory_space<vmem>>
      %dma_wait3A_124 = arith.constant 9984 : i32
      %dma_wait3A_125 = tpu.memref_slice %arg6[%dma_wait3A_124] : memref<10000xi32, #tpu.memory_space<vmem>> -> memref<16xi32, #tpu.memory_space<vmem>>
      %dma_wait3A_126 = arith.constant 0 : i32
      %dma_wait3A_127 = arith.constant 0 : i32
      %dma_wait3A_128 = tpu.memref_slice %arg3[%dma_wait3A_126, %dma_wait3A_127] : memref<10240x64xf32, #tpu.memory_space<hbm>> -> memref<10240x64xf32, #tpu.memory_space<hbm>>
      tpu.wait_indirect_dma semaphore(%run_scoped3A_110 : memref<!tpu.dma_semaphore, #tpu.memory_space<semaphore_mem>>) src(%dma_wait3A_128 : memref<10240x64xf32, #tpu.memory_space<hbm>>) dst(%dma_wait3A_123 : memref<16x64xf32, #tpu.memory_space<vmem>>)
      tpu.yield
    }) : () -> ()
    %run_scoped3A_103 = arith.constant 0 : i32
    "tpu.region"() ({
      %run_scoped3A_110 = tpu.sem_alloc : memref<!tpu.dma_semaphore, #tpu.memory_space<semaphore_mem>>
      %dma_start3A_111 = arith.constant 0 : i32
      %dma_start3A_112 = arith.constant 0 : i32
      %dma_start3A_113 = tpu.memref_slice %arg10[%run_scoped3A_103, %dma_start3A_111, %dma_start3A_112] : memref<6x128x64xf32, #tpu.memory_space<vmem>> -> memref<1x16x64xf32, #tpu.memory_space<vmem>>
      %dma_start3A_114 = tpu.memref_squeeze %dma_start3A_113 : memref<1x16x64xf32, #tpu.memory_space<vmem>> -> memref<16x64xf32, #tpu.memory_space<vmem>>
      %dma_start3A_115 = arith.constant 0 : i32
      %dma_start3A_116 = arith.constant 0 : i32
      %dma_start3A_117 = tpu.memref_slice %arg12[%dma_start3A_115, %dma_start3A_116] : memref<10240x64xf32, #tpu.memory_space<vmem_shared>> -> memref<10240x64xf32, #tpu.memory_space<vmem_shared>>
      tpu.enqueue_indirect_dma source(%dma_start3A_114 : memref<16x64xf32, #tpu.memory_space<vmem>>) target(%dma_start3A_117 : memref<10240x64xf32, #tpu.memory_space<vmem_shared>>) offsets(%arg9 : memref<16xi32, #tpu.memory_space<vmem>>) semaphore(%run_scoped3A_110 : memref<!tpu.dma_semaphore, #tpu.memory_space<semaphore_mem>>) {add = true}
      %dma_wait3A_118 = arith.constant 0 : i32
      %dma_wait3A_119 = arith.constant 0 : i32
      %dma_wait3A_120 = tpu.memref_slice %arg10[%run_scoped3A_103, %dma_wait3A_118, %dma_wait3A_119] : memref<6x128x64xf32, #tpu.memory_space<vmem>> -> memref<1x16x64xf32, #tpu.memory_space<vmem>>
      %dma_wait3A_121 = tpu.memref_squeeze %dma_wait3A_120 : memref<1x16x64xf32, #tpu.memory_space<vmem>> -> memref<16x64xf32, #tpu.memory_space<vmem>>
      %dma_wait3A_122 = arith.constant 0 : i32
      %dma_wait3A_123 = arith.constant 0 : i32
      %dma_wait3A_124 = tpu.memref_slice %arg12[%dma_wait3A_122, %dma_wait3A_123] : memref<10240x64xf32, #tpu.memory_space<vmem_shared>> -> memref<10240x64xf32, #tpu.memory_space<vmem_shared>>
      tpu.wait_indirect_dma semaphore(%run_scoped3A_110 : memref<!tpu.dma_semaphore, #tpu.memory_space<semaphore_mem>>) src(%dma_wait3A_121 : memref<16x64xf32, #tpu.memory_space<vmem>>) dst(%dma_wait3A_124 : memref<10240x64xf32, #tpu.memory_space<vmem_shared>>)
      tpu.yield
    }) : () -> ()
    %barrier3A_104 = arith.constant 0 : index
    tpu.barrier barrier_id(%barrier3A_104)
    %scan3A_105 = arith.constant 0 : i32
    %scan3A_106 = arith.constant 5 : i32
    %scan3A_107 = arith.addi %scan3A_105, %scan3A_106 : i32
    %scan3A_108 = arith.constant 1 : i32
    scf.for %scan3A_110 = %scan3A_105 to %scan3A_107 step %scan3A_108  : i32 {
      %mul3A_111 = arith.constant 1 : i32
      %mul3A_112 = arith.muli %scan3A_110, %mul3A_111 : i32
      %add3A_113 = arith.constant 0 : i32
      %add3A_114 = arith.addi %add3A_113, %mul3A_112 : i32
      %mul3A_115 = arith.constant 640 : i32
      %mul3A_116 = arith.muli %arg1, %mul3A_115 : i32
      %mul3A_117 = arith.constant 128 : i32
      %mul3A_118 = arith.muli %add3A_114, %mul3A_117 : i32
      %add3A_119 = arith.addi %mul3A_116, %mul3A_118 : i32
      "tpu.region"() ({
        %run_scoped3A_127 = tpu.sem_alloc : memref<!tpu.dma_semaphore, #tpu.memory_space<semaphore_mem>>
        %dma_start3A_128 = arith.constant 0 : i32
        %dma_start3A_129 = tpu.memref_slice %arg12[%add3A_119, %dma_start3A_128] : memref<10240x64xf32, #tpu.memory_space<vmem_shared>> -> memref<128x64xf32, #tpu.memory_space<vmem_shared>>
        %dma_start3A_130 = arith.constant 0 : i32
        %dma_start3A_131 = tpu.memref_slice %arg12[%add3A_119, %dma_start3A_130] : memref<10240x64xf32, #tpu.memory_space<vmem_shared>> -> memref<128x64xf32, #tpu.memory_space<vmem_shared>>
        tpu.enqueue_dma source(%dma_start3A_131 : memref<128x64xf32, #tpu.memory_space<vmem_shared>>) target(%arg11 : memref<128x64xf32, #tpu.memory_space<vmem>>) target_semaphore(%run_scoped3A_127 : memref<!tpu.dma_semaphore, #tpu.memory_space<semaphore_mem>>)
        %dma_wait3A_132 = arith.constant 0 : i32
        %dma_wait3A_133 = tpu.memref_slice %arg12[%add3A_119, %dma_wait3A_132] : memref<10240x64xf32, #tpu.memory_space<vmem_shared>> -> memref<128x64xf32, #tpu.memory_space<vmem_shared>>
        %dma_wait3A_134 = arith.constant 0 : i32
        %dma_wait3A_135 = tpu.memref_slice %arg12[%add3A_119, %dma_wait3A_134] : memref<10240x64xf32, #tpu.memory_space<vmem_shared>> -> memref<128x64xf32, #tpu.memory_space<vmem_shared>>
        tpu.wait_dma2 semaphore(%run_scoped3A_127 : memref<!tpu.dma_semaphore, #tpu.memory_space<semaphore_mem>>) src(%dma_wait3A_135 : memref<128x64xf32, #tpu.memory_space<vmem_shared>>) dst(%arg11 : memref<128x64xf32, #tpu.memory_space<vmem>>)
        tpu.yield
      }) : () -> ()
      %eq3A = arith.constant 0 : i32
      %eq3A_120 = arith.cmpi eq, %arg0, %eq3A : i32
      %convert_element_type3A = arith.extui %eq3A_120 : i1 to i32
      %cond3A = arith.constant 0 : i32
      %cond3A_121 = arith.cmpi ne, %convert_element_type3A, %cond3A : i32
      scf.if %cond3A_121 {
        "tpu.region"() ({
          %run_scoped3A_127 = tpu.sem_alloc : memref<!tpu.dma_semaphore, #tpu.memory_space<semaphore_mem>>
          %dma_start3A_128 = arith.constant 0 : i32
          %dma_start3A_129 = tpu.memref_slice %arg4[%add3A_119, %dma_start3A_128] : memref<10240x64xf32, #tpu.memory_space<hbm>> -> memref<128x64xf32, #tpu.memory_space<hbm>>
          %dma_start3A_130 = arith.constant 0 : i32
          %dma_start3A_131 = tpu.memref_slice %arg4[%add3A_119, %dma_start3A_130] : memref<10240x64xf32, #tpu.memory_space<hbm>> -> memref<128x64xf32, #tpu.memory_space<hbm>>
          tpu.enqueue_dma source(%arg11 : memref<128x64xf32, #tpu.memory_space<vmem>>) target(%dma_start3A_131 : memref<128x64xf32, #tpu.memory_space<hbm>>) target_semaphore(%run_scoped3A_127 : memref<!tpu.dma_semaphore, #tpu.memory_space<semaphore_mem>>)
          %dma_wait3A_132 = arith.constant 0 : i32
          %dma_wait3A_133 = tpu.memref_slice %arg4[%add3A_119, %dma_wait3A_132] : memref<10240x64xf32, #tpu.memory_space<hbm>> -> memref<128x64xf32, #tpu.memory_space<hbm>>
          %dma_wait3A_134 = arith.constant 0 : i32
          %dma_wait3A_135 = tpu.memref_slice %arg4[%add3A_119, %dma_wait3A_134] : memref<10240x64xf32, #tpu.memory_space<hbm>> -> memref<128x64xf32, #tpu.memory_space<hbm>>
          tpu.wait_dma2 semaphore(%run_scoped3A_127 : memref<!tpu.dma_semaphore, #tpu.memory_space<semaphore_mem>>) src(%arg11 : memref<128x64xf32, #tpu.memory_space<vmem>>) dst(%dma_wait3A_135 : memref<128x64xf32, #tpu.memory_space<hbm>>)
          tpu.yield
        }) : () -> ()
      } else {
      }
      %eq3A_122 = arith.constant 1 : i32
      %eq3A_123 = arith.cmpi eq, %arg0, %eq3A_122 : i32
      %convert_element_type3A_124 = arith.extui %eq3A_123 : i1 to i32
      %cond3A_125 = arith.constant 0 : i32
      %cond3A_126 = arith.cmpi ne, %convert_element_type3A_124, %cond3A_125 : i32
      scf.if %cond3A_126 {
        "tpu.region"() ({
          %run_scoped3A_127 = tpu.sem_alloc : memref<!tpu.dma_semaphore, #tpu.memory_space<semaphore_mem>>
          %dma_start3A_128 = arith.constant 0 : i32
          %dma_start3A_129 = tpu.memref_slice %arg5[%add3A_119, %dma_start3A_128] : memref<10240x64xf32, #tpu.memory_space<hbm>> -> memref<128x64xf32, #tpu.memory_space<hbm>>
          %dma_start3A_130 = arith.constant 0 : i32
          %dma_start3A_131 = tpu.memref_slice %arg5[%add3A_119, %dma_start3A_130] : memref<10240x64xf32, #tpu.memory_space<hbm>> -> memref<128x64xf32, #tpu.memory_space<hbm>>
          tpu.enqueue_dma source(%arg11 : memref<128x64xf32, #tpu.memory_space<vmem>>) target(%dma_start3A_131 : memref<128x64xf32, #tpu.memory_space<hbm>>) target_semaphore(%run_scoped3A_127 : memref<!tpu.dma_semaphore, #tpu.memory_space<semaphore_mem>>)
          %dma_wait3A_132 = arith.constant 0 : i32
          %dma_wait3A_133 = tpu.memref_slice %arg5[%add3A_119, %dma_wait3A_132] : memref<10240x64xf32, #tpu.memory_space<hbm>> -> memref<128x64xf32, #tpu.memory_space<hbm>>
          %dma_wait3A_134 = arith.constant 0 : i32
          %dma_wait3A_135 = tpu.memref_slice %arg5[%add3A_119, %dma_wait3A_134] : memref<10240x64xf32, #tpu.memory_space<hbm>> -> memref<128x64xf32, #tpu.memory_space<hbm>>
          tpu.wait_dma2 semaphore(%run_scoped3A_127 : memref<!tpu.dma_semaphore, #tpu.memory_space<semaphore_mem>>) src(%arg11 : memref<128x64xf32, #tpu.memory_space<vmem>>) dst(%dma_wait3A_135 : memref<128x64xf32, #tpu.memory_space<hbm>>)
          tpu.yield
        }) : () -> ()
      } else {
      }
    }
    %scan3A_109 = arith.constant 5 : i32
    return
  }
}

module attributes {stable_mosaic.version = 14 : i64} {
  func.func @_tc_a_body(%arg0: memref<10000x128xf32, #tpu.memory_space<vmem>>, %arg1: memref<128x64xf32, #tpu.memory_space<vmem>>, %arg2: memref<10240x16xf32, #tpu.memory_space<vmem>>, %arg3: memref<10240x16xf32, #tpu.memory_space<vmem>>, %arg4: memref<1x10000xi32, #tpu.memory_space<vmem>>, %arg5: memref<10240x64xf32, #tpu.memory_space<vmem>>, %arg6: memref<128x1xi32, #tpu.memory_space<vmem>>, %arg7: memref<128x1xi32, #tpu.memory_space<vmem>>) attributes {dimension_semantics = [], scalar_prefetch = 0 : i64, scratch_operands = 0 : i64, tpu.core_type = #tpu.core_type<tc>} {
    %get3A = arith.constant 0 : index
    %get3A_0 = arith.constant 0 : index
    %get3A_1 = vector.load %arg2[%get3A, %get3A_0] : memref<10240x16xf32, #tpu.memory_space<vmem>>, vector<10240x1xf32>
    %get3A_2 = arith.constant 0 : index
    %get3A_3 = arith.constant 0 : index
    %get3A_4 = vector.load %arg3[%get3A_2, %get3A_3] : memref<10240x16xf32, #tpu.memory_space<vmem>>, vector<10240x1xf32>
    %add3A = arith.addf %get3A_1, %get3A_4 : vector<10240x1xf32>
    %add3A_5 = arith.constant 1.000000e+00 : f32
    %add3A_6 = vector.broadcast %add3A_5 : f32 to vector<10240x1xf32>
    %add3A_7 = arith.addf %add3A, %add3A_6 : vector<10240x1xf32>
    %rsqrt3A = math.rsqrt %add3A_7 : vector<10240x1xf32>
    %get3A_8 = arith.constant 0 : index
    %get3A_9 = arith.constant 0 : index
    %get3A_10 = vector.load %arg0[%get3A_8, %get3A_9] : memref<10000x128xf32, #tpu.memory_space<vmem>>, vector<10000x128xf32>
    %get3A_11 = arith.constant 0 : index
    %get3A_12 = arith.constant 0 : index
    %get3A_13 = vector.load %arg1[%get3A_11, %get3A_12] : memref<128x64xf32, #tpu.memory_space<vmem>>, vector<128x64xf32>
    %dot_general3A = arith.constant dense<0.000000e+00> : vector<10000x64xf32>
    %dot_general3A_14 = tpu.matmul %get3A_10, %get3A_13, %dot_general3A {dimension_numbers = #tpu.dot_dimension_numbers<[1], [0], [0], [1], [0, 0, 1, 1], [], []>, transpose_lhs_hint = false} : vector<10000x128xf32>, vector<128x64xf32>, vector<10000x64xf32> -> vector<10000x64xf32>
    %slice3A = vector.extract_strided_slice %rsqrt3A {offsets = [0, 0], sizes = [10000, 1], strides = [1, 1]} : vector<10240x1xf32> to vector<10000x1xf32>
    %mul3A = vector.broadcast %slice3A : vector<10000x1xf32> to vector<10000x64xf32>
    %mul3A_15 = arith.mulf %dot_general3A_14, %mul3A : vector<10000x64xf32>
    %swap3A = arith.constant 0 : index
    %swap3A_16 = arith.constant 0 : index
    %swap3A_17 = vector.load %arg5[%swap3A, %swap3A_16] : memref<10240x64xf32, #tpu.memory_space<vmem>>, vector<10000x64xf32>
    tpu.vector_store %arg5[%swap3A, %swap3A_16], %mul3A_15 {strides = array<i32>} : memref<10240x64xf32, #tpu.memory_space<vmem>>, vector<10000x64xf32>,
    %broadcast_in_dim3A = arith.constant 0.000000e+00 : f32
    %broadcast_in_dim3A_18 = vector.broadcast %broadcast_in_dim3A : f32 to vector<240x64xf32>
    %swap3A_19 = arith.constant 10000 : index
    %swap3A_20 = arith.constant 0 : index
    %swap3A_21 = vector.load %arg5[%swap3A_19, %swap3A_20] : memref<10240x64xf32, #tpu.memory_space<vmem>>, vector<240x64xf32>
    tpu.vector_store %arg5[%swap3A_19, %swap3A_20], %broadcast_in_dim3A_18 {strides = array<i32>} : memref<10240x64xf32, #tpu.memory_space<vmem>>, vector<240x64xf32>,
    %get3A_22 = arith.constant 0 : index
    %get3A_23 = arith.constant 0 : index
    %get3A_24 = vector.load %arg4[%get3A_22, %get3A_23] : memref<1x10000xi32, #tpu.memory_space<vmem>>, vector<1x10000xi32>
    %iota3A = tpu.iota {dimensions = array<i32: 0>} : vector<128x10000xi32>
    %broadcast_in_dim3A_25 = vector.shape_cast %get3A_24 : vector<1x10000xi32> to vector<1x10000xi32>
    %broadcast_in_dim3A_26 = vector.broadcast %broadcast_in_dim3A_25 : vector<1x10000xi32> to vector<128x10000xi32>
    %lt3A = arith.cmpi slt, %broadcast_in_dim3A_26, %iota3A : vector<128x10000xi32>
    %convert_element_type3A = arith.extui %lt3A : vector<128x10000xi1> to vector<128x10000xi32>
    %reduce_sum3A = arith.constant dense<0> : vector<128xi32>
    %reduce_sum3A_27 = vector.multi_reduction <add>, %convert_element_type3A, %reduce_sum3A [1] : vector<128x10000xi32> to vector<128xi32>
    %broadcast_in_dim3A_28 = vector.shape_cast %reduce_sum3A_27 : vector<128xi32> to vector<128x1xi32>
    %swap3A_29 = arith.constant 0 : index
    %swap3A_30 = arith.constant 0 : index
    %swap3A_31 = vector.load %arg6[%swap3A_29, %swap3A_30] : memref<128x1xi32, #tpu.memory_space<vmem>>, vector<128x1xi32>
    tpu.vector_store %arg6[%swap3A_29, %swap3A_30], %broadcast_in_dim3A_28 {strides = array<i32>} : memref<128x1xi32, #tpu.memory_space<vmem>>, vector<128x1xi32>,
    %eq3A = arith.cmpi eq, %broadcast_in_dim3A_26, %iota3A : vector<128x10000xi32>
    %convert_element_type3A_32 = arith.extui %eq3A : vector<128x10000xi1> to vector<128x10000xi32>
    %reduce_sum3A_33 = arith.constant dense<0> : vector<128xi32>
    %reduce_sum3A_34 = vector.multi_reduction <add>, %convert_element_type3A_32, %reduce_sum3A_33 [1] : vector<128x10000xi32> to vector<128xi32>
    %broadcast_in_dim3A_35 = vector.shape_cast %reduce_sum3A_34 : vector<128xi32> to vector<128x1xi32>
    %swap3A_36 = arith.constant 0 : index
    %swap3A_37 = arith.constant 0 : index
    %swap3A_38 = vector.load %arg7[%swap3A_36, %swap3A_37] : memref<128x1xi32, #tpu.memory_space<vmem>>, vector<128x1xi32>
    tpu.vector_store %arg7[%swap3A_36, %swap3A_37], %broadcast_in_dim3A_35 {strides = array<i32>} : memref<128x1xi32, #tpu.memory_space<vmem>>, vector<128x1xi32>,
    return
  }
}

module attributes {stable_mosaic.version = 14 : i64} {
  func.func @_tc_b_body(%arg0: memref<10240x64xf32, #tpu.memory_space<vmem>>, %arg1: memref<10240x64xf32, #tpu.memory_space<vmem>>, %arg2: memref<10240x64xf32, #tpu.memory_space<vmem>>, %arg3: memref<10240x16xf32, #tpu.memory_space<vmem>>, %arg4: memref<10240x16xf32, #tpu.memory_space<vmem>>, %arg5: memref<1x64xf32, #tpu.memory_space<vmem>>, %arg6: memref<64x16xf32, #tpu.memory_space<vmem>>, %arg7: memref<10240x16xf32, #tpu.memory_space<vmem>>) attributes {dimension_semantics = [], scalar_prefetch = 0 : i64, scratch_operands = 0 : i64, tpu.core_type = #tpu.core_type<tc>} {
    %get3A = arith.constant 0 : index
    %get3A_0 = arith.constant 0 : index
    %get3A_1 = vector.load %arg3[%get3A, %get3A_0] : memref<10240x16xf32, #tpu.memory_space<vmem>>, vector<10240x1xf32>
    %get3A_2 = arith.constant 0 : index
    %get3A_3 = arith.constant 0 : index
    %get3A_4 = vector.load %arg4[%get3A_2, %get3A_3] : memref<10240x16xf32, #tpu.memory_space<vmem>>, vector<10240x1xf32>
    %add3A = arith.addf %get3A_1, %get3A_4 : vector<10240x1xf32>
    %add3A_5 = arith.constant 1.000000e+00 : f32
    %add3A_6 = vector.broadcast %add3A_5 : f32 to vector<10240x1xf32>
    %add3A_7 = arith.addf %add3A, %add3A_6 : vector<10240x1xf32>
    %rsqrt3A = math.rsqrt %add3A_7 : vector<10240x1xf32>
    %get3A_8 = arith.constant 0 : index
    %get3A_9 = arith.constant 0 : index
    %get3A_10 = vector.load %arg0[%get3A_8, %get3A_9] : memref<10240x64xf32, #tpu.memory_space<vmem>>, vector<10240x64xf32>
    %get3A_11 = arith.constant 0 : index
    %get3A_12 = arith.constant 0 : index
    %get3A_13 = vector.load %arg1[%get3A_11, %get3A_12] : memref<10240x64xf32, #tpu.memory_space<vmem>>, vector<10240x64xf32>
    %add3A_14 = arith.addf %get3A_10, %get3A_13 : vector<10240x64xf32>
    %get3A_15 = arith.constant 0 : index
    %get3A_16 = arith.constant 0 : index
    %get3A_17 = vector.load %arg2[%get3A_15, %get3A_16] : memref<10240x64xf32, #tpu.memory_space<vmem>>, vector<10240x64xf32>
    %add3A_18 = arith.addf %add3A_14, %get3A_17 : vector<10240x64xf32>
    %mul3A = vector.broadcast %rsqrt3A : vector<10240x1xf32> to vector<10240x64xf32>
    %mul3A_19 = arith.mulf %add3A_18, %mul3A : vector<10240x64xf32>
    %get3A_20 = arith.constant 0 : index
    %get3A_21 = arith.constant 0 : index
    %get3A_22 = vector.load %arg5[%get3A_20, %get3A_21] : memref<1x64xf32, #tpu.memory_space<vmem>>, vector<1x64xf32>
    %add3A_23 = vector.broadcast %get3A_22 : vector<1x64xf32> to vector<10240x64xf32>
    %add3A_24 = arith.addf %mul3A_19, %add3A_23 : vector<10240x64xf32>
    %tanh3A = math.tanh %add3A_24 : vector<10240x64xf32>
    %get3A_25 = arith.constant 0 : index
    %get3A_26 = arith.constant 0 : index
    %get3A_27 = vector.load %arg6[%get3A_25, %get3A_26] : memref<64x16xf32, #tpu.memory_space<vmem>>, vector<64x16xf32>
    %dot_general3A = arith.constant dense<0.000000e+00> : vector<10240x16xf32>
    %dot_general3A_28 = tpu.matmul %tanh3A, %get3A_27, %dot_general3A {dimension_numbers = #tpu.dot_dimension_numbers<[1], [0], [0], [1], [0, 0, 1, 1], [], []>, transpose_lhs_hint = false} : vector<10240x64xf32>, vector<64x16xf32>, vector<10240x16xf32> -> vector<10240x16xf32>
    %mul3A_29 = vector.broadcast %rsqrt3A : vector<10240x1xf32> to vector<10240x16xf32>
    %mul3A_30 = arith.mulf %dot_general3A_28, %mul3A_29 : vector<10240x16xf32>
    %swap3A = arith.constant 0 : index
    %swap3A_31 = arith.constant 0 : index
    %swap3A_32 = vector.load %arg7[%swap3A, %swap3A_31] : memref<10240x16xf32, #tpu.memory_space<vmem>>, vector<10240x16xf32>
    tpu.vector_store %arg7[%swap3A, %swap3A_31], %mul3A_30 {strides = array<i32>} : memref<10240x16xf32, #tpu.memory_space<vmem>>, vector<10240x16xf32>,
    return
  }
}

module attributes {stable_mosaic.version = 14 : i64} {
  func.func @_tc_c_body(%arg0: memref<10240x16xf32, #tpu.memory_space<vmem>>, %arg1: memref<10240x16xf32, #tpu.memory_space<vmem>>, %arg2: memref<10240x16xf32, #tpu.memory_space<vmem>>, %arg3: memref<10240x16xf32, #tpu.memory_space<vmem>>, %arg4: memref<10240x16xf32, #tpu.memory_space<vmem>>, %arg5: memref<1x16xf32, #tpu.memory_space<vmem>>, %arg6: memref<10240x2xf32, #tpu.memory_space<vmem>>) attributes {dimension_semantics = [], scalar_prefetch = 0 : i64, scratch_operands = 0 : i64, tpu.core_type = #tpu.core_type<tc>} {
    %get3A = arith.constant 0 : index
    %get3A_0 = arith.constant 0 : index
    %get3A_1 = vector.load %arg3[%get3A, %get3A_0] : memref<10240x16xf32, #tpu.memory_space<vmem>>, vector<10240x1xf32>
    %get3A_2 = arith.constant 0 : index
    %get3A_3 = arith.constant 0 : index
    %get3A_4 = vector.load %arg4[%get3A_2, %get3A_3] : memref<10240x16xf32, #tpu.memory_space<vmem>>, vector<10240x1xf32>
    %add3A = arith.addf %get3A_1, %get3A_4 : vector<10240x1xf32>
    %add3A_5 = arith.constant 1.000000e+00 : f32
    %add3A_6 = vector.broadcast %add3A_5 : f32 to vector<10240x1xf32>
    %add3A_7 = arith.addf %add3A, %add3A_6 : vector<10240x1xf32>
    %rsqrt3A = math.rsqrt %add3A_7 : vector<10240x1xf32>
    %get3A_8 = arith.constant 0 : index
    %get3A_9 = arith.constant 0 : index
    %get3A_10 = vector.load %arg0[%get3A_8, %get3A_9] : memref<10240x16xf32, #tpu.memory_space<vmem>>, vector<10240x16xf32>
    %get3A_11 = arith.constant 0 : index
    %get3A_12 = arith.constant 0 : index
    %get3A_13 = vector.load %arg1[%get3A_11, %get3A_12] : memref<10240x16xf32, #tpu.memory_space<vmem>>, vector<10240x16xf32>
    %add3A_14 = arith.addf %get3A_10, %get3A_13 : vector<10240x16xf32>
    %get3A_15 = arith.constant 0 : index
    %get3A_16 = arith.constant 0 : index
    %get3A_17 = vector.load %arg2[%get3A_15, %get3A_16] : memref<10240x16xf32, #tpu.memory_space<vmem>>, vector<10240x16xf32>
    %add3A_18 = arith.addf %add3A_14, %get3A_17 : vector<10240x16xf32>
    %mul3A = vector.broadcast %rsqrt3A : vector<10240x1xf32> to vector<10240x16xf32>
    %mul3A_19 = arith.mulf %add3A_18, %mul3A : vector<10240x16xf32>
    %get3A_20 = arith.constant 0 : index
    %get3A_21 = arith.constant 0 : index
    %get3A_22 = vector.load %arg5[%get3A_20, %get3A_21] : memref<1x16xf32, #tpu.memory_space<vmem>>, vector<1x16xf32>
    %add3A_23 = vector.broadcast %get3A_22 : vector<1x16xf32> to vector<10240x16xf32>
    %add3A_24 = arith.addf %mul3A_19, %add3A_23 : vector<10240x16xf32>
    %tanh3A = math.tanh %add3A_24 : vector<10240x16xf32>
    %iota3A = tpu.iota {dimensions = array<i32: 0>} : vector<10240x1xi32>
    %lt3A = arith.constant 10000 : i32
    %lt3A_25 = vector.broadcast %lt3A : i32 to vector<10240x1xi32>
    %lt3A_26 = arith.cmpi slt, %iota3A, %lt3A_25 : vector<10240x1xi32>
    %jit3A = arith.constant 0.000000e+00 : f32
    %broadcast_in_dim3A = vector.shape_cast %lt3A_26 : vector<10240x1xi1> to vector<10240x1xi1>
    %broadcast_in_dim3A_27 = vector.broadcast %broadcast_in_dim3A : vector<10240x1xi1> to vector<10240x16xi1>
    %broadcast_in_dim3A_28 = vector.broadcast %jit3A : f32 to vector<10240x16xf32>
    %select_n3A = arith.select %broadcast_in_dim3A_27, %tanh3A, %broadcast_in_dim3A_28 : vector<10240x16xi1>, vector<10240x16xf32>
    %slice3A = vector.extract_strided_slice %select_n3A {offsets = [0, 0], sizes = [10240, 2], strides = [1, 1]} : vector<10240x16xf32> to vector<10240x2xf32>
    %swap3A = arith.constant 0 : index
    %swap3A_29 = arith.constant 0 : index
    %swap3A_30 = vector.load %arg6[%swap3A, %swap3A_29] : memref<10240x2xf32, #tpu.memory_space<vmem>>, vector<10240x2xf32>
    tpu.vector_store %arg6[%swap3A, %swap3A_29], %slice3A {strides = array<i32>} : memref<10240x2xf32, #tpu.memory_space<vmem>>, vector<10240x2xf32>,
    return
  }
}

module attributes {stable_mosaic.version = 14 : i64} {
  func.func @_tc_d_body(%arg0: memref<100x128xf32, #tpu.memory_space<vmem>>, %arg1: memref<128x1xf32, #tpu.memory_space<vmem>>, %arg2: memref<1x1xf32, #tpu.memory_space<vmem>>, %arg3: memref<100x1xf32, #tpu.memory_space<vmem>>) attributes {dimension_semantics = [], scalar_prefetch = 0 : i64, scratch_operands = 0 : i64, tpu.core_type = #tpu.core_type<tc>} {
    %get3A = arith.constant 0 : index
    %get3A_0 = arith.constant 0 : index
    %get3A_1 = vector.load %arg0[%get3A, %get3A_0] : memref<100x128xf32, #tpu.memory_space<vmem>>, vector<100x128xf32>
    %get3A_2 = arith.constant 0 : index
    %get3A_3 = arith.constant 0 : index
    %get3A_4 = vector.load %arg1[%get3A_2, %get3A_3] : memref<128x1xf32, #tpu.memory_space<vmem>>, vector<128x1xf32>
    %dot_general3A = arith.constant dense<0.000000e+00> : vector<100x1xf32>
    %dot_general3A_5 = tpu.matmul %get3A_1, %get3A_4, %dot_general3A {dimension_numbers = #tpu.dot_dimension_numbers<[1], [0], [0], [1], [0, 0, 1, 1], [], []>, transpose_lhs_hint = false} : vector<100x128xf32>, vector<128x1xf32>, vector<100x1xf32> -> vector<100x1xf32>
    %get3A_6 = arith.constant 0 : index
    %get3A_7 = arith.constant 0 : index
    %get3A_8 = vector.load %arg2[%get3A_6, %get3A_7] : memref<1x1xf32, #tpu.memory_space<vmem>>, vector<1x1xf32>
    %add3A = vector.broadcast %get3A_8 : vector<1x1xf32> to vector<100x1xf32>
    %add3A_9 = arith.addf %dot_general3A_5, %add3A : vector<100x1xf32>
    %swap3A = arith.constant 0 : index
    %swap3A_10 = arith.constant 0 : index
    %swap3A_11 = vector.load %arg3[%swap3A, %swap3A_10] : memref<100x1xf32, #tpu.memory_space<vmem>>, vector<100x1xf32>
    tpu.vector_store %arg3[%swap3A, %swap3A_10], %add3A_9 {strides = array<i32>} : memref<100x1xf32, #tpu.memory_space<vmem>>, vector<100x1xf32>,
    return
  }
}

</mosaic_0001>

<sc_bundles>
// kernel: kernel.10.cloned.1.call-start
scs
__scs_entry_jumppad:
0x0: {  	(pc) =	sbr.rel $0x88, $3  }
0x1: {  	(tag) =	ssettag $0x0;
	lr =	simm.s32 $0x1  }
0x2: {  	[smem:$0x3F98] =	sst lr;
	_ =	strace $0xD0000000  }
0x3: {  	_ = 	snop  }
0x4: {  	_ = 	snop  }
0x5: {  	_ = 	snop  }
0x6: {  	_ = 	snop  }
0x7: {  	_ = 	snop  }
__scs_overlays_trampoline_lowered:
0x8: {  	[smem:$0x3FA7] =	sst s0  }
0x9: {  	[smem:$0x3FA8] =	sst s1  }
0xa: {  	[smem:$0x3FA9] =	sst s2  }
0xb: {  	[smem:$0x3FAA] =	sst s3  }
0xc: {  	[smem:$0x3FAB] =	sst s4  }
0xd: {  	[smem:$0x3FAC] =	sst s5  }
0xe: {  	[smem:$0x3FAD] =	sst s6  }
0xf: {  	[smem:$0x3FAE] =	sst s7  }
0x10: {  	[smem:$0x3FAF] =	sst s8  }
0x11: {  	[smem:$0x3FB0] =	sst s9;
	s0 =	simm.s32 @!p0 $0x0  }
0x12: {  	s1 =	sld [smem:$0x3F96];
	s0 =	simm.s32 @p0 $0x1  }
0x13: {  	[smem:$0x3FB1] =	sst s0;
	s0 =	simm.s32 @!p1 $0x0  }
0x14: {  	s2 =	sld [smem:$0x3F95];
	s0 =	simm.s32 @p1 $0x1  }
0x15: {  	[smem:$0x3FB2] =	sst s0;
	s0 =	simm.s32 @!p2 $0x0  }
0x16: {  	s3 =	sld [smem:$0x3FDB];
	s0 =	simm.s32 @p2 $0x1  }
0x17: {  	s4 =	simm.s32 $0x1BF5;
	[smem:$0x3FB4] =	sst s0  }
0x18: {  	s0 =	sld [smem:$0x3F97];
	_ =	swait.ge [sflag:s4], $0x0  }
0x19: {  	s7 =	sld [smem:$0x3F98]  }
0x1a: {  	s8 =	sadd.s32 $0xFFFFE003, lr  }
0x1b: {  	s9 =	sadd.s32 $0xFFFFFEF7, lr;
	s5 =	simm.s32 $0xFFFFFFFF;
	p2 =	slt.u32 s8, $0xFFFFF086  }
0x1c: {  	p1 =	slt.u32 s9, $0xF7A;
	s5 =	simm.s32 @!p2 $0x0  }
0x1d: {  	s5 =	simm.s32 @p1 $0x1;
	p0 =	seq.s32 s7, s2  }
0x1e: {  	s7 =	smul.u32 @!p0 $0xF7A, s2;
	p2 =	seq.s32 @!p0 s5, $0x0  }
0x1f: {  	s9 =	smul.u32 $0xF7A, s1;
	s8 =	simm.s32 @!p0 $0x1BF5;
	p2 =	por !p2, p0  }
0x20: {  	[sflag:s8] =	ssyncset.s32 @!p0 $0xFFFFF086;
	s6 =	sadd.s32 @!p0 s3, s7;
	s7 =	simm.s32 @!p0 $0x108  }
0x21: {  	s3 =	sadd.s32 s3, s9;
	s6 =	sadd.s32 @!p0 $0x88, s6;
	s7 =	simm.s32 @p2 $0x1082  }
0x22: {  	[simem:s7], [sflag:s8] =	dma.local @!p0 [hbm:s6], $0xF7A  }
0x23: {  	s9 =	sor.u32 $0xD0000000, s2;
	s6 =	simm.s32 $0x108;
	_ =	swait.ge @!p0 [sflag:s8], $0x0  }
0x24: {  	s3 =	sadd.s32 $0x88, s3;
	s6 =	simm.s32 @!p1 $0x1082;
	[sflag:s4] =	ssyncset.s32 $0xFFFFF086  }
0x25: {  	[simem:s6], [sflag:s4] =	dma.local [hbm:s3], $0xF7A  }
0x26: {  	[smem:$0x3F98] =	sst s1;
	(tag) =	ssettag s2;
	_ =	strace s9  }
0x27: {  	s1 =	sld [smem:$0x3FA8]  }
0x28: {  	s2 =	sld [smem:$0x3FA9]  }
0x29: {  	s4 =	sld [smem:$0x3FAB]  }
0x2a: {  	p0 =	seq.s32 s5, $0x0;
	s5 =	sld [smem:$0x3FAC]  }
0x2b: {  	s6 =	sld [smem:$0x3FAD]  }
0x2c: {  	s7 =	sld [smem:$0x3FAE]  }
0x2d: {  	s3 =	simm.s32 $0x108;
	s8 =	sld [smem:$0x3FAF]  }
0x2e: {  	s3 =	simm.s32 @!p0 $0x1082;
	s9 =	sld [smem:$0x3FB0]  }
0x2f: {  	lr =	sadd.s32 s0, s3;
	s0 =	sld [smem:$0x3FA7]  }
0x30: {  	s3 =	sld [smem:$0x3FAA]  }
0x31: {  	[smem:$0x3FB3] =	sst s10  }
0x32: {  	s10 =	sld [smem:$0x3FB1];
	_ =	sdelay $0x3  }
0x33: {  	p0 =	seq.s32 s10, $0x1;
	s10 =	sld [smem:$0x3FB3];
	_ =	sdelay $0x3  }
0x34: {  	[smem:$0x3FB3] =	sst s10  }
0x35: {  	s10 =	sld [smem:$0x3FB2];
	_ =	sdelay $0x3  }
0x36: {  	p1 =	seq.s32 s10, $0x1;
	s10 =	sld [smem:$0x3FB3];
	_ =	sdelay $0x3  }
0x37: {  	[smem:$0x3FB3] =	sst s10  }
0x38: {  	s10 =	sld [smem:$0x3FB4]  }
0x39: {  	_ = 	snop;
	(pc) =	sbr.ind lr, $3  }
0x3a: {  	_ = 	snop  }
0x3b: {  	_ = 	snop  }
0x3c: {  	p2 =	seq.s32 s10, $0x1;
	s10 =	sld [smem:$0x3FB3]  }
0x3d: {  	_ =	shalt  }
0x3e: {  	_ =	shalt  }
0x3f: {  	_ =	shalt  }
0x40: {  	_ =	shalt  }
0x41: {  	_ =	shalt  }
0x42: {  	_ =	shalt  }
0x43: {  	_ =	shalt  }
0x44: {  	_ =	shalt  }
0x45: {  	_ =	shalt  }
0x46: {  	_ =	shalt  }
0x47: {  	_ =	shalt  }
0x48: {  	_ =	shalt  }
0x49: {  	_ =	shalt  }
0x4a: {  	_ =	shalt  }
0x4b: {  	_ =	shalt  }
0x4c: {  	_ =	shalt  }
0x4d: {  	_ =	shalt  }
0x4e: {  	_ =	shalt  }
0x4f: {  	_ =	shalt  }
0x50: {  	_ =	shalt  }
0x51: {  	_ =	shalt  }
0x52: {  	_ =	shalt  }
0x53: {  	_ =	shalt  }
0x54: {  	_ =	shalt  }
0x55: {  	_ =	shalt  }
0x56: {  	_ =	shalt  }
0x57: {  	_ =	shalt  }
0x58: {  	_ =	shalt  }
0x59: {  	_ =	shalt  }
0x5a: {  	_ =	shalt  }
0x5b: {  	_ =	shalt  }
0x5c: {  	_ =	shalt  }
0x5d: {  	_ =	shalt  }
0x5e: {  	_ =	shalt  }
0x5f: {  	_ =	shalt  }
0x60: {  	_ =	shalt  }
0x61: {  	_ =	shalt  }
0x62: {  	_ =	shalt  }
0x63: {  	_ =	shalt  }
0x64: {  	_ =	shalt  }
0x65: {  	_ =	shalt  }
0x66: {  	_ =	shalt  }
0x67: {  	_ =	shalt  }
0x68: {  	_ =	shalt  }
0x69: {  	_ =	shalt  }
0x6a: {  	_ =	shalt  }
0x6b: {  	_ =	shalt  }
0x6c: {  	_ =	shalt  }
0x6d: {  	_ =	shalt  }
0x6e: {  	_ =	shalt  }
0x6f: {  	_ =	shalt  }
0x70: {  	_ =	shalt  }
0x71: {  	_ =	shalt  }
0x72: {  	_ =	shalt  }
0x73: {  	_ =	shalt  }
0x74: {  	_ =	shalt  }
0x75: {  	_ =	shalt  }
0x76: {  	_ =	shalt  }
0x77: {  	_ =	shalt  }
0x78: {  	_ =	shalt  }
0x79: {  	_ =	shalt  }
0x7a: {  	_ =	shalt  }
0x7b: {  	_ =	shalt  }
0x7c: {  	_ =	shalt  }
0x7d: {  	_ =	shalt  }
0x7e: {  	_ =	shalt  }
0x7f: {  	_ =	shalt  }
0x80: {  	_ =	shalt  }
0x81: {  	_ =	shalt  }
0x82: {  	_ =	shalt  }
0x83: {  	_ =	shalt  }
0x84: {  	_ =	shalt  }
0x85: {  	_ =	shalt  }
0x86: {  	_ =	shalt  }
0x87: {  	_ =	shalt  }
.Lfunc_end0:
.L_simem_size_0:
called_computation_lowered:
.L_overlay_start_0:
0x88: {  	s2 =	sld [smem:$0x3FD9]  }
0x89: {  	s3 =	sld [smem:$0x3FFE];
	_ =	sdelay $0x1  }
0x8a: {  	s1 =	srdreg.scid  }
0x8b: {  	s0 =	sand.u32 $0x1, s1  }
0x8c: {  	s16 =	sshll.u32 s0, $0xA;
	s2 =	sadd.s32 s3, s2  }
0x8d: {  	s2 =	sadd.s32 s2, s16  }
0x8e: {  	[smem:$0x3FBF] =	sst s2  }
0x8f: {  	_ = 	snop  }
0x90: {  	(tm) =	ssettm $0x1  }
0x91: {  	s17 =	sld [smem:$0x3FFB];
	_ =	sdelay $0x3  }
0x92: {  	_ =	strace s17  }
0x93: {  	s2 =	sld [smem:$0x3FFC];
	_ =	sdelay $0x3  }
0x94: {  	_ =	strace s2  }
0x95: {  	s2 =	sld [smem:$0x3FFD];
	_ =	sdelay $0x3  }
0x96: {  	_ =	strace s2  }
0x97: {  	_ =	strace $0x8FFFFFFF  }
0x98: {  	s18 =	sld [smem:$0x3FDB];
	_ =	sdelay $0x1  }
0x99: {  	s19 =	simm.s32 $_scs_section_size  }
0x9a: {  	s4 =	simm.s32 $_size__tile_overlayer_lowered;
	s5 =	simm.s32 $_tile_overlayer_lowered  }
0x9b: {  	s22 =	simm.s32 $0x1BFF;
	s21 =	sshll.u32 s5, $0x1;
	s2 =	sadd.s32 s19, s18  }
0x9c: {  	s6 =	simm.s32 $0x0;
	s20 =	sshll.u32 s4, $0x1;
	s4 =	sadd.s32 s21, s2  }
0x9d: {  	[timem:s6], [sflag:s22] =	dma.local [hbm:s4], s20  }
0x9e: {  	_ =	swait.ge [sflag:s22], s20  }
0x9f: {  	s3 =	ssub.s32 $0x0, s20;
	[sflag:s22] =	ssyncset.done $0x0  }
0xa0: {  	[sflag:s22] =	ssyncadd.s32 s3;
	_ =	sdelay $0x1  }
0xa1: {  	s23 =	simm.s32 $0x1B8B  }
0xa2: {  	_ =	swait.ge [sflag:s23], $0x1  }
0xa3: {  	[sflag:s23] =	ssyncset.done $0x0  }
0xa4: {  	s25 =	simm.s32 $0x1B8E;
	s24 =	sld [smem:$0x3FFE];
	[sflag:s23] =	ssyncadd.s32 $0xFFFFFFFF  }
0xa5: {  	s26 =	simm.s32 $execute0_lowered;
	[smem:$0x3FD2] =	sst s25  }
0xa6: {  	s4 =	sshll.u32 s26, $0x1;
	_ =	strace $0x80000046;
	[dreg:$0x1] =	wrdreg $0xFFFFFFFF  }
0xa7: {  	s28 =	simm.s32 $_size_execute0_lowered;
	s2 =	sadd.s32 s2, s4;
	[dreg:$0x0] =	wrdreg $0x0  }
0xa8: {  	s4 =	sshll.u32 s28, $0x1;
	[dreg:$0x2] =	wrdreg s2  }
0xa9: {  	[dreg:$0x3] =	wrdreg s4  }
0xaa: {  	[dreg:$0x4] =	wrdreg $0xC0  }
0xab: {  	_ =	task [dreg:s6], $0x5FFFF  }
0xac: {  	[dreg:$0x1] =	wrdreg $0xFFFFFFFF  }
0xad: {  	[dreg:$0x0] =	wrdreg $0x60  }
0xae: {  	[dreg:$0x2] =	wrdreg s24  }
0xaf: {  	[dreg:$0x3] =	wrdreg $0x5E200  }
0xb0: {  	[dreg:$0x4] =	wrdreg $0x9  }
0xb1: {  	_ =	task.clear_ibuf [dreg:s6], $0x5FFFF;
	_ =	strace $0x90000046  }
0xb2: {  	s29 =	simm.s32 $0x9;
	_ =	strace $0x80000048  }
0xb3: {  	_ =	swait.ge [sflag:s29], $0x1  }
0xb4: {  	[sflag:s29] =	ssyncadd.s32 $0xFFFFFFFF  }
0xb5: {  	_ =	strace $0x90000048  }
0xb6: {  	_ =	sfence  }
0xb7: {  	s30 =	sld [smem:$0x0];
	_ =	sdelay $0x2  }
0xb8: {  	s31 =	sshll.u32 s1, $0xD;
	s1 =	sshrl.u32 s1, $0x2  }
0xb9: {  	s3 =	sand.u32 $0x4000, s31;
	s1 =	sadd.s32 s1, s30  }
0xba: {  	s0 =	sor.u32 s3, s0;
	s1 =	sshll.u32 s1, $0x11  }
0xbb: {  	s0 =	sor.u32 s1, s0  }
0xbc: {  	s0 =	sadd.s32 $0x8F2B, s0  }
0xbd: {  	[sflag:s0] =	ssyncadd.remote.s32 $0x1  }
0xbe: {  	_ =	sfence.sel $0xFFFF  }
0xbf: {  	[dreg:$0x0] =	wrdreg $0xFFFFFFFF;
	(pc) =	sbr.abs _section_cstart, $3  }
0xc0: {  	[dreg:$0x1] =	wrdreg $0xFFFFFFFF  }
0xc1: {  	_ =	task.clear_ibuf [dreg:s6], $0x2FFFF;
	_ =	strace $0x9FFFFFFF  }
0xc2: {  	(tm) =	ssettm $0x7FFFFFFF  }
0xc3: {  	_ =	shalt  }
tec
execute0_lowered:
.L_overlay_start_1:
0x0: {  	(tag) =	ssettag $0x1  }
0x1: {  	s0 =	srdreg.scid;
	s1 =	rddreg [dreg:$0x0]  }
0x2: {  	s8 =	stileid.u32;
	s2 =	rddreg [dreg:$0x1];
	s19 =	simm.s32 $0x1C800  }
0x3: {  	s22 =	simm.s32 $0x2;
	s23 =	simm.s32 $0x1;
	s24 =	simm.s32 $0x80  }
0x4: {  	s25 =	simm.s32 $0x4E20;
	s29 =	simm.s32 $0x3;
	s6 =	smul.u32 $0xA000, s8  }
0x5: {  	s30 =	simm.s32 $0x0;
	s0 =	sand.u32 $0x1, s0;
	s15 =	smul.u32 $0x2800, s8  }
0x6: {  	s3 =	sshll.u32 s0, $0x4;
	s5 =	ssub.s32 $0x2, s0;
	p0 =	seq.s32 s0, $0x0  }
0x7: {  	s4 =	sor.u32 s8, s3;
	s3 =	simm.s32 $0x0;
	s7 =	sshrl.u32 s5, $0x1  }
0x8: {  	s28 =	sshrl.u32 s6, $0x2;
	s11 =	sadd.s32 s15, s2;
	s31 =	sshrl.u32 s15, $0x3  }
0x9: {  	s13 =	sadd.s32 $0x800, s15;
	s14 =	sadd.s32 $0x1000, s15;
	s16 =	sadd.s32 $0x1800, s15  }
0xa: {  	s20 =	sadd.s32 $0x2000, s15;
	s19 =	simm.s32 @!p0 $0x17800;
	s4 =	smul.u32 $0x2710, s4  }
0xb: {  	[smem:$0x7FF] =	sst s3;
	s7 =	ssub.s32 s5, s7;
	s5 =	sadd.s32 s28, s2  }
0xc: {  	s12 =	sadd.s32 s13, s2;
	s17 =	sshrl.u32 s13, $0x3;
	s13 =	sadd.s32 s14, s2  }
0xd: {  	s18 =	sshrl.u32 s14, $0x3;
	s14 =	sadd.s32 s16, s2;
	s21 =	sshrl.u32 s16, $0x3  }
0xe: {  	s15 =	sadd.s32 s20, s2;
	s20 =	sshrl.u32 s20, $0x3;
	_ =	strace $0x80000047  }
0xf: {  	s6 =	smax.u32 s7, $0x1;
	s7 =	sadd.s32 $0x800, s5;
	s4 =	sshrl.u32 s4, $0x3  }
0x10: {  	s8 =	sadd.s32 $0x1000, s5;
	s9 =	sadd.s32 $0x1800, s5;
	s4 =	sadd.s32 s1, s4  }
0x11: {  	s10 =	sadd.s32 $0x2000, s5;
	s1 =	sadd.s32 s19, s1;
	s4 =	sadd.s32 $0xDA40, s4  }
0x12: {  	s16 =	sadd.s32 s1, s31;
	s17 =	sadd.s32 s1, s17;
	s18 =	sadd.s32 s1, s18  }
0x13: {  	v0 =	vimm.f32 $1.000000000e+00;
	v1 =	vimm.f32 $0.0e+00;
	s19 =	sadd.s32 s1, s21;
	s20 =	sadd.s32 s1, s20;
	s21 =	simm.s32 $0x5620  }
.LBB2_1:
0x14: {  	[tilespmem:s3], [sflag:$0x1] =	stream.linear.gather [hbm4b:s4+s3], $0x2710, $0x38;
	[tilespmem:$0x8620] =	vst v63  }
0x15: {  	s0 =	simm.s32 $0x0  }
.LBB2_2:
0x16: {  	p1 =	sne.s32 s0, $0x1FC0  }
.Ltmp0:
0x17: {  	_ = 	snop;
	(pc) =	sbr.rel @p1 .LBB2_2-.Ltmp0, $3  }
0x18: {  	_ =	sdelay $0x1  }
0x19: {  	s1 =	sshra.s32 s0, $0x2  }
0x1a: {  	s0 =	sadd.s32 $0x40, s0;
	[tilespmem:s1+$0x4E20] =	vst v0  }
0x1b: {  	s1 =	simm.s32 $0x40;
	s0 =	simm.s32 $0x0  }
.LBB2_4:
0x1c: {  	p1 =	sne.s32 s1, $0x1FC0;
	[tilespmem:s0+$0x5620] =	vst v1;
	s0 =	smov.u32 s1;
	s1 =	sadd.s32 $0x40, s1  }
.Ltmp1:
0x1d: {  	(pc) =	sbr.rel @p1 .LBB2_4-.Ltmp1, $2  }
0x1e: {  	_ =	sdelay $0x2  }
0x1f: {  	s0 =	sshra.s32 s0, $0x2  }
0x20: {  	[tilespmem:s0+$0x5620] =	vst v1  }
0x21: {  	[spmem:s5] =	stream.linear.scatter [tilespmem:s21], [sflag:$0x2], $0x800, $0x38;
	[tilespmem:$0x8620] =	vst v63  }
0x22: {  	_ =	swait.ge [sflag:s22], $0x800  }
0x23: {  	[sflag:s22] =	ssyncset.done $0x0  }
0x24: {  	[sflag:s22] =	ssyncadd.s32 $0xFFFFF800  }
0x25: {  	[spmem:s7] =	stream.linear.scatter [tilespmem:s21], [sflag:$0x2], $0x800, $0x38;
	[tilespmem:$0x8620] =	vst v63  }
0x26: {  	_ =	swait.ge [sflag:s22], $0x800  }
0x27: {  	[sflag:s22] =	ssyncset.done $0x0  }
0x28: {  	[sflag:s22] =	ssyncadd.s32 $0xFFFFF800  }
0x29: {  	[spmem:s8] =	stream.linear.scatter [tilespmem:s21], [sflag:$0x2], $0x800, $0x38;
	[tilespmem:$0x8620] =	vst v63  }
0x2a: {  	_ =	swait.ge [sflag:s22], $0x800  }
0x2b: {  	[sflag:s22] =	ssyncset.done $0x0  }
0x2c: {  	[sflag:s22] =	ssyncadd.s32 $0xFFFFF800  }
0x2d: {  	[spmem:s9] =	stream.linear.scatter [tilespmem:s21], [sflag:$0x2], $0x800, $0x38;
	[tilespmem:$0x8620] =	vst v63  }
0x2e: {  	_ =	swait.ge [sflag:s22], $0x800  }
0x2f: {  	[sflag:s22] =	ssyncset.done $0x0  }
0x30: {  	[sflag:s22] =	ssyncadd.s32 $0xFFFFF800  }
0x31: {  	[spmem:s10] =	stream.linear.scatter [tilespmem:s21], [sflag:$0x2], $0x800, $0x38;
	[tilespmem:$0x8620] =	vst v63  }
0x32: {  	_ =	swait.ge [sflag:s22], $0x800  }
0x33: {  	[sflag:s22] =	ssyncset.done $0x0  }
0x34: {  	[sflag:s22] =	ssyncadd.s32 $0xFFFFF800  }
0x35: {  	_ =	swait.ge [sflag:s23], $0x2710  }
0x36: {  	[sflag:s23] =	ssyncset.done $0x0  }
0x37: {  	s31 =	simm.s32 $0x0;
	[sflag:s23] =	ssyncadd.s32 $0xFFFFD8F0  }
0x38: {  	s28 =	simm.s32 $0x0;
	v2 =	vld [tilespmem:s31+$0x0]  }
0x39: {  	s1 =	sand.u32 $0xFE00, s28  }
0x3a: {  	s0 =	sand.u32 $0x70, s28;
	s1 =	sshrl.u32 s1, $0x2  }
0x3b: {  	s0 =	sor.u32 s0, s1;
	s1 =	simm.s32 $0x40;
	s31 =	simm.s32 $0x10  }
.LBB2_6:
0x3c: {  	s26 =	sshra.s32 s1, $0x2  }
0x3d: {  	p1 =	sne.s32 s31, $0x26F0;
	[tilespmem:s0+$0x2710] =	vst v2;
	s0 =	smov.u32 s31;
	s31 =	sadd.s32 $0x10, s31  }
.Ltmp2:
0x3e: {  	v2 =	vld [tilespmem:s26+$0x0];
	(pc) =	sbr.rel @p1 .LBB2_6-.Ltmp2, $4  }
0x3f: {  	_ = 	snop  }
0x40: {  	s26 =	sand.u32 $0xFE00, s1  }
0x41: {  	s0 =	sand.u32 $0x70, s0;
	s26 =	sshrl.u32 s26, $0x2  }
0x42: {  	s1 =	sadd.s32 $0x40, s1;
	s0 =	sor.u32 s0, s26  }
0x43: {  	[tilespmem:s0+$0x2710] =	vst v2  }
0x44: {  	v2 =	vld [tilespmem:$0x2700];
	_ =	sdelay $0x4  }
0x45: {  	[tilespmem:$0x4E10] =	vst v2  }
0x46: {  	s1 =	simm.s32 $0x2710;
	[bflag:$0x0] =	sbarrier.arrive $0xFFFF  }
0x47: {  	[spmem:s2] =	stream.indirect.scatter.add.f32 [tilespmem:s25], [sflag:$0x1], $0x10, s1, s24, $0xb8;
	[tilespmem:$0x8620] =	vst v63  }
0x48: {  	s26 =	simm.s32 $0x2790  }
0x49: {  	[spmem:s2] =	stream.indirect.scatter.add.f32 [tilespmem:s25], [sflag:$0x1], $0x10, s26, s24, $0xb8;
	[tilespmem:$0x8620] =	vst v63  }
0x4a: {  	s28 =	simm.s32 $0x2810  }
0x4b: {  	[spmem:s2] =	stream.indirect.scatter.add.f32 [tilespmem:s25], [sflag:$0x1], $0x10, s28, s24, $0xb8;
	[tilespmem:$0x8620] =	vst v63  }
0x4c: {  	s1 =	simm.s32 $0x2890  }
0x4d: {  	[spmem:s2] =	stream.indirect.scatter.add.f32 [tilespmem:s25], [sflag:$0x1], $0x10, s1, s24, $0xb8;
	[tilespmem:$0x8620] =	vst v63  }
0x4e: {  	s26 =	simm.s32 $0x2910  }
0x4f: {  	[spmem:s2] =	stream.indirect.scatter.add.f32 [tilespmem:s25], [sflag:$0x1], $0x10, s26, s24, $0xb8;
	[tilespmem:$0x8620] =	vst v63  }
0x50: {  	s28 =	simm.s32 $0x2990  }
0x51: {  	[spmem:s2] =	stream.indirect.scatter.add.f32 [tilespmem:s25], [sflag:$0x1], $0x10, s28, s24, $0xb8;
	[tilespmem:$0x8620] =	vst v63  }
0x52: {  	_ =	swait.ge [sflag:s23], $0x800  }
0x53: {  	[sflag:s23] =	ssyncset.done $0x0  }
0x54: {  	[sflag:s23] =	ssyncadd.s32 $0xFFFFF800  }
0x55: {  	_ =	swait.ge [sflag:s23], $0x800  }
0x56: {  	[sflag:s23] =	ssyncset.done $0x0  }
0x57: {  	[sflag:s23] =	ssyncadd.s32 $0xFFFFF800  }
0x58: {  	_ =	swait.ge [sflag:s23], $0x800  }
0x59: {  	[sflag:s23] =	ssyncset.done $0x0  }
0x5a: {  	[sflag:s23] =	ssyncadd.s32 $0xFFFFF800  }
0x5b: {  	_ =	swait.ge [sflag:s23], $0x800  }
0x5c: {  	[sflag:s23] =	ssyncset.done $0x0  }
0x5d: {  	[sflag:s23] =	ssyncadd.s32 $0xFFFFF800  }
0x5e: {  	_ =	swait.ge [sflag:s23], $0x800  }
0x5f: {  	[sflag:s23] =	ssyncset.done $0x0  }
0x60: {  	[sflag:s23] =	ssyncadd.s32 $0xFFFFF800  }
0x61: {  	_ =	swait.ge [sflag:s23], $0x800  }
0x62: {  	s31 =	simm.s32 $0x300;
	s1 =	simm.s32 $0x1800;
	[sflag:s23] =	ssyncset.done $0x0  }
.LBB2_8:
0x63: {  	s0 =	sadd.s32 $0x2710, s31  }
0x64: {  	[sflag:s23] =	ssyncadd.s32 $0xFFFFF800;
	s26 =	smov.u32 s1;
	s28 =	sadd.s32 $0xC00, s1  }
0x65: {  	[spmem:s2] =	stream.indirect.scatter.add.f32 [tilespmem:s25], [sflag:$0x1], $0x10, s0, s24, $0xb8;
	[tilespmem:$0x8620] =	vst v63  }
0x66: {  	p1 =	sne.s32 s1, $0x9000;
	s0 =	sadd.s32 $0x2790, s31  }
0x67: {  	[spmem:s2] =	stream.indirect.scatter.add.f32 [tilespmem:s25], [sflag:$0x1], $0x10, s0, s24, $0xb8;
	[tilespmem:$0x8620] =	vst v63  }
0x68: {  	s0 =	sadd.s32 $0x2810, s31  }
0x69: {  	[spmem:s2] =	stream.indirect.scatter.add.f32 [tilespmem:s25], [sflag:$0x1], $0x10, s0, s24, $0xb8;
	[tilespmem:$0x8620] =	vst v63  }
0x6a: {  	s0 =	sadd.s32 $0x2890, s31  }
0x6b: {  	[spmem:s2] =	stream.indirect.scatter.add.f32 [tilespmem:s25], [sflag:$0x1], $0x10, s0, s24, $0xb8;
	[tilespmem:$0x8620] =	vst v63  }
0x6c: {  	s0 =	sadd.s32 $0x2910, s31  }
0x6d: {  	[spmem:s2] =	stream.indirect.scatter.add.f32 [tilespmem:s25], [sflag:$0x1], $0x10, s0, s24, $0xb8;
	[tilespmem:$0x8620] =	vst v63  }
0x6e: {  	s0 =	sadd.s32 $0x2990, s31  }
0x6f: {  	[spmem:s2] =	stream.indirect.scatter.add.f32 [tilespmem:s25], [sflag:$0x1], $0x10, s0, s24, $0xb8;
	[tilespmem:$0x8620] =	vst v63  }
0x70: {  	_ =	swait.ge [sflag:s23], $0x800  }
0x71: {  	[sflag:s23] =	ssyncset.done $0x0  }
0x72: {  	[sflag:s23] =	ssyncadd.s32 $0xFFFFF800  }
0x73: {  	_ =	swait.ge [sflag:s23], $0x800  }
0x74: {  	[sflag:s23] =	ssyncset.done $0x0  }
0x75: {  	[sflag:s23] =	ssyncadd.s32 $0xFFFFF800  }
0x76: {  	_ =	swait.ge [sflag:s23], $0x800  }
0x77: {  	[sflag:s23] =	ssyncset.done $0x0  }
0x78: {  	[sflag:s23] =	ssyncadd.s32 $0xFFFFF800  }
0x79: {  	_ =	swait.ge [sflag:s23], $0x800  }
0x7a: {  	[sflag:s23] =	ssyncset.done $0x0  }
0x7b: {  	[sflag:s23] =	ssyncadd.s32 $0xFFFFF800  }
.Ltmp3:
0x7c: {  	_ =	swait.ge [sflag:s23], $0x800;
	(pc) =	sbr.rel @p1 .LBB2_8-.Ltmp3, $4  }
0x7d: {  	[sflag:s23] =	ssyncset.done $0x0  }
0x7e: {  	[sflag:s23] =	ssyncadd.s32 $0xFFFFF800  }
0x7f: {  	_ =	swait.ge [sflag:s23], $0x800  }
0x80: {  	s1 =	smov.u32 s28;
	s31 =	sshra.s32 s26, $0x2;
	[sflag:s23] =	ssyncset.done $0x0  }
0x81: {  	s0 =	sadd.s32 $0x2710, s31;
	[sflag:s23] =	ssyncadd.s32 $0xFFFFF800  }
0x82: {  	[spmem:s2] =	stream.indirect.scatter.add.f32 [tilespmem:s25], [sflag:$0x1], $0x10, s0, s24, $0xb8;
	[tilespmem:$0x8620] =	vst v63  }
0x83: {  	s26 =	sadd.s32 $0x2790, s31  }
0x84: {  	[spmem:s2] =	stream.indirect.scatter.add.f32 [tilespmem:s25], [sflag:$0x1], $0x10, s26, s24, $0xb8;
	[tilespmem:$0x8620] =	vst v63  }
0x85: {  	s28 =	sadd.s32 $0x2810, s31  }
0x86: {  	[spmem:s2] =	stream.indirect.scatter.add.f32 [tilespmem:s25], [sflag:$0x1], $0x10, s28, s24, $0xb8;
	[tilespmem:$0x8620] =	vst v63  }
0x87: {  	s1 =	sadd.s32 $0x2890, s31  }
0x88: {  	[spmem:s2] =	stream.indirect.scatter.add.f32 [tilespmem:s25], [sflag:$0x1], $0x10, s1, s24, $0xb8;
	[tilespmem:$0x8620] =	vst v63  }
0x89: {  	s26 =	sadd.s32 $0x2910, s31  }
0x8a: {  	[spmem:s2] =	stream.indirect.scatter.add.f32 [tilespmem:s25], [sflag:$0x1], $0x10, s26, s24, $0xb8;
	[tilespmem:$0x8620] =	vst v63  }
0x8b: {  	s28 =	sadd.s32 $0x2990, s31  }
0x8c: {  	[spmem:s2] =	stream.indirect.scatter.add.f32 [tilespmem:s25], [sflag:$0x1], $0x10, s28, s24, $0xb8;
	[tilespmem:$0x8620] =	vst v63  }
0x8d: {  	_ =	swait.ge [sflag:s23], $0x800  }
0x8e: {  	[sflag:s23] =	ssyncset.done $0x0  }
0x8f: {  	[sflag:s23] =	ssyncadd.s32 $0xFFFFF800  }
0x90: {  	_ =	swait.ge [sflag:s23], $0x800  }
0x91: {  	[sflag:s23] =	ssyncset.done $0x0  }
0x92: {  	[sflag:s23] =	ssyncadd.s32 $0xFFFFF800  }
0x93: {  	_ =	swait.ge [sflag:s23], $0x800  }
0x94: {  	[sflag:s23] =	ssyncset.done $0x0  }
0x95: {  	[sflag:s23] =	ssyncadd.s32 $0xFFFFF800  }
0x96: {  	_ =	swait.ge [sflag:s23], $0x800  }
0x97: {  	[sflag:s23] =	ssyncset.done $0x0  }
0x98: {  	[sflag:s23] =	ssyncadd.s32 $0xFFFFF800  }
0x99: {  	_ =	swait.ge [sflag:s23], $0x800  }
0x9a: {  	[sflag:s23] =	ssyncset.done $0x0  }
0x9b: {  	[sflag:s23] =	ssyncadd.s32 $0xFFFFF800  }
0x9c: {  	_ =	swait.ge [sflag:s23], $0x800  }
0x9d: {  	[sflag:s23] =	ssyncset.done $0x0  }
0x9e: {  	s31 =	simm.s32 $0x10;
	s1 =	simm.s32 $0x4E10;
	[sflag:s23] =	ssyncadd.s32 $0xFFFFF800  }
0x9f: {  	[spmem:s2] =	stream.indirect.scatter.add.f32 [tilespmem:s25], [sflag:$0x2], $0x10, s1, s31, $0xb8;
	[tilespmem:$0x8620] =	vst v63  }
0xa0: {  	_ =	swait.ge [sflag:s22], $0x100  }
0xa1: {  	[sflag:s22] =	ssyncset.done $0x0  }
0xa2: {  	[sflag:s22] =	ssyncadd.s32 $0xFFFFFF00  }
0xa3: {  	[bflag:$0x0] =	sbarrier.arrive $0xFFFF  }
0xa4: {  	[tilespmem:s21], [sflag:$0x3] =	stream.linear.gather [spmem:s11], $0x800, $0x38;
	[tilespmem:$0x8620] =	vst v63  }
0xa5: {  	_ =	swait.ge [sflag:s29], $0x800  }
0xa6: {  	s0 =	simm.s32 $0x3;
	[sflag:s29] =	ssyncset.done $0x0  }
0xa7: {  	s0 =	simm.s32 @!p0 $0x2;
	[sflag:s29] =	ssyncadd.s32 $0xFFFFF800  }
0xa8: {  	[hbm4b:s16+s3] =	stream.linear.scatter [tilespmem:s21], [sflag:s0], $0x800, $0x38;
	[tilespmem:$0x8620] =	vst v63  }
0xa9: {  	_ =	swait.ge [sflag:s0], $0x800  }
0xaa: {  	[sflag:s0] =	ssyncset.done $0x0  }
0xab: {  	[sflag:s0] =	ssyncadd.s32 $0xFFFFF800  }
0xac: {  	[tilespmem:s21], [sflag:$0x3] =	stream.linear.gather [spmem:s12], $0x800, $0x38;
	[tilespmem:$0x8620] =	vst v63  }
0xad: {  	_ =	swait.ge [sflag:s29], $0x800  }
0xae: {  	[sflag:s29] =	ssyncset.done $0x0  }
0xaf: {  	[sflag:s29] =	ssyncadd.s32 $0xFFFFF800  }
0xb0: {  	[hbm4b:s17+s3] =	stream.linear.scatter [tilespmem:s21], [sflag:s0], $0x800, $0x38;
	[tilespmem:$0x8620] =	vst v63  }
0xb1: {  	_ =	swait.ge [sflag:s0], $0x800  }
0xb2: {  	[sflag:s0] =	ssyncset.done $0x0  }
0xb3: {  	[sflag:s0] =	ssyncadd.s32 $0xFFFFF800  }
0xb4: {  	[tilespmem:s21], [sflag:$0x3] =	stream.linear.gather [spmem:s13], $0x800, $0x38;
	[tilespmem:$0x8620] =	vst v63  }
0xb5: {  	_ =	swait.ge [sflag:s29], $0x800  }
0xb6: {  	[sflag:s29] =	ssyncset.done $0x0  }
0xb7: {  	[sflag:s29] =	ssyncadd.s32 $0xFFFFF800  }
0xb8: {  	[hbm4b:s18+s3] =	stream.linear.scatter [tilespmem:s21], [sflag:s0], $0x800, $0x38;
	[tilespmem:$0x8620] =	vst v63  }
0xb9: {  	_ =	swait.ge [sflag:s0], $0x800  }
0xba: {  	[sflag:s0] =	ssyncset.done $0x0  }
0xbb: {  	[sflag:s0] =	ssyncadd.s32 $0xFFFFF800  }
0xbc: {  	[tilespmem:s21], [sflag:$0x3] =	stream.linear.gather [spmem:s14], $0x800, $0x38;
	[tilespmem:$0x8620] =	vst v63  }
0xbd: {  	_ =	swait.ge [sflag:s29], $0x800  }
0xbe: {  	[sflag:s29] =	ssyncset.done $0x0  }
0xbf: {  	[sflag:s29] =	ssyncadd.s32 $0xFFFFF800  }
0xc0: {  	[hbm4b:s19+s3] =	stream.linear.scatter [tilespmem:s21], [sflag:s0], $0x800, $0x38;
	[tilespmem:$0x8620] =	vst v63  }
0xc1: {  	_ =	swait.ge [sflag:s0], $0x800  }
0xc2: {  	[sflag:s0] =	ssyncset.done $0x0  }
0xc3: {  	[sflag:s0] =	ssyncadd.s32 $0xFFFFF800  }
0xc4: {  	[tilespmem:s21], [sflag:$0x3] =	stream.linear.gather [spmem:s15], $0x800, $0x38;
	[tilespmem:$0x8620] =	vst v63  }
0xc5: {  	s30 =	sadd.s32 $0x1, s30;
	_ =	swait.ge [sflag:s29], $0x800  }
0xc6: {  	p1 =	sne.s32 s30, s6;
	[sflag:s29] =	ssyncset.done $0x0  }
.Ltmp4:
0xc7: {  	[sflag:s29] =	ssyncadd.s32 $0xFFFFF800;
	(pc) =	sbr.rel @p1 .LBB2_1-.Ltmp4, $4  }
0xc8: {  	[hbm4b:s20+s3] =	stream.linear.scatter [tilespmem:s21], [sflag:s0], $0x800, $0x38;
	[tilespmem:$0x8620] =	vst v63  }
0xc9: {  	_ =	swait.ge [sflag:s0], $0x800  }
0xca: {  	[sflag:s0] =	ssyncset.done $0x0  }
0xcb: {  	[sflag:s0] =	ssyncadd.s32 $0xFFFFF800  }
0xcc: {  	_ =	sfence.sel $0x180000  }
0xcd: {  	[bflag:$0x0] =	sbarrier.arrive $0xFFFF  }
0xce: {  	_ =	strace $0x90000047  }
0xcf: {  	s0 =	stileid.u32;
	[bflag:$0x2] =	sbarrier.arrive $0xFFFF  }
0xd0: {  	p0 =	sne.s32 s0, $0x0;
	s0 =	rddreg [dreg:$0x2]  }
0xd1: {  	s0 =	sadd.s32 @!p0 $0x100000, s0  }
0xd2: {  	[sflag:s0] =	ssyncadd.tile.s32 @!p0 $0x1;
	_ =	shalt  }
.Lfunc_end2:
_tile_overlayer_lowered:
.L_overlay_start_2:
0xd3: {  	(tag) =	ssettag $0x2  }
0xd4: {  	s0 =	rddreg [dreg:$0x0];
	s2 =	stileid.u32  }
0xd5: {  	s1 =	rddreg [dreg:$0x1];
	p0 =	sne.s32 s2, $0x0  }
0xd6: {  	s3 =	rddreg [dreg:$0x2];
	[bflag:$0x3] =	sbarrier.arrive $0xFFFF;
	s2 =	simm.s32 @!p0 $0x1C02  }
0xd7: {  	[timem:s3], [sflag:s2] =	dma.local @!p0 [hbm:s0], s1  }
0xd8: {  	s0 =	simm.s32 @!p0 $0x2  }
0xd9: {  	_ =	swait.ge @!p0 [sflag:s0], s1  }
0xda: {  	s1 =	ssub.s32 @!p0 $0x0, s1;
	[sflag:s0] =	ssyncset.done @!p0 $0x0  }
0xdb: {  	[sflag:s0] =	ssyncadd.s32 @!p0 s1  }
0xdc: {  	[bflag:$0x3] =	sbarrier.arrive $0xFFFF  }
0xdd: {  	_ =	shalt  }

// kernel: kernel.13.cloned.1.call-start
scs
__scs_entry_jumppad:
0x0: {  	(pc) =	sbr.rel $0x88, $3  }
0x1: {  	(tag) =	ssettag $0x0;
	lr =	simm.s32 $0x1  }
0x2: {  	[smem:$0x3F98] =	sst lr;
	_ =	strace $0xD0000000  }
0x3: {  	_ = 	snop  }
0x4: {  	_ = 	snop  }
0x5: {  	_ = 	snop  }
0x6: {  	_ = 	snop  }
0x7: {  	_ = 	snop  }
__scs_overlays_trampoline_lowered:
0x8: {  	[smem:$0x3FA7] =	sst s0  }
0x9: {  	[smem:$0x3FA8] =	sst s1  }
0xa: {  	[smem:$0x3FA9] =	sst s2  }
0xb: {  	[smem:$0x3FAA] =	sst s3  }
0xc: {  	[smem:$0x3FAB] =	sst s4  }
0xd: {  	[smem:$0x3FAC] =	sst s5  }
0xe: {  	[smem:$0x3FAD] =	sst s6  }
0xf: {  	[smem:$0x3FAE] =	sst s7  }
0x10: {  	[smem:$0x3FAF] =	sst s8  }
0x11: {  	[smem:$0x3FB0] =	sst s9;
	s0 =	simm.s32 @!p0 $0x0  }
0x12: {  	s1 =	sld [smem:$0x3F96];
	s0 =	simm.s32 @p0 $0x1  }
0x13: {  	[smem:$0x3FB1] =	sst s0;
	s0 =	simm.s32 @!p1 $0x0  }
0x14: {  	s2 =	sld [smem:$0x3F95];
	s0 =	simm.s32 @p1 $0x1  }
0x15: {  	[smem:$0x3FB2] =	sst s0;
	s0 =	simm.s32 @!p2 $0x0  }
0x16: {  	s3 =	sld [smem:$0x3FDB];
	s0 =	simm.s32 @p2 $0x1  }
0x17: {  	s4 =	simm.s32 $0x1BF5;
	[smem:$0x3FB4] =	sst s0  }
0x18: {  	s0 =	sld [smem:$0x3F97];
	_ =	swait.ge [sflag:s4], $0x0  }
0x19: {  	s7 =	sld [smem:$0x3F98]  }
0x1a: {  	s8 =	sadd.s32 $0xFFFFE003, lr  }
0x1b: {  	s9 =	sadd.s32 $0xFFFFFEF7, lr;
	s5 =	simm.s32 $0xFFFFFFFF;
	p2 =	slt.u32 s8, $0xFFFFF086  }
0x1c: {  	p1 =	slt.u32 s9, $0xF7A;
	s5 =	simm.s32 @!p2 $0x0  }
0x1d: {  	s5 =	simm.s32 @p1 $0x1;
	p0 =	seq.s32 s7, s2  }
0x1e: {  	s7 =	smul.u32 @!p0 $0xF7A, s2;
	p2 =	seq.s32 @!p0 s5, $0x0  }
0x1f: {  	s9 =	smul.u32 $0xF7A, s1;
	s8 =	simm.s32 @!p0 $0x1BF5;
	p2 =	por !p2, p0  }
0x20: {  	[sflag:s8] =	ssyncset.s32 @!p0 $0xFFFFF086;
	s6 =	sadd.s32 @!p0 s3, s7;
	s7 =	simm.s32 @!p0 $0x108  }
0x21: {  	s3 =	sadd.s32 s3, s9;
	s6 =	sadd.s32 @!p0 $0x88, s6;
	s7 =	simm.s32 @p2 $0x1082  }
0x22: {  	[simem:s7], [sflag:s8] =	dma.local @!p0 [hbm:s6], $0xF7A  }
0x23: {  	s9 =	sor.u32 $0xD0000000, s2;
	s6 =	simm.s32 $0x108;
	_ =	swait.ge @!p0 [sflag:s8], $0x0  }
0x24: {  	s3 =	sadd.s32 $0x88, s3;
	s6 =	simm.s32 @!p1 $0x1082;
	[sflag:s4] =	ssyncset.s32 $0xFFFFF086  }
0x25: {  	[simem:s6], [sflag:s4] =	dma.local [hbm:s3], $0xF7A  }
0x26: {  	[smem:$0x3F98] =	sst s1;
	(tag) =	ssettag s2;
	_ =	strace s9  }
0x27: {  	s1 =	sld [smem:$0x3FA8]  }
0x28: {  	s2 =	sld [smem:$0x3FA9]  }
0x29: {  	s4 =	sld [smem:$0x3FAB]  }
0x2a: {  	p0 =	seq.s32 s5, $0x0;
	s5 =	sld [smem:$0x3FAC]  }
0x2b: {  	s6 =	sld [smem:$0x3FAD]  }
0x2c: {  	s7 =	sld [smem:$0x3FAE]  }
0x2d: {  	s3 =	simm.s32 $0x108;
	s8 =	sld [smem:$0x3FAF]  }
0x2e: {  	s3 =	simm.s32 @!p0 $0x1082;
	s9 =	sld [smem:$0x3FB0]  }
0x2f: {  	lr =	sadd.s32 s0, s3;
	s0 =	sld [smem:$0x3FA7]  }
0x30: {  	s3 =	sld [smem:$0x3FAA]  }
0x31: {  	[smem:$0x3FB3] =	sst s10  }
0x32: {  	s10 =	sld [smem:$0x3FB1];
	_ =	sdelay $0x3  }
0x33: {  	p0 =	seq.s32 s10, $0x1;
	s10 =	sld [smem:$0x3FB3];
	_ =	sdelay $0x3  }
0x34: {  	[smem:$0x3FB3] =	sst s10  }
0x35: {  	s10 =	sld [smem:$0x3FB2];
	_ =	sdelay $0x3  }
0x36: {  	p1 =	seq.s32 s10, $0x1;
	s10 =	sld [smem:$0x3FB3];
	_ =	sdelay $0x3  }
0x37: {  	[smem:$0x3FB3] =	sst s10  }
0x38: {  	s10 =	sld [smem:$0x3FB4]  }
0x39: {  	_ = 	snop;
	(pc) =	sbr.ind lr, $3  }
0x3a: {  	_ = 	snop  }
0x3b: {  	_ = 	snop  }
0x3c: {  	p2 =	seq.s32 s10, $0x1;
	s10 =	sld [smem:$0x3FB3]  }
0x3d: {  	_ =	shalt  }
0x3e: {  	_ =	shalt  }
0x3f: {  	_ =	shalt  }
0x40: {  	_ =	shalt  }
0x41: {  	_ =	shalt  }
0x42: {  	_ =	shalt  }
0x43: {  	_ =	shalt  }
0x44: {  	_ =	shalt  }
0x45: {  	_ =	shalt  }
0x46: {  	_ =	shalt  }
0x47: {  	_ =	shalt  }
0x48: {  	_ =	shalt  }
0x49: {  	_ =	shalt  }
0x4a: {  	_ =	shalt  }
0x4b: {  	_ =	shalt  }
0x4c: {  	_ =	shalt  }
0x4d: {  	_ =	shalt  }
0x4e: {  	_ =	shalt  }
0x4f: {  	_ =	shalt  }
0x50: {  	_ =	shalt  }
0x51: {  	_ =	shalt  }
0x52: {  	_ =	shalt  }
0x53: {  	_ =	shalt  }
0x54: {  	_ =	shalt  }
0x55: {  	_ =	shalt  }
0x56: {  	_ =	shalt  }
0x57: {  	_ =	shalt  }
0x58: {  	_ =	shalt  }
0x59: {  	_ =	shalt  }
0x5a: {  	_ =	shalt  }
0x5b: {  	_ =	shalt  }
0x5c: {  	_ =	shalt  }
0x5d: {  	_ =	shalt  }
0x5e: {  	_ =	shalt  }
0x5f: {  	_ =	shalt  }
0x60: {  	_ =	shalt  }
0x61: {  	_ =	shalt  }
0x62: {  	_ =	shalt  }
0x63: {  	_ =	shalt  }
0x64: {  	_ =	shalt  }
0x65: {  	_ =	shalt  }
0x66: {  	_ =	shalt  }
0x67: {  	_ =	shalt  }
0x68: {  	_ =	shalt  }
0x69: {  	_ =	shalt  }
0x6a: {  	_ =	shalt  }
0x6b: {  	_ =	shalt  }
0x6c: {  	_ =	shalt  }
0x6d: {  	_ =	shalt  }
0x6e: {  	_ =	shalt  }
0x6f: {  	_ =	shalt  }
0x70: {  	_ =	shalt  }
0x71: {  	_ =	shalt  }
0x72: {  	_ =	shalt  }
0x73: {  	_ =	shalt  }
0x74: {  	_ =	shalt  }
0x75: {  	_ =	shalt  }
0x76: {  	_ =	shalt  }
0x77: {  	_ =	shalt  }
0x78: {  	_ =	shalt  }
0x79: {  	_ =	shalt  }
0x7a: {  	_ =	shalt  }
0x7b: {  	_ =	shalt  }
0x7c: {  	_ =	shalt  }
0x7d: {  	_ =	shalt  }
0x7e: {  	_ =	shalt  }
0x7f: {  	_ =	shalt  }
0x80: {  	_ =	shalt  }
0x81: {  	_ =	shalt  }
0x82: {  	_ =	shalt  }
0x83: {  	_ =	shalt  }
0x84: {  	_ =	shalt  }
0x85: {  	_ =	shalt  }
0x86: {  	_ =	shalt  }
0x87: {  	_ =	shalt  }
.Lfunc_end0:
.L_simem_size_0:
called_computation.1_lowered:
.L_overlay_start_0:
0x88: {  	s2 =	sld [smem:$0x3FD9]  }
0x89: {  	s3 =	sld [smem:$0x3FFE];
	_ =	sdelay $0x1  }
0x8a: {  	s1 =	srdreg.scid  }
0x8b: {  	s0 =	sand.u32 $0x1, s1  }
0x8c: {  	s16 =	sshll.u32 s0, $0xA;
	s2 =	sadd.s32 s3, s2  }
0x8d: {  	s2 =	sadd.s32 s2, s16  }
0x8e: {  	[smem:$0x3FBF] =	sst s2  }
0x8f: {  	_ = 	snop  }
0x90: {  	(tm) =	ssettm $0x1  }
0x91: {  	s17 =	sld [smem:$0x3FFB];
	_ =	sdelay $0x3  }
0x92: {  	_ =	strace s17  }
0x93: {  	s2 =	sld [smem:$0x3FFC];
	_ =	sdelay $0x3  }
0x94: {  	_ =	strace s2  }
0x95: {  	s2 =	sld [smem:$0x3FFD];
	_ =	sdelay $0x3  }
0x96: {  	_ =	strace s2  }
0x97: {  	_ =	strace $0x8FFFFFFF  }
0x98: {  	s18 =	sld [smem:$0x3FDB];
	_ =	sdelay $0x1  }
0x99: {  	s19 =	simm.s32 $_scs_section_size  }
0x9a: {  	s4 =	simm.s32 $_size__tile_overlayer_lowered;
	s5 =	simm.s32 $_tile_overlayer_lowered  }
0x9b: {  	s22 =	simm.s32 $0x1BFF;
	s21 =	sshll.u32 s5, $0x1;
	s2 =	sadd.s32 s19, s18  }
0x9c: {  	s6 =	simm.s32 $0x0;
	s20 =	sshll.u32 s4, $0x1;
	s4 =	sadd.s32 s21, s2  }
0x9d: {  	[timem:s6], [sflag:s22] =	dma.local [hbm:s4], s20  }
0x9e: {  	_ =	swait.ge [sflag:s22], s20  }
0x9f: {  	s3 =	ssub.s32 $0x0, s20;
	[sflag:s22] =	ssyncset.done $0x0  }
0xa0: {  	[sflag:s22] =	ssyncadd.s32 s3;
	_ =	sdelay $0x1  }
0xa1: {  	s23 =	simm.s32 $0x1B8B  }
0xa2: {  	_ =	swait.ge [sflag:s23], $0x1  }
0xa3: {  	[sflag:s23] =	ssyncset.done $0x0  }
0xa4: {  	s25 =	simm.s32 $0x1B8E;
	s24 =	sld [smem:$0x3FFE];
	[sflag:s23] =	ssyncadd.s32 $0xFFFFFFFF  }
0xa5: {  	s26 =	simm.s32 $execute0_lowered;
	[smem:$0x3FD2] =	sst s25  }
0xa6: {  	s4 =	sshll.u32 s26, $0x1;
	_ =	strace $0x80000049;
	[dreg:$0x1] =	wrdreg $0xFFFFFFFF  }
0xa7: {  	s28 =	simm.s32 $_size_execute0_lowered;
	s2 =	sadd.s32 s2, s4;
	[dreg:$0x0] =	wrdreg $0x0  }
0xa8: {  	s4 =	sshll.u32 s28, $0x1;
	[dreg:$0x2] =	wrdreg s2  }
0xa9: {  	[dreg:$0x3] =	wrdreg s4  }
0xaa: {  	[dreg:$0x4] =	wrdreg $0xC0  }
0xab: {  	_ =	task [dreg:s6], $0x5FFFF  }
0xac: {  	[dreg:$0x1] =	wrdreg $0xFFFFFFFF  }
0xad: {  	[dreg:$0x0] =	wrdreg $0x60  }
0xae: {  	[dreg:$0x2] =	wrdreg s24  }
0xaf: {  	[dreg:$0x3] =	wrdreg $0x155300  }
0xb0: {  	[dreg:$0x4] =	wrdreg $0x9  }
0xb1: {  	_ =	task.clear_ibuf [dreg:s6], $0x5FFFF;
	_ =	strace $0x90000049  }
0xb2: {  	s29 =	simm.s32 $0x9;
	_ =	strace $0x8000004B  }
0xb3: {  	_ =	swait.ge [sflag:s29], $0x1  }
0xb4: {  	[sflag:s29] =	ssyncadd.s32 $0xFFFFFFFF  }
0xb5: {  	_ =	strace $0x9000004B  }
0xb6: {  	_ =	sfence  }
0xb7: {  	s30 =	sld [smem:$0x0];
	_ =	sdelay $0x2  }
0xb8: {  	s31 =	sshll.u32 s1, $0xD;
	s1 =	sshrl.u32 s1, $0x2  }
0xb9: {  	s3 =	sand.u32 $0x4000, s31;
	s1 =	sadd.s32 s1, s30  }
0xba: {  	s0 =	sor.u32 s3, s0;
	s1 =	sshll.u32 s1, $0x11  }
0xbb: {  	s0 =	sor.u32 s1, s0  }
0xbc: {  	s0 =	sadd.s32 $0x8F2B, s0  }
0xbd: {  	[sflag:s0] =	ssyncadd.remote.s32 $0x1  }
0xbe: {  	_ =	sfence.sel $0xFFFF  }
0xbf: {  	[dreg:$0x0] =	wrdreg $0xFFFFFFFF;
	(pc) =	sbr.abs _section_cstart, $3  }
0xc0: {  	[dreg:$0x1] =	wrdreg $0xFFFFFFFF  }
0xc1: {  	_ =	task.clear_ibuf [dreg:s6], $0x2FFFF;
	_ =	strace $0x9FFFFFFF  }
0xc2: {  	(tm) =	ssettm $0x7FFFFFFF  }
0xc3: {  	_ =	shalt  }
tec
execute0_lowered:
.L_overlay_start_1:
0x0: {  	(tag) =	ssettag $0x1  }
0x1: {  	s0 =	srdreg.scid;
	s1 =	rddreg [dreg:$0x0]  }
0x2: {  	s2 =	rddreg [dreg:$0x1];
	s9 =	stileid.u32;
	s3 =	simm.s32 $0x0  }
0x3: {  	s10 =	simm.s32 $0xC1800;
	s28 =	simm.s32 $0x2;
	s29 =	simm.s32 $0x80  }
0x4: {  	s30 =	simm.s32 $0x7530;
	s31 =	simm.s32 $0x9530;
	s6 =	smul.u32 $0x28000, s9  }
0x5: {  	s0 =	sand.u32 $0x1, s0;
	[smem:$0x7FF] =	sst s3;
	s13 =	smul.u32 $0xA000, s9  }
0x6: {  	s4 =	sshll.u32 s0, $0x4;
	_ =	strace $0x8000004A;
	s5 =	ssub.s32 $0x2, s0  }
0x7: {  	p0 =	seq.s32 s0, $0x0;
	s4 =	sor.u32 s9, s4;
	s8 =	sshrl.u32 s5, $0x1  }
0x8: {  	s6 =	sshrl.u32 s6, $0x2;
	s19 =	sadd.s32 s13, s2;
	s20 =	sshrl.u32 s13, $0x3  }
0x9: {  	s21 =	sadd.s32 $0x2000, s13;
	s23 =	sadd.s32 $0x4000, s13;
	s25 =	sadd.s32 $0x6000, s13  }
0xa: {  	s10 =	simm.s32 @!p0 $0xAD800;
	s4 =	smul.u32 $0x2710, s4;
	s5 =	ssub.s32 s5, s8  }
0xb: {  	[dreg:$0xa] =	wrdreg s19;
	s22 =	sadd.s32 s21, s2;
	s24 =	sadd.s32 s23, s2  }
0xc: {  	s8 =	sshrl.u32 s23, $0x3;
	s11 =	sadd.s32 s25, s2;
	s9 =	sshrl.u32 s25, $0x3  }
0xd: {  	s25 =	simm.s32 $0x8;
	s23 =	simm.s32 $0xF530;
	[dreg:$0xb] =	wrdreg s22  }
0xe: {  	s14 =	smax.u32 s5, $0x1;
	s5 =	sshrl.u32 s21, $0x3;
	[dreg:$0xc] =	wrdreg s24  }
0xf: {  	[dreg:$0xd] =	wrdreg s11;
	s24 =	simm.s32 $0x13530;
	s11 =	simm.s32 $0x7  }
0x10: {  	s4 =	sshrl.u32 s4, $0x3;
	[dreg:$0x5] =	wrdreg s14;
	s14 =	simm.s32 $0x0  }
0x11: {  	s7 =	sadd.s32 s4, s1;
	s4 =	sadd.s32 $0x99800, s1;
	s1 =	sadd.s32 s10, s1  }
0x12: {  	s10 =	simm.s32 $0x6;
	s12 =	sadd.s32 $0x3E00, s7;
	s7 =	sadd.s32 $0xDA40, s7  }
0x13: {  	s0 =	sadd.s32 s1, s20;
	s19 =	sadd.s32 s1, s5;
	s20 =	sadd.s32 s1, s8  }
0x14: {  	s21 =	sadd.s32 s1, s9;
	s5 =	simm.s32 $0x11530;
	[dreg:$0x3] =	wrdreg s12  }
0x15: {  	s8 =	simm.s32 $0x4;
	[dreg:$0x4] =	wrdreg s7;
	s7 =	sadd.s32 s6, s2  }
0x16: {  	s9 =	simm.s32 $0x5;
	[dreg:$0xf] =	wrdreg s0;
	s15 =	sadd.s32 $0x2000, s7  }
0x17: {  	s6 =	sadd.s32 $0x8000, s13;
	s16 =	sadd.s32 $0x4000, s7;
	[dreg:$0x6] =	wrdreg s15  }
0x18: {  	s0 =	simm.s32 $0xD530;
	s17 =	sadd.s32 $0x6000, s7;
	[dreg:$0x7] =	wrdreg s16  }
0x19: {  	s12 =	simm.s32 $0x10;
	s18 =	sadd.s32 $0x8000, s7;
	[dreg:$0x8] =	wrdreg s17  }
0x1a: {  	s26 =	sadd.s32 s6, s2;
	s6 =	sshrl.u32 s6, $0x3;
	[dreg:$0x9] =	wrdreg s18  }
0x1b: {  	s13 =	simm.s32 $0x9;
	[dreg:$0xe] =	wrdreg s26;
	s22 =	sadd.s32 s1, s6  }
0x1c: {  	v0 =	vimm.f32 $0.0e+00;
	s26 =	simm.s32 $0x1;
	s1 =	simm.s32 $0xB530;
	s6 =	simm.s32 $0x3  }
.LBB2_1:
0x1d: {  	s15 =	rddreg [dreg:$0x3]  }
0x1e: {  	[tilespmem:s3], [sflag:$0x1] =	stream.linear.gather [hbm4b:s15+s3], $0x2710, $0x38;
	[tilespmem:$0x1F530] =	vst v63  }
0x1f: {  	s18 =	rddreg [dreg:$0x4];
	s16 =	simm.s32 $0x2710  }
0x20: {  	[tilespmem:s16], [sflag:$0x2] =	stream.linear.gather [hbm4b:s18+s3], $0x2710, $0x38;
	[tilespmem:$0x1F530] =	vst v63  }
0x21: {  	s15 =	simm.s32 $0x0;
	s16 =	simm.s32 $0x100  }
.LBB2_2:
0x22: {  	p1 =	sne.s32 s16, $0x7F00;
	[tilespmem:s15+$0x13560] =	vst v0;
	s17 =	smov.u32 s16;
	s16 =	sadd.s32 $0x100, s16  }
.Ltmp0:
0x23: {  	[tilespmem:s15+$0x13550] =	vst v0;
	(pc) =	sbr.rel @p1 .LBB2_2-.Ltmp0, $3  }
0x24: {  	[tilespmem:s15+$0x13530] =	vst v0  }
0x25: {  	[tilespmem:s15+$0x13540] =	vst v0;
	_ =	sdelay $0x1  }
0x26: {  	s15 =	sshra.s32 s17, $0x2  }
0x27: {  	[tilespmem:s15+$0x13560] =	vst v0  }
0x28: {  	[tilespmem:s15+$0x13550] =	vst v0  }
0x29: {  	[tilespmem:s15+$0x13530] =	vst v0  }
0x2a: {  	[tilespmem:s15+$0x13540] =	vst v0  }
0x2b: {  	[spmem:s7] =	stream.linear.scatter [tilespmem:s24], [sflag:$0x8], $0x2000, $0x38;
	[tilespmem:$0x1F530] =	vst v63  }
0x2c: {  	_ =	swait.ge [sflag:s25], $0x2000  }
0x2d: {  	[sflag:s25] =	ssyncset.done $0x0  }
0x2e: {  	s17 =	rddreg [dreg:$0x6];
	[sflag:s25] =	ssyncadd.s32 $0xFFFFE000  }
0x2f: {  	[spmem:s17] =	stream.linear.scatter [tilespmem:s24], [sflag:$0x8], $0x2000, $0x38;
	[tilespmem:$0x1F530] =	vst v63  }
0x30: {  	_ =	swait.ge [sflag:s25], $0x2000  }
0x31: {  	[sflag:s25] =	ssyncset.done $0x0  }
0x32: {  	s18 =	rddreg [dreg:$0x7];
	[sflag:s25] =	ssyncadd.s32 $0xFFFFE000  }
0x33: {  	[spmem:s18] =	stream.linear.scatter [tilespmem:s24], [sflag:$0x8], $0x2000, $0x38;
	[tilespmem:$0x1F530] =	vst v63  }
0x34: {  	_ =	swait.ge [sflag:s25], $0x2000  }
0x35: {  	[sflag:s25] =	ssyncset.done $0x0  }
0x36: {  	s16 =	rddreg [dreg:$0x8];
	[sflag:s25] =	ssyncadd.s32 $0xFFFFE000  }
0x37: {  	[spmem:s16] =	stream.linear.scatter [tilespmem:s24], [sflag:$0x8], $0x2000, $0x38;
	[tilespmem:$0x1F530] =	vst v63  }
0x38: {  	_ =	swait.ge [sflag:s25], $0x2000  }
0x39: {  	[sflag:s25] =	ssyncset.done $0x0  }
0x3a: {  	s17 =	rddreg [dreg:$0x9];
	[sflag:s25] =	ssyncadd.s32 $0xFFFFE000  }
0x3b: {  	[spmem:s17] =	stream.linear.scatter [tilespmem:s24], [sflag:$0x8], $0x2000, $0x38;
	[tilespmem:$0x1F530] =	vst v63  }
0x3c: {  	_ =	swait.ge [sflag:s25], $0x2000  }
0x3d: {  	[sflag:s25] =	ssyncset.done $0x0  }
0x3e: {  	[sflag:s25] =	ssyncadd.s32 $0xFFFFE000  }
0x3f: {  	_ =	swait.ge [sflag:s26], $0x2710  }
0x40: {  	[sflag:s26] =	ssyncset.done $0x0  }
0x41: {  	[sflag:s26] =	ssyncadd.s32 $0xFFFFD8F0  }
0x42: {  	_ =	swait.ge [sflag:s28], $0x2710  }
0x43: {  	[sflag:s28] =	ssyncset.done $0x0  }
0x44: {  	s17 =	simm.s32 $0x0;
	[sflag:s28] =	ssyncadd.s32 $0xFFFFD8F0  }
0x45: {  	s18 =	simm.s32 $0x0;
	v1 =	vld [tilespmem:s17+$0x2710]  }
0x46: {  	s16 =	sand.u32 $0xFE00, s18  }
0x47: {  	s18 =	sand.u32 $0x70, s18;
	s16 =	sshrl.u32 s16, $0x2  }
0x48: {  	s15 =	simm.s32 $0x10;
	s17 =	sor.u32 s18, s16;
	s16 =	simm.s32 $0x40  }
.LBB2_4:
0x49: {  	s18 =	sshra.s32 s16, $0x2  }
0x4a: {  	p1 =	sne.s32 s15, $0x26F0;
	[tilespmem:s17+$0x4E20] =	vst v1;
	s17 =	smov.u32 s15;
	s15 =	sadd.s32 $0x10, s15  }
.Ltmp1:
0x4b: {  	v1 =	vld [tilespmem:s18+$0x2710];
	(pc) =	sbr.rel @p1 .LBB2_4-.Ltmp1, $4  }
0x4c: {  	_ = 	snop  }
0x4d: {  	s18 =	sand.u32 $0xFE00, s16  }
0x4e: {  	s17 =	sand.u32 $0x70, s17;
	s18 =	sshrl.u32 s18, $0x2  }
0x4f: {  	s16 =	sadd.s32 $0x40, s16;
	s17 =	sor.u32 s17, s18  }
0x50: {  	[tilespmem:s17+$0x4E20] =	vst v1  }
0x51: {  	v1 =	vld [tilespmem:$0x4E10];
	_ =	sdelay $0x4  }
0x52: {  	[tilespmem:$0x7520] =	vst v1  }
0x53: {  	s15 =	simm.s32 $0x0;
	[bflag:$0x0] =	sbarrier.arrive $0xFFFF  }
0x54: {  	[tilespmem:s30], [sflag:$0x1] =	stream.indirect.gather [hbm4b:s4+s29], $0x40, s15, s29, $0xb8;
	[tilespmem:$0x1F530] =	vst v63  }
0x55: {  	_ = 	snop  }
0x56: {  	[tilespmem:s31], [sflag:$0x2] =	stream.indirect.gather [hbm4b:s4+s29], $0x40, s29, s29, $0xb8;
	[tilespmem:$0x1F530] =	vst v63  }
0x57: {  	s16 =	simm.s32 $0x100  }
0x58: {  	[tilespmem:s1], [sflag:$0x3] =	stream.indirect.gather [hbm4b:s4+s29], $0x40, s16, s29, $0xb8;
	[tilespmem:$0x1F530] =	vst v63  }
0x59: {  	s17 =	simm.s32 $0x180  }
0x5a: {  	[tilespmem:s0], [sflag:$0x4] =	stream.indirect.gather [hbm4b:s4+s29], $0x40, s17, s29, $0xb8;
	[tilespmem:$0x1F530] =	vst v63  }
0x5b: {  	s18 =	simm.s32 $0x200  }
0x5c: {  	[tilespmem:s23], [sflag:$0x5] =	stream.indirect.gather [hbm4b:s4+s29], $0x40, s18, s29, $0xb8;
	[tilespmem:$0x1F530] =	vst v63  }
0x5d: {  	s16 =	simm.s32 $0x280  }
0x5e: {  	[tilespmem:s5], [sflag:$0x6] =	stream.indirect.gather [hbm4b:s4+s29], $0x40, s16, s29, $0xb8;
	[tilespmem:$0x1F530] =	vst v63  }
0x5f: {  	_ =	swait.ge [sflag:s26], $0x2000  }
0x60: {  	[sflag:s26] =	ssyncset.done $0x0  }
0x61: {  	s17 =	simm.s32 $0x4E20;
	[sflag:s26] =	ssyncadd.s32 $0xFFFFE000  }
0x62: {  	[spmem:s2] =	stream.indirect.scatter.add.f32 [tilespmem:s30], [sflag:$0x7], $0x40, s17, s29, $0xb8;
	[tilespmem:$0x1F530] =	vst v63  }
0x63: {  	_ =	swait.ge [sflag:s28], $0x2000  }
0x64: {  	[sflag:s28] =	ssyncset.done $0x0  }
0x65: {  	s18 =	simm.s32 $0x4EA0;
	[sflag:s28] =	ssyncadd.s32 $0xFFFFE000  }
0x66: {  	[spmem:s2] =	stream.indirect.scatter.add.f32 [tilespmem:s31], [sflag:$0x7], $0x40, s18, s29, $0xb8;
	[tilespmem:$0x1F530] =	vst v63  }
0x67: {  	_ =	swait.ge [sflag:s6], $0x2000  }
0x68: {  	[sflag:s6] =	ssyncset.done $0x0  }
0x69: {  	s16 =	simm.s32 $0x4F20;
	[sflag:s6] =	ssyncadd.s32 $0xFFFFE000  }
0x6a: {  	[spmem:s2] =	stream.indirect.scatter.add.f32 [tilespmem:s1], [sflag:$0x7], $0x40, s16, s29, $0xb8;
	[tilespmem:$0x1F530] =	vst v63  }
0x6b: {  	_ =	swait.ge [sflag:s8], $0x2000  }
0x6c: {  	[sflag:s8] =	ssyncset.done $0x0  }
0x6d: {  	s17 =	simm.s32 $0x4FA0;
	[sflag:s8] =	ssyncadd.s32 $0xFFFFE000  }
0x6e: {  	[spmem:s2] =	stream.indirect.scatter.add.f32 [tilespmem:s0], [sflag:$0x7], $0x40, s17, s29, $0xb8;
	[tilespmem:$0x1F530] =	vst v63  }
0x6f: {  	_ =	swait.ge [sflag:s9], $0x2000  }
0x70: {  	[sflag:s9] =	ssyncset.done $0x0  }
0x71: {  	s18 =	simm.s32 $0x5020;
	[sflag:s9] =	ssyncadd.s32 $0xFFFFE000  }
0x72: {  	[spmem:s2] =	stream.indirect.scatter.add.f32 [tilespmem:s23], [sflag:$0x7], $0x40, s18, s29, $0xb8;
	[tilespmem:$0x1F530] =	vst v63  }
0x73: {  	_ =	swait.ge [sflag:s10], $0x2000  }
0x74: {  	[sflag:s10] =	ssyncset.done $0x0  }
0x75: {  	s16 =	simm.s32 $0x50A0;
	[sflag:s10] =	ssyncadd.s32 $0xFFFFE000  }
0x76: {  	[spmem:s2] =	stream.indirect.scatter.add.f32 [tilespmem:s5], [sflag:$0x7], $0x40, s16, s29, $0xb8;
	[tilespmem:$0x1F530] =	vst v63  }
0x77: {  	_ =	swait.ge [sflag:s11], $0x2000  }
0x78: {  	[sflag:s11] =	ssyncset.done $0x0  }
0x79: {  	[sflag:s11] =	ssyncadd.s32 $0xFFFFE000  }
0x7a: {  	_ =	swait.ge [sflag:s11], $0x2000  }
0x7b: {  	[sflag:s11] =	ssyncset.done $0x0  }
0x7c: {  	[sflag:s11] =	ssyncadd.s32 $0xFFFFE000  }
0x7d: {  	_ =	swait.ge [sflag:s11], $0x2000  }
0x7e: {  	[sflag:s11] =	ssyncset.done $0x0  }
0x7f: {  	[sflag:s11] =	ssyncadd.s32 $0xFFFFE000  }
0x80: {  	_ =	swait.ge [sflag:s11], $0x2000  }
0x81: {  	[sflag:s11] =	ssyncset.done $0x0  }
0x82: {  	[sflag:s11] =	ssyncadd.s32 $0xFFFFE000  }
0x83: {  	_ =	swait.ge [sflag:s11], $0x2000  }
0x84: {  	[sflag:s11] =	ssyncset.done $0x0  }
0x85: {  	[sflag:s11] =	ssyncadd.s32 $0xFFFFE000  }
0x86: {  	_ =	swait.ge [sflag:s11], $0x2000  }
0x87: {  	[sflag:s11] =	ssyncset.done $0x0  }
0x88: {  	s17 =	simm.s32 $0x300;
	[sflag:s11] =	ssyncadd.s32 $0xFFFFE000  }
0x89: {  	[tilespmem:s30], [sflag:$0x1] =	stream.indirect.gather [hbm4b:s4+s29], $0x40, s17, s29, $0xb8;
	[tilespmem:$0x1F530] =	vst v63  }
0x8a: {  	s18 =	simm.s32 $0x380  }
0x8b: {  	[tilespmem:s31], [sflag:$0x2] =	stream.indirect.gather [hbm4b:s4+s29], $0x40, s18, s29, $0xb8;
	[tilespmem:$0x1F530] =	vst v63  }
0x8c: {  	s16 =	simm.s32 $0x400  }
0x8d: {  	[tilespmem:s1], [sflag:$0x3] =	stream.indirect.gather [hbm4b:s4+s29], $0x40, s16, s29, $0xb8;
	[tilespmem:$0x1F530] =	vst v63  }
0x8e: {  	s17 =	simm.s32 $0x480  }
0x8f: {  	[tilespmem:s0], [sflag:$0x4] =	stream.indirect.gather [hbm4b:s4+s29], $0x40, s17, s29, $0xb8;
	[tilespmem:$0x1F530] =	vst v63  }
0x90: {  	s15 =	simm.s32 $0xC00;
	s18 =	simm.s32 $0x500;
	s16 =	simm.s32 $0x580  }
0x91: {  	[tilespmem:s23], [sflag:$0x5] =	stream.indirect.gather [hbm4b:s4+s29], $0x40, s18, s29, $0xb8;
	[tilespmem:$0x1F530] =	vst v63  }
.LBB2_6:
0x92: {  	[tilespmem:s5], [sflag:$0x6] =	stream.indirect.gather [hbm4b:s4+s29], $0x40, s16, s29, $0xb8;
	[tilespmem:$0x1F530] =	vst v63  }
0x93: {  	s16 =	smov.u32 s15  }
0x94: {  	p1 =	sne.s32 s15, $0x8400;
	s15 =	sadd.s32 $0xC00, s15;
	_ =	swait.ge [sflag:s26], $0x2000  }
0x95: {  	s16 =	sshra.s32 s16, $0x2;
	[sflag:s26] =	ssyncset.done $0x0  }
0x96: {  	s17 =	sadd.s32 $0x4E20, s16;
	[sflag:s26] =	ssyncadd.s32 $0xFFFFE000  }
0x97: {  	[spmem:s2] =	stream.indirect.scatter.add.f32 [tilespmem:s30], [sflag:$0x7], $0x40, s17, s29, $0xb8;
	[tilespmem:$0x1F530] =	vst v63  }
0x98: {  	_ =	swait.ge [sflag:s28], $0x2000  }
0x99: {  	[sflag:s28] =	ssyncset.done $0x0  }
0x9a: {  	s17 =	sadd.s32 $0x4EA0, s16;
	[sflag:s28] =	ssyncadd.s32 $0xFFFFE000  }
0x9b: {  	[spmem:s2] =	stream.indirect.scatter.add.f32 [tilespmem:s31], [sflag:$0x7], $0x40, s17, s29, $0xb8;
	[tilespmem:$0x1F530] =	vst v63  }
0x9c: {  	_ =	swait.ge [sflag:s6], $0x2000  }
0x9d: {  	[sflag:s6] =	ssyncset.done $0x0  }
0x9e: {  	s17 =	sadd.s32 $0x4F20, s16;
	[sflag:s6] =	ssyncadd.s32 $0xFFFFE000  }
0x9f: {  	[spmem:s2] =	stream.indirect.scatter.add.f32 [tilespmem:s1], [sflag:$0x7], $0x40, s17, s29, $0xb8;
	[tilespmem:$0x1F530] =	vst v63  }
0xa0: {  	_ =	swait.ge [sflag:s8], $0x2000  }
0xa1: {  	[sflag:s8] =	ssyncset.done $0x0  }
0xa2: {  	s17 =	sadd.s32 $0x4FA0, s16;
	[sflag:s8] =	ssyncadd.s32 $0xFFFFE000  }
0xa3: {  	[spmem:s2] =	stream.indirect.scatter.add.f32 [tilespmem:s0], [sflag:$0x7], $0x40, s17, s29, $0xb8;
	[tilespmem:$0x1F530] =	vst v63  }
0xa4: {  	_ =	swait.ge [sflag:s9], $0x2000  }
0xa5: {  	[sflag:s9] =	ssyncset.done $0x0  }
0xa6: {  	s17 =	sadd.s32 $0x5020, s16;
	[sflag:s9] =	ssyncadd.s32 $0xFFFFE000  }
0xa7: {  	[spmem:s2] =	stream.indirect.scatter.add.f32 [tilespmem:s23], [sflag:$0x7], $0x40, s17, s29, $0xb8;
	[tilespmem:$0x1F530] =	vst v63  }
0xa8: {  	_ =	swait.ge [sflag:s10], $0x2000  }
0xa9: {  	[sflag:s10] =	ssyncset.done $0x0  }
0xaa: {  	s17 =	sadd.s32 $0x50A0, s16;
	[sflag:s10] =	ssyncadd.s32 $0xFFFFE000  }
0xab: {  	[spmem:s2] =	stream.indirect.scatter.add.f32 [tilespmem:s5], [sflag:$0x7], $0x40, s17, s29, $0xb8;
	[tilespmem:$0x1F530] =	vst v63  }
0xac: {  	_ =	swait.ge [sflag:s11], $0x2000  }
0xad: {  	[sflag:s11] =	ssyncset.done $0x0  }
0xae: {  	[sflag:s11] =	ssyncadd.s32 $0xFFFFE000  }
0xaf: {  	_ =	swait.ge [sflag:s11], $0x2000  }
0xb0: {  	[sflag:s11] =	ssyncset.done $0x0  }
0xb1: {  	[sflag:s11] =	ssyncadd.s32 $0xFFFFE000  }
0xb2: {  	_ =	swait.ge [sflag:s11], $0x2000  }
0xb3: {  	[sflag:s11] =	ssyncset.done $0x0  }
0xb4: {  	[sflag:s11] =	ssyncadd.s32 $0xFFFFE000  }
0xb5: {  	_ =	swait.ge [sflag:s11], $0x2000  }
0xb6: {  	[sflag:s11] =	ssyncset.done $0x0  }
0xb7: {  	[sflag:s11] =	ssyncadd.s32 $0xFFFFE000  }
0xb8: {  	_ =	swait.ge [sflag:s11], $0x2000  }
0xb9: {  	[sflag:s11] =	ssyncset.done $0x0  }
0xba: {  	[sflag:s11] =	ssyncadd.s32 $0xFFFFE000  }
0xbb: {  	_ =	swait.ge [sflag:s11], $0x2000  }
0xbc: {  	[sflag:s11] =	ssyncset.done $0x0  }
0xbd: {  	s17 =	sadd.s32 $0x300, s16;
	[sflag:s11] =	ssyncadd.s32 $0xFFFFE000  }
0xbe: {  	[tilespmem:s30], [sflag:$0x1] =	stream.indirect.gather [hbm4b:s4+s29], $0x40, s17, s29, $0xb8;
	[tilespmem:$0x1F530] =	vst v63  }
0xbf: {  	s17 =	sadd.s32 $0x380, s16  }
0xc0: {  	[tilespmem:s31], [sflag:$0x2] =	stream.indirect.gather [hbm4b:s4+s29], $0x40, s17, s29, $0xb8;
	[tilespmem:$0x1F530] =	vst v63  }
0xc1: {  	s17 =	sadd.s32 $0x400, s16  }
0xc2: {  	[tilespmem:s1], [sflag:$0x3] =	stream.indirect.gather [hbm4b:s4+s29], $0x40, s17, s29, $0xb8;
	[tilespmem:$0x1F530] =	vst v63  }
.Ltmp2:
0xc3: {  	s17 =	sadd.s32 $0x480, s16;
	(pc) =	sbr.rel @p1 .LBB2_6-.Ltmp2, $4  }
0xc4: {  	[tilespmem:s0], [sflag:$0x4] =	stream.indirect.gather [hbm4b:s4+s29], $0x40, s17, s29, $0xb8;
	[tilespmem:$0x1F530] =	vst v63  }
0xc5: {  	s17 =	sadd.s32 $0x500, s16  }
0xc6: {  	[tilespmem:s23], [sflag:$0x5] =	stream.indirect.gather [hbm4b:s4+s29], $0x40, s17, s29, $0xb8;
	[tilespmem:$0x1F530] =	vst v63  }
0xc7: {  	s16 =	sadd.s32 $0x580, s16  }
0xc8: {  	[tilespmem:s5], [sflag:$0x6] =	stream.indirect.gather [hbm4b:s4+s29], $0x40, s16, s29, $0xb8;
	[tilespmem:$0x1F530] =	vst v63  }
0xc9: {  	_ =	swait.ge [sflag:s26], $0x2000  }
0xca: {  	[sflag:s26] =	ssyncset.done $0x0  }
0xcb: {  	s15 =	simm.s32 $0x7220;
	[sflag:s26] =	ssyncadd.s32 $0xFFFFE000  }
0xcc: {  	[spmem:s2] =	stream.indirect.scatter.add.f32 [tilespmem:s30], [sflag:$0x7], $0x40, s15, s29, $0xb8;
	[tilespmem:$0x1F530] =	vst v63  }
0xcd: {  	_ =	swait.ge [sflag:s28], $0x2000  }
0xce: {  	[sflag:s28] =	ssyncset.done $0x0  }
0xcf: {  	s18 =	simm.s32 $0x72A0;
	[sflag:s28] =	ssyncadd.s32 $0xFFFFE000  }
0xd0: {  	[spmem:s2] =	stream.indirect.scatter.add.f32 [tilespmem:s31], [sflag:$0x7], $0x40, s18, s29, $0xb8;
	[tilespmem:$0x1F530] =	vst v63  }
0xd1: {  	_ =	swait.ge [sflag:s6], $0x2000  }
0xd2: {  	[sflag:s6] =	ssyncset.done $0x0  }
0xd3: {  	s16 =	simm.s32 $0x7320;
	[sflag:s6] =	ssyncadd.s32 $0xFFFFE000  }
0xd4: {  	[spmem:s2] =	stream.indirect.scatter.add.f32 [tilespmem:s1], [sflag:$0x7], $0x40, s16, s29, $0xb8;
	[tilespmem:$0x1F530] =	vst v63  }
0xd5: {  	_ =	swait.ge [sflag:s8], $0x2000  }
0xd6: {  	[sflag:s8] =	ssyncset.done $0x0  }
0xd7: {  	s17 =	simm.s32 $0x73A0;
	[sflag:s8] =	ssyncadd.s32 $0xFFFFE000  }
0xd8: {  	[spmem:s2] =	stream.indirect.scatter.add.f32 [tilespmem:s0], [sflag:$0x7], $0x40, s17, s29, $0xb8;
	[tilespmem:$0x1F530] =	vst v63  }
0xd9: {  	_ =	swait.ge [sflag:s9], $0x2000  }
0xda: {  	[sflag:s9] =	ssyncset.done $0x0  }
0xdb: {  	s18 =	simm.s32 $0x7420;
	[sflag:s9] =	ssyncadd.s32 $0xFFFFE000  }
0xdc: {  	[spmem:s2] =	stream.indirect.scatter.add.f32 [tilespmem:s23], [sflag:$0x7], $0x40, s18, s29, $0xb8;
	[tilespmem:$0x1F530] =	vst v63  }
0xdd: {  	_ =	swait.ge [sflag:s10], $0x2000  }
0xde: {  	[sflag:s10] =	ssyncset.done $0x0  }
0xdf: {  	s16 =	simm.s32 $0x74A0;
	[sflag:s10] =	ssyncadd.s32 $0xFFFFE000  }
0xe0: {  	[spmem:s2] =	stream.indirect.scatter.add.f32 [tilespmem:s5], [sflag:$0x7], $0x40, s16, s29, $0xb8;
	[tilespmem:$0x1F530] =	vst v63  }
0xe1: {  	_ =	swait.ge [sflag:s11], $0x2000  }
0xe2: {  	[sflag:s11] =	ssyncset.done $0x0  }
0xe3: {  	[sflag:s11] =	ssyncadd.s32 $0xFFFFE000  }
0xe4: {  	_ =	swait.ge [sflag:s11], $0x2000  }
0xe5: {  	[sflag:s11] =	ssyncset.done $0x0  }
0xe6: {  	[sflag:s11] =	ssyncadd.s32 $0xFFFFE000  }
0xe7: {  	_ =	swait.ge [sflag:s11], $0x2000  }
0xe8: {  	[sflag:s11] =	ssyncset.done $0x0  }
0xe9: {  	[sflag:s11] =	ssyncadd.s32 $0xFFFFE000  }
0xea: {  	_ =	swait.ge [sflag:s11], $0x2000  }
0xeb: {  	[sflag:s11] =	ssyncset.done $0x0  }
0xec: {  	[sflag:s11] =	ssyncadd.s32 $0xFFFFE000  }
0xed: {  	_ =	swait.ge [sflag:s11], $0x2000  }
0xee: {  	[sflag:s11] =	ssyncset.done $0x0  }
0xef: {  	[sflag:s11] =	ssyncadd.s32 $0xFFFFE000  }
0xf0: {  	_ =	swait.ge [sflag:s11], $0x2000  }
0xf1: {  	[sflag:s11] =	ssyncset.done $0x0  }
0xf2: {  	s17 =	simm.s32 $0x2700;
	[sflag:s11] =	ssyncadd.s32 $0xFFFFE000  }
0xf3: {  	[tilespmem:s30], [sflag:$0x8] =	stream.indirect.gather [hbm4b:s4+s12], $0x40, s17, s12, $0xb8;
	[tilespmem:$0x1F530] =	vst v63  }
0xf4: {  	_ =	swait.ge [sflag:s25], $0x400  }
0xf5: {  	[sflag:s25] =	ssyncset.done $0x0  }
0xf6: {  	s18 =	simm.s32 $0x7520;
	[sflag:s25] =	ssyncadd.s32 $0xFFFFFC00  }
0xf7: {  	[spmem:s2] =	stream.indirect.scatter.add.f32 [tilespmem:s30], [sflag:$0x8], $0x40, s18, s12, $0xb8;
	[tilespmem:$0x1F530] =	vst v63  }
0xf8: {  	_ =	swait.ge [sflag:s25], $0x400  }
0xf9: {  	[sflag:s25] =	ssyncset.done $0x0  }
0xfa: {  	[sflag:s25] =	ssyncadd.s32 $0xFFFFFC00  }
0xfb: {  	[bflag:$0x0] =	sbarrier.arrive $0xFFFF  }
0xfc: {  	s16 =	rddreg [dreg:$0xa]  }
0xfd: {  	[tilespmem:s24], [sflag:$0x9] =	stream.linear.gather [spmem:s16], $0x2000, $0x38;
	[tilespmem:$0x1F530] =	vst v63  }
0xfe: {  	_ =	swait.ge [sflag:s13], $0x2000  }
0xff: {  	s15 =	simm.s32 $0x9;
	[sflag:s13] =	ssyncset.done $0x0  }
0x100: {  	s15 =	simm.s32 @!p0 $0x8;
	s17 =	rddreg [dreg:$0xf];
	[sflag:s13] =	ssyncadd.s32 $0xFFFFE000  }
0x101: {  	[hbm4b:s17+s3] =	stream.linear.scatter [tilespmem:s24], [sflag:s15], $0x2000, $0x38;
	[tilespmem:$0x1F530] =	vst v63  }
0x102: {  	_ =	swait.ge [sflag:s15], $0x2000  }
0x103: {  	[sflag:s15] =	ssyncset.done $0x0  }
0x104: {  	s18 =	rddreg [dreg:$0xb];
	[sflag:s15] =	ssyncadd.s32 $0xFFFFE000  }
0x105: {  	[tilespmem:s24], [sflag:$0x9] =	stream.linear.gather [spmem:s18], $0x2000, $0x38;
	[tilespmem:$0x1F530] =	vst v63  }
0x106: {  	_ =	swait.ge [sflag:s13], $0x2000  }
0x107: {  	[sflag:s13] =	ssyncset.done $0x0  }
0x108: {  	[sflag:s13] =	ssyncadd.s32 $0xFFFFE000  }
0x109: {  	[hbm4b:s19+s3] =	stream.linear.scatter [tilespmem:s24], [sflag:s15], $0x2000, $0x38;
	[tilespmem:$0x1F530] =	vst v63  }
0x10a: {  	_ =	swait.ge [sflag:s15], $0x2000  }
0x10b: {  	[sflag:s15] =	ssyncset.done $0x0  }
0x10c: {  	s17 =	rddreg [dreg:$0xc];
	[sflag:s15] =	ssyncadd.s32 $0xFFFFE000  }
0x10d: {  	[tilespmem:s24], [sflag:$0x9] =	stream.linear.gather [spmem:s17], $0x2000, $0x38;
	[tilespmem:$0x1F530] =	vst v63  }
0x10e: {  	_ =	swait.ge [sflag:s13], $0x2000  }
0x10f: {  	[sflag:s13] =	ssyncset.done $0x0  }
0x110: {  	[sflag:s13] =	ssyncadd.s32 $0xFFFFE000  }
0x111: {  	[hbm4b:s20+s3] =	stream.linear.scatter [tilespmem:s24], [sflag:s15], $0x2000, $0x38;
	[tilespmem:$0x1F530] =	vst v63  }
0x112: {  	_ =	swait.ge [sflag:s15], $0x2000  }
0x113: {  	[sflag:s15] =	ssyncset.done $0x0  }
0x114: {  	s18 =	rddreg [dreg:$0xd];
	[sflag:s15] =	ssyncadd.s32 $0xFFFFE000  }
0x115: {  	[tilespmem:s24], [sflag:$0x9] =	stream.linear.gather [spmem:s18], $0x2000, $0x38;
	[tilespmem:$0x1F530] =	vst v63  }
0x116: {  	_ =	swait.ge [sflag:s13], $0x2000  }
0x117: {  	[sflag:s13] =	ssyncset.done $0x0  }
0x118: {  	[sflag:s13] =	ssyncadd.s32 $0xFFFFE000  }
0x119: {  	[hbm4b:s21+s3] =	stream.linear.scatter [tilespmem:s24], [sflag:s15], $0x2000, $0x38;
	[tilespmem:$0x1F530] =	vst v63  }
0x11a: {  	_ =	swait.ge [sflag:s15], $0x2000  }
0x11b: {  	[sflag:s15] =	ssyncset.done $0x0  }
0x11c: {  	s17 =	rddreg [dreg:$0xe];
	[sflag:s15] =	ssyncadd.s32 $0xFFFFE000  }
0x11d: {  	[tilespmem:s24], [sflag:$0x9] =	stream.linear.gather [spmem:s17], $0x2000, $0x38;
	[tilespmem:$0x1F530] =	vst v63  }
0x11e: {  	_ =	swait.ge [sflag:s13], $0x2000  }
0x11f: {  	[sflag:s13] =	ssyncset.done $0x0  }
0x120: {  	[sflag:s13] =	ssyncadd.s32 $0xFFFFE000  }
0x121: {  	[hbm4b:s22+s3] =	stream.linear.scatter [tilespmem:s24], [sflag:s15], $0x2000, $0x38;
	[tilespmem:$0x1F530] =	vst v63  }
0x122: {  	_ =	swait.ge [sflag:s15], $0x2000  }
0x123: {  	s14 =	sadd.s32 $0x1, s14;
	s18 =	rddreg [dreg:$0x5]  }
0x124: {  	p1 =	sne.s32 s14, s18  }
.Ltmp3:
0x125: {  	_ = 	snop;
	(pc) =	sbr.rel @p1 .LBB2_1-.Ltmp3, $3  }
0x126: {  	_ =	sdelay $0x1  }
0x127: {  	[sflag:s15] =	ssyncset.done $0x0  }
0x128: {  	[sflag:s15] =	ssyncadd.s32 $0xFFFFE000  }
0x129: {  	_ =	sfence.sel $0x180000  }
0x12a: {  	[bflag:$0x0] =	sbarrier.arrive $0xFFFF  }
0x12b: {  	_ =	strace $0x9000004A  }
0x12c: {  	s0 =	stileid.u32;
	[bflag:$0x2] =	sbarrier.arrive $0xFFFF  }
0x12d: {  	p0 =	sne.s32 s0, $0x0;
	s0 =	rddreg [dreg:$0x2]  }
0x12e: {  	s0 =	sadd.s32 @!p0 $0x100000, s0  }
0x12f: {  	[sflag:s0] =	ssyncadd.tile.s32 @!p0 $0x1;
	_ =	shalt  }
.Lfunc_end2:
_tile_overlayer_lowered:
.L_overlay_start_2:
0x130: {  	(tag) =	ssettag $0x2  }
0x131: {  	s0 =	rddreg [dreg:$0x0];
	s2 =	stileid.u32  }
0x132: {  	s1 =	rddreg [dreg:$0x1];
	p0 =	sne.s32 s2, $0x0  }
0x133: {  	s3 =	rddreg [dreg:$0x2];
	[bflag:$0x3] =	sbarrier.arrive $0xFFFF;
	s2 =	simm.s32 @!p0 $0x1C08  }
0x134: {  	[timem:s3], [sflag:s2] =	dma.local @!p0 [hbm:s0], s1  }
0x135: {  	s0 =	simm.s32 @!p0 $0x8  }
0x136: {  	_ =	swait.ge @!p0 [sflag:s0], s1  }
0x137: {  	s1 =	ssub.s32 @!p0 $0x0, s1;
	[sflag:s0] =	ssyncset.done @!p0 $0x0  }
0x138: {  	[sflag:s0] =	ssyncadd.s32 @!p0 s1  }
0x139: {  	[bflag:$0x3] =	sbarrier.arrive $0xFFFF  }
0x13a: {  	_ =	shalt  }

// kernel: kernel.16.cloned.1.call-start
scs
__scs_entry_jumppad:
0x0: {  	(pc) =	sbr.rel $0x88, $3  }
0x1: {  	(tag) =	ssettag $0x0;
	lr =	simm.s32 $0x1  }
0x2: {  	[smem:$0x3F98] =	sst lr;
	_ =	strace $0xD0000000  }
0x3: {  	_ = 	snop  }
0x4: {  	_ = 	snop  }
0x5: {  	_ = 	snop  }
0x6: {  	_ = 	snop  }
0x7: {  	_ = 	snop  }
__scs_overlays_trampoline_lowered:
0x8: {  	[smem:$0x3FA7] =	sst s0  }
0x9: {  	[smem:$0x3FA8] =	sst s1  }
0xa: {  	[smem:$0x3FA9] =	sst s2  }
0xb: {  	[smem:$0x3FAA] =	sst s3  }
0xc: {  	[smem:$0x3FAB] =	sst s4  }
0xd: {  	[smem:$0x3FAC] =	sst s5  }
0xe: {  	[smem:$0x3FAD] =	sst s6  }
0xf: {  	[smem:$0x3FAE] =	sst s7  }
0x10: {  	[smem:$0x3FAF] =	sst s8  }
0x11: {  	[smem:$0x3FB0] =	sst s9;
	s0 =	simm.s32 @!p0 $0x0  }
0x12: {  	s1 =	sld [smem:$0x3F96];
	s0 =	simm.s32 @p0 $0x1  }
0x13: {  	[smem:$0x3FB1] =	sst s0;
	s0 =	simm.s32 @!p1 $0x0  }
0x14: {  	s2 =	sld [smem:$0x3F95];
	s0 =	simm.s32 @p1 $0x1  }
0x15: {  	[smem:$0x3FB2] =	sst s0;
	s0 =	simm.s32 @!p2 $0x0  }
0x16: {  	s3 =	sld [smem:$0x3FDB];
	s0 =	simm.s32 @p2 $0x1  }
0x17: {  	s4 =	simm.s32 $0x1BF5;
	[smem:$0x3FB4] =	sst s0  }
0x18: {  	s0 =	sld [smem:$0x3F97];
	_ =	swait.ge [sflag:s4], $0x0  }
0x19: {  	s7 =	sld [smem:$0x3F98]  }
0x1a: {  	s8 =	sadd.s32 $0xFFFFE003, lr  }
0x1b: {  	s9 =	sadd.s32 $0xFFFFFEF7, lr;
	s5 =	simm.s32 $0xFFFFFFFF;
	p2 =	slt.u32 s8, $0xFFFFF086  }
0x1c: {  	p1 =	slt.u32 s9, $0xF7A;
	s5 =	simm.s32 @!p2 $0x0  }
0x1d: {  	s5 =	simm.s32 @p1 $0x1;
	p0 =	seq.s32 s7, s2  }
0x1e: {  	s7 =	smul.u32 @!p0 $0xF7A, s2;
	p2 =	seq.s32 @!p0 s5, $0x0  }
0x1f: {  	s9 =	smul.u32 $0xF7A, s1;
	s8 =	simm.s32 @!p0 $0x1BF5;
	p2 =	por !p2, p0  }
0x20: {  	[sflag:s8] =	ssyncset.s32 @!p0 $0xFFFFF086;
	s6 =	sadd.s32 @!p0 s3, s7;
	s7 =	simm.s32 @!p0 $0x108  }
0x21: {  	s3 =	sadd.s32 s3, s9;
	s6 =	sadd.s32 @!p0 $0x88, s6;
	s7 =	simm.s32 @p2 $0x1082  }
0x22: {  	[simem:s7], [sflag:s8] =	dma.local @!p0 [hbm:s6], $0xF7A  }
0x23: {  	s9 =	sor.u32 $0xD0000000, s2;
	s6 =	simm.s32 $0x108;
	_ =	swait.ge @!p0 [sflag:s8], $0x0  }
0x24: {  	s3 =	sadd.s32 $0x88, s3;
	s6 =	simm.s32 @!p1 $0x1082;
	[sflag:s4] =	ssyncset.s32 $0xFFFFF086  }
0x25: {  	[simem:s6], [sflag:s4] =	dma.local [hbm:s3], $0xF7A  }
0x26: {  	[smem:$0x3F98] =	sst s1;
	(tag) =	ssettag s2;
	_ =	strace s9  }
0x27: {  	s1 =	sld [smem:$0x3FA8]  }
0x28: {  	s2 =	sld [smem:$0x3FA9]  }
0x29: {  	s4 =	sld [smem:$0x3FAB]  }
0x2a: {  	p0 =	seq.s32 s5, $0x0;
	s5 =	sld [smem:$0x3FAC]  }
0x2b: {  	s6 =	sld [smem:$0x3FAD]  }
0x2c: {  	s7 =	sld [smem:$0x3FAE]  }
0x2d: {  	s3 =	simm.s32 $0x108;
	s8 =	sld [smem:$0x3FAF]  }
0x2e: {  	s3 =	simm.s32 @!p0 $0x1082;
	s9 =	sld [smem:$0x3FB0]  }
0x2f: {  	lr =	sadd.s32 s0, s3;
	s0 =	sld [smem:$0x3FA7]  }
0x30: {  	s3 =	sld [smem:$0x3FAA]  }
0x31: {  	[smem:$0x3FB3] =	sst s10  }
0x32: {  	s10 =	sld [smem:$0x3FB1];
	_ =	sdelay $0x3  }
0x33: {  	p0 =	seq.s32 s10, $0x1;
	s10 =	sld [smem:$0x3FB3];
	_ =	sdelay $0x3  }
0x34: {  	[smem:$0x3FB3] =	sst s10  }
0x35: {  	s10 =	sld [smem:$0x3FB2];
	_ =	sdelay $0x3  }
0x36: {  	p1 =	seq.s32 s10, $0x1;
	s10 =	sld [smem:$0x3FB3];
	_ =	sdelay $0x3  }
0x37: {  	[smem:$0x3FB3] =	sst s10  }
0x38: {  	s10 =	sld [smem:$0x3FB4]  }
0x39: {  	_ = 	snop;
	(pc) =	sbr.ind lr, $3  }
0x3a: {  	_ = 	snop  }
0x3b: {  	_ = 	snop  }
0x3c: {  	p2 =	seq.s32 s10, $0x1;
	s10 =	sld [smem:$0x3FB3]  }
0x3d: {  	_ =	shalt  }
0x3e: {  	_ =	shalt  }
0x3f: {  	_ =	shalt  }
0x40: {  	_ =	shalt  }
0x41: {  	_ =	shalt  }
0x42: {  	_ =	shalt  }
0x43: {  	_ =	shalt  }
0x44: {  	_ =	shalt  }
0x45: {  	_ =	shalt  }
0x46: {  	_ =	shalt  }
0x47: {  	_ =	shalt  }
0x48: {  	_ =	shalt  }
0x49: {  	_ =	shalt  }
0x4a: {  	_ =	shalt  }
0x4b: {  	_ =	shalt  }
0x4c: {  	_ =	shalt  }
0x4d: {  	_ =	shalt  }
0x4e: {  	_ =	shalt  }
0x4f: {  	_ =	shalt  }
0x50: {  	_ =	shalt  }
0x51: {  	_ =	shalt  }
0x52: {  	_ =	shalt  }
0x53: {  	_ =	shalt  }
0x54: {  	_ =	shalt  }
0x55: {  	_ =	shalt  }
0x56: {  	_ =	shalt  }
0x57: {  	_ =	shalt  }
0x58: {  	_ =	shalt  }
0x59: {  	_ =	shalt  }
0x5a: {  	_ =	shalt  }
0x5b: {  	_ =	shalt  }
0x5c: {  	_ =	shalt  }
0x5d: {  	_ =	shalt  }
0x5e: {  	_ =	shalt  }
0x5f: {  	_ =	shalt  }
0x60: {  	_ =	shalt  }
0x61: {  	_ =	shalt  }
0x62: {  	_ =	shalt  }
0x63: {  	_ =	shalt  }
0x64: {  	_ =	shalt  }
0x65: {  	_ =	shalt  }
0x66: {  	_ =	shalt  }
0x67: {  	_ =	shalt  }
0x68: {  	_ =	shalt  }
0x69: {  	_ =	shalt  }
0x6a: {  	_ =	shalt  }
0x6b: {  	_ =	shalt  }
0x6c: {  	_ =	shalt  }
0x6d: {  	_ =	shalt  }
0x6e: {  	_ =	shalt  }
0x6f: {  	_ =	shalt  }
0x70: {  	_ =	shalt  }
0x71: {  	_ =	shalt  }
0x72: {  	_ =	shalt  }
0x73: {  	_ =	shalt  }
0x74: {  	_ =	shalt  }
0x75: {  	_ =	shalt  }
0x76: {  	_ =	shalt  }
0x77: {  	_ =	shalt  }
0x78: {  	_ =	shalt  }
0x79: {  	_ =	shalt  }
0x7a: {  	_ =	shalt  }
0x7b: {  	_ =	shalt  }
0x7c: {  	_ =	shalt  }
0x7d: {  	_ =	shalt  }
0x7e: {  	_ =	shalt  }
0x7f: {  	_ =	shalt  }
0x80: {  	_ =	shalt  }
0x81: {  	_ =	shalt  }
0x82: {  	_ =	shalt  }
0x83: {  	_ =	shalt  }
0x84: {  	_ =	shalt  }
0x85: {  	_ =	shalt  }
0x86: {  	_ =	shalt  }
0x87: {  	_ =	shalt  }
.Lfunc_end0:
.L_simem_size_0:
called_computation.2_lowered:
.L_overlay_start_0:
0x88: {  	s2 =	sld [smem:$0x3FD9]  }
0x89: {  	s3 =	sld [smem:$0x3FFE];
	_ =	sdelay $0x1  }
0x8a: {  	s1 =	srdreg.scid  }
0x8b: {  	s0 =	sand.u32 $0x1, s1  }
0x8c: {  	s16 =	sshll.u32 s0, $0xA;
	s2 =	sadd.s32 s3, s2  }
0x8d: {  	s2 =	sadd.s32 s2, s16  }
0x8e: {  	[smem:$0x3FBF] =	sst s2  }
0x8f: {  	_ = 	snop  }
0x90: {  	(tm) =	ssettm $0x1  }
0x91: {  	s17 =	sld [smem:$0x3FFB];
	_ =	sdelay $0x3  }
0x92: {  	_ =	strace s17  }
0x93: {  	s2 =	sld [smem:$0x3FFC];
	_ =	sdelay $0x3  }
0x94: {  	_ =	strace s2  }
0x95: {  	s2 =	sld [smem:$0x3FFD];
	_ =	sdelay $0x3  }
0x96: {  	_ =	strace s2  }
0x97: {  	_ =	strace $0x8FFFFFFF  }
0x98: {  	s18 =	sld [smem:$0x3FDB];
	_ =	sdelay $0x1  }
0x99: {  	s19 =	simm.s32 $_scs_section_size  }
0x9a: {  	s4 =	simm.s32 $_size__tile_overlayer_lowered;
	s5 =	simm.s32 $_tile_overlayer_lowered  }
0x9b: {  	s22 =	simm.s32 $0x1BFF;
	s21 =	sshll.u32 s5, $0x1;
	s2 =	sadd.s32 s19, s18  }
0x9c: {  	s6 =	simm.s32 $0x0;
	s20 =	sshll.u32 s4, $0x1;
	s4 =	sadd.s32 s21, s2  }
0x9d: {  	[timem:s6], [sflag:s22] =	dma.local [hbm:s4], s20  }
0x9e: {  	_ =	swait.ge [sflag:s22], s20  }
0x9f: {  	s3 =	ssub.s32 $0x0, s20;
	[sflag:s22] =	ssyncset.done $0x0  }
0xa0: {  	[sflag:s22] =	ssyncadd.s32 s3;
	_ =	sdelay $0x1  }
0xa1: {  	s23 =	simm.s32 $0x1B8B  }
0xa2: {  	_ =	swait.ge [sflag:s23], $0x1  }
0xa3: {  	[sflag:s23] =	ssyncset.done $0x0  }
0xa4: {  	s25 =	simm.s32 $0x1B8E;
	s24 =	sld [smem:$0x3FFE];
	[sflag:s23] =	ssyncadd.s32 $0xFFFFFFFF  }
0xa5: {  	s26 =	simm.s32 $execute0_lowered;
	[smem:$0x3FD2] =	sst s25  }
0xa6: {  	s4 =	sshll.u32 s26, $0x1;
	_ =	strace $0x8000004C;
	[dreg:$0x1] =	wrdreg $0xFFFFFFFF  }
0xa7: {  	s28 =	simm.s32 $_size_execute0_lowered;
	s2 =	sadd.s32 s2, s4;
	[dreg:$0x0] =	wrdreg $0x0  }
0xa8: {  	s4 =	sshll.u32 s28, $0x1;
	[dreg:$0x2] =	wrdreg s2  }
0xa9: {  	[dreg:$0x3] =	wrdreg s4  }
0xaa: {  	[dreg:$0x4] =	wrdreg $0xC0  }
0xab: {  	_ =	task [dreg:s6], $0x5FFFF  }
0xac: {  	[dreg:$0x1] =	wrdreg $0xFFFFFFFF  }
0xad: {  	[dreg:$0x0] =	wrdreg $0x60  }
0xae: {  	[dreg:$0x2] =	wrdreg s24  }
0xaf: {  	[dreg:$0x3] =	wrdreg $0xAD300  }
0xb0: {  	[dreg:$0x4] =	wrdreg $0x9  }
0xb1: {  	_ =	task.clear_ibuf [dreg:s6], $0x5FFFF;
	_ =	strace $0x9000004C  }
0xb2: {  	s29 =	simm.s32 $0x9;
	_ =	strace $0x8000004E  }
0xb3: {  	_ =	swait.ge [sflag:s29], $0x1  }
0xb4: {  	[sflag:s29] =	ssyncadd.s32 $0xFFFFFFFF  }
0xb5: {  	_ =	strace $0x9000004E  }
0xb6: {  	_ =	sfence  }
0xb7: {  	s30 =	sld [smem:$0x0];
	_ =	sdelay $0x2  }
0xb8: {  	s31 =	sshll.u32 s1, $0xD;
	s1 =	sshrl.u32 s1, $0x2  }
0xb9: {  	s3 =	sand.u32 $0x4000, s31;
	s1 =	sadd.s32 s1, s30  }
0xba: {  	s0 =	sor.u32 s3, s0;
	s1 =	sshll.u32 s1, $0x11  }
0xbb: {  	s0 =	sor.u32 s1, s0  }
0xbc: {  	s0 =	sadd.s32 $0x8F2B, s0  }
0xbd: {  	[sflag:s0] =	ssyncadd.remote.s32 $0x1  }
0xbe: {  	_ =	sfence.sel $0xFFFF  }
0xbf: {  	[dreg:$0x0] =	wrdreg $0xFFFFFFFF;
	(pc) =	sbr.abs _section_cstart, $3  }
0xc0: {  	[dreg:$0x1] =	wrdreg $0xFFFFFFFF  }
0xc1: {  	_ =	task.clear_ibuf [dreg:s6], $0x2FFFF;
	_ =	strace $0x9FFFFFFF  }
0xc2: {  	(tm) =	ssettm $0x7FFFFFFF  }
0xc3: {  	_ =	shalt  }
tec
execute0_lowered:
.L_overlay_start_1:
0x0: {  	(tag) =	ssettag $0x1  }
0x1: {  	s0 =	srdreg.scid;
	s1 =	rddreg [dreg:$0x0]  }
0x2: {  	s2 =	rddreg [dreg:$0x1];
	s9 =	stileid.u32;
	s3 =	simm.s32 $0x0  }
0x3: {  	s10 =	simm.s32 $0x71800;
	s28 =	simm.s32 $0x2;
	s29 =	simm.s32 $0x80  }
0x4: {  	s30 =	simm.s32 $0x7530;
	s31 =	simm.s32 $0x7D30;
	s6 =	smul.u32 $0xA000, s9  }
0x5: {  	s0 =	sand.u32 $0x1, s0;
	[smem:$0x7FF] =	sst s3;
	s13 =	smul.u32 $0x2800, s9  }
0x6: {  	s4 =	sshll.u32 s0, $0x4;
	_ =	strace $0x8000004D;
	s5 =	ssub.s32 $0x2, s0  }
0x7: {  	p0 =	seq.s32 s0, $0x0;
	s4 =	sor.u32 s9, s4;
	s8 =	sshrl.u32 s5, $0x1  }
0x8: {  	s6 =	sshrl.u32 s6, $0x2;
	s19 =	sadd.s32 s13, s2;
	s20 =	sshrl.u32 s13, $0x3  }
0x9: {  	s21 =	sadd.s32 $0x800, s13;
	s23 =	sadd.s32 $0x1000, s13;
	s25 =	sadd.s32 $0x1800, s13  }
0xa: {  	s10 =	simm.s32 @!p0 $0x1C800;
	s4 =	smul.u32 $0x2710, s4;
	s5 =	ssub.s32 s5, s8  }
0xb: {  	[dreg:$0xa] =	wrdreg s19;
	s22 =	sadd.s32 s21, s2;
	s24 =	sadd.s32 s23, s2  }
0xc: {  	s8 =	sshrl.u32 s23, $0x3;
	s11 =	sadd.s32 s25, s2;
	s9 =	sshrl.u32 s25, $0x3  }
0xd: {  	s25 =	simm.s32 $0x8;
	s23 =	simm.s32 $0x9530;
	[dreg:$0xb] =	wrdreg s22  }
0xe: {  	s14 =	smax.u32 s5, $0x1;
	s5 =	sshrl.u32 s21, $0x3;
	[dreg:$0xc] =	wrdreg s24  }
0xf: {  	[dreg:$0xd] =	wrdreg s11;
	s24 =	simm.s32 $0xA530;
	s11 =	simm.s32 $0x7  }
0x10: {  	s4 =	sshrl.u32 s4, $0x3;
	[dreg:$0x5] =	wrdreg s14;
	s14 =	simm.s32 $0x0  }
0x11: {  	s7 =	sadd.s32 s4, s1;
	s4 =	sadd.s32 $0x17800, s1;
	s1 =	sadd.s32 s10, s1  }
0x12: {  	s10 =	simm.s32 $0x6;
	s12 =	sadd.s32 $0x3E00, s7;
	s7 =	sadd.s32 $0xDA40, s7  }
0x13: {  	s0 =	sadd.s32 s1, s20;
	s19 =	sadd.s32 s1, s5;
	s20 =	sadd.s32 s1, s8  }
0x14: {  	s21 =	sadd.s32 s1, s9;
	s5 =	simm.s32 $0x9D30;
	[dreg:$0x3] =	wrdreg s12  }
0x15: {  	s8 =	simm.s32 $0x4;
	[dreg:$0x4] =	wrdreg s7;
	s7 =	sadd.s32 s6, s2  }
0x16: {  	s9 =	simm.s32 $0x5;
	[dreg:$0xf] =	wrdreg s0;
	s15 =	sadd.s32 $0x800, s7  }
0x17: {  	s6 =	sadd.s32 $0x2000, s13;
	s16 =	sadd.s32 $0x1000, s7;
	[dreg:$0x6] =	wrdreg s15  }
0x18: {  	s0 =	simm.s32 $0x8D30;
	s17 =	sadd.s32 $0x1800, s7;
	[dreg:$0x7] =	wrdreg s16  }
0x19: {  	s12 =	simm.s32 $0x10;
	s18 =	sadd.s32 $0x2000, s7;
	[dreg:$0x8] =	wrdreg s17  }
0x1a: {  	s26 =	sadd.s32 s6, s2;
	s6 =	sshrl.u32 s6, $0x3;
	[dreg:$0x9] =	wrdreg s18  }
0x1b: {  	s13 =	simm.s32 $0x9;
	[dreg:$0xe] =	wrdreg s26;
	s22 =	sadd.s32 s1, s6  }
0x1c: {  	v0 =	vimm.f32 $0.0e+00;
	s26 =	simm.s32 $0x1;
	s1 =	simm.s32 $0x8530;
	s6 =	simm.s32 $0x3  }
.LBB2_1:
0x1d: {  	s15 =	rddreg [dreg:$0x3]  }
0x1e: {  	[tilespmem:s3], [sflag:$0x1] =	stream.linear.gather [hbm4b:s15+s3], $0x2710, $0x38;
	[tilespmem:$0xD530] =	vst v63  }
0x1f: {  	s18 =	rddreg [dreg:$0x4];
	s16 =	simm.s32 $0x2710  }
0x20: {  	[tilespmem:s16], [sflag:$0x2] =	stream.linear.gather [hbm4b:s18+s3], $0x2710, $0x38;
	[tilespmem:$0xD530] =	vst v63  }
0x21: {  	s15 =	simm.s32 $0x40;
	s16 =	simm.s32 $0x0  }
.LBB2_2:
0x22: {  	p1 =	sne.s32 s15, $0x1FC0;
	[tilespmem:s16+$0xA530] =	vst v0;
	s16 =	smov.u32 s15;
	s15 =	sadd.s32 $0x40, s15  }
.Ltmp0:
0x23: {  	(pc) =	sbr.rel @p1 .LBB2_2-.Ltmp0, $2  }
0x24: {  	_ =	sdelay $0x2  }
0x25: {  	s16 =	sshra.s32 s16, $0x2  }
0x26: {  	[tilespmem:s16+$0xA530] =	vst v0  }
0x27: {  	[spmem:s7] =	stream.linear.scatter [tilespmem:s24], [sflag:$0x8], $0x800, $0x38;
	[tilespmem:$0xD530] =	vst v63  }
0x28: {  	_ =	swait.ge [sflag:s25], $0x800  }
0x29: {  	[sflag:s25] =	ssyncset.done $0x0  }
0x2a: {  	s15 =	rddreg [dreg:$0x6];
	[sflag:s25] =	ssyncadd.s32 $0xFFFFF800  }
0x2b: {  	[spmem:s15] =	stream.linear.scatter [tilespmem:s24], [sflag:$0x8], $0x800, $0x38;
	[tilespmem:$0xD530] =	vst v63  }
0x2c: {  	_ =	swait.ge [sflag:s25], $0x800  }
0x2d: {  	[sflag:s25] =	ssyncset.done $0x0  }
0x2e: {  	s18 =	rddreg [dreg:$0x7];
	[sflag:s25] =	ssyncadd.s32 $0xFFFFF800  }
0x2f: {  	[spmem:s18] =	stream.linear.scatter [tilespmem:s24], [sflag:$0x8], $0x800, $0x38;
	[tilespmem:$0xD530] =	vst v63  }
0x30: {  	_ =	swait.ge [sflag:s25], $0x800  }
0x31: {  	[sflag:s25] =	ssyncset.done $0x0  }
0x32: {  	s16 =	rddreg [dreg:$0x8];
	[sflag:s25] =	ssyncadd.s32 $0xFFFFF800  }
0x33: {  	[spmem:s16] =	stream.linear.scatter [tilespmem:s24], [sflag:$0x8], $0x800, $0x38;
	[tilespmem:$0xD530] =	vst v63  }
0x34: {  	_ =	swait.ge [sflag:s25], $0x800  }
0x35: {  	[sflag:s25] =	ssyncset.done $0x0  }
0x36: {  	s17 =	rddreg [dreg:$0x9];
	[sflag:s25] =	ssyncadd.s32 $0xFFFFF800  }
0x37: {  	[spmem:s17] =	stream.linear.scatter [tilespmem:s24], [sflag:$0x8], $0x800, $0x38;
	[tilespmem:$0xD530] =	vst v63  }
0x38: {  	_ =	swait.ge [sflag:s25], $0x800  }
0x39: {  	[sflag:s25] =	ssyncset.done $0x0  }
0x3a: {  	[sflag:s25] =	ssyncadd.s32 $0xFFFFF800  }
0x3b: {  	_ =	swait.ge [sflag:s26], $0x2710  }
0x3c: {  	[sflag:s26] =	ssyncset.done $0x0  }
0x3d: {  	[sflag:s26] =	ssyncadd.s32 $0xFFFFD8F0  }
0x3e: {  	_ =	swait.ge [sflag:s28], $0x2710  }
0x3f: {  	[sflag:s28] =	ssyncset.done $0x0  }
0x40: {  	s17 =	simm.s32 $0x0;
	[sflag:s28] =	ssyncadd.s32 $0xFFFFD8F0  }
0x41: {  	s18 =	simm.s32 $0x0;
	v1 =	vld [tilespmem:s17+$0x2710]  }
0x42: {  	s16 =	sand.u32 $0xFE00, s18  }
0x43: {  	s18 =	sand.u32 $0x70, s18;
	s16 =	sshrl.u32 s16, $0x2  }
0x44: {  	s15 =	simm.s32 $0x10;
	s17 =	sor.u32 s18, s16;
	s16 =	simm.s32 $0x40  }
.LBB2_4:
0x45: {  	s18 =	sshra.s32 s16, $0x2  }
0x46: {  	p1 =	sne.s32 s15, $0x26F0;
	[tilespmem:s17+$0x4E20] =	vst v1;
	s17 =	smov.u32 s15;
	s15 =	sadd.s32 $0x10, s15  }
.Ltmp1:
0x47: {  	v1 =	vld [tilespmem:s18+$0x2710];
	(pc) =	sbr.rel @p1 .LBB2_4-.Ltmp1, $4  }
0x48: {  	_ = 	snop  }
0x49: {  	s18 =	sand.u32 $0xFE00, s16  }
0x4a: {  	s17 =	sand.u32 $0x70, s17;
	s18 =	sshrl.u32 s18, $0x2  }
0x4b: {  	s16 =	sadd.s32 $0x40, s16;
	s17 =	sor.u32 s17, s18  }
0x4c: {  	[tilespmem:s17+$0x4E20] =	vst v1  }
0x4d: {  	v1 =	vld [tilespmem:$0x4E10];
	_ =	sdelay $0x4  }
0x4e: {  	[tilespmem:$0x7520] =	vst v1  }
0x4f: {  	s15 =	simm.s32 $0x0;
	[bflag:$0x0] =	sbarrier.arrive $0xFFFF  }
0x50: {  	[tilespmem:s30], [sflag:$0x1] =	stream.indirect.gather [hbm4b:s4+s29], $0x10, s15, s29, $0xb8;
	[tilespmem:$0xD530] =	vst v63  }
0x51: {  	_ = 	snop  }
0x52: {  	[tilespmem:s31], [sflag:$0x2] =	stream.indirect.gather [hbm4b:s4+s29], $0x10, s29, s29, $0xb8;
	[tilespmem:$0xD530] =	vst v63  }
0x53: {  	s16 =	simm.s32 $0x100  }
0x54: {  	[tilespmem:s1], [sflag:$0x3] =	stream.indirect.gather [hbm4b:s4+s29], $0x10, s16, s29, $0xb8;
	[tilespmem:$0xD530] =	vst v63  }
0x55: {  	s17 =	simm.s32 $0x180  }
0x56: {  	[tilespmem:s0], [sflag:$0x4] =	stream.indirect.gather [hbm4b:s4+s29], $0x10, s17, s29, $0xb8;
	[tilespmem:$0xD530] =	vst v63  }
0x57: {  	s18 =	simm.s32 $0x200  }
0x58: {  	[tilespmem:s23], [sflag:$0x5] =	stream.indirect.gather [hbm4b:s4+s29], $0x10, s18, s29, $0xb8;
	[tilespmem:$0xD530] =	vst v63  }
0x59: {  	s16 =	simm.s32 $0x280  }
0x5a: {  	[tilespmem:s5], [sflag:$0x6] =	stream.indirect.gather [hbm4b:s4+s29], $0x10, s16, s29, $0xb8;
	[tilespmem:$0xD530] =	vst v63  }
0x5b: {  	_ =	swait.ge [sflag:s26], $0x800  }
0x5c: {  	[sflag:s26] =	ssyncset.done $0x0  }
0x5d: {  	s17 =	simm.s32 $0x4E20;
	[sflag:s26] =	ssyncadd.s32 $0xFFFFF800  }
0x5e: {  	[spmem:s2] =	stream.indirect.scatter.add.f32 [tilespmem:s30], [sflag:$0x7], $0x10, s17, s29, $0xb8;
	[tilespmem:$0xD530] =	vst v63  }
0x5f: {  	_ =	swait.ge [sflag:s28], $0x800  }
0x60: {  	[sflag:s28] =	ssyncset.done $0x0  }
0x61: {  	s18 =	simm.s32 $0x4EA0;
	[sflag:s28] =	ssyncadd.s32 $0xFFFFF800  }
0x62: {  	[spmem:s2] =	stream.indirect.scatter.add.f32 [tilespmem:s31], [sflag:$0x7], $0x10, s18, s29, $0xb8;
	[tilespmem:$0xD530] =	vst v63  }
0x63: {  	_ =	swait.ge [sflag:s6], $0x800  }
0x64: {  	[sflag:s6] =	ssyncset.done $0x0  }
0x65: {  	s16 =	simm.s32 $0x4F20;
	[sflag:s6] =	ssyncadd.s32 $0xFFFFF800  }
0x66: {  	[spmem:s2] =	stream.indirect.scatter.add.f32 [tilespmem:s1], [sflag:$0x7], $0x10, s16, s29, $0xb8;
	[tilespmem:$0xD530] =	vst v63  }
0x67: {  	_ =	swait.ge [sflag:s8], $0x800  }
0x68: {  	[sflag:s8] =	ssyncset.done $0x0  }
0x69: {  	s17 =	simm.s32 $0x4FA0;
	[sflag:s8] =	ssyncadd.s32 $0xFFFFF800  }
0x6a: {  	[spmem:s2] =	stream.indirect.scatter.add.f32 [tilespmem:s0], [sflag:$0x7], $0x10, s17, s29, $0xb8;
	[tilespmem:$0xD530] =	vst v63  }
0x6b: {  	_ =	swait.ge [sflag:s9], $0x800  }
0x6c: {  	[sflag:s9] =	ssyncset.done $0x0  }
0x6d: {  	s18 =	simm.s32 $0x5020;
	[sflag:s9] =	ssyncadd.s32 $0xFFFFF800  }
0x6e: {  	[spmem:s2] =	stream.indirect.scatter.add.f32 [tilespmem:s23], [sflag:$0x7], $0x10, s18, s29, $0xb8;
	[tilespmem:$0xD530] =	vst v63  }
0x6f: {  	_ =	swait.ge [sflag:s10], $0x800  }
0x70: {  	[sflag:s10] =	ssyncset.done $0x0  }
0x71: {  	s16 =	simm.s32 $0x50A0;
	[sflag:s10] =	ssyncadd.s32 $0xFFFFF800  }
0x72: {  	[spmem:s2] =	stream.indirect.scatter.add.f32 [tilespmem:s5], [sflag:$0x7], $0x10, s16, s29, $0xb8;
	[tilespmem:$0xD530] =	vst v63  }
0x73: {  	_ =	swait.ge [sflag:s11], $0x800  }
0x74: {  	[sflag:s11] =	ssyncset.done $0x0  }
0x75: {  	[sflag:s11] =	ssyncadd.s32 $0xFFFFF800  }
0x76: {  	_ =	swait.ge [sflag:s11], $0x800  }
0x77: {  	[sflag:s11] =	ssyncset.done $0x0  }
0x78: {  	[sflag:s11] =	ssyncadd.s32 $0xFFFFF800  }
0x79: {  	_ =	swait.ge [sflag:s11], $0x800  }
0x7a: {  	[sflag:s11] =	ssyncset.done $0x0  }
0x7b: {  	[sflag:s11] =	ssyncadd.s32 $0xFFFFF800  }
0x7c: {  	_ =	swait.ge [sflag:s11], $0x800  }
0x7d: {  	[sflag:s11] =	ssyncset.done $0x0  }
0x7e: {  	[sflag:s11] =	ssyncadd.s32 $0xFFFFF800  }
0x7f: {  	_ =	swait.ge [sflag:s11], $0x800  }
0x80: {  	[sflag:s11] =	ssyncset.done $0x0  }
0x81: {  	[sflag:s11] =	ssyncadd.s32 $0xFFFFF800  }
0x82: {  	_ =	swait.ge [sflag:s11], $0x800  }
0x83: {  	[sflag:s11] =	ssyncset.done $0x0  }
0x84: {  	s17 =	simm.s32 $0x300;
	[sflag:s11] =	ssyncadd.s32 $0xFFFFF800  }
0x85: {  	[tilespmem:s30], [sflag:$0x1] =	stream.indirect.gather [hbm4b:s4+s29], $0x10, s17, s29, $0xb8;
	[tilespmem:$0xD530] =	vst v63  }
0x86: {  	s18 =	simm.s32 $0x380  }
0x87: {  	[tilespmem:s31], [sflag:$0x2] =	stream.indirect.gather [hbm4b:s4+s29], $0x10, s18, s29, $0xb8;
	[tilespmem:$0xD530] =	vst v63  }
0x88: {  	s16 =	simm.s32 $0x400  }
0x89: {  	[tilespmem:s1], [sflag:$0x3] =	stream.indirect.gather [hbm4b:s4+s29], $0x10, s16, s29, $0xb8;
	[tilespmem:$0xD530] =	vst v63  }
0x8a: {  	s17 =	simm.s32 $0x480  }
0x8b: {  	[tilespmem:s0], [sflag:$0x4] =	stream.indirect.gather [hbm4b:s4+s29], $0x10, s17, s29, $0xb8;
	[tilespmem:$0xD530] =	vst v63  }
0x8c: {  	s15 =	simm.s32 $0xC00;
	s18 =	simm.s32 $0x500;
	s16 =	simm.s32 $0x580  }
0x8d: {  	[tilespmem:s23], [sflag:$0x5] =	stream.indirect.gather [hbm4b:s4+s29], $0x10, s18, s29, $0xb8;
	[tilespmem:$0xD530] =	vst v63  }
.LBB2_6:
0x8e: {  	[tilespmem:s5], [sflag:$0x6] =	stream.indirect.gather [hbm4b:s4+s29], $0x10, s16, s29, $0xb8;
	[tilespmem:$0xD530] =	vst v63  }
0x8f: {  	s16 =	smov.u32 s15  }
0x90: {  	p1 =	sne.s32 s15, $0x8400;
	s15 =	sadd.s32 $0xC00, s15;
	_ =	swait.ge [sflag:s26], $0x800  }
0x91: {  	s16 =	sshra.s32 s16, $0x2;
	[sflag:s26] =	ssyncset.done $0x0  }
0x92: {  	s17 =	sadd.s32 $0x4E20, s16;
	[sflag:s26] =	ssyncadd.s32 $0xFFFFF800  }
0x93: {  	[spmem:s2] =	stream.indirect.scatter.add.f32 [tilespmem:s30], [sflag:$0x7], $0x10, s17, s29, $0xb8;
	[tilespmem:$0xD530] =	vst v63  }
0x94: {  	_ =	swait.ge [sflag:s28], $0x800  }
0x95: {  	[sflag:s28] =	ssyncset.done $0x0  }
0x96: {  	s17 =	sadd.s32 $0x4EA0, s16;
	[sflag:s28] =	ssyncadd.s32 $0xFFFFF800  }
0x97: {  	[spmem:s2] =	stream.indirect.scatter.add.f32 [tilespmem:s31], [sflag:$0x7], $0x10, s17, s29, $0xb8;
	[tilespmem:$0xD530] =	vst v63  }
0x98: {  	_ =	swait.ge [sflag:s6], $0x800  }
0x99: {  	[sflag:s6] =	ssyncset.done $0x0  }
0x9a: {  	s17 =	sadd.s32 $0x4F20, s16;
	[sflag:s6] =	ssyncadd.s32 $0xFFFFF800  }
0x9b: {  	[spmem:s2] =	stream.indirect.scatter.add.f32 [tilespmem:s1], [sflag:$0x7], $0x10, s17, s29, $0xb8;
	[tilespmem:$0xD530] =	vst v63  }
0x9c: {  	_ =	swait.ge [sflag:s8], $0x800  }
0x9d: {  	[sflag:s8] =	ssyncset.done $0x0  }
0x9e: {  	s17 =	sadd.s32 $0x4FA0, s16;
	[sflag:s8] =	ssyncadd.s32 $0xFFFFF800  }
0x9f: {  	[spmem:s2] =	stream.indirect.scatter.add.f32 [tilespmem:s0], [sflag:$0x7], $0x10, s17, s29, $0xb8;
	[tilespmem:$0xD530] =	vst v63  }
0xa0: {  	_ =	swait.ge [sflag:s9], $0x800  }
0xa1: {  	[sflag:s9] =	ssyncset.done $0x0  }
0xa2: {  	s17 =	sadd.s32 $0x5020, s16;
	[sflag:s9] =	ssyncadd.s32 $0xFFFFF800  }
0xa3: {  	[spmem:s2] =	stream.indirect.scatter.add.f32 [tilespmem:s23], [sflag:$0x7], $0x10, s17, s29, $0xb8;
	[tilespmem:$0xD530] =	vst v63  }
0xa4: {  	_ =	swait.ge [sflag:s10], $0x800  }
0xa5: {  	[sflag:s10] =	ssyncset.done $0x0  }
0xa6: {  	s17 =	sadd.s32 $0x50A0, s16;
	[sflag:s10] =	ssyncadd.s32 $0xFFFFF800  }
0xa7: {  	[spmem:s2] =	stream.indirect.scatter.add.f32 [tilespmem:s5], [sflag:$0x7], $0x10, s17, s29, $0xb8;
	[tilespmem:$0xD530] =	vst v63  }
0xa8: {  	_ =	swait.ge [sflag:s11], $0x800  }
0xa9: {  	[sflag:s11] =	ssyncset.done $0x0  }
0xaa: {  	[sflag:s11] =	ssyncadd.s32 $0xFFFFF800  }
0xab: {  	_ =	swait.ge [sflag:s11], $0x800  }
0xac: {  	[sflag:s11] =	ssyncset.done $0x0  }
0xad: {  	[sflag:s11] =	ssyncadd.s32 $0xFFFFF800  }
0xae: {  	_ =	swait.ge [sflag:s11], $0x800  }
0xaf: {  	[sflag:s11] =	ssyncset.done $0x0  }
0xb0: {  	[sflag:s11] =	ssyncadd.s32 $0xFFFFF800  }
0xb1: {  	_ =	swait.ge [sflag:s11], $0x800  }
0xb2: {  	[sflag:s11] =	ssyncset.done $0x0  }
0xb3: {  	[sflag:s11] =	ssyncadd.s32 $0xFFFFF800  }
0xb4: {  	_ =	swait.ge [sflag:s11], $0x800  }
0xb5: {  	[sflag:s11] =	ssyncset.done $0x0  }
0xb6: {  	[sflag:s11] =	ssyncadd.s32 $0xFFFFF800  }
0xb7: {  	_ =	swait.ge [sflag:s11], $0x800  }
0xb8: {  	[sflag:s11] =	ssyncset.done $0x0  }
0xb9: {  	s17 =	sadd.s32 $0x300, s16;
	[sflag:s11] =	ssyncadd.s32 $0xFFFFF800  }
0xba: {  	[tilespmem:s30], [sflag:$0x1] =	stream.indirect.gather [hbm4b:s4+s29], $0x10, s17, s29, $0xb8;
	[tilespmem:$0xD530] =	vst v63  }
0xbb: {  	s17 =	sadd.s32 $0x380, s16  }
0xbc: {  	[tilespmem:s31], [sflag:$0x2] =	stream.indirect.gather [hbm4b:s4+s29], $0x10, s17, s29, $0xb8;
	[tilespmem:$0xD530] =	vst v63  }
0xbd: {  	s17 =	sadd.s32 $0x400, s16  }
0xbe: {  	[tilespmem:s1], [sflag:$0x3] =	stream.indirect.gather [hbm4b:s4+s29], $0x10, s17, s29, $0xb8;
	[tilespmem:$0xD530] =	vst v63  }
.Ltmp2:
0xbf: {  	s17 =	sadd.s32 $0x480, s16;
	(pc) =	sbr.rel @p1 .LBB2_6-.Ltmp2, $4  }
0xc0: {  	[tilespmem:s0], [sflag:$0x4] =	stream.indirect.gather [hbm4b:s4+s29], $0x10, s17, s29, $0xb8;
	[tilespmem:$0xD530] =	vst v63  }
0xc1: {  	s17 =	sadd.s32 $0x500, s16  }
0xc2: {  	[tilespmem:s23], [sflag:$0x5] =	stream.indirect.gather [hbm4b:s4+s29], $0x10, s17, s29, $0xb8;
	[tilespmem:$0xD530] =	vst v63  }
0xc3: {  	s16 =	sadd.s32 $0x580, s16  }
0xc4: {  	[tilespmem:s5], [sflag:$0x6] =	stream.indirect.gather [hbm4b:s4+s29], $0x10, s16, s29, $0xb8;
	[tilespmem:$0xD530] =	vst v63  }
0xc5: {  	_ =	swait.ge [sflag:s26], $0x800  }
0xc6: {  	[sflag:s26] =	ssyncset.done $0x0  }
0xc7: {  	s15 =	simm.s32 $0x7220;
	[sflag:s26] =	ssyncadd.s32 $0xFFFFF800  }
0xc8: {  	[spmem:s2] =	stream.indirect.scatter.add.f32 [tilespmem:s30], [sflag:$0x7], $0x10, s15, s29, $0xb8;
	[tilespmem:$0xD530] =	vst v63  }
0xc9: {  	_ =	swait.ge [sflag:s28], $0x800  }
0xca: {  	[sflag:s28] =	ssyncset.done $0x0  }
0xcb: {  	s18 =	simm.s32 $0x72A0;
	[sflag:s28] =	ssyncadd.s32 $0xFFFFF800  }
0xcc: {  	[spmem:s2] =	stream.indirect.scatter.add.f32 [tilespmem:s31], [sflag:$0x7], $0x10, s18, s29, $0xb8;
	[tilespmem:$0xD530] =	vst v63  }
0xcd: {  	_ =	swait.ge [sflag:s6], $0x800  }
0xce: {  	[sflag:s6] =	ssyncset.done $0x0  }
0xcf: {  	s16 =	simm.s32 $0x7320;
	[sflag:s6] =	ssyncadd.s32 $0xFFFFF800  }
0xd0: {  	[spmem:s2] =	stream.indirect.scatter.add.f32 [tilespmem:s1], [sflag:$0x7], $0x10, s16, s29, $0xb8;
	[tilespmem:$0xD530] =	vst v63  }
0xd1: {  	_ =	swait.ge [sflag:s8], $0x800  }
0xd2: {  	[sflag:s8] =	ssyncset.done $0x0  }
0xd3: {  	s17 =	simm.s32 $0x73A0;
	[sflag:s8] =	ssyncadd.s32 $0xFFFFF800  }
0xd4: {  	[spmem:s2] =	stream.indirect.scatter.add.f32 [tilespmem:s0], [sflag:$0x7], $0x10, s17, s29, $0xb8;
	[tilespmem:$0xD530] =	vst v63  }
0xd5: {  	_ =	swait.ge [sflag:s9], $0x800  }
0xd6: {  	[sflag:s9] =	ssyncset.done $0x0  }
0xd7: {  	s18 =	simm.s32 $0x7420;
	[sflag:s9] =	ssyncadd.s32 $0xFFFFF800  }
0xd8: {  	[spmem:s2] =	stream.indirect.scatter.add.f32 [tilespmem:s23], [sflag:$0x7], $0x10, s18, s29, $0xb8;
	[tilespmem:$0xD530] =	vst v63  }
0xd9: {  	_ =	swait.ge [sflag:s10], $0x800  }
0xda: {  	[sflag:s10] =	ssyncset.done $0x0  }
0xdb: {  	s16 =	simm.s32 $0x74A0;
	[sflag:s10] =	ssyncadd.s32 $0xFFFFF800  }
0xdc: {  	[spmem:s2] =	stream.indirect.scatter.add.f32 [tilespmem:s5], [sflag:$0x7], $0x10, s16, s29, $0xb8;
	[tilespmem:$0xD530] =	vst v63  }
0xdd: {  	_ =	swait.ge [sflag:s11], $0x800  }
0xde: {  	[sflag:s11] =	ssyncset.done $0x0  }
0xdf: {  	[sflag:s11] =	ssyncadd.s32 $0xFFFFF800  }
0xe0: {  	_ =	swait.ge [sflag:s11], $0x800  }
0xe1: {  	[sflag:s11] =	ssyncset.done $0x0  }
0xe2: {  	[sflag:s11] =	ssyncadd.s32 $0xFFFFF800  }
0xe3: {  	_ =	swait.ge [sflag:s11], $0x800  }
0xe4: {  	[sflag:s11] =	ssyncset.done $0x0  }
0xe5: {  	[sflag:s11] =	ssyncadd.s32 $0xFFFFF800  }
0xe6: {  	_ =	swait.ge [sflag:s11], $0x800  }
0xe7: {  	[sflag:s11] =	ssyncset.done $0x0  }
0xe8: {  	[sflag:s11] =	ssyncadd.s32 $0xFFFFF800  }
0xe9: {  	_ =	swait.ge [sflag:s11], $0x800  }
0xea: {  	[sflag:s11] =	ssyncset.done $0x0  }
0xeb: {  	[sflag:s11] =	ssyncadd.s32 $0xFFFFF800  }
0xec: {  	_ =	swait.ge [sflag:s11], $0x800  }
0xed: {  	[sflag:s11] =	ssyncset.done $0x0  }
0xee: {  	s17 =	simm.s32 $0x2700;
	[sflag:s11] =	ssyncadd.s32 $0xFFFFF800  }
0xef: {  	[tilespmem:s30], [sflag:$0x8] =	stream.indirect.gather [hbm4b:s4+s12], $0x10, s17, s12, $0xb8;
	[tilespmem:$0xD530] =	vst v63  }
0xf0: {  	_ =	swait.ge [sflag:s25], $0x100  }
0xf1: {  	[sflag:s25] =	ssyncset.done $0x0  }
0xf2: {  	s18 =	simm.s32 $0x7520;
	[sflag:s25] =	ssyncadd.s32 $0xFFFFFF00  }
0xf3: {  	[spmem:s2] =	stream.indirect.scatter.add.f32 [tilespmem:s30], [sflag:$0x8], $0x10, s18, s12, $0xb8;
	[tilespmem:$0xD530] =	vst v63  }
0xf4: {  	_ =	swait.ge [sflag:s25], $0x100  }
0xf5: {  	[sflag:s25] =	ssyncset.done $0x0  }
0xf6: {  	[sflag:s25] =	ssyncadd.s32 $0xFFFFFF00  }
0xf7: {  	[bflag:$0x0] =	sbarrier.arrive $0xFFFF  }
0xf8: {  	s16 =	rddreg [dreg:$0xa]  }
0xf9: {  	[tilespmem:s24], [sflag:$0x9] =	stream.linear.gather [spmem:s16], $0x800, $0x38;
	[tilespmem:$0xD530] =	vst v63  }
0xfa: {  	_ =	swait.ge [sflag:s13], $0x800  }
0xfb: {  	s15 =	simm.s32 $0x9;
	[sflag:s13] =	ssyncset.done $0x0  }
0xfc: {  	s15 =	simm.s32 @!p0 $0x8;
	s17 =	rddreg [dreg:$0xf];
	[sflag:s13] =	ssyncadd.s32 $0xFFFFF800  }
0xfd: {  	[hbm4b:s17+s3] =	stream.linear.scatter [tilespmem:s24], [sflag:s15], $0x800, $0x38;
	[tilespmem:$0xD530] =	vst v63  }
0xfe: {  	_ =	swait.ge [sflag:s15], $0x800  }
0xff: {  	[sflag:s15] =	ssyncset.done $0x0  }
0x100: {  	s18 =	rddreg [dreg:$0xb];
	[sflag:s15] =	ssyncadd.s32 $0xFFFFF800  }
0x101: {  	[tilespmem:s24], [sflag:$0x9] =	stream.linear.gather [spmem:s18], $0x800, $0x38;
	[tilespmem:$0xD530] =	vst v63  }
0x102: {  	_ =	swait.ge [sflag:s13], $0x800  }
0x103: {  	[sflag:s13] =	ssyncset.done $0x0  }
0x104: {  	[sflag:s13] =	ssyncadd.s32 $0xFFFFF800  }
0x105: {  	[hbm4b:s19+s3] =	stream.linear.scatter [tilespmem:s24], [sflag:s15], $0x800, $0x38;
	[tilespmem:$0xD530] =	vst v63  }
0x106: {  	_ =	swait.ge [sflag:s15], $0x800  }
0x107: {  	[sflag:s15] =	ssyncset.done $0x0  }
0x108: {  	s17 =	rddreg [dreg:$0xc];
	[sflag:s15] =	ssyncadd.s32 $0xFFFFF800  }
0x109: {  	[tilespmem:s24], [sflag:$0x9] =	stream.linear.gather [spmem:s17], $0x800, $0x38;
	[tilespmem:$0xD530] =	vst v63  }
0x10a: {  	_ =	swait.ge [sflag:s13], $0x800  }
0x10b: {  	[sflag:s13] =	ssyncset.done $0x0  }
0x10c: {  	[sflag:s13] =	ssyncadd.s32 $0xFFFFF800  }
0x10d: {  	[hbm4b:s20+s3] =	stream.linear.scatter [tilespmem:s24], [sflag:s15], $0x800, $0x38;
	[tilespmem:$0xD530] =	vst v63  }
0x10e: {  	_ =	swait.ge [sflag:s15], $0x800  }
0x10f: {  	[sflag:s15] =	ssyncset.done $0x0  }
0x110: {  	s18 =	rddreg [dreg:$0xd];
	[sflag:s15] =	ssyncadd.s32 $0xFFFFF800  }
0x111: {  	[tilespmem:s24], [sflag:$0x9] =	stream.linear.gather [spmem:s18], $0x800, $0x38;
	[tilespmem:$0xD530] =	vst v63  }
0x112: {  	_ =	swait.ge [sflag:s13], $0x800  }
0x113: {  	[sflag:s13] =	ssyncset.done $0x0  }
0x114: {  	[sflag:s13] =	ssyncadd.s32 $0xFFFFF800  }
0x115: {  	[hbm4b:s21+s3] =	stream.linear.scatter [tilespmem:s24], [sflag:s15], $0x800, $0x38;
	[tilespmem:$0xD530] =	vst v63  }
0x116: {  	_ =	swait.ge [sflag:s15], $0x800  }
0x117: {  	[sflag:s15] =	ssyncset.done $0x0  }
0x118: {  	s17 =	rddreg [dreg:$0xe];
	[sflag:s15] =	ssyncadd.s32 $0xFFFFF800  }
0x119: {  	[tilespmem:s24], [sflag:$0x9] =	stream.linear.gather [spmem:s17], $0x800, $0x38;
	[tilespmem:$0xD530] =	vst v63  }
0x11a: {  	_ =	swait.ge [sflag:s13], $0x800  }
0x11b: {  	[sflag:s13] =	ssyncset.done $0x0  }
0x11c: {  	[sflag:s13] =	ssyncadd.s32 $0xFFFFF800  }
0x11d: {  	[hbm4b:s22+s3] =	stream.linear.scatter [tilespmem:s24], [sflag:s15], $0x800, $0x38;
	[tilespmem:$0xD530] =	vst v63  }
0x11e: {  	_ =	swait.ge [sflag:s15], $0x800  }
0x11f: {  	s14 =	sadd.s32 $0x1, s14;
	s18 =	rddreg [dreg:$0x5]  }
0x120: {  	p1 =	sne.s32 s14, s18  }
.Ltmp3:
0x121: {  	_ = 	snop;
	(pc) =	sbr.rel @p1 .LBB2_1-.Ltmp3, $3  }
0x122: {  	_ =	sdelay $0x1  }
0x123: {  	[sflag:s15] =	ssyncset.done $0x0  }
0x124: {  	[sflag:s15] =	ssyncadd.s32 $0xFFFFF800  }
0x125: {  	_ =	sfence.sel $0x180000  }
0x126: {  	[bflag:$0x0] =	sbarrier.arrive $0xFFFF  }
0x127: {  	_ =	strace $0x9000004D  }
0x128: {  	s0 =	stileid.u32;
	[bflag:$0x2] =	sbarrier.arrive $0xFFFF  }
0x129: {  	p0 =	sne.s32 s0, $0x0;
	s0 =	rddreg [dreg:$0x2]  }
0x12a: {  	s0 =	sadd.s32 @!p0 $0x100000, s0  }
0x12b: {  	[sflag:s0] =	ssyncadd.tile.s32 @!p0 $0x1;
	_ =	shalt  }
.Lfunc_end2:
_tile_overlayer_lowered:
.L_overlay_start_2:
0x12c: {  	(tag) =	ssettag $0x2  }
0x12d: {  	s0 =	rddreg [dreg:$0x0];
	s2 =	stileid.u32  }
0x12e: {  	s1 =	rddreg [dreg:$0x1];
	p0 =	sne.s32 s2, $0x0  }
0x12f: {  	s3 =	rddreg [dreg:$0x2];
	[bflag:$0x3] =	sbarrier.arrive $0xFFFF;
	s2 =	simm.s32 @!p0 $0x1C08  }
0x130: {  	[timem:s3], [sflag:s2] =	dma.local @!p0 [hbm:s0], s1  }
0x131: {  	s0 =	simm.s32 @!p0 $0x8  }
0x132: {  	_ =	swait.ge @!p0 [sflag:s0], s1  }
0x133: {  	s1 =	ssub.s32 @!p0 $0x0, s1;
	[sflag:s0] =	ssyncset.done @!p0 $0x0  }
0x134: {  	[sflag:s0] =	ssyncadd.s32 @!p0 s1  }
0x135: {  	[bflag:$0x3] =	sbarrier.arrive $0xFFFF  }
0x136: {  	_ =	shalt  }

// kernel: kernel.19.cloned.1.call-start
scs
__scs_entry_jumppad:
0x0: {  	(pc) =	sbr.rel $0x88, $3  }
0x1: {  	(tag) =	ssettag $0x0;
	lr =	simm.s32 $0x1  }
0x2: {  	[smem:$0x3F98] =	sst lr;
	_ =	strace $0xD0000000  }
0x3: {  	_ = 	snop  }
0x4: {  	_ = 	snop  }
0x5: {  	_ = 	snop  }
0x6: {  	_ = 	snop  }
0x7: {  	_ = 	snop  }
__scs_overlays_trampoline_lowered:
0x8: {  	[smem:$0x3FA7] =	sst s0  }
0x9: {  	[smem:$0x3FA8] =	sst s1  }
0xa: {  	[smem:$0x3FA9] =	sst s2  }
0xb: {  	[smem:$0x3FAA] =	sst s3  }
0xc: {  	[smem:$0x3FAB] =	sst s4  }
0xd: {  	[smem:$0x3FAC] =	sst s5  }
0xe: {  	[smem:$0x3FAD] =	sst s6  }
0xf: {  	[smem:$0x3FAE] =	sst s7  }
0x10: {  	[smem:$0x3FAF] =	sst s8  }
0x11: {  	[smem:$0x3FB0] =	sst s9;
	s0 =	simm.s32 @!p0 $0x0  }
0x12: {  	s1 =	sld [smem:$0x3F96];
	s0 =	simm.s32 @p0 $0x1  }
0x13: {  	[smem:$0x3FB1] =	sst s0;
	s0 =	simm.s32 @!p1 $0x0  }
0x14: {  	s2 =	sld [smem:$0x3F95];
	s0 =	simm.s32 @p1 $0x1  }
0x15: {  	[smem:$0x3FB2] =	sst s0;
	s0 =	simm.s32 @!p2 $0x0  }
0x16: {  	s3 =	sld [smem:$0x3FDB];
	s0 =	simm.s32 @p2 $0x1  }
0x17: {  	s4 =	simm.s32 $0x1BF5;
	[smem:$0x3FB4] =	sst s0  }
0x18: {  	s0 =	sld [smem:$0x3F97];
	_ =	swait.ge [sflag:s4], $0x0  }
0x19: {  	s7 =	sld [smem:$0x3F98]  }
0x1a: {  	s8 =	sadd.s32 $0xFFFFE003, lr  }
0x1b: {  	s9 =	sadd.s32 $0xFFFFFEF7, lr;
	s5 =	simm.s32 $0xFFFFFFFF;
	p2 =	slt.u32 s8, $0xFFFFF086  }
0x1c: {  	p1 =	slt.u32 s9, $0xF7A;
	s5 =	simm.s32 @!p2 $0x0  }
0x1d: {  	s5 =	simm.s32 @p1 $0x1;
	p0 =	seq.s32 s7, s2  }
0x1e: {  	s7 =	smul.u32 @!p0 $0xF7A, s2;
	p2 =	seq.s32 @!p0 s5, $0x0  }
0x1f: {  	s9 =	smul.u32 $0xF7A, s1;
	s8 =	simm.s32 @!p0 $0x1BF5;
	p2 =	por !p2, p0  }
0x20: {  	[sflag:s8] =	ssyncset.s32 @!p0 $0xFFFFF086;
	s6 =	sadd.s32 @!p0 s3, s7;
	s7 =	simm.s32 @!p0 $0x108  }
0x21: {  	s3 =	sadd.s32 s3, s9;
	s6 =	sadd.s32 @!p0 $0x88, s6;
	s7 =	simm.s32 @p2 $0x1082  }
0x22: {  	[simem:s7], [sflag:s8] =	dma.local @!p0 [hbm:s6], $0xF7A  }
0x23: {  	s9 =	sor.u32 $0xD0000000, s2;
	s6 =	simm.s32 $0x108;
	_ =	swait.ge @!p0 [sflag:s8], $0x0  }
0x24: {  	s3 =	sadd.s32 $0x88, s3;
	s6 =	simm.s32 @!p1 $0x1082;
	[sflag:s4] =	ssyncset.s32 $0xFFFFF086  }
0x25: {  	[simem:s6], [sflag:s4] =	dma.local [hbm:s3], $0xF7A  }
0x26: {  	[smem:$0x3F98] =	sst s1;
	(tag) =	ssettag s2;
	_ =	strace s9  }
0x27: {  	s1 =	sld [smem:$0x3FA8]  }
0x28: {  	s2 =	sld [smem:$0x3FA9]  }
0x29: {  	s4 =	sld [smem:$0x3FAB]  }
0x2a: {  	p0 =	seq.s32 s5, $0x0;
	s5 =	sld [smem:$0x3FAC]  }
0x2b: {  	s6 =	sld [smem:$0x3FAD]  }
0x2c: {  	s7 =	sld [smem:$0x3FAE]  }
0x2d: {  	s3 =	simm.s32 $0x108;
	s8 =	sld [smem:$0x3FAF]  }
0x2e: {  	s3 =	simm.s32 @!p0 $0x1082;
	s9 =	sld [smem:$0x3FB0]  }
0x2f: {  	lr =	sadd.s32 s0, s3;
	s0 =	sld [smem:$0x3FA7]  }
0x30: {  	s3 =	sld [smem:$0x3FAA]  }
0x31: {  	[smem:$0x3FB3] =	sst s10  }
0x32: {  	s10 =	sld [smem:$0x3FB1];
	_ =	sdelay $0x3  }
0x33: {  	p0 =	seq.s32 s10, $0x1;
	s10 =	sld [smem:$0x3FB3];
	_ =	sdelay $0x3  }
0x34: {  	[smem:$0x3FB3] =	sst s10  }
0x35: {  	s10 =	sld [smem:$0x3FB2];
	_ =	sdelay $0x3  }
0x36: {  	p1 =	seq.s32 s10, $0x1;
	s10 =	sld [smem:$0x3FB3];
	_ =	sdelay $0x3  }
0x37: {  	[smem:$0x3FB3] =	sst s10  }
0x38: {  	s10 =	sld [smem:$0x3FB4]  }
0x39: {  	_ = 	snop;
	(pc) =	sbr.ind lr, $3  }
0x3a: {  	_ = 	snop  }
0x3b: {  	_ = 	snop  }
0x3c: {  	p2 =	seq.s32 s10, $0x1;
	s10 =	sld [smem:$0x3FB3]  }
0x3d: {  	_ =	shalt  }
0x3e: {  	_ =	shalt  }
0x3f: {  	_ =	shalt  }
0x40: {  	_ =	shalt  }
0x41: {  	_ =	shalt  }
0x42: {  	_ =	shalt  }
0x43: {  	_ =	shalt  }
0x44: {  	_ =	shalt  }
0x45: {  	_ =	shalt  }
0x46: {  	_ =	shalt  }
0x47: {  	_ =	shalt  }
0x48: {  	_ =	shalt  }
0x49: {  	_ =	shalt  }
0x4a: {  	_ =	shalt  }
0x4b: {  	_ =	shalt  }
0x4c: {  	_ =	shalt  }
0x4d: {  	_ =	shalt  }
0x4e: {  	_ =	shalt  }
0x4f: {  	_ =	shalt  }
0x50: {  	_ =	shalt  }
0x51: {  	_ =	shalt  }
0x52: {  	_ =	shalt  }
0x53: {  	_ =	shalt  }
0x54: {  	_ =	shalt  }
0x55: {  	_ =	shalt  }
0x56: {  	_ =	shalt  }
0x57: {  	_ =	shalt  }
0x58: {  	_ =	shalt  }
0x59: {  	_ =	shalt  }
0x5a: {  	_ =	shalt  }
0x5b: {  	_ =	shalt  }
0x5c: {  	_ =	shalt  }
0x5d: {  	_ =	shalt  }
0x5e: {  	_ =	shalt  }
0x5f: {  	_ =	shalt  }
0x60: {  	_ =	shalt  }
0x61: {  	_ =	shalt  }
0x62: {  	_ =	shalt  }
0x63: {  	_ =	shalt  }
0x64: {  	_ =	shalt  }
0x65: {  	_ =	shalt  }
0x66: {  	_ =	shalt  }
0x67: {  	_ =	shalt  }
0x68: {  	_ =	shalt  }
0x69: {  	_ =	shalt  }
0x6a: {  	_ =	shalt  }
0x6b: {  	_ =	shalt  }
0x6c: {  	_ =	shalt  }
0x6d: {  	_ =	shalt  }
0x6e: {  	_ =	shalt  }
0x6f: {  	_ =	shalt  }
0x70: {  	_ =	shalt  }
0x71: {  	_ =	shalt  }
0x72: {  	_ =	shalt  }
0x73: {  	_ =	shalt  }
0x74: {  	_ =	shalt  }
0x75: {  	_ =	shalt  }
0x76: {  	_ =	shalt  }
0x77: {  	_ =	shalt  }
0x78: {  	_ =	shalt  }
0x79: {  	_ =	shalt  }
0x7a: {  	_ =	shalt  }
0x7b: {  	_ =	shalt  }
0x7c: {  	_ =	shalt  }
0x7d: {  	_ =	shalt  }
0x7e: {  	_ =	shalt  }
0x7f: {  	_ =	shalt  }
0x80: {  	_ =	shalt  }
0x81: {  	_ =	shalt  }
0x82: {  	_ =	shalt  }
0x83: {  	_ =	shalt  }
0x84: {  	_ =	shalt  }
0x85: {  	_ =	shalt  }
0x86: {  	_ =	shalt  }
0x87: {  	_ =	shalt  }
.Lfunc_end0:
.L_simem_size_0:
called_computation.3_lowered:
.L_overlay_start_0:
0x88: {  	s2 =	sld [smem:$0x3FD9]  }
0x89: {  	s3 =	sld [smem:$0x3FFE];
	_ =	sdelay $0x1  }
0x8a: {  	s1 =	srdreg.scid  }
0x8b: {  	s0 =	sand.u32 $0x1, s1  }
0x8c: {  	s17 =	sshll.u32 s0, $0xA;
	s2 =	sadd.s32 s3, s2  }
0x8d: {  	s2 =	sadd.s32 s2, s17  }
0x8e: {  	[smem:$0x3FBF] =	sst s2  }
0x8f: {  	_ = 	snop  }
0x90: {  	s2 =	sld [smem:$0x3FD0];
	(tm) =	ssettm $0x1  }
0x91: {  	s18 =	sld [smem:$0x3FFB];
	_ =	sdelay $0x3  }
0x92: {  	_ =	strace s18  }
0x93: {  	s3 =	sld [smem:$0x3FFC];
	_ =	sdelay $0x3  }
0x94: {  	_ =	strace s3  }
0x95: {  	s3 =	sld [smem:$0x3FFD];
	_ =	sdelay $0x3  }
0x96: {  	_ =	strace s3  }
0x97: {  	_ =	strace $0x8FFFFFFF  }
0x98: {  	s19 =	sld [smem:$0x3FDB];
	_ =	sdelay $0x1  }
0x99: {  	s4 =	simm.s32 $_scs_section_size  }
0x9a: {  	s5 =	simm.s32 $_size__tile_overlayer_lowered;
	s6 =	simm.s32 $_tile_overlayer_lowered  }
0x9b: {  	s22 =	simm.s32 $0x1BFF;
	s21 =	sshll.u32 s6, $0x1;
	s3 =	sadd.s32 s4, s19  }
0x9c: {  	s7 =	simm.s32 $0x0;
	s20 =	sshll.u32 s5, $0x1;
	s5 =	sadd.s32 s21, s3  }
0x9d: {  	[timem:s7], [sflag:s22] =	dma.local [hbm:s5], s20  }
0x9e: {  	_ =	swait.ge [sflag:s22], s20  }
0x9f: {  	s4 =	ssub.s32 $0x0, s20;
	[sflag:s22] =	ssyncset.done $0x0  }
0xa0: {  	[sflag:s22] =	ssyncadd.s32 s4;
	_ =	sdelay $0x1  }
0xa1: {  	s23 =	simm.s32 $0x1B8B  }
0xa2: {  	_ =	swait.ge [sflag:s23], $0x1  }
0xa3: {  	[sflag:s23] =	ssyncset.done $0x0  }
0xa4: {  	s25 =	simm.s32 $0x1B8E;
	s24 =	sld [smem:$0x3FFE];
	[sflag:s23] =	ssyncadd.s32 $0xFFFFFFFF  }
0xa5: {  	s26 =	simm.s32 $execute0_lowered;
	[smem:$0x3FD2] =	sst s25  }
0xa6: {  	s5 =	sshll.u32 s26, $0x1;
	_ =	strace $0x8000004F;
	[dreg:$0x1] =	wrdreg $0xFFFFFFFF  }
0xa7: {  	s28 =	simm.s32 $_size_execute0_lowered;
	s3 =	sadd.s32 s3, s5;
	[dreg:$0x0] =	wrdreg $0x0  }
0xa8: {  	s5 =	sshll.u32 s28, $0x1;
	[dreg:$0x2] =	wrdreg s3  }
0xa9: {  	[dreg:$0x3] =	wrdreg s5  }
0xaa: {  	[dreg:$0x4] =	wrdreg $0xC0  }
0xab: {  	_ =	task [dreg:s7], $0x5FFFF  }
0xac: {  	[dreg:$0x1] =	wrdreg $0xFFFFFFFF  }
0xad: {  	[dreg:$0x0] =	wrdreg $0x60  }
0xae: {  	[dreg:$0x2] =	wrdreg s24  }
0xaf: {  	[dreg:$0x3] =	wrdreg s2  }
0xb0: {  	[dreg:$0x4] =	wrdreg $0x9  }
0xb1: {  	_ =	task.clear_ibuf [dreg:s7], $0x5FFFF;
	_ =	strace $0x9000004F  }
0xb2: {  	s29 =	simm.s32 $0x9;
	_ =	strace $0x80000051  }
0xb3: {  	_ =	swait.ge [sflag:s29], $0x1  }
0xb4: {  	[sflag:s29] =	ssyncadd.s32 $0xFFFFFFFF  }
0xb5: {  	_ =	strace $0x90000051  }
0xb6: {  	_ =	sfence  }
0xb7: {  	s30 =	sld [smem:$0x0];
	_ =	sdelay $0x2  }
0xb8: {  	s31 =	sshll.u32 s1, $0xD;
	s1 =	sshrl.u32 s1, $0x2  }
0xb9: {  	s3 =	sand.u32 $0x4000, s31;
	s1 =	sadd.s32 s1, s30  }
0xba: {  	s0 =	sor.u32 s3, s0;
	s1 =	sshll.u32 s1, $0x11  }
0xbb: {  	s0 =	sor.u32 s1, s0  }
0xbc: {  	s0 =	sadd.s32 $0x8F2B, s0  }
0xbd: {  	[sflag:s0] =	ssyncadd.remote.s32 $0x1  }
0xbe: {  	_ =	sfence.sel $0xFFFF  }
0xbf: {  	[dreg:$0x0] =	wrdreg $0xFFFFFFFF;
	(pc) =	sbr.abs _section_cstart, $3  }
0xc0: {  	[dreg:$0x1] =	wrdreg $0xFFFFFFFF  }
0xc1: {  	_ =	task.clear_ibuf [dreg:s7], $0x2FFFF;
	_ =	strace $0x9FFFFFFF  }
0xc2: {  	(tm) =	ssettm $0x7FFFFFFF  }
0xc3: {  	_ =	shalt  }
tec
execute0_lowered:
.L_overlay_start_1:
0x0: {  	(tag) =	ssettag $0x1  }
0x1: {  	s5 =	rddreg [dreg:$0x0]  }
0x2: {  	s1 =	rddreg [dreg:$0x1]  }
0x3: {  	s0 =	rddreg [dreg:$0x2];
	s2 =	simm.s32 $0x0;
	s3 =	srdreg.scid  }
0x4: {  	s13 =	simm.s32 $0x16880;
	s14 =	simm.s32 $0x14000;
	s15 =	simm.s32 $0x16900  }
0x5: {  	s16 =	simm.s32 $0x16940;
	[smem:$0x7FF] =	sst s2;
	s6 =	sand.u32 $0x1, s3  }
0x6: {  	s3 =	stileid.u32;
	s4 =	sadd.s32 $0x3E00, s5;
	s9 =	sadd.s32 $0x6600, s5  }
0x7: {  	s5 =	sadd.s32 $0x76800, s5;
	s7 =	sshll.u32 s6, $0x4;
	s6 =	ssub.s32 $0x2, s6  }
0x8: {  	v1 =	vlaneseq.u32;
	_ =	strace $0x80000050;
	s17 =	sor.u32 s3, s7;
	s29 =	sshrl.u32 s6, $0x1  }
0x9: {  	v4 =	vmul.u32 $0x2, v1;
	s8 =	sshll.u32 s17, $0x4;
	s10 =	ssub.s32 s6, s29;
	s30 =	sor.u32 $0x20, s17  }
.Ltmp0:
0xa: {  	v7 =	vimm.s32 $0x2710;
	vm0 =	vmmov $0x1;
	v6 =	vmul.u32 $0x8, v1;
	s31 =	sor.u32 $0x40, s17;
	s11 =	sor.u32 $0x60, s17;
	(pc) =	sbr.rel .LBB2_1-.Ltmp0, $4  }
0xb: {  	v8 =	vmul.u32 $0xFFFFFFFF, v1;
	v9 =	vor.u32 $0x1, v4;
	v0 =	vmov s17;
	p0 =	sgt.u32 s17, $0x3;
	s17 =	simm.s32 $0x0;
	s6 =	sadd.s32 s9, s8  }
0xc: {  	v10 =	vor.u32 $0x20, v4;
	v11 =	vor.u32 $0x21, v4;
	v12 =	vor.u32 $0x40, v4;
	s7 =	sshll.u32 s30, $0x4;
	s8 =	sshll.u32 s31, $0x4;
	s12 =	sshll.u32 s11, $0x4  }
0xd: {  	v13 =	vor.u32 $0x41, v4;
	v14 =	vor.u32 $0x60, v4;
	v5 =	vmov s11;
	s10 =	smax.u32 s10, $0x1;
	s11 =	simm.s32 $0x1;
	s7 =	sadd.s32 s9, s7  }
0xe: {  	v15 =	vor.u32 $0x61, v4;
	v2 =	vmov s30;
	v3 =	vmov s31;
	s8 =	sadd.s32 s9, s8;
	s9 =	sadd.s32 s9, s12;
	s12 =	simm.s32 $0x16800  }
.LBB2_52:
0xf: {  	v16 =	vld [tilespmem:$0x16900];
	_ =	sdelay $0x4  }
0x10: {  	v16 =	vshll.u32 v16, $0x3;
	_ =	sdelay $0x4  }
0x11: {  	v17 =	vld.idx.msk [tilespmem:v16+s2+$0x0], $0xffff  }
0x12: {  	v16 =	vor.u32 $0x1, v16;
	_ =	sdelay $0x3  }
0x13: {  	[tilespmem:v4+s16+$0x0] =	vst.idx.msk $0xffff, v17  }
0x14: {  	v16 =	vld.idx.msk [tilespmem:v16+s2+$0x0], $0xffff;
	_ =	sdelay $0x4  }
0x15: {  	[tilespmem:v9+s16+$0x0] =	vst.idx.msk $0xffff, v16  }
0x16: {  	v16 =	vld [tilespmem:$0x16910];
	_ =	sdelay $0x4  }
0x17: {  	v16 =	vshll.u32 v16, $0x3;
	_ =	sdelay $0x4  }
0x18: {  	v17 =	vld.idx.msk [tilespmem:v16+s2+$0x0], $0xffff  }
0x19: {  	v16 =	vor.u32 $0x1, v16;
	_ =	sdelay $0x3  }
0x1a: {  	[tilespmem:v10+s16+$0x0] =	vst.idx.msk $0xffff, v17  }
0x1b: {  	v16 =	vld.idx.msk [tilespmem:v16+s2+$0x0], $0xffff;
	_ =	sdelay $0x4  }
0x1c: {  	[tilespmem:v11+s16+$0x0] =	vst.idx.msk $0xffff, v16  }
0x1d: {  	v16 =	vld [tilespmem:$0x16920];
	_ =	sdelay $0x4  }
0x1e: {  	v16 =	vshll.u32 v16, $0x3;
	_ =	sdelay $0x4  }
0x1f: {  	v17 =	vld.idx.msk [tilespmem:v16+s2+$0x0], $0xffff  }
0x20: {  	v16 =	vor.u32 $0x1, v16;
	_ =	sdelay $0x3  }
0x21: {  	[tilespmem:v12+s16+$0x0] =	vst.idx.msk $0xffff, v17  }
0x22: {  	v16 =	vld.idx.msk [tilespmem:v16+s2+$0x0], $0xffff;
	_ =	sdelay $0x4  }
0x23: {  	[tilespmem:v13+s16+$0x0] =	vst.idx.msk $0xffff, v16  }
0x24: {  	v16 =	vld [tilespmem:$0x16930];
	_ =	sdelay $0x4  }
0x25: {  	v16 =	vshll.u32 v16, $0x3;
	_ =	sdelay $0x4  }
0x26: {  	v17 =	vld.idx.msk [tilespmem:v16+s2+$0x0], $0xffff  }
0x27: {  	v16 =	vor.u32 $0x1, v16;
	_ =	sdelay $0x3  }
0x28: {  	[tilespmem:v14+s16+$0x0] =	vst.idx.msk $0xffff, v17  }
0x29: {  	v16 =	vld.idx.msk [tilespmem:v16+s2+$0x0], $0xffff;
	_ =	sdelay $0x4  }
0x2a: {  	[tilespmem:v15+s16+$0x0] =	vst.idx.msk $0xffff, v16  }
0x2b: {  	[hbm4b:s9+s2] =	stream.linear.scatter [tilespmem:s16], [sflag:$0x1], $0x80, $0x38;
	[tilespmem:$0x169C0] =	vst v63  }
0x2c: {  	_ =	swait.ge [sflag:s11], $0x80  }
0x2d: {  	[sflag:s11] =	ssyncset.done $0x0  }
0x2e: {  	[sflag:s11] =	ssyncadd.s32 $0xFFFFFF80  }
.LBB2_53:
0x2f: {  	s17 =	sadd.s32 $0x1, s17  }
0x30: {  	p1 =	sne.s32 s17, s10  }
.Ltmp1:
0x31: {  	_ = 	snop;
	(pc) =	sbr.rel @!p1 .LBB2_54-.Ltmp1, $1  }
0x32: {  	_ =	sdelay $0x3  }
.LBB2_1:
0x33: {  	[tilespmem:s2], [sflag:$0x1] =	stream.linear.gather [hbm4b:s4+s2], $0x14000, $0x38;
	[tilespmem:$0x169C0] =	vst v63  }
0x34: {  	_ =	swait.ge [sflag:s11], $0x14000  }
0x35: {  	[sflag:s11] =	ssyncset.done $0x0  }
0x36: {  	[sflag:s11] =	ssyncadd.s32 $0xFFFEC000  }
0x37: {  	v16 =	vmov s2;
	[tilespmem:s12], [sflag:$0x1] =	stream.linear.gather [hbm4b:s1+s2], $0x80, $0x38;
	[tilespmem:$0x169C0] =	vst v63  }
0x38: {  	v16 =	vshll.u32 v16, $0x3;
	_ =	swait.ge [sflag:s11], $0x80  }
0x39: {  	v16 =	vor.u32 v6, v16;
	[sflag:s11] =	ssyncset.done $0x0  }
0x3a: {  	v16 =	vor.u32 $0x1, v16;
	[sflag:s11] =	ssyncadd.s32 $0xFFFFFF80  }
0x3b: {  	[tilespmem:s13], [sflag:$0x1] =	stream.linear.gather [hbm4b:s5+s2], $0x80, $0x38;
	[tilespmem:$0x169C0] =	vst v63  }
0x3c: {  	_ =	swait.ge [sflag:s11], $0x80  }
0x3d: {  	[sflag:s11] =	ssyncset.done $0x0  }
0x3e: {  	s18 =	simm.s32 $0x10;
	[sflag:s11] =	ssyncadd.s32 $0xFFFFFF80  }
0x3f: {  	v18 =	vld.idx.msk [tilespmem:v16+s2+$0x0], $0xffff;
	v16 =	vmov s18  }
0x40: {  	v16 =	vshll.u32 v16, $0x3  }
0x41: {  	v16 =	vor.u32 v6, v16  }
0x42: {  	v16 =	vor.u32 $0x1, v16;
	_ =	sdelay $0x2  }
0x43: {  	s31 =	simm.s32 $0x20  }
0x44: {  	s19 =	simm.s32 $0x30;
	v17 =	vmov s31;
	s18 =	simm.s32 $0x14000;
	[tilespmem:s14+$0x0] =	vst v18  }
.LBB2_2:
0x45: {  	p1 =	sne.s32 s19, $0x27F0;
	v17 =	vshll.u32 v17, $0x3;
	v18 =	vld.idx.msk [tilespmem:v16+s2+$0x0], $0xffff  }
0x46: {  	v16 =	vor.u32 v6, v17  }
.Ltmp2:
0x47: {  	v16 =	vor.u32 $0x1, v16;
	(pc) =	sbr.rel @p1 .LBB2_2-.Ltmp2, $3  }
0x48: {  	_ =	sdelay $0x1  }
0x49: {  	s18 =	sadd.s32 $0x10, s18  }
0x4a: {  	v17 =	vmov s19;
	s19 =	sadd.s32 $0x10, s19;
	[tilespmem:s18+$0x0] =	vst v18  }
0x4b: {  	_ =	sdelay $0x2  }
0x4c: {  	v17 =	vshll.u32 v17, $0x3  }
0x4d: {  	v16 =	vld.idx.msk [tilespmem:v16+s2+$0x0], $0xffff;
	v17 =	vor.u32 v6, v17  }
0x4e: {  	v17 =	vor.u32 $0x1, v17;
	_ =	sdelay $0x2  }
0x4f: {  	s18 =	sadd.s32 $0x10, s18  }
0x50: {  	[tilespmem:s18+$0x0] =	vst v16  }
0x51: {  	v16 =	vld.idx.msk [tilespmem:v17+s2+$0x0], $0xffff;
	_ =	sdelay $0x3  }
0x52: {  	s18 =	sadd.s32 $0x10, s18  }
0x53: {  	[tilespmem:s18+$0x0] =	vst v16  }
0x54: {  	v16 =	vld.idx.msk [tilespmem:v0+s12+$0x0], $0xffff  }
0x55: {  	v17 =	vld.idx.msk [tilespmem:v0+s13+$0x0], $0xffff;
	_ =	sdelay $0x3  }
0x56: {  	v16 =	vxor.u32 $0x80000000, v16  }
0x57: {  	(xrf0) =	vmax.scan.msk.u32 $0xffff, v16;
	v16 =	vxor.u32 $0x80000000, v17  }
0x58: {  	(xrf0) =	vmax.scan.msk.u32 $0xffff, v16;
	_ =	sdelay $0x4  }
0x59: {  	v16, _, _ =	vpop (xrf0)  }
0x5a: {  	(v2sf) =	vpush v16, $0xF;
	v16, _, _ =	vpop (xrf0)  }
0x5b: {  	(v2sf) =	vpush v16, $0xF;
	_ =	sdelay $0xd  }
0x5c: {  	s21 =	spop (v2sf)  }
0x5d: {  	s19 =	spop (v2sf)  }
0x5e: {  	s18 =	sxor.u32 $0x80000000, s19  }
0x5f: {  	p1 =	slt.s32 s18, $0x1  }
.Ltmp3:
0x60: {  	_ = 	snop;
	(pc) =	sbr.rel @p1 .LBB2_15-.Ltmp3, $4  }
0x61: {  	[tilespmem:$0x16900] =	vst v7  }
0x62: {  	[tilespmem:$0x16910] =	vst v7  }
0x63: {  	[tilespmem:$0x16920] =	vst v7  }
0x64: {  	[tilespmem:$0x16930] =	vst v7  }
0x65: {  	s19 =	sadd.s32 $0x8000000F, s19  }
0x66: {  	s20 =	sand.u32 $0xF, s19  }
0x67: {  	s22 =	sshra.s32 s19, $0x1F;
	p1 =	slt.s32 s19, $0x1;
	p2 =	sne.s32 s20, $0x0  }
0x68: {  	s28 =	sshrl.u32 s22, $0x1C;
	p1 =	por !p1, !p2  }
0x69: {  	s20 =	simm.s32 $0x1;
	s19 =	sadd.s32 s28, s19;
	p1 =	por !p1, !p1  }
0x6a: {  	s19 =	sshra.s32 s19, $0x4;
	s20 =	simm.s32 @!p1 $0x0  }
0x6b: {  	s19 =	ssub.s32 s19, s20  }
0x6c: {  	s29 =	sshll.u32 s19, $0x4  }
0x6d: {  	s20 =	sxor.u32 $0x80000000, s21;
	s22 =	sadd.s32 $0xFFFFFFF0, s29  }
0x6e: {  	s23 =	sadd.s32 s20, s22  }
0x6f: {  	s30 =	sand.u32 $0x7, s21;
	s23 =	sand.u32 $0xFFFFFFF8, s23  }
0x70: {  	s23 =	sor.u32 s30, s23  }
0x71: {  	v16 =	vld [tilespmem:s23+$0x14000];
	_ =	sdelay $0x2  }
0x72: {  	v17 =	vor.u32 s22, v1  }
.Ltmp4:
0x73: {  	vm1 =	vlt.s32 v17, s18;
	(pc) =	sbr.rel .LBB2_5-.Ltmp4, $3  }
0x74: {  	s31 =	sor.u32 $0x14000, s30;
	v16 =	vnsel vm1, $0xFF800000, v16  }
0x75: {  	[tilespmem:s23+$0x14000] =	vst v16;
	v16 =	vmov s31;
	_ =	sdelay $0x1  }
0x76: {  	s21 =	simm.s32 $0x0;
	p1 =	slt.s32 s19, $0x1  }
.LBB2_6:
0x77: {  	v18 =	vimm.s32 $0x80000000  }
.LBB2_14:
0x78: {  	(xrf0) =	vmax.scan.msk.u32 $0xffff, v18;
	_ =	sdelay $0x5  }
0x79: {  	v18, _, _ =	vpop (xrf0)  }
0x7a: {  	(v2sf) =	vpush v18, $0xF;
	_ =	sdelay $0xe  }
0x7b: {  	s22 =	spop (v2sf)  }
0x7c: {  	s22 =	sxor.u32 $0x80000000, s22  }
0x7d: {  	v18 =	vmov s22  }
0x7e: {  	vm1 =	vlt.s32 v18, $0x40  }
0x7f: {  	s21 =	sadd.s32 $0x1, s21;
	vm1 =	vmand vm1, vm0  }
0x80: {  	p2 =	sne.s32 s21, s18  }
.Ltmp5:
0x81: {  	_ = 	snop;
	(pc) =	sbr.rel @!p2 .LBB2_15-.Ltmp5, $2  }
0x82: {  	_ =	sdelay $0x2  }
0x83: {  	[tilespmem:v18+s15+$0x0] =	vst.idx.msk vm1, v17  }
.LBB2_5:
.Ltmp6:
0x84: {  	(pc) =	sbr.rel @p1 .LBB2_6-.Ltmp6, $3  }
0x85: {  	_ =	sdelay $0x1  }
0x86: {  	s22 =	sadd.s32 s20, s21  }
0x87: {  	v17 =	vmov s22  }
0x88: {  	_ = 	snop  }
0x89: {  	p3 =	sne.s32 s19, $0x1  }
.Ltmp7:
0x8a: {  	_ = 	snop;
	(pc) =	sbr.rel @!p3 .LBB2_8-.Ltmp7, $4  }
0x8b: {  	_ = 	snop  }
0x8c: {  	s22 =	sadd.s32 $0x0, s20;
	v18 =	vld.idx.msk [tilespmem:v17+s14+$0x0], $0xffff  }
0x8d: {  	s23 =	simm.s32 $0x0;
	s22 =	sand.u32 $0xFFFFFFF8, s22  }
0x8e: {  	v20 =	vadd.s32 s21, v8;
	v19 =	vimm.s32 $0x0;
	s24 =	sadd.s32 $0xFFFFFFFF, s19;
	p2 =	por $0x0, $0x0;
	v22 =	vld.idx.msk [tilespmem:v16+s22+$0x0 ss:$0x1], $0xffff;
	s22 =	simm.s32 $0x10  }
0x8f: {  	_ =	sdelay $0x1  }
0x90: {  	p3 =	sne.s32 s24, $0x1  }
.Ltmp8:
0x91: {  	v21 =	vmov s23;
	s31 =	sadd.s32 $0x10, s20;
	(pc) =	sbr.rel @!p3 .LBB2_10-.Ltmp8, $4  }
0x92: {  	vm2 =	vlt.s32 v21, v20;
	s25 =	sand.u32 $0xFFFFFFF8, s31;
	vm1 =	veq.f32 v22, v18  }
0x93: {  	vm3 =	vgt.f32 v22, v18;
	v22 =	vld.idx.msk [tilespmem:v16+s25+$0x0 ss:$0x1], $0xffff;
	vm1 =	vmand vm2, vm1  }
0x94: {  	vm1 =	vmor vm3, vm1  }
0x95: {  	s23 =	sadd.s32 $0xFFFFFFFF, s24;
	s24 =	simm.s32 $0x20;
	p2 =	por $0x1, $0x1;
	v21 =	vimm.s32 $0x0;
	v23 =	vmpcnt.ones.xlane vm1  }
.LBB2_11:
0x96: {  	s25 =	sadd.s32 s24, s20;
	p3 =	sne.s32 s23, $0x1;
	s23 =	sadd.s32 $0xFFFFFFFF, s23  }
.Ltmp9:
0x97: {  	v24 =	vmov s22;
	s22 =	smov.u32 s24;
	s25 =	sand.u32 $0xFFFFFFF8, s25;
	v21 =	vadd.s32 v21, v23;
	(pc) =	sbr.rel @p3 .LBB2_11-.Ltmp9, $4  }
0x98: {  	vm1 =	veq.f32 v22, v18;
	vm2 =	vlt.s32 v24, v20;
	v23 =	vmov v22;
	v22 =	vld.idx.msk [tilespmem:v16+s25+$0x0 ss:$0x1], $0xffff  }
0x99: {  	vm3 =	vgt.f32 v23, v18;
	vm1 =	vmand vm2, vm1  }
0x9a: {  	vm1 =	vmor vm3, vm1  }
0x9b: {  	s24 =	sadd.s32 $0x10, s24;
	v23 =	vmpcnt.ones.xlane vm1  }
0x9c: {  	s23 =	smov.u32 s22  }
.LBB2_13:
0x9d: {  	v24 =	vmov s23  }
0x9e: {  	vm1 =	veq.f32 v22, v18;
	vm2 =	vlt.s32 v24, v20  }
0x9f: {  	vm3 =	vgt.f32 v22, v18;
	vm1 =	vmand vm2, vm1  }
.Ltmp10:
0xa0: {  	vm1 =	vmor vm3, vm1;
	(pc) =	sbr.rel .LBB2_14-.Ltmp10, $4  }
0xa1: {  	v18 =	vadd.s32 @p2 v21, v23;
	v20 =	vmpcnt.ones.xlane vm1  }
0xa2: {  	v18 =	vpsel p2, v18, v19  }
0xa3: {  	v18 =	vadd.s32 v18, v20  }
0xa4: {  	v18 =	vxor.u32 $0x80000000, v18  }
.LBB2_8:
.Ltmp11:
0xa5: {  	(pc) =	sbr.rel .LBB2_13-.Ltmp11, $2  }
0xa6: {  	_ =	sdelay $0x2  }
0xa7: {  	v21 =	vimm.s32 $0x0  }
.LBB2_10:
.Ltmp12:
0xa8: {  	(pc) =	sbr.rel .LBB2_13-.Ltmp12, $2  }
0xa9: {  	_ =	sdelay $0x2  }
0xaa: {  	s23 =	simm.s32 $0x10;
	v21 =	vimm.s32 $0x0  }
.LBB2_15:
0xab: {  	v16 =	vld [tilespmem:$0x16900];
	_ =	sdelay $0x4  }
0xac: {  	v16 =	vshll.u32 v16, $0x3;
	_ =	sdelay $0x4  }
0xad: {  	v17 =	vld.idx.msk [tilespmem:v16+s2+$0x0], $0xffff  }
0xae: {  	v16 =	vor.u32 $0x1, v16;
	_ =	sdelay $0x3  }
0xaf: {  	[tilespmem:v4+s16+$0x0] =	vst.idx.msk $0xffff, v17  }
0xb0: {  	v16 =	vld.idx.msk [tilespmem:v16+s2+$0x0], $0xffff;
	_ =	sdelay $0x4  }
0xb1: {  	[tilespmem:v9+s16+$0x0] =	vst.idx.msk $0xffff, v16  }
0xb2: {  	v16 =	vld [tilespmem:$0x16910];
	_ =	sdelay $0x4  }
0xb3: {  	v16 =	vshll.u32 v16, $0x3;
	_ =	sdelay $0x4  }
0xb4: {  	v17 =	vld.idx.msk [tilespmem:v16+s2+$0x0], $0xffff  }
0xb5: {  	v16 =	vor.u32 $0x1, v16;
	_ =	sdelay $0x3  }
0xb6: {  	[tilespmem:v10+s16+$0x0] =	vst.idx.msk $0xffff, v17  }
0xb7: {  	v16 =	vld.idx.msk [tilespmem:v16+s2+$0x0], $0xffff;
	_ =	sdelay $0x4  }
0xb8: {  	[tilespmem:v11+s16+$0x0] =	vst.idx.msk $0xffff, v16  }
0xb9: {  	v16 =	vld [tilespmem:$0x16920];
	_ =	sdelay $0x4  }
0xba: {  	v16 =	vshll.u32 v16, $0x3;
	_ =	sdelay $0x4  }
0xbb: {  	v17 =	vld.idx.msk [tilespmem:v16+s2+$0x0], $0xffff  }
0xbc: {  	v16 =	vor.u32 $0x1, v16;
	_ =	sdelay $0x3  }
0xbd: {  	[tilespmem:v12+s16+$0x0] =	vst.idx.msk $0xffff, v17  }
0xbe: {  	v16 =	vld.idx.msk [tilespmem:v16+s2+$0x0], $0xffff;
	_ =	sdelay $0x4  }
0xbf: {  	[tilespmem:v13+s16+$0x0] =	vst.idx.msk $0xffff, v16  }
0xc0: {  	v16 =	vld [tilespmem:$0x16930];
	_ =	sdelay $0x4  }
0xc1: {  	v16 =	vshll.u32 v16, $0x3;
	_ =	sdelay $0x4  }
0xc2: {  	v17 =	vld.idx.msk [tilespmem:v16+s2+$0x0], $0xffff  }
0xc3: {  	v16 =	vor.u32 $0x1, v16;
	_ =	sdelay $0x3  }
0xc4: {  	[tilespmem:v14+s16+$0x0] =	vst.idx.msk $0xffff, v17  }
0xc5: {  	v16 =	vld.idx.msk [tilespmem:v16+s2+$0x0], $0xffff;
	_ =	sdelay $0x4  }
0xc6: {  	[tilespmem:v15+s16+$0x0] =	vst.idx.msk $0xffff, v16  }
0xc7: {  	[hbm4b:s6+s2] =	stream.linear.scatter [tilespmem:s16], [sflag:$0x1], $0x80, $0x38;
	[tilespmem:$0x169C0] =	vst v63  }
0xc8: {  	_ =	swait.ge [sflag:s11], $0x80  }
0xc9: {  	[sflag:s11] =	ssyncset.done $0x0  }
0xca: {  	[sflag:s11] =	ssyncadd.s32 $0xFFFFFF80  }
0xcb: {  	v16 =	vld.idx.msk [tilespmem:v2+s12+$0x0], $0xffff  }
0xcc: {  	v17 =	vld.idx.msk [tilespmem:v2+s13+$0x0], $0xffff;
	_ =	sdelay $0x3  }
0xcd: {  	v16 =	vxor.u32 $0x80000000, v16  }
0xce: {  	(xrf0) =	vmax.scan.msk.u32 $0xffff, v16;
	v16 =	vxor.u32 $0x80000000, v17  }
0xcf: {  	(xrf0) =	vmax.scan.msk.u32 $0xffff, v16;
	_ =	sdelay $0x4  }
0xd0: {  	v16, _, _ =	vpop (xrf0)  }
0xd1: {  	(v2sf) =	vpush v16, $0xF;
	v16, _, _ =	vpop (xrf0)  }
0xd2: {  	(v2sf) =	vpush v16, $0xF;
	_ =	sdelay $0xd  }
0xd3: {  	s21 =	spop (v2sf)  }
0xd4: {  	s19 =	spop (v2sf)  }
0xd5: {  	s18 =	sxor.u32 $0x80000000, s19  }
0xd6: {  	p1 =	slt.s32 s18, $0x1  }
.Ltmp13:
0xd7: {  	_ = 	snop;
	(pc) =	sbr.rel @p1 .LBB2_27-.Ltmp13, $4  }
0xd8: {  	[tilespmem:$0x16900] =	vst v7  }
0xd9: {  	[tilespmem:$0x16910] =	vst v7  }
0xda: {  	[tilespmem:$0x16920] =	vst v7  }
0xdb: {  	[tilespmem:$0x16930] =	vst v7  }
0xdc: {  	s19 =	sadd.s32 $0x8000000F, s19  }
0xdd: {  	s20 =	sand.u32 $0xF, s19  }
0xde: {  	s22 =	sshra.s32 s19, $0x1F;
	p1 =	slt.s32 s19, $0x1;
	p2 =	sne.s32 s20, $0x0  }
0xdf: {  	s28 =	sshrl.u32 s22, $0x1C;
	p1 =	por !p1, !p2  }
0xe0: {  	s20 =	simm.s32 $0x1;
	s19 =	sadd.s32 s28, s19;
	p1 =	por !p1, !p1  }
0xe1: {  	s19 =	sshra.s32 s19, $0x4;
	s20 =	simm.s32 @!p1 $0x0  }
0xe2: {  	s19 =	ssub.s32 s19, s20  }
0xe3: {  	s29 =	sshll.u32 s19, $0x4  }
0xe4: {  	s20 =	sxor.u32 $0x80000000, s21;
	s22 =	sadd.s32 $0xFFFFFFF0, s29  }
0xe5: {  	s23 =	sadd.s32 s20, s22  }
0xe6: {  	s30 =	sand.u32 $0x7, s21;
	s23 =	sand.u32 $0xFFFFFFF8, s23  }
0xe7: {  	s23 =	sor.u32 s30, s23  }
0xe8: {  	v16 =	vld [tilespmem:s23+$0x14000];
	_ =	sdelay $0x2  }
0xe9: {  	v17 =	vor.u32 s22, v1  }
.Ltmp14:
0xea: {  	vm1 =	vlt.s32 v17, s18;
	(pc) =	sbr.rel .LBB2_17-.Ltmp14, $3  }
0xeb: {  	s31 =	sor.u32 $0x14000, s30;
	v16 =	vnsel vm1, $0xFF800000, v16  }
0xec: {  	[tilespmem:s23+$0x14000] =	vst v16;
	v16 =	vmov s31;
	_ =	sdelay $0x1  }
0xed: {  	s21 =	simm.s32 $0x0;
	p1 =	slt.s32 s19, $0x1  }
.LBB2_18:
0xee: {  	v18 =	vimm.s32 $0x80000000  }
.LBB2_26:
0xef: {  	(xrf0) =	vmax.scan.msk.u32 $0xffff, v18;
	_ =	sdelay $0x5  }
0xf0: {  	v18, _, _ =	vpop (xrf0)  }
0xf1: {  	(v2sf) =	vpush v18, $0xF;
	_ =	sdelay $0xe  }
0xf2: {  	s22 =	spop (v2sf)  }
0xf3: {  	s22 =	sxor.u32 $0x80000000, s22  }
0xf4: {  	v18 =	vmov s22  }
0xf5: {  	vm1 =	vlt.s32 v18, $0x40  }
0xf6: {  	s21 =	sadd.s32 $0x1, s21;
	vm1 =	vmand vm1, vm0  }
0xf7: {  	p2 =	sne.s32 s21, s18  }
.Ltmp15:
0xf8: {  	_ = 	snop;
	(pc) =	sbr.rel @!p2 .LBB2_27-.Ltmp15, $2  }
0xf9: {  	_ =	sdelay $0x2  }
0xfa: {  	[tilespmem:v18+s15+$0x0] =	vst.idx.msk vm1, v17  }
.LBB2_17:
.Ltmp16:
0xfb: {  	(pc) =	sbr.rel @p1 .LBB2_18-.Ltmp16, $3  }
0xfc: {  	_ =	sdelay $0x1  }
0xfd: {  	s22 =	sadd.s32 s20, s21  }
0xfe: {  	v17 =	vmov s22  }
0xff: {  	_ = 	snop  }
0x100: {  	p3 =	sne.s32 s19, $0x1  }
.Ltmp17:
0x101: {  	_ = 	snop;
	(pc) =	sbr.rel @!p3 .LBB2_20-.Ltmp17, $4  }
0x102: {  	_ = 	snop  }
0x103: {  	s22 =	sadd.s32 $0x0, s20;
	v18 =	vld.idx.msk [tilespmem:v17+s14+$0x0], $0xffff  }
0x104: {  	s23 =	simm.s32 $0x0;
	s22 =	sand.u32 $0xFFFFFFF8, s22  }
0x105: {  	v20 =	vadd.s32 s21, v8;
	v19 =	vimm.s32 $0x0;
	s24 =	sadd.s32 $0xFFFFFFFF, s19;
	p2 =	por $0x0, $0x0;
	v22 =	vld.idx.msk [tilespmem:v16+s22+$0x0 ss:$0x1], $0xffff;
	s22 =	simm.s32 $0x10  }
0x106: {  	_ =	sdelay $0x1  }
0x107: {  	p3 =	sne.s32 s24, $0x1  }
.Ltmp18:
0x108: {  	v21 =	vmov s23;
	s31 =	sadd.s32 $0x10, s20;
	(pc) =	sbr.rel @!p3 .LBB2_22-.Ltmp18, $4  }
0x109: {  	vm2 =	vlt.s32 v21, v20;
	s25 =	sand.u32 $0xFFFFFFF8, s31;
	vm1 =	veq.f32 v22, v18  }
0x10a: {  	vm3 =	vgt.f32 v22, v18;
	v22 =	vld.idx.msk [tilespmem:v16+s25+$0x0 ss:$0x1], $0xffff;
	vm1 =	vmand vm2, vm1  }
0x10b: {  	vm1 =	vmor vm3, vm1  }
0x10c: {  	s23 =	sadd.s32 $0xFFFFFFFF, s24;
	s24 =	simm.s32 $0x20;
	p2 =	por $0x1, $0x1;
	v21 =	vimm.s32 $0x0;
	v23 =	vmpcnt.ones.xlane vm1  }
.LBB2_23:
0x10d: {  	s25 =	sadd.s32 s24, s20;
	p3 =	sne.s32 s23, $0x1;
	s23 =	sadd.s32 $0xFFFFFFFF, s23  }
.Ltmp19:
0x10e: {  	v24 =	vmov s22;
	s22 =	smov.u32 s24;
	s25 =	sand.u32 $0xFFFFFFF8, s25;
	v21 =	vadd.s32 v21, v23;
	(pc) =	sbr.rel @p3 .LBB2_23-.Ltmp19, $4  }
0x10f: {  	vm1 =	veq.f32 v22, v18;
	vm2 =	vlt.s32 v24, v20;
	v23 =	vmov v22;
	v22 =	vld.idx.msk [tilespmem:v16+s25+$0x0 ss:$0x1], $0xffff  }
0x110: {  	vm3 =	vgt.f32 v23, v18;
	vm1 =	vmand vm2, vm1  }
0x111: {  	vm1 =	vmor vm3, vm1  }
0x112: {  	s24 =	sadd.s32 $0x10, s24;
	v23 =	vmpcnt.ones.xlane vm1  }
0x113: {  	s23 =	smov.u32 s22  }
.LBB2_25:
0x114: {  	v24 =	vmov s23  }
0x115: {  	vm1 =	veq.f32 v22, v18;
	vm2 =	vlt.s32 v24, v20  }
0x116: {  	vm3 =	vgt.f32 v22, v18;
	vm1 =	vmand vm2, vm1  }
.Ltmp20:
0x117: {  	vm1 =	vmor vm3, vm1;
	(pc) =	sbr.rel .LBB2_26-.Ltmp20, $4  }
0x118: {  	v18 =	vadd.s32 @p2 v21, v23;
	v20 =	vmpcnt.ones.xlane vm1  }
0x119: {  	v18 =	vpsel p2, v18, v19  }
0x11a: {  	v18 =	vadd.s32 v18, v20  }
0x11b: {  	v18 =	vxor.u32 $0x80000000, v18  }
.LBB2_20:
.Ltmp21:
0x11c: {  	(pc) =	sbr.rel .LBB2_25-.Ltmp21, $2  }
0x11d: {  	_ =	sdelay $0x2  }
0x11e: {  	v21 =	vimm.s32 $0x0  }
.LBB2_22:
.Ltmp22:
0x11f: {  	(pc) =	sbr.rel .LBB2_25-.Ltmp22, $2  }
0x120: {  	_ =	sdelay $0x2  }
0x121: {  	s23 =	simm.s32 $0x10;
	v21 =	vimm.s32 $0x0  }
.LBB2_27:
0x122: {  	v16 =	vld [tilespmem:$0x16900];
	_ =	sdelay $0x4  }
0x123: {  	v16 =	vshll.u32 v16, $0x3;
	_ =	sdelay $0x4  }
0x124: {  	v17 =	vld.idx.msk [tilespmem:v16+s2+$0x0], $0xffff  }
0x125: {  	v16 =	vor.u32 $0x1, v16;
	_ =	sdelay $0x3  }
0x126: {  	[tilespmem:v4+s16+$0x0] =	vst.idx.msk $0xffff, v17  }
0x127: {  	v16 =	vld.idx.msk [tilespmem:v16+s2+$0x0], $0xffff;
	_ =	sdelay $0x4  }
0x128: {  	[tilespmem:v9+s16+$0x0] =	vst.idx.msk $0xffff, v16  }
0x129: {  	v16 =	vld [tilespmem:$0x16910];
	_ =	sdelay $0x4  }
0x12a: {  	v16 =	vshll.u32 v16, $0x3;
	_ =	sdelay $0x4  }
0x12b: {  	v17 =	vld.idx.msk [tilespmem:v16+s2+$0x0], $0xffff  }
0x12c: {  	v16 =	vor.u32 $0x1, v16;
	_ =	sdelay $0x3  }
0x12d: {  	[tilespmem:v10+s16+$0x0] =	vst.idx.msk $0xffff, v17  }
0x12e: {  	v16 =	vld.idx.msk [tilespmem:v16+s2+$0x0], $0xffff;
	_ =	sdelay $0x4  }
0x12f: {  	[tilespmem:v11+s16+$0x0] =	vst.idx.msk $0xffff, v16  }
0x130: {  	v16 =	vld [tilespmem:$0x16920];
	_ =	sdelay $0x4  }
0x131: {  	v16 =	vshll.u32 v16, $0x3;
	_ =	sdelay $0x4  }
0x132: {  	v17 =	vld.idx.msk [tilespmem:v16+s2+$0x0], $0xffff  }
0x133: {  	v16 =	vor.u32 $0x1, v16;
	_ =	sdelay $0x3  }
0x134: {  	[tilespmem:v12+s16+$0x0] =	vst.idx.msk $0xffff, v17  }
0x135: {  	v16 =	vld.idx.msk [tilespmem:v16+s2+$0x0], $0xffff;
	_ =	sdelay $0x4  }
0x136: {  	[tilespmem:v13+s16+$0x0] =	vst.idx.msk $0xffff, v16  }
0x137: {  	v16 =	vld [tilespmem:$0x16930];
	_ =	sdelay $0x4  }
0x138: {  	v16 =	vshll.u32 v16, $0x3;
	_ =	sdelay $0x4  }
0x139: {  	v17 =	vld.idx.msk [tilespmem:v16+s2+$0x0], $0xffff  }
0x13a: {  	v16 =	vor.u32 $0x1, v16;
	_ =	sdelay $0x3  }
0x13b: {  	[tilespmem:v14+s16+$0x0] =	vst.idx.msk $0xffff, v17  }
0x13c: {  	v16 =	vld.idx.msk [tilespmem:v16+s2+$0x0], $0xffff;
	_ =	sdelay $0x4  }
0x13d: {  	[tilespmem:v15+s16+$0x0] =	vst.idx.msk $0xffff, v16  }
0x13e: {  	[hbm4b:s7+s2] =	stream.linear.scatter [tilespmem:s16], [sflag:$0x1], $0x80, $0x38;
	[tilespmem:$0x169C0] =	vst v63  }
0x13f: {  	_ =	swait.ge [sflag:s11], $0x80  }
0x140: {  	[sflag:s11] =	ssyncset.done $0x0  }
0x141: {  	[sflag:s11] =	ssyncadd.s32 $0xFFFFFF80  }
0x142: {  	v16 =	vld.idx.msk [tilespmem:v3+s12+$0x0], $0xffff  }
0x143: {  	v17 =	vld.idx.msk [tilespmem:v3+s13+$0x0], $0xffff;
	_ =	sdelay $0x3  }
0x144: {  	v16 =	vxor.u32 $0x80000000, v16  }
0x145: {  	(xrf0) =	vmax.scan.msk.u32 $0xffff, v16;
	v16 =	vxor.u32 $0x80000000, v17  }
0x146: {  	(xrf0) =	vmax.scan.msk.u32 $0xffff, v16;
	_ =	sdelay $0x4  }
0x147: {  	v16, _, _ =	vpop (xrf0)  }
0x148: {  	(v2sf) =	vpush v16, $0xF;
	v16, _, _ =	vpop (xrf0)  }
0x149: {  	(v2sf) =	vpush v16, $0xF;
	_ =	sdelay $0xd  }
0x14a: {  	s21 =	spop (v2sf)  }
0x14b: {  	s19 =	spop (v2sf)  }
0x14c: {  	s18 =	sxor.u32 $0x80000000, s19  }
0x14d: {  	p1 =	slt.s32 s18, $0x1  }
.Ltmp23:
0x14e: {  	_ = 	snop;
	(pc) =	sbr.rel @p1 .LBB2_39-.Ltmp23, $4  }
0x14f: {  	[tilespmem:$0x16900] =	vst v7  }
0x150: {  	[tilespmem:$0x16910] =	vst v7  }
0x151: {  	[tilespmem:$0x16920] =	vst v7  }
0x152: {  	[tilespmem:$0x16930] =	vst v7  }
0x153: {  	s19 =	sadd.s32 $0x8000000F, s19  }
0x154: {  	s20 =	sand.u32 $0xF, s19  }
0x155: {  	s22 =	sshra.s32 s19, $0x1F;
	p1 =	slt.s32 s19, $0x1;
	p2 =	sne.s32 s20, $0x0  }
0x156: {  	s28 =	sshrl.u32 s22, $0x1C;
	p1 =	por !p1, !p2  }
0x157: {  	s20 =	simm.s32 $0x1;
	s19 =	sadd.s32 s28, s19;
	p1 =	por !p1, !p1  }
0x158: {  	s19 =	sshra.s32 s19, $0x4;
	s20 =	simm.s32 @!p1 $0x0  }
0x159: {  	s19 =	ssub.s32 s19, s20  }
0x15a: {  	s29 =	sshll.u32 s19, $0x4  }
0x15b: {  	s20 =	sxor.u32 $0x80000000, s21;
	s22 =	sadd.s32 $0xFFFFFFF0, s29  }
0x15c: {  	s23 =	sadd.s32 s20, s22  }
0x15d: {  	s30 =	sand.u32 $0x7, s21;
	s23 =	sand.u32 $0xFFFFFFF8, s23  }
0x15e: {  	s23 =	sor.u32 s30, s23  }
0x15f: {  	v16 =	vld [tilespmem:s23+$0x14000];
	_ =	sdelay $0x2  }
0x160: {  	v17 =	vor.u32 s22, v1  }
.Ltmp24:
0x161: {  	vm1 =	vlt.s32 v17, s18;
	(pc) =	sbr.rel .LBB2_29-.Ltmp24, $3  }
0x162: {  	s31 =	sor.u32 $0x14000, s30;
	v16 =	vnsel vm1, $0xFF800000, v16  }
0x163: {  	[tilespmem:s23+$0x14000] =	vst v16;
	v16 =	vmov s31;
	_ =	sdelay $0x1  }
0x164: {  	s21 =	simm.s32 $0x0;
	p1 =	slt.s32 s19, $0x1  }
.LBB2_30:
0x165: {  	v18 =	vimm.s32 $0x80000000  }
.LBB2_38:
0x166: {  	(xrf0) =	vmax.scan.msk.u32 $0xffff, v18;
	_ =	sdelay $0x5  }
0x167: {  	v18, _, _ =	vpop (xrf0)  }
0x168: {  	(v2sf) =	vpush v18, $0xF;
	_ =	sdelay $0xe  }
0x169: {  	s22 =	spop (v2sf)  }
0x16a: {  	s22 =	sxor.u32 $0x80000000, s22  }
0x16b: {  	v18 =	vmov s22  }
0x16c: {  	vm1 =	vlt.s32 v18, $0x40  }
0x16d: {  	s21 =	sadd.s32 $0x1, s21;
	vm1 =	vmand vm1, vm0  }
0x16e: {  	p2 =	sne.s32 s21, s18  }
.Ltmp25:
0x16f: {  	_ = 	snop;
	(pc) =	sbr.rel @!p2 .LBB2_39-.Ltmp25, $2  }
0x170: {  	_ =	sdelay $0x2  }
0x171: {  	[tilespmem:v18+s15+$0x0] =	vst.idx.msk vm1, v17  }
.LBB2_29:
.Ltmp26:
0x172: {  	(pc) =	sbr.rel @p1 .LBB2_30-.Ltmp26, $3  }
0x173: {  	_ =	sdelay $0x1  }
0x174: {  	s22 =	sadd.s32 s20, s21  }
0x175: {  	v17 =	vmov s22  }
0x176: {  	_ = 	snop  }
0x177: {  	p3 =	sne.s32 s19, $0x1  }
.Ltmp27:
0x178: {  	_ = 	snop;
	(pc) =	sbr.rel @!p3 .LBB2_32-.Ltmp27, $4  }
0x179: {  	_ = 	snop  }
0x17a: {  	s22 =	sadd.s32 $0x0, s20;
	v18 =	vld.idx.msk [tilespmem:v17+s14+$0x0], $0xffff  }
0x17b: {  	s23 =	simm.s32 $0x0;
	s22 =	sand.u32 $0xFFFFFFF8, s22  }
0x17c: {  	v20 =	vadd.s32 s21, v8;
	v19 =	vimm.s32 $0x0;
	s24 =	sadd.s32 $0xFFFFFFFF, s19;
	p2 =	por $0x0, $0x0;
	v22 =	vld.idx.msk [tilespmem:v16+s22+$0x0 ss:$0x1], $0xffff;
	s22 =	simm.s32 $0x10  }
0x17d: {  	_ =	sdelay $0x1  }
0x17e: {  	p3 =	sne.s32 s24, $0x1  }
.Ltmp28:
0x17f: {  	v21 =	vmov s23;
	s31 =	sadd.s32 $0x10, s20;
	(pc) =	sbr.rel @!p3 .LBB2_34-.Ltmp28, $4  }
0x180: {  	vm2 =	vlt.s32 v21, v20;
	s25 =	sand.u32 $0xFFFFFFF8, s31;
	vm1 =	veq.f32 v22, v18  }
0x181: {  	vm3 =	vgt.f32 v22, v18;
	v22 =	vld.idx.msk [tilespmem:v16+s25+$0x0 ss:$0x1], $0xffff;
	vm1 =	vmand vm2, vm1  }
0x182: {  	vm1 =	vmor vm3, vm1  }
0x183: {  	s23 =	sadd.s32 $0xFFFFFFFF, s24;
	s24 =	simm.s32 $0x20;
	p2 =	por $0x1, $0x1;
	v21 =	vimm.s32 $0x0;
	v23 =	vmpcnt.ones.xlane vm1  }
.LBB2_35:
0x184: {  	s25 =	sadd.s32 s24, s20;
	p3 =	sne.s32 s23, $0x1;
	s23 =	sadd.s32 $0xFFFFFFFF, s23  }
.Ltmp29:
0x185: {  	v24 =	vmov s22;
	s22 =	smov.u32 s24;
	s25 =	sand.u32 $0xFFFFFFF8, s25;
	v21 =	vadd.s32 v21, v23;
	(pc) =	sbr.rel @p3 .LBB2_35-.Ltmp29, $4  }
0x186: {  	vm1 =	veq.f32 v22, v18;
	vm2 =	vlt.s32 v24, v20;
	v23 =	vmov v22;
	v22 =	vld.idx.msk [tilespmem:v16+s25+$0x0 ss:$0x1], $0xffff  }
0x187: {  	vm3 =	vgt.f32 v23, v18;
	vm1 =	vmand vm2, vm1  }
0x188: {  	vm1 =	vmor vm3, vm1  }
0x189: {  	s24 =	sadd.s32 $0x10, s24;
	v23 =	vmpcnt.ones.xlane vm1  }
0x18a: {  	s23 =	smov.u32 s22  }
.LBB2_37:
0x18b: {  	v24 =	vmov s23  }
0x18c: {  	vm1 =	veq.f32 v22, v18;
	vm2 =	vlt.s32 v24, v20  }
0x18d: {  	vm3 =	vgt.f32 v22, v18;
	vm1 =	vmand vm2, vm1  }
.Ltmp30:
0x18e: {  	vm1 =	vmor vm3, vm1;
	(pc) =	sbr.rel .LBB2_38-.Ltmp30, $4  }
0x18f: {  	v18 =	vadd.s32 @p2 v21, v23;
	v20 =	vmpcnt.ones.xlane vm1  }
0x190: {  	v18 =	vpsel p2, v18, v19  }
0x191: {  	v18 =	vadd.s32 v18, v20  }
0x192: {  	v18 =	vxor.u32 $0x80000000, v18  }
.LBB2_32:
.Ltmp31:
0x193: {  	(pc) =	sbr.rel .LBB2_37-.Ltmp31, $2  }
0x194: {  	_ =	sdelay $0x2  }
0x195: {  	v21 =	vimm.s32 $0x0  }
.LBB2_34:
.Ltmp32:
0x196: {  	(pc) =	sbr.rel .LBB2_37-.Ltmp32, $2  }
0x197: {  	_ =	sdelay $0x2  }
0x198: {  	s23 =	simm.s32 $0x10;
	v21 =	vimm.s32 $0x0  }
.LBB2_39:
0x199: {  	v16 =	vld [tilespmem:$0x16900];
	_ =	sdelay $0x4  }
0x19a: {  	v16 =	vshll.u32 v16, $0x3;
	_ =	sdelay $0x4  }
0x19b: {  	v17 =	vld.idx.msk [tilespmem:v16+s2+$0x0], $0xffff  }
0x19c: {  	v16 =	vor.u32 $0x1, v16;
	_ =	sdelay $0x3  }
0x19d: {  	[tilespmem:v4+s16+$0x0] =	vst.idx.msk $0xffff, v17  }
0x19e: {  	v16 =	vld.idx.msk [tilespmem:v16+s2+$0x0], $0xffff;
	_ =	sdelay $0x4  }
0x19f: {  	[tilespmem:v9+s16+$0x0] =	vst.idx.msk $0xffff, v16  }
0x1a0: {  	v16 =	vld [tilespmem:$0x16910];
	_ =	sdelay $0x4  }
0x1a1: {  	v16 =	vshll.u32 v16, $0x3;
	_ =	sdelay $0x4  }
0x1a2: {  	v17 =	vld.idx.msk [tilespmem:v16+s2+$0x0], $0xffff  }
0x1a3: {  	v16 =	vor.u32 $0x1, v16;
	_ =	sdelay $0x3  }
0x1a4: {  	[tilespmem:v10+s16+$0x0] =	vst.idx.msk $0xffff, v17  }
0x1a5: {  	v16 =	vld.idx.msk [tilespmem:v16+s2+$0x0], $0xffff;
	_ =	sdelay $0x4  }
0x1a6: {  	[tilespmem:v11+s16+$0x0] =	vst.idx.msk $0xffff, v16  }
0x1a7: {  	v16 =	vld [tilespmem:$0x16920];
	_ =	sdelay $0x4  }
0x1a8: {  	v16 =	vshll.u32 v16, $0x3;
	_ =	sdelay $0x4  }
0x1a9: {  	v17 =	vld.idx.msk [tilespmem:v16+s2+$0x0], $0xffff  }
0x1aa: {  	v16 =	vor.u32 $0x1, v16;
	_ =	sdelay $0x3  }
0x1ab: {  	[tilespmem:v12+s16+$0x0] =	vst.idx.msk $0xffff, v17  }
0x1ac: {  	v16 =	vld.idx.msk [tilespmem:v16+s2+$0x0], $0xffff;
	_ =	sdelay $0x4  }
0x1ad: {  	[tilespmem:v13+s16+$0x0] =	vst.idx.msk $0xffff, v16  }
0x1ae: {  	v16 =	vld [tilespmem:$0x16930];
	_ =	sdelay $0x4  }
0x1af: {  	v16 =	vshll.u32 v16, $0x3;
	_ =	sdelay $0x4  }
0x1b0: {  	v17 =	vld.idx.msk [tilespmem:v16+s2+$0x0], $0xffff  }
0x1b1: {  	v16 =	vor.u32 $0x1, v16;
	_ =	sdelay $0x3  }
0x1b2: {  	[tilespmem:v14+s16+$0x0] =	vst.idx.msk $0xffff, v17  }
0x1b3: {  	v16 =	vld.idx.msk [tilespmem:v16+s2+$0x0], $0xffff;
	_ =	sdelay $0x4  }
.Ltmp33:
0x1b4: {  	[tilespmem:v15+s16+$0x0] =	vst.idx.msk $0xffff, v16;
	(pc) =	sbr.rel @p0 .LBB2_53-.Ltmp33, $4  }
0x1b5: {  	[hbm4b:s8+s2] =	stream.linear.scatter [tilespmem:s16], [sflag:$0x1], $0x80, $0x38;
	[tilespmem:$0x169C0] =	vst v63  }
0x1b6: {  	_ =	swait.ge [sflag:s11], $0x80  }
0x1b7: {  	[sflag:s11] =	ssyncset.done $0x0  }
0x1b8: {  	[sflag:s11] =	ssyncadd.s32 $0xFFFFFF80  }
0x1b9: {  	_ =	sdelay $0x3  }
0x1ba: {  	v16 =	vld.idx.msk [tilespmem:v5+s12+$0x0], $0xffff  }
0x1bb: {  	v17 =	vld.idx.msk [tilespmem:v5+s13+$0x0], $0xffff;
	_ =	sdelay $0x3  }
0x1bc: {  	v16 =	vxor.u32 $0x80000000, v16  }
0x1bd: {  	(xrf0) =	vmax.scan.msk.u32 $0xffff, v16;
	v16 =	vxor.u32 $0x80000000, v17  }
0x1be: {  	(xrf0) =	vmax.scan.msk.u32 $0xffff, v16;
	_ =	sdelay $0x4  }
0x1bf: {  	v16, _, _ =	vpop (xrf0)  }
0x1c0: {  	(v2sf) =	vpush v16, $0xF;
	v16, _, _ =	vpop (xrf0)  }
0x1c1: {  	(v2sf) =	vpush v16, $0xF;
	_ =	sdelay $0xd  }
0x1c2: {  	s21 =	spop (v2sf)  }
0x1c3: {  	s19 =	spop (v2sf)  }
0x1c4: {  	s18 =	sxor.u32 $0x80000000, s19  }
0x1c5: {  	p1 =	slt.s32 s18, $0x1  }
.Ltmp34:
0x1c6: {  	_ = 	snop;
	(pc) =	sbr.rel @p1 .LBB2_52-.Ltmp34, $4  }
0x1c7: {  	[tilespmem:$0x16900] =	vst v7  }
0x1c8: {  	[tilespmem:$0x16910] =	vst v7  }
0x1c9: {  	[tilespmem:$0x16920] =	vst v7  }
0x1ca: {  	[tilespmem:$0x16930] =	vst v7  }
0x1cb: {  	s19 =	sadd.s32 $0x8000000F, s19  }
0x1cc: {  	s20 =	sand.u32 $0xF, s19  }
0x1cd: {  	s22 =	sshra.s32 s19, $0x1F;
	p1 =	slt.s32 s19, $0x1;
	p2 =	sne.s32 s20, $0x0  }
0x1ce: {  	s28 =	sshrl.u32 s22, $0x1C;
	p1 =	por !p1, !p2  }
0x1cf: {  	s20 =	simm.s32 $0x1;
	s19 =	sadd.s32 s28, s19;
	p1 =	por !p1, !p1  }
0x1d0: {  	s19 =	sshra.s32 s19, $0x4;
	s20 =	simm.s32 @!p1 $0x0  }
0x1d1: {  	s19 =	ssub.s32 s19, s20  }
0x1d2: {  	s29 =	sshll.u32 s19, $0x4  }
0x1d3: {  	s20 =	sxor.u32 $0x80000000, s21;
	s22 =	sadd.s32 $0xFFFFFFF0, s29  }
0x1d4: {  	s23 =	sadd.s32 s20, s22  }
0x1d5: {  	s30 =	sand.u32 $0x7, s21;
	s23 =	sand.u32 $0xFFFFFFF8, s23  }
0x1d6: {  	s23 =	sor.u32 s30, s23  }
0x1d7: {  	v16 =	vld [tilespmem:s23+$0x14000];
	_ =	sdelay $0x2  }
0x1d8: {  	v17 =	vor.u32 s22, v1  }
.Ltmp35:
0x1d9: {  	vm1 =	vlt.s32 v17, s18;
	(pc) =	sbr.rel .LBB2_42-.Ltmp35, $3  }
0x1da: {  	s31 =	sor.u32 $0x14000, s30;
	v16 =	vnsel vm1, $0xFF800000, v16  }
0x1db: {  	[tilespmem:s23+$0x14000] =	vst v16;
	v16 =	vmov s31;
	_ =	sdelay $0x1  }
0x1dc: {  	s21 =	simm.s32 $0x0;
	p1 =	slt.s32 s19, $0x1  }
.LBB2_43:
0x1dd: {  	v18 =	vimm.s32 $0x80000000  }
.LBB2_51:
0x1de: {  	(xrf0) =	vmax.scan.msk.u32 $0xffff, v18;
	_ =	sdelay $0x5  }
0x1df: {  	v18, _, _ =	vpop (xrf0)  }
0x1e0: {  	(v2sf) =	vpush v18, $0xF;
	_ =	sdelay $0xe  }
0x1e1: {  	s22 =	spop (v2sf)  }
0x1e2: {  	s22 =	sxor.u32 $0x80000000, s22  }
0x1e3: {  	v18 =	vmov s22  }
0x1e4: {  	vm1 =	vlt.s32 v18, $0x40  }
0x1e5: {  	s21 =	sadd.s32 $0x1, s21;
	vm1 =	vmand vm1, vm0  }
0x1e6: {  	p2 =	sne.s32 s21, s18  }
.Ltmp36:
0x1e7: {  	_ = 	snop;
	(pc) =	sbr.rel @!p2 .LBB2_52-.Ltmp36, $2  }
0x1e8: {  	_ =	sdelay $0x2  }
0x1e9: {  	[tilespmem:v18+s15+$0x0] =	vst.idx.msk vm1, v17  }
.LBB2_42:
.Ltmp37:
0x1ea: {  	(pc) =	sbr.rel @p1 .LBB2_43-.Ltmp37, $3  }
0x1eb: {  	_ =	sdelay $0x1  }
0x1ec: {  	s22 =	sadd.s32 s20, s21  }
0x1ed: {  	v17 =	vmov s22  }
0x1ee: {  	_ = 	snop  }
0x1ef: {  	p3 =	sne.s32 s19, $0x1  }
.Ltmp38:
0x1f0: {  	_ = 	snop;
	(pc) =	sbr.rel @!p3 .LBB2_45-.Ltmp38, $4  }
0x1f1: {  	_ = 	snop  }
0x1f2: {  	s22 =	sadd.s32 $0x0, s20;
	v18 =	vld.idx.msk [tilespmem:v17+s14+$0x0], $0xffff  }
0x1f3: {  	s23 =	simm.s32 $0x0;
	s22 =	sand.u32 $0xFFFFFFF8, s22  }
0x1f4: {  	v20 =	vadd.s32 s21, v8;
	v19 =	vimm.s32 $0x0;
	s24 =	sadd.s32 $0xFFFFFFFF, s19;
	p2 =	por $0x0, $0x0;
	v22 =	vld.idx.msk [tilespmem:v16+s22+$0x0 ss:$0x1], $0xffff;
	s22 =	simm.s32 $0x10  }
0x1f5: {  	_ =	sdelay $0x1  }
0x1f6: {  	p3 =	sne.s32 s24, $0x1  }
.Ltmp39:
0x1f7: {  	v21 =	vmov s23;
	s31 =	sadd.s32 $0x10, s20;
	(pc) =	sbr.rel @!p3 .LBB2_47-.Ltmp39, $4  }
0x1f8: {  	vm2 =	vlt.s32 v21, v20;
	s25 =	sand.u32 $0xFFFFFFF8, s31;
	vm1 =	veq.f32 v22, v18  }
0x1f9: {  	vm3 =	vgt.f32 v22, v18;
	v22 =	vld.idx.msk [tilespmem:v16+s25+$0x0 ss:$0x1], $0xffff;
	vm1 =	vmand vm2, vm1  }
0x1fa: {  	vm1 =	vmor vm3, vm1  }
0x1fb: {  	s23 =	sadd.s32 $0xFFFFFFFF, s24;
	s24 =	simm.s32 $0x20;
	p2 =	por $0x1, $0x1;
	v21 =	vimm.s32 $0x0;
	v23 =	vmpcnt.ones.xlane vm1  }
.LBB2_48:
0x1fc: {  	s25 =	sadd.s32 s24, s20;
	p3 =	sne.s32 s23, $0x1;
	s23 =	sadd.s32 $0xFFFFFFFF, s23  }
.Ltmp40:
0x1fd: {  	v24 =	vmov s22;
	s22 =	smov.u32 s24;
	s25 =	sand.u32 $0xFFFFFFF8, s25;
	v21 =	vadd.s32 v21, v23;
	(pc) =	sbr.rel @p3 .LBB2_48-.Ltmp40, $4  }
0x1fe: {  	vm1 =	veq.f32 v22, v18;
	vm2 =	vlt.s32 v24, v20;
	v23 =	vmov v22;
	v22 =	vld.idx.msk [tilespmem:v16+s25+$0x0 ss:$0x1], $0xffff  }
0x1ff: {  	vm3 =	vgt.f32 v23, v18;
	vm1 =	vmand vm2, vm1  }
0x200: {  	vm1 =	vmor vm3, vm1  }
0x201: {  	s24 =	sadd.s32 $0x10, s24;
	v23 =	vmpcnt.ones.xlane vm1  }
0x202: {  	s23 =	smov.u32 s22  }
.LBB2_50:
0x203: {  	v24 =	vmov s23  }
0x204: {  	vm1 =	veq.f32 v22, v18;
	vm2 =	vlt.s32 v24, v20  }
0x205: {  	vm3 =	vgt.f32 v22, v18;
	vm1 =	vmand vm2, vm1  }
.Ltmp41:
0x206: {  	vm1 =	vmor vm3, vm1;
	(pc) =	sbr.rel .LBB2_51-.Ltmp41, $4  }
0x207: {  	v18 =	vadd.s32 @p2 v21, v23;
	v20 =	vmpcnt.ones.xlane vm1  }
0x208: {  	v18 =	vpsel p2, v18, v19  }
0x209: {  	v18 =	vadd.s32 v18, v20  }
0x20a: {  	v18 =	vxor.u32 $0x80000000, v18  }
.LBB2_45:
.Ltmp42:
0x20b: {  	(pc) =	sbr.rel .LBB2_50-.Ltmp42, $2  }
0x20c: {  	_ =	sdelay $0x2  }
0x20d: {  	v21 =	vimm.s32 $0x0  }
.LBB2_47:
.Ltmp43:
0x20e: {  	(pc) =	sbr.rel .LBB2_50-.Ltmp43, $2  }
0x20f: {  	_ =	sdelay $0x2  }
0x210: {  	s23 =	simm.s32 $0x10;
	v21 =	vimm.s32 $0x0  }
.LBB2_54:
0x211: {  	_ =	sfence.sel $0x180000  }
0x212: {  	[bflag:$0x0] =	sbarrier.arrive $0xFFFF  }
0x213: {  	p0 =	sne.s32 s3, $0x0;
	_ =	strace $0x90000050  }
0x214: {  	s0 =	sadd.s32 @!p0 $0x100000, s0;
	[bflag:$0x2] =	sbarrier.arrive $0xFFFF  }
0x215: {  	[sflag:s0] =	ssyncadd.tile.s32 @!p0 $0x1;
	_ =	shalt  }
.Lfunc_end2:
_tile_overlayer_lowered:
.L_overlay_start_2:
0x216: {  	(tag) =	ssettag $0x2  }
0x217: {  	s0 =	rddreg [dreg:$0x0];
	s2 =	stileid.u32  }
0x218: {  	s1 =	rddreg [dreg:$0x1];
	p0 =	sne.s32 s2, $0x0  }
0x219: {  	s3 =	rddreg [dreg:$0x2];
	[bflag:$0x3] =	sbarrier.arrive $0xFFFF;
	s2 =	simm.s32 @!p0 $0x1C01  }
0x21a: {  	[timem:s3], [sflag:s2] =	dma.local @!p0 [hbm:s0], s1  }
0x21b: {  	s0 =	simm.s32 @!p0 $0x1  }
0x21c: {  	_ =	swait.ge @!p0 [sflag:s0], s1  }
0x21d: {  	s1 =	ssub.s32 @!p0 $0x0, s1;
	[sflag:s0] =	ssyncset.done @!p0 $0x0  }
0x21e: {  	[sflag:s0] =	ssyncadd.s32 @!p0 s1  }
0x21f: {  	[bflag:$0x3] =	sbarrier.arrive $0xFFFF  }
0x220: {  	_ =	shalt  }

</sc_bundles>
